<compile_context>
chip_gen: v7x
topology: tpu7x:2x2x1
jax: 0.10.2.dev20260603
libtpu: 0.0.44.dev20260713+nightly
codegen_flags: <defaults>
</compile_context>

<pallas_src>
import jax
import jax.numpy as jnp
from jax import lax
from jax.experimental import pallas as pl
from jax.experimental.pallas import tpu as pltpu
from jax.experimental.pallas import tpu_sc as plsc

N_NODES = 10000
N_EDGES = 320000
D = 128
N_GRAPHS = 64
N_CLASSES = 10
N_LAYERS = 5
BN_EPS = 1e-5

_NC = 2
_NS = 16
_NW = _NC * _NS
_EPW = N_EDGES // _NW
_C = 80
_NCH = _EPW // _C
_RPT = 640
_RPT_LAST = N_NODES - (_NS - 1) * _RPT


def _sc_scatter_body(h_hbm, eix_hbm, zeros_hbm, out_hbm,
                     src_v, rows_v, dst_b, agg_sh,
                     gs0, gs1, gs2, ds0, ds1, ds2, zsem):
    cid = lax.axis_index("c")
    sid = lax.axis_index("s")
    wid = sid * _NC + cid
    gsems = (gs0, gs1, gs2)
    dsems = (ds0, ds1, ds2)

    @pl.when(sid < _NS - 1)
    def _():
        pltpu.async_copy(zeros_hbm.at[pl.ds(sid * _RPT, _RPT)],
                         agg_sh.at[pl.ds(sid * _RPT, _RPT)], zsem)

    @pl.when(sid == _NS - 1)
    def _():
        pltpu.async_copy(zeros_hbm.at[pl.ds((_NS - 1) * _RPT, _RPT_LAST)],
                         agg_sh.at[pl.ds((_NS - 1) * _RPT, _RPT_LAST)], zsem)

    pltpu.sync_copy(eix_hbm.at[pl.ds(wid * _EPW, _EPW)], src_v)

    def _gather(j, b):
        return pltpu.async_copy(h_hbm.at[src_v.at[pl.ds(j * _C, _C)]],
                                rows_v.at[b], gsems[b])

    def _wait_gather(j, b):
        pltpu.make_async_copy(h_hbm.at[src_v.at[pl.ds(j * _C, _C)]],
                              rows_v.at[b], gsems[b]).wait()

    def _dst(j, b):
        return pltpu.async_copy(
            eix_hbm.at[pl.ds(N_EDGES + wid * _EPW + j * _C, _C)],
            dst_b.at[b], dsems[b])

    def _wait_dst(j, b):
        pltpu.make_async_copy(
            eix_hbm.at[pl.ds(N_EDGES + wid * _EPW + j * _C, _C)],
            dst_b.at[b], dsems[b]).wait()

    def _step(j, b):
        _gather(j + 2, (b + 2) % 3)
        _wait_gather(j, b)
        _wait_dst(j, b)
        pltpu.sync_copy(rows_v.at[b], agg_sh.at[dst_b.at[b]], add=True)

        @pl.when(j + 3 < _NCH)
        def _():
            _dst(j + 3, b)

    _dst(0, 0)
    _dst(1, 1)
    _dst(2, 2)
    _gather(0, 0)
    _gather(1, 1)

    @pl.when(sid < _NS - 1)
    def _():
        pltpu.make_async_copy(zeros_hbm.at[pl.ds(sid * _RPT, _RPT)],
                              agg_sh.at[pl.ds(sid * _RPT, _RPT)],
                              zsem).wait()

    @pl.when(sid == _NS - 1)
    def _():
        pltpu.make_async_copy(
            zeros_hbm.at[pl.ds((_NS - 1) * _RPT, _RPT_LAST)],
            agg_sh.at[pl.ds((_NS - 1) * _RPT, _RPT_LAST)], zsem).wait()

    plsc.subcore_barrier()

    def body(i, carry):
        jj = 3 * i
        _step(jj, 0)
        _step(jj + 1, 1)
        _step(jj + 2, 2)
        return carry

    lax.fori_loop(0, _NCH // 3, body, 0)

    _wait_gather(_NCH - 2, 0)
    _wait_dst(_NCH - 2, 0)
    pltpu.sync_copy(rows_v.at[0], agg_sh.at[dst_b.at[0]], add=True)
    _wait_gather(_NCH - 1, 1)
    _wait_dst(_NCH - 1, 1)
    pltpu.sync_copy(rows_v.at[1], agg_sh.at[dst_b.at[1]], add=True)

    plsc.subcore_barrier()

    @pl.when(sid < _NS - 1)
    def _():
        pltpu.sync_copy(agg_sh.at[pl.ds(sid * _RPT, _RPT)],
                        out_hbm.at[cid, pl.ds(sid * _RPT, _RPT)])

    @pl.when(sid == _NS - 1)
    def _():
        pltpu.sync_copy(agg_sh.at[pl.ds((_NS - 1) * _RPT, _RPT_LAST)],
                        out_hbm.at[cid, pl.ds((_NS - 1) * _RPT, _RPT_LAST)])


_sc_scatter = pl.kernel(
    _sc_scatter_body,
    out_type=jax.ShapeDtypeStruct((_NC, N_NODES, D), jnp.float32),
    mesh=plsc.VectorSubcoreMesh(core_axis_name="c", subcore_axis_name="s"),
    scratch_types=[
        pltpu.VMEM((_EPW,), jnp.int32),
        pltpu.VMEM((3, _C, D), jnp.float32),
        pltpu.VMEM((3, _C), jnp.int32),
        pltpu.VMEM_SHARED((N_NODES, D), jnp.float32),
        pltpu.SemaphoreType.DMA,
        pltpu.SemaphoreType.DMA,
        pltpu.SemaphoreType.DMA,
        pltpu.SemaphoreType.DMA,
        pltpu.SemaphoreType.DMA,
        pltpu.SemaphoreType.DMA,
        pltpu.SemaphoreType.DMA,
    ],
    name="gin_sc_scatter",
)


def _tc_layer_body(h_ref, parts_ref, eps1_ref, w1_ref, b1_ref,
                   w2_ref, b2_ref, g_ref, bt_ref, out_ref):
    hp = eps1_ref[0, 0] * h_ref[...] + (parts_ref[0] + parts_ref[1])
    y = jnp.dot(hp, w1_ref[...], preferred_element_type=jnp.float32)
    y = jnp.maximum(y + b1_ref[...], 0.0)
    z = jnp.dot(y, w2_ref[...], preferred_element_type=jnp.float32)
    z = z + b2_ref[...]
    mean = jnp.mean(z, axis=0, keepdims=True)
    zc = z - mean
    var = jnp.mean(zc * zc, axis=0, keepdims=True)
    zn = zc * lax.rsqrt(var + BN_EPS) * g_ref[...] + bt_ref[...]
    out_ref[...] = jnp.maximum(zn, 0.0)


_tc_layer = pl.pallas_call(
    _tc_layer_body,
    out_shape=jax.ShapeDtypeStruct((N_NODES, D), jnp.float32),
    compiler_params=pltpu.CompilerParams(vmem_limit_bytes=100 * 1024 * 1024),
)


def _tc_last_body(h_ref, parts_ref, eps1_ref, w1_ref, b1_ref,
                  w2_ref, b2_ref, g_ref, bt_ref, batch_ref,
                  cw1_ref, cb1_ref, cw2_ref, cb2_ref, out_ref):
    hp = eps1_ref[0, 0] * h_ref[...] + (parts_ref[0] + parts_ref[1])
    y = jnp.dot(hp, w1_ref[...], preferred_element_type=jnp.float32)
    y = jnp.maximum(y + b1_ref[...], 0.0)
    z = jnp.dot(y, w2_ref[...], preferred_element_type=jnp.float32)
    z = z + b2_ref[...]
    mean = jnp.mean(z, axis=0, keepdims=True)
    zc = z - mean
    var = jnp.mean(zc * zc, axis=0, keepdims=True)
    zn = zc * lax.rsqrt(var + BN_EPS) * g_ref[...] + bt_ref[...]
    h = jnp.maximum(zn, 0.0)
    seg = lax.broadcasted_iota(jnp.int32, (N_GRAPHS, N_NODES), 0)
    onehot = jnp.where(seg == batch_ref[...], 1.0, 0.0)
    hg = jnp.dot(onehot, h, preferred_element_type=jnp.float32)
    c = jnp.dot(hg, cw1_ref[...], preferred_element_type=jnp.float32)
    c = jnp.maximum(c + cb1_ref[...], 0.0)
    out_ref[...] = jnp.dot(c, cw2_ref[...],
                           preferred_element_type=jnp.float32) + cb2_ref[...]


_tc_last = pl.pallas_call(
    _tc_last_body,
    out_shape=jax.ShapeDtypeStruct((N_GRAPHS, N_CLASSES), jnp.float32),
    compiler_params=pltpu.CompilerParams(vmem_limit_bytes=100 * 1024 * 1024),
)


def kernel(x, edge_index, batch, params):
    eix = edge_index.astype(jnp.int32).reshape(2 * N_EDGES)
    zeros = jnp.zeros((N_NODES, D), jnp.float32)

    h = x
    for i in range(N_LAYERS - 1):
        parts = _sc_scatter(h, eix, zeros)
        eps1 = (1.0 + params[f"eps_{i}"]).reshape(1, 1)
        h = _tc_layer(h, parts, eps1,
                      params[f"w1_{i}"], params[f"b1_{i}"].reshape(1, D),
                      params[f"w2_{i}"], params[f"b2_{i}"].reshape(1, D),
                      params[f"gamma_{i}"].reshape(1, D),
                      params[f"beta_{i}"].reshape(1, D))

    i = N_LAYERS - 1
    parts = _sc_scatter(h, eix, zeros)
    eps1 = (1.0 + params[f"eps_{i}"]).reshape(1, 1)
    logits = _tc_last(h, parts, eps1,
                      params[f"w1_{i}"], params[f"b1_{i}"].reshape(1, D),
                      params[f"w2_{i}"], params[f"b2_{i}"].reshape(1, D),
                      params[f"gamma_{i}"].reshape(1, D),
                      params[f"beta_{i}"].reshape(1, D),
                      batch.astype(jnp.int32).reshape(1, N_NODES),
                      params["cls_w1"], params["cls_b1"].reshape(1, D),
                      params["cls_w2"],
                      params["cls_b2"].reshape(1, N_CLASSES))
    return logits

# --- scband reference (transcript-rebuilt; emitter-appended) ---
"""Pipeline reference for scband-gin-42339787604652 (READ-ONLY COPY).

The authoritative reference and input builder live on the scoring server;
editing this copy changes nothing except your own understanding.
"""

import jax, jax.numpy as jnp
import numpy as np

N_NODES = 10000
N_EDGES = 320000
D_FEAT = 128
HIDDEN = 128
N_LAYERS = 5
N_GRAPHS = 64
N_CLASSES = 10
BN_EPS = 1e-5


def _make_params(key):
    params = {}
    k = 0
    keys = jax.random.split(key, 4 * N_LAYERS + 4)
    for i in range(N_LAYERS):
        in_dim = D_FEAT if i == 0 else HIDDEN
        params[f"w1_{i}"] = jax.random.normal(keys[k], (in_dim, HIDDEN), dtype=jnp.float32) / np.sqrt(in_dim); k += 1
        params[f"b1_{i}"] = jnp.zeros((HIDDEN,), dtype=jnp.float32)
        params[f"w2_{i}"] = jax.random.normal(keys[k], (HIDDEN, HIDDEN), dtype=jnp.float32) / np.sqrt(HIDDEN); k += 1
        params[f"b2_{i}"] = jnp.zeros((HIDDEN,), dtype=jnp.float32)
        params[f"eps_{i}"] = jnp.zeros((), dtype=jnp.float32)
        params[f"gamma_{i}"] = jnp.ones((HIDDEN,), dtype=jnp.float32)
        params[f"beta_{i}"] = jnp.zeros((HIDDEN,), dtype=jnp.float32)
    params["cls_w1"] = jax.random.normal(keys[k], (HIDDEN, HIDDEN), dtype=jnp.float32) / np.sqrt(HIDDEN); k += 1
    params["cls_b1"] = jnp.zeros((HIDDEN,), dtype=jnp.float32)
    params["cls_w2"] = jax.random.normal(keys[k], (HIDDEN, N_CLASSES), dtype=jnp.float32) / np.sqrt(HIDDEN); k += 1
    params["cls_b2"] = jnp.zeros((N_CLASSES,), dtype=jnp.float32)
    return params


def setup_inputs(seed: int = 0) -> dict:
    key = jax.random.key(seed)
    k1, k2, k3, k4 = jax.random.split(key, 4)
    x = jax.random.normal(k1, (N_NODES, D_FEAT), dtype=jnp.float32)
    edge_index = jax.random.randint(k2, (2, N_EDGES), 0, N_NODES)
    batch = jnp.sort(jax.random.randint(k3, (N_NODES,), 0, N_GRAPHS))
    params = _make_params(k4)
    return {"x": x, "edge_index": edge_index, "batch": batch, "params": params}


def _forward(x, params, edge_index, batch):
    src = edge_index[0]
    dst = edge_index[1]
    h = x
    for i in range(N_LAYERS):
        # GINConv: (1 + eps) * x + sum_{j in N(i)} x_j, then MLP
        agg = jnp.zeros_like(h).at[dst].add(h[src])
        h = (1.0 + params[f"eps_{i}"]) * h + agg
        h = jnp.maximum(h @ params[f"w1_{i}"] + params[f"b1_{i}"], 0.0)
        h = h @ params[f"w2_{i}"] + params[f"b2_{i}"]
        # BatchNorm1d (batch statistics, training-mode math; dropout omitted = eval determinism)
        mean = jnp.mean(h, axis=0)
        var = jnp.var(h, axis=0)
        h = (h - mean) / jnp.sqrt(var + BN_EPS) * params[f"gamma_{i}"] + params[f"beta_{i}"]
        h = jnp.maximum(h, 0.0)
    hg = jax.ops.segment_sum(h, batch, num_segments=N_GRAPHS)
    hg = jnp.maximum(hg @ params["cls_w1"] + params["cls_b1"], 0.0)
    logits = hg @ params["cls_w2"] + params["cls_b2"]
    return logits


def reference(x, edge_index, batch, params):
    return _forward(x, params, edge_index, batch)

if __name__ == "__main__":
    import jax
    _d = setup_inputs()
    print(jax.jit(kernel)(*tuple(_d.values())))

</pallas_src>

<mosaic_0001>
#map = affine_map<(d0, d1) -> (0, 0)>
#map1 = affine_map<(d0, d1) -> (0)>
#map2 = affine_map<(d0, d1) -> (0, 0, 0)>
module attributes {stable_mosaic.version = 14 : i64} {
  func.func @gin_sc_scatter(%arg0: i32, %arg1: i32, %arg2: memref<10000x128xf32, #tpu.memory_space<hbm>>, %arg3: memref<640000xi32, #tpu.memory_space<hbm>>, %arg4: memref<10000x128xf32, #tpu.memory_space<hbm>>, %arg5: memref<2x10000x128xf32, #tpu.memory_space<hbm>>, %arg6: memref<10000xi32, #tpu.memory_space<vmem>>, %arg7: memref<3x80x128xf32, #tpu.memory_space<vmem>>, %arg8: memref<3x80xi32, #tpu.memory_space<vmem>>, %arg9: memref<10000x128xf32, #tpu.memory_space<vmem_shared>>, %arg10: memref<!tpu.dma_semaphore, #tpu.memory_space<semaphore_mem>>, %arg11: memref<!tpu.dma_semaphore, #tpu.memory_space<semaphore_mem>>, %arg12: memref<!tpu.dma_semaphore, #tpu.memory_space<semaphore_mem>>, %arg13: memref<!tpu.dma_semaphore, #tpu.memory_space<semaphore_mem>>, %arg14: memref<!tpu.dma_semaphore, #tpu.memory_space<semaphore_mem>>, %arg15: memref<!tpu.dma_semaphore, #tpu.memory_space<semaphore_mem>>, %arg16: memref<!tpu.dma_semaphore, #tpu.memory_space<semaphore_mem>>) attributes {dimension_semantics = [#tpu.dimension_semantics<core_parallel>, #tpu.dimension_semantics<subcore_parallel>], iteration_bounds = array<i64: 2, 16>, scalar_prefetch = 0 : i64, scratch_operands = 11 : i64, tpu.core_type = #tpu.core_type<sc_vector_subcore>, window_params = [{transform_indices = #map}, {transform_indices = #map1}, {transform_indices = #map}, {transform_indices = #map2}]} {
    %mul3A = arith.constant 2 : i32
    %mul3A_0 = arith.muli %arg1, %mul3A : i32
    %add3A = arith.addi %mul3A_0, %arg0 : i32
    %lt3A = arith.constant 15 : i32
    %lt3A_1 = arith.cmpi slt, %arg1, %lt3A : i32
    %convert_element_type3A = arith.extui %lt3A_1 : i1 to i32
    %cond3A = arith.constant 0 : i32
    %cond3A_2 = arith.cmpi ne, %convert_element_type3A, %cond3A : i32
    scf.if %cond3A_2 {
      %mul3A_151 = arith.constant 640 : i32
      %mul3A_152 = arith.muli %arg1, %mul3A_151 : i32
      %mul3A_153 = arith.constant 640 : i32
      %mul3A_154 = arith.muli %arg1, %mul3A_153 : i32
      %dma_start3A_155 = arith.constant 0 : i32
      %dma_start3A_156 = tpu.memref_slice %arg9[%mul3A_154, %dma_start3A_155] : memref<10000x128xf32, #tpu.memory_space<vmem_shared>> -> memref<640x128xf32, #tpu.memory_space<vmem_shared>>
      %dma_start3A_157 = arith.constant 0 : i32
      %dma_start3A_158 = tpu.memref_slice %arg4[%mul3A_152, %dma_start3A_157] : memref<10000x128xf32, #tpu.memory_space<hbm>> -> memref<640x128xf32, #tpu.memory_space<hbm>>
      tpu.enqueue_dma source(%dma_start3A_158 : memref<640x128xf32, #tpu.memory_space<hbm>>) target(%dma_start3A_156 : memref<640x128xf32, #tpu.memory_space<vmem_shared>>) target_semaphore(%arg16 : memref<!tpu.dma_semaphore, #tpu.memory_space<semaphore_mem>>)
    } else {
    }
    %eq3A = arith.constant 15 : i32
    %eq3A_3 = arith.cmpi eq, %arg1, %eq3A : i32
    %convert_element_type3A_4 = arith.extui %eq3A_3 : i1 to i32
    %cond3A_5 = arith.constant 0 : i32
    %cond3A_6 = arith.cmpi ne, %convert_element_type3A_4, %cond3A_5 : i32
    scf.if %cond3A_6 {
      %dma_start3A_151 = arith.constant 9600 : i32
      %dma_start3A_152 = arith.constant 0 : i32
      %dma_start3A_153 = tpu.memref_slice %arg9[%dma_start3A_151, %dma_start3A_152] : memref<10000x128xf32, #tpu.memory_space<vmem_shared>> -> memref<400x128xf32, #tpu.memory_space<vmem_shared>>
      %dma_start3A_154 = arith.constant 9600 : i32
      %dma_start3A_155 = arith.constant 0 : i32
      %dma_start3A_156 = tpu.memref_slice %arg4[%dma_start3A_154, %dma_start3A_155] : memref<10000x128xf32, #tpu.memory_space<hbm>> -> memref<400x128xf32, #tpu.memory_space<hbm>>
      tpu.enqueue_dma source(%dma_start3A_156 : memref<400x128xf32, #tpu.memory_space<hbm>>) target(%dma_start3A_153 : memref<400x128xf32, #tpu.memory_space<vmem_shared>>) target_semaphore(%arg16 : memref<!tpu.dma_semaphore, #tpu.memory_space<semaphore_mem>>)
    } else {
    }
    %mul3A_7 = arith.constant 10000 : i32
    %mul3A_8 = arith.muli %add3A, %mul3A_7 : i32
    "tpu.region"() ({
      %run_scoped3A_151 = tpu.sem_alloc : memref<!tpu.dma_semaphore, #tpu.memory_space<semaphore_mem>>
      %dma_start3A_152 = tpu.memref_slice %arg3[%mul3A_8] : memref<640000xi32, #tpu.memory_space<hbm>> -> memref<10000xi32, #tpu.memory_space<hbm>>
      %dma_start3A_153 = tpu.memref_slice %arg3[%mul3A_8] : memref<640000xi32, #tpu.memory_space<hbm>> -> memref<10000xi32, #tpu.memory_space<hbm>>
      tpu.enqueue_dma source(%dma_start3A_153 : memref<10000xi32, #tpu.memory_space<hbm>>) target(%arg6 : memref<10000xi32, #tpu.memory_space<vmem>>) target_semaphore(%run_scoped3A_151 : memref<!tpu.dma_semaphore, #tpu.memory_space<semaphore_mem>>)
      %dma_wait3A_154 = tpu.memref_slice %arg3[%mul3A_8] : memref<640000xi32, #tpu.memory_space<hbm>> -> memref<10000xi32, #tpu.memory_space<hbm>>
      %dma_wait3A_155 = tpu.memref_slice %arg3[%mul3A_8] : memref<640000xi32, #tpu.memory_space<hbm>> -> memref<10000xi32, #tpu.memory_space<hbm>>
      tpu.wait_dma2 semaphore(%run_scoped3A_151 : memref<!tpu.dma_semaphore, #tpu.memory_space<semaphore_mem>>) src(%dma_wait3A_155 : memref<10000xi32, #tpu.memory_space<hbm>>) dst(%arg6 : memref<10000xi32, #tpu.memory_space<vmem>>)
      tpu.yield
    }) : () -> ()
    %mul3A_9 = arith.constant 10000 : i32
    %mul3A_10 = arith.muli %add3A, %mul3A_9 : i32
    %add3A_11 = arith.constant 320000 : i32
    %add3A_12 = arith.addi %add3A_11, %mul3A_10 : i32
    %add3A_13 = arith.constant 0 : i32
    %add3A_14 = arith.addi %add3A_12, %add3A_13 : i32
    %dma_start3A = arith.constant 0 : i32
    %dma_start3A_15 = arith.constant 0 : i32
    %dma_start3A_16 = tpu.memref_slice %arg8[%dma_start3A, %dma_start3A_15] : memref<3x80xi32, #tpu.memory_space<vmem>> -> memref<1x80xi32, #tpu.memory_space<vmem>>
    %dma_start3A_17 = tpu.memref_squeeze %dma_start3A_16 : memref<1x80xi32, #tpu.memory_space<vmem>> -> memref<80xi32, #tpu.memory_space<vmem>>
    %dma_start3A_18 = tpu.memref_slice %arg3[%add3A_14] : memref<640000xi32, #tpu.memory_space<hbm>> -> memref<80xi32, #tpu.memory_space<hbm>>
    %dma_start3A_19 = arith.constant 0 : i32
    %dma_start3A_20 = tpu.memref_slice %arg8[%dma_start3A, %dma_start3A_19] : memref<3x80xi32, #tpu.memory_space<vmem>> -> memref<1x80xi32, #tpu.memory_space<vmem>>
    %dma_start3A_21 = tpu.memref_squeeze %dma_start3A_20 : memref<1x80xi32, #tpu.memory_space<vmem>> -> memref<80xi32, #tpu.memory_space<vmem>>
    %dma_start3A_22 = tpu.memref_slice %arg3[%add3A_14] : memref<640000xi32, #tpu.memory_space<hbm>> -> memref<80xi32, #tpu.memory_space<hbm>>
    tpu.enqueue_dma source(%dma_start3A_22 : memref<80xi32, #tpu.memory_space<hbm>>) target(%dma_start3A_21 : memref<80xi32, #tpu.memory_space<vmem>>) target_semaphore(%arg13 : memref<!tpu.dma_semaphore, #tpu.memory_space<semaphore_mem>>)
    %mul3A_23 = arith.constant 10000 : i32
    %mul3A_24 = arith.muli %add3A, %mul3A_23 : i32
    %add3A_25 = arith.constant 320000 : i32
    %add3A_26 = arith.addi %add3A_25, %mul3A_24 : i32
    %add3A_27 = arith.constant 80 : i32
    %add3A_28 = arith.addi %add3A_26, %add3A_27 : i32
    %dma_start3A_29 = arith.constant 1 : i32
    %dma_start3A_30 = arith.constant 0 : i32
    %dma_start3A_31 = tpu.memref_slice %arg8[%dma_start3A_29, %dma_start3A_30] : memref<3x80xi32, #tpu.memory_space<vmem>> -> memref<1x80xi32, #tpu.memory_space<vmem>>
    %dma_start3A_32 = tpu.memref_squeeze %dma_start3A_31 : memref<1x80xi32, #tpu.memory_space<vmem>> -> memref<80xi32, #tpu.memory_space<vmem>>
    %dma_start3A_33 = tpu.memref_slice %arg3[%add3A_28] : memref<640000xi32, #tpu.memory_space<hbm>> -> memref<80xi32, #tpu.memory_space<hbm>>
    %dma_start3A_34 = arith.constant 0 : i32
    %dma_start3A_35 = tpu.memref_slice %arg8[%dma_start3A_29, %dma_start3A_34] : memref<3x80xi32, #tpu.memory_space<vmem>> -> memref<1x80xi32, #tpu.memory_space<vmem>>
    %dma_start3A_36 = tpu.memref_squeeze %dma_start3A_35 : memref<1x80xi32, #tpu.memory_space<vmem>> -> memref<80xi32, #tpu.memory_space<vmem>>
    %dma_start3A_37 = tpu.memref_slice %arg3[%add3A_28] : memref<640000xi32, #tpu.memory_space<hbm>> -> memref<80xi32, #tpu.memory_space<hbm>>
    tpu.enqueue_dma source(%dma_start3A_37 : memref<80xi32, #tpu.memory_space<hbm>>) target(%dma_start3A_36 : memref<80xi32, #tpu.memory_space<vmem>>) target_semaphore(%arg14 : memref<!tpu.dma_semaphore, #tpu.memory_space<semaphore_mem>>)
    %mul3A_38 = arith.constant 10000 : i32
    %mul3A_39 = arith.muli %add3A, %mul3A_38 : i32
    %add3A_40 = arith.constant 320000 : i32
    %add3A_41 = arith.addi %add3A_40, %mul3A_39 : i32
    %add3A_42 = arith.constant 160 : i32
    %add3A_43 = arith.addi %add3A_41, %add3A_42 : i32
    %dma_start3A_44 = arith.constant 2 : i32
    %dma_start3A_45 = arith.constant 0 : i32
    %dma_start3A_46 = tpu.memref_slice %arg8[%dma_start3A_44, %dma_start3A_45] : memref<3x80xi32, #tpu.memory_space<vmem>> -> memref<1x80xi32, #tpu.memory_space<vmem>>
    %dma_start3A_47 = tpu.memref_squeeze %dma_start3A_46 : memref<1x80xi32, #tpu.memory_space<vmem>> -> memref<80xi32, #tpu.memory_space<vmem>>
    %dma_start3A_48 = tpu.memref_slice %arg3[%add3A_43] : memref<640000xi32, #tpu.memory_space<hbm>> -> memref<80xi32, #tpu.memory_space<hbm>>
    %dma_start3A_49 = arith.constant 0 : i32
    %dma_start3A_50 = tpu.memref_slice %arg8[%dma_start3A_44, %dma_start3A_49] : memref<3x80xi32, #tpu.memory_space<vmem>> -> memref<1x80xi32, #tpu.memory_space<vmem>>
    %dma_start3A_51 = tpu.memref_squeeze %dma_start3A_50 : memref<1x80xi32, #tpu.memory_space<vmem>> -> memref<80xi32, #tpu.memory_space<vmem>>
    %dma_start3A_52 = tpu.memref_slice %arg3[%add3A_43] : memref<640000xi32, #tpu.memory_space<hbm>> -> memref<80xi32, #tpu.memory_space<hbm>>
    tpu.enqueue_dma source(%dma_start3A_52 : memref<80xi32, #tpu.memory_space<hbm>>) target(%dma_start3A_51 : memref<80xi32, #tpu.memory_space<vmem>>) target_semaphore(%arg15 : memref<!tpu.dma_semaphore, #tpu.memory_space<semaphore_mem>>)
    %dma_start3A_53 = arith.constant 0 : i32
    %dma_start3A_54 = arith.constant 0 : i32
    %dma_start3A_55 = arith.constant 0 : i32
    %dma_start3A_56 = tpu.memref_slice %arg7[%dma_start3A_53, %dma_start3A_54, %dma_start3A_55] : memref<3x80x128xf32, #tpu.memory_space<vmem>> -> memref<1x80x128xf32, #tpu.memory_space<vmem>>
    %dma_start3A_57 = tpu.memref_squeeze %dma_start3A_56 : memref<1x80x128xf32, #tpu.memory_space<vmem>> -> memref<80x128xf32, #tpu.memory_space<vmem>>
    %dma_start3A_58 = arith.constant 0 : i32
    %dma_start3A_59 = tpu.memref_slice %arg6[%dma_start3A_58] : memref<10000xi32, #tpu.memory_space<vmem>> -> memref<80xi32, #tpu.memory_space<vmem>>
    %dma_start3A_60 = arith.constant 0 : i32
    %dma_start3A_61 = arith.constant 0 : i32
    %dma_start3A_62 = tpu.memref_slice %arg2[%dma_start3A_60, %dma_start3A_61] : memref<10000x128xf32, #tpu.memory_space<hbm>> -> memref<10000x128xf32, #tpu.memory_space<hbm>>
    tpu.enqueue_indirect_dma source(%dma_start3A_62 : memref<10000x128xf32, #tpu.memory_space<hbm>>) target(%dma_start3A_57 : memref<80x128xf32, #tpu.memory_space<vmem>>) offsets(%dma_start3A_59 : memref<80xi32, #tpu.memory_space<vmem>>) semaphore(%arg10 : memref<!tpu.dma_semaphore, #tpu.memory_space<semaphore_mem>>)
    %dma_start3A_63 = arith.constant 1 : i32
    %dma_start3A_64 = arith.constant 0 : i32
    %dma_start3A_65 = arith.constant 0 : i32
    %dma_start3A_66 = tpu.memref_slice %arg7[%dma_start3A_63, %dma_start3A_64, %dma_start3A_65] : memref<3x80x128xf32, #tpu.memory_space<vmem>> -> memref<1x80x128xf32, #tpu.memory_space<vmem>>
    %dma_start3A_67 = tpu.memref_squeeze %dma_start3A_66 : memref<1x80x128xf32, #tpu.memory_space<vmem>> -> memref<80x128xf32, #tpu.memory_space<vmem>>
    %dma_start3A_68 = arith.constant 80 : i32
    %dma_start3A_69 = tpu.memref_slice %arg6[%dma_start3A_68] : memref<10000xi32, #tpu.memory_space<vmem>> -> memref<80xi32, #tpu.memory_space<vmem>>
    %dma_start3A_70 = arith.constant 0 : i32
    %dma_start3A_71 = arith.constant 0 : i32
    %dma_start3A_72 = tpu.memref_slice %arg2[%dma_start3A_70, %dma_start3A_71] : memref<10000x128xf32, #tpu.memory_space<hbm>> -> memref<10000x128xf32, #tpu.memory_space<hbm>>
    tpu.enqueue_indirect_dma source(%dma_start3A_72 : memref<10000x128xf32, #tpu.memory_space<hbm>>) target(%dma_start3A_67 : memref<80x128xf32, #tpu.memory_space<vmem>>) offsets(%dma_start3A_69 : memref<80xi32, #tpu.memory_space<vmem>>) semaphore(%arg11 : memref<!tpu.dma_semaphore, #tpu.memory_space<semaphore_mem>>)
    %lt3A_73 = arith.constant 15 : i32
    %lt3A_74 = arith.cmpi slt, %arg1, %lt3A_73 : i32
    %convert_element_type3A_75 = arith.extui %lt3A_74 : i1 to i32
    %cond3A_76 = arith.constant 0 : i32
    %cond3A_77 = arith.cmpi ne, %convert_element_type3A_75, %cond3A_76 : i32
    scf.if %cond3A_77 {
      %mul3A_151 = arith.constant 640 : i32
      %mul3A_152 = arith.muli %arg1, %mul3A_151 : i32
      %mul3A_153 = arith.constant 640 : i32
      %mul3A_154 = arith.muli %arg1, %mul3A_153 : i32
      %dma_wait3A_155 = arith.constant 0 : i32
      %dma_wait3A_156 = tpu.memref_slice %arg9[%mul3A_154, %dma_wait3A_155] : memref<10000x128xf32, #tpu.memory_space<vmem_shared>> -> memref<640x128xf32, #tpu.memory_space<vmem_shared>>
      %dma_wait3A_157 = arith.constant 0 : i32
      %dma_wait3A_158 = tpu.memref_slice %arg4[%mul3A_152, %dma_wait3A_157] : memref<10000x128xf32, #tpu.memory_space<hbm>> -> memref<640x128xf32, #tpu.memory_space<hbm>>
      tpu.wait_dma2 semaphore(%arg16 : memref<!tpu.dma_semaphore, #tpu.memory_space<semaphore_mem>>) src(%dma_wait3A_158 : memref<640x128xf32, #tpu.memory_space<hbm>>) dst(%dma_wait3A_156 : memref<640x128xf32, #tpu.memory_space<vmem_shared>>)
    } else {
    }
    %eq3A_78 = arith.constant 15 : i32
    %eq3A_79 = arith.cmpi eq, %arg1, %eq3A_78 : i32
    %convert_element_type3A_80 = arith.extui %eq3A_79 : i1 to i32
    %cond3A_81 = arith.constant 0 : i32
    %cond3A_82 = arith.cmpi ne, %convert_element_type3A_80, %cond3A_81 : i32
    scf.if %cond3A_82 {
      %dma_wait3A_151 = arith.constant 9600 : i32
      %dma_wait3A_152 = arith.constant 0 : i32
      %dma_wait3A_153 = tpu.memref_slice %arg9[%dma_wait3A_151, %dma_wait3A_152] : memref<10000x128xf32, #tpu.memory_space<vmem_shared>> -> memref<400x128xf32, #tpu.memory_space<vmem_shared>>
      %dma_wait3A_154 = arith.constant 9600 : i32
      %dma_wait3A_155 = arith.constant 0 : i32
      %dma_wait3A_156 = tpu.memref_slice %arg4[%dma_wait3A_154, %dma_wait3A_155] : memref<10000x128xf32, #tpu.memory_space<hbm>> -> memref<400x128xf32, #tpu.memory_space<hbm>>
      tpu.wait_dma2 semaphore(%arg16 : memref<!tpu.dma_semaphore, #tpu.memory_space<semaphore_mem>>) src(%dma_wait3A_156 : memref<400x128xf32, #tpu.memory_space<hbm>>) dst(%dma_wait3A_153 : memref<400x128xf32, #tpu.memory_space<vmem_shared>>)
    } else {
    }
    %barrier3A = arith.constant 0 : index
    tpu.barrier barrier_id(%barrier3A)
    %scan3A = arith.constant 0 : i32
    %scan3A_83 = arith.constant 0 : i32
    %scan3A_84 = arith.constant 41 : i32
    %scan3A_85 = arith.addi %scan3A_83, %scan3A_84 : i32
    %scan3A_86 = arith.constant 1 : i32
    scf.for %scan3A_151 = %scan3A_83 to %scan3A_85 step %scan3A_86  : i32 {
      %mul3A_152 = arith.constant 3 : i32
      %mul3A_153 = arith.muli %mul3A_152, %scan3A_151 : i32
      %add3A_154 = arith.constant 2 : i32
      %add3A_155 = arith.addi %mul3A_153, %add3A_154 : i32
      %mul3A_156 = arith.constant 80 : i32
      %mul3A_157 = arith.muli %add3A_155, %mul3A_156 : i32
      %dma_start3A_158 = arith.constant 2 : i32
      %dma_start3A_159 = arith.constant 0 : i32
      %dma_start3A_160 = arith.constant 0 : i32
      %dma_start3A_161 = tpu.memref_slice %arg7[%dma_start3A_158, %dma_start3A_159, %dma_start3A_160] : memref<3x80x128xf32, #tpu.memory_space<vmem>> -> memref<1x80x128xf32, #tpu.memory_space<vmem>>
      %dma_start3A_162 = tpu.memref_squeeze %dma_start3A_161 : memref<1x80x128xf32, #tpu.memory_space<vmem>> -> memref<80x128xf32, #tpu.memory_space<vmem>>
      %dma_start3A_163 = tpu.memref_slice %arg6[%mul3A_157] : memref<10000xi32, #tpu.memory_space<vmem>> -> memref<80xi32, #tpu.memory_space<vmem>>
      %dma_start3A_164 = arith.constant 0 : i32
      %dma_start3A_165 = arith.constant 0 : i32
      %dma_start3A_166 = tpu.memref_slice %arg2[%dma_start3A_164, %dma_start3A_165] : memref<10000x128xf32, #tpu.memory_space<hbm>> -> memref<10000x128xf32, #tpu.memory_space<hbm>>
      tpu.enqueue_indirect_dma source(%dma_start3A_166 : memref<10000x128xf32, #tpu.memory_space<hbm>>) target(%dma_start3A_162 : memref<80x128xf32, #tpu.memory_space<vmem>>) offsets(%dma_start3A_163 : memref<80xi32, #tpu.memory_space<vmem>>) semaphore(%arg12 : memref<!tpu.dma_semaphore, #tpu.memory_space<semaphore_mem>>)
      %mul3A_167 = arith.constant 80 : i32
      %mul3A_168 = arith.muli %mul3A_153, %mul3A_167 : i32
      %dma_wait3A_169 = arith.constant 0 : i32
      %dma_wait3A_170 = arith.constant 0 : i32
      %dma_wait3A_171 = arith.constant 0 : i32
      %dma_wait3A_172 = tpu.memref_slice %arg7[%dma_wait3A_169, %dma_wait3A_170, %dma_wait3A_171] : memref<3x80x128xf32, #tpu.memory_space<vmem>> -> memref<1x80x128xf32, #tpu.memory_space<vmem>>
      %dma_wait3A_173 = tpu.memref_squeeze %dma_wait3A_172 : memref<1x80x128xf32, #tpu.memory_space<vmem>> -> memref<80x128xf32, #tpu.memory_space<vmem>>
      %dma_wait3A_174 = tpu.memref_slice %arg6[%mul3A_168] : memref<10000xi32, #tpu.memory_space<vmem>> -> memref<80xi32, #tpu.memory_space<vmem>>
      %dma_wait3A_175 = arith.constant 0 : i32
      %dma_wait3A_176 = arith.constant 0 : i32
      %dma_wait3A_177 = tpu.memref_slice %arg2[%dma_wait3A_175, %dma_wait3A_176] : memref<10000x128xf32, #tpu.memory_space<hbm>> -> memref<10000x128xf32, #tpu.memory_space<hbm>>
      tpu.wait_indirect_dma semaphore(%arg10 : memref<!tpu.dma_semaphore, #tpu.memory_space<semaphore_mem>>) src(%dma_wait3A_177 : memref<10000x128xf32, #tpu.memory_space<hbm>>) dst(%dma_wait3A_173 : memref<80x128xf32, #tpu.memory_space<vmem>>)
      %mul3A_178 = arith.constant 10000 : i32
      %mul3A_179 = arith.muli %add3A, %mul3A_178 : i32
      %add3A_180 = arith.constant 320000 : i32
      %add3A_181 = arith.addi %add3A_180, %mul3A_179 : i32
      %mul3A_182 = arith.constant 80 : i32
      %mul3A_183 = arith.muli %mul3A_153, %mul3A_182 : i32
      %add3A_184 = arith.addi %add3A_181, %mul3A_183 : i32
      %dma_wait3A_185 = arith.constant 0 : i32
      %dma_wait3A_186 = arith.constant 0 : i32
      %dma_wait3A_187 = tpu.memref_slice %arg8[%dma_wait3A_185, %dma_wait3A_186] : memref<3x80xi32, #tpu.memory_space<vmem>> -> memref<1x80xi32, #tpu.memory_space<vmem>>
      %dma_wait3A_188 = tpu.memref_squeeze %dma_wait3A_187 : memref<1x80xi32, #tpu.memory_space<vmem>> -> memref<80xi32, #tpu.memory_space<vmem>>
      %dma_wait3A_189 = tpu.memref_slice %arg3[%add3A_184] : memref<640000xi32, #tpu.memory_space<hbm>> -> memref<80xi32, #tpu.memory_space<hbm>>
      %dma_wait3A_190 = arith.constant 0 : i32
      %dma_wait3A_191 = tpu.memref_slice %arg8[%dma_wait3A_185, %dma_wait3A_190] : memref<3x80xi32, #tpu.memory_space<vmem>> -> memref<1x80xi32, #tpu.memory_space<vmem>>
      %dma_wait3A_192 = tpu.memref_squeeze %dma_wait3A_191 : memref<1x80xi32, #tpu.memory_space<vmem>> -> memref<80xi32, #tpu.memory_space<vmem>>
      %dma_wait3A_193 = tpu.memref_slice %arg3[%add3A_184] : memref<640000xi32, #tpu.memory_space<hbm>> -> memref<80xi32, #tpu.memory_space<hbm>>
      tpu.wait_dma2 semaphore(%arg13 : memref<!tpu.dma_semaphore, #tpu.memory_space<semaphore_mem>>) src(%dma_wait3A_193 : memref<80xi32, #tpu.memory_space<hbm>>) dst(%dma_wait3A_192 : memref<80xi32, #tpu.memory_space<vmem>>)
      %run_scoped3A_194 = arith.constant 0 : i32
      %run_scoped3A_195 = arith.constant 0 : i32
      "tpu.region"() ({
        %run_scoped3A_305 = tpu.sem_alloc : memref<!tpu.dma_semaphore, #tpu.memory_space<semaphore_mem>>
        %dma_start3A_306 = arith.constant 0 : i32
        %dma_start3A_307 = arith.constant 0 : i32
        %dma_start3A_308 = tpu.memref_slice %arg7[%run_scoped3A_194, %dma_start3A_306, %dma_start3A_307] : memref<3x80x128xf32, #tpu.memory_space<vmem>> -> memref<1x80x128xf32, #tpu.memory_space<vmem>>
        %dma_start3A_309 = tpu.memref_squeeze %dma_start3A_308 : memref<1x80x128xf32, #tpu.memory_space<vmem>> -> memref<80x128xf32, #tpu.memory_space<vmem>>
        %dma_start3A_310 = arith.constant 0 : i32
        %dma_start3A_311 = tpu.memref_slice %arg8[%run_scoped3A_195, %dma_start3A_310] : memref<3x80xi32, #tpu.memory_space<vmem>> -> memref<1x80xi32, #tpu.memory_space<vmem>>
        %dma_start3A_312 = tpu.memref_squeeze %dma_start3A_311 : memref<1x80xi32, #tpu.memory_space<vmem>> -> memref<80xi32, #tpu.memory_space<vmem>>
        %dma_start3A_313 = arith.constant 0 : i32
        %dma_start3A_314 = arith.constant 0 : i32
        %dma_start3A_315 = tpu.memref_slice %arg9[%dma_start3A_313, %dma_start3A_314] : memref<10000x128xf32, #tpu.memory_space<vmem_shared>> -> memref<10000x128xf32, #tpu.memory_space<vmem_shared>>
        tpu.enqueue_indirect_dma source(%dma_start3A_309 : memref<80x128xf32, #tpu.memory_space<vmem>>) target(%dma_start3A_315 : memref<10000x128xf32, #tpu.memory_space<vmem_shared>>) offsets(%dma_start3A_312 : memref<80xi32, #tpu.memory_space<vmem>>) semaphore(%run_scoped3A_305 : memref<!tpu.dma_semaphore, #tpu.memory_space<semaphore_mem>>) {add = true}
        %dma_wait3A_316 = arith.constant 0 : i32
        %dma_wait3A_317 = arith.constant 0 : i32
        %dma_wait3A_318 = tpu.memref_slice %arg7[%run_scoped3A_194, %dma_wait3A_316, %dma_wait3A_317] : memref<3x80x128xf32, #tpu.memory_space<vmem>> -> memref<1x80x128xf32, #tpu.memory_space<vmem>>
        %dma_wait3A_319 = tpu.memref_squeeze %dma_wait3A_318 : memref<1x80x128xf32, #tpu.memory_space<vmem>> -> memref<80x128xf32, #tpu.memory_space<vmem>>
        %dma_wait3A_320 = arith.constant 0 : i32
        %dma_wait3A_321 = tpu.memref_slice %arg8[%run_scoped3A_195, %dma_wait3A_320] : memref<3x80xi32, #tpu.memory_space<vmem>> -> memref<1x80xi32, #tpu.memory_space<vmem>>
        %dma_wait3A_322 = tpu.memref_squeeze %dma_wait3A_321 : memref<1x80xi32, #tpu.memory_space<vmem>> -> memref<80xi32, #tpu.memory_space<vmem>>
        %dma_wait3A_323 = arith.constant 0 : i32
        %dma_wait3A_324 = arith.constant 0 : i32
        %dma_wait3A_325 = tpu.memref_slice %arg9[%dma_wait3A_323, %dma_wait3A_324] : memref<10000x128xf32, #tpu.memory_space<vmem_shared>> -> memref<10000x128xf32, #tpu.memory_space<vmem_shared>>
        tpu.wait_indirect_dma semaphore(%run_scoped3A_305 : memref<!tpu.dma_semaphore, #tpu.memory_space<semaphore_mem>>) src(%dma_wait3A_319 : memref<80x128xf32, #tpu.memory_space<vmem>>) dst(%dma_wait3A_325 : memref<10000x128xf32, #tpu.memory_space<vmem_shared>>)
        tpu.yield
      }) : () -> ()
      %add3A_196 = arith.constant 3 : i32
      %add3A_197 = arith.addi %mul3A_153, %add3A_196 : i32
      %lt3A_198 = arith.constant 125 : i32
      %lt3A_199 = arith.cmpi slt, %add3A_197, %lt3A_198 : i32
      %convert_element_type3A_200 = arith.extui %lt3A_199 : i1 to i32
      %cond3A_201 = arith.constant 0 : i32
      %cond3A_202 = arith.cmpi ne, %convert_element_type3A_200, %cond3A_201 : i32
      scf.if %cond3A_202 {
        %add3A_305 = arith.constant 3 : i32
        %add3A_306 = arith.addi %mul3A_153, %add3A_305 : i32
        %mul3A_307 = arith.constant 10000 : i32
        %mul3A_308 = arith.muli %add3A, %mul3A_307 : i32
        %add3A_309 = arith.constant 320000 : i32
        %add3A_310 = arith.addi %add3A_309, %mul3A_308 : i32
        %mul3A_311 = arith.constant 80 : i32
        %mul3A_312 = arith.muli %add3A_306, %mul3A_311 : i32
        %add3A_313 = arith.addi %add3A_310, %mul3A_312 : i32
        %dma_start3A_314 = arith.constant 0 : i32
        %dma_start3A_315 = arith.constant 0 : i32
        %dma_start3A_316 = tpu.memref_slice %arg8[%dma_start3A_314, %dma_start3A_315] : memref<3x80xi32, #tpu.memory_space<vmem>> -> memref<1x80xi32, #tpu.memory_space<vmem>>
        %dma_start3A_317 = tpu.memref_squeeze %dma_start3A_316 : memref<1x80xi32, #tpu.memory_space<vmem>> -> memref<80xi32, #tpu.memory_space<vmem>>
        %dma_start3A_318 = tpu.memref_slice %arg3[%add3A_313] : memref<640000xi32, #tpu.memory_space<hbm>> -> memref<80xi32, #tpu.memory_space<hbm>>
        %dma_start3A_319 = arith.constant 0 : i32
        %dma_start3A_320 = tpu.memref_slice %arg8[%dma_start3A_314, %dma_start3A_319] : memref<3x80xi32, #tpu.memory_space<vmem>> -> memref<1x80xi32, #tpu.memory_space<vmem>>
        %dma_start3A_321 = tpu.memref_squeeze %dma_start3A_320 : memref<1x80xi32, #tpu.memory_space<vmem>> -> memref<80xi32, #tpu.memory_space<vmem>>
        %dma_start3A_322 = tpu.memref_slice %arg3[%add3A_313] : memref<640000xi32, #tpu.memory_space<hbm>> -> memref<80xi32, #tpu.memory_space<hbm>>
        tpu.enqueue_dma source(%dma_start3A_322 : memref<80xi32, #tpu.memory_space<hbm>>) target(%dma_start3A_321 : memref<80xi32, #tpu.memory_space<vmem>>) target_semaphore(%arg13 : memref<!tpu.dma_semaphore, #tpu.memory_space<semaphore_mem>>)
      } else {
      }
      %add3A_203 = arith.constant 1 : i32
      %add3A_204 = arith.addi %mul3A_153, %add3A_203 : i32
      %add3A_205 = arith.constant 2 : i32
      %add3A_206 = arith.addi %add3A_204, %add3A_205 : i32
      %mul3A_207 = arith.constant 80 : i32
      %mul3A_208 = arith.muli %add3A_206, %mul3A_207 : i32
      %dma_start3A_209 = arith.constant 0 : i32
      %dma_start3A_210 = arith.constant 0 : i32
      %dma_start3A_211 = arith.constant 0 : i32
      %dma_start3A_212 = tpu.memref_slice %arg7[%dma_start3A_209, %dma_start3A_210, %dma_start3A_211] : memref<3x80x128xf32, #tpu.memory_space<vmem>> -> memref<1x80x128xf32, #tpu.memory_space<vmem>>
      %dma_start3A_213 = tpu.memref_squeeze %dma_start3A_212 : memref<1x80x128xf32, #tpu.memory_space<vmem>> -> memref<80x128xf32, #tpu.memory_space<vmem>>
      %dma_start3A_214 = tpu.memref_slice %arg6[%mul3A_208] : memref<10000xi32, #tpu.memory_space<vmem>> -> memref<80xi32, #tpu.memory_space<vmem>>
      %dma_start3A_215 = arith.constant 0 : i32
      %dma_start3A_216 = arith.constant 0 : i32
      %dma_start3A_217 = tpu.memref_slice %arg2[%dma_start3A_215, %dma_start3A_216] : memref<10000x128xf32, #tpu.memory_space<hbm>> -> memref<10000x128xf32, #tpu.memory_space<hbm>>
      tpu.enqueue_indirect_dma source(%dma_start3A_217 : memref<10000x128xf32, #tpu.memory_space<hbm>>) target(%dma_start3A_213 : memref<80x128xf32, #tpu.memory_space<vmem>>) offsets(%dma_start3A_214 : memref<80xi32, #tpu.memory_space<vmem>>) semaphore(%arg10 : memref<!tpu.dma_semaphore, #tpu.memory_space<semaphore_mem>>)
      %mul3A_218 = arith.constant 80 : i32
      %mul3A_219 = arith.muli %add3A_204, %mul3A_218 : i32
      %dma_wait3A_220 = arith.constant 1 : i32
      %dma_wait3A_221 = arith.constant 0 : i32
      %dma_wait3A_222 = arith.constant 0 : i32
      %dma_wait3A_223 = tpu.memref_slice %arg7[%dma_wait3A_220, %dma_wait3A_221, %dma_wait3A_222] : memref<3x80x128xf32, #tpu.memory_space<vmem>> -> memref<1x80x128xf32, #tpu.memory_space<vmem>>
      %dma_wait3A_224 = tpu.memref_squeeze %dma_wait3A_223 : memref<1x80x128xf32, #tpu.memory_space<vmem>> -> memref<80x128xf32, #tpu.memory_space<vmem>>
      %dma_wait3A_225 = tpu.memref_slice %arg6[%mul3A_219] : memref<10000xi32, #tpu.memory_space<vmem>> -> memref<80xi32, #tpu.memory_space<vmem>>
      %dma_wait3A_226 = arith.constant 0 : i32
      %dma_wait3A_227 = arith.constant 0 : i32
      %dma_wait3A_228 = tpu.memref_slice %arg2[%dma_wait3A_226, %dma_wait3A_227] : memref<10000x128xf32, #tpu.memory_space<hbm>> -> memref<10000x128xf32, #tpu.memory_space<hbm>>
      tpu.wait_indirect_dma semaphore(%arg11 : memref<!tpu.dma_semaphore, #tpu.memory_space<semaphore_mem>>) src(%dma_wait3A_228 : memref<10000x128xf32, #tpu.memory_space<hbm>>) dst(%dma_wait3A_224 : memref<80x128xf32, #tpu.memory_space<vmem>>)
      %mul3A_229 = arith.constant 10000 : i32
      %mul3A_230 = arith.muli %add3A, %mul3A_229 : i32
      %add3A_231 = arith.constant 320000 : i32
      %add3A_232 = arith.addi %add3A_231, %mul3A_230 : i32
      %mul3A_233 = arith.constant 80 : i32
      %mul3A_234 = arith.muli %add3A_204, %mul3A_233 : i32
      %add3A_235 = arith.addi %add3A_232, %mul3A_234 : i32
      %dma_wait3A_236 = arith.constant 1 : i32
      %dma_wait3A_237 = arith.constant 0 : i32
      %dma_wait3A_238 = tpu.memref_slice %arg8[%dma_wait3A_236, %dma_wait3A_237] : memref<3x80xi32, #tpu.memory_space<vmem>> -> memref<1x80xi32, #tpu.memory_space<vmem>>
      %dma_wait3A_239 = tpu.memref_squeeze %dma_wait3A_238 : memref<1x80xi32, #tpu.memory_space<vmem>> -> memref<80xi32, #tpu.memory_space<vmem>>
      %dma_wait3A_240 = tpu.memref_slice %arg3[%add3A_235] : memref<640000xi32, #tpu.memory_space<hbm>> -> memref<80xi32, #tpu.memory_space<hbm>>
      %dma_wait3A_241 = arith.constant 0 : i32
      %dma_wait3A_242 = tpu.memref_slice %arg8[%dma_wait3A_236, %dma_wait3A_241] : memref<3x80xi32, #tpu.memory_space<vmem>> -> memref<1x80xi32, #tpu.memory_space<vmem>>
      %dma_wait3A_243 = tpu.memref_squeeze %dma_wait3A_242 : memref<1x80xi32, #tpu.memory_space<vmem>> -> memref<80xi32, #tpu.memory_space<vmem>>
      %dma_wait3A_244 = tpu.memref_slice %arg3[%add3A_235] : memref<640000xi32, #tpu.memory_space<hbm>> -> memref<80xi32, #tpu.memory_space<hbm>>
      tpu.wait_dma2 semaphore(%arg14 : memref<!tpu.dma_semaphore, #tpu.memory_space<semaphore_mem>>) src(%dma_wait3A_244 : memref<80xi32, #tpu.memory_space<hbm>>) dst(%dma_wait3A_243 : memref<80xi32, #tpu.memory_space<vmem>>)
      %run_scoped3A_245 = arith.constant 1 : i32
      %run_scoped3A_246 = arith.constant 1 : i32
      "tpu.region"() ({
        %run_scoped3A_305 = tpu.sem_alloc : memref<!tpu.dma_semaphore, #tpu.memory_space<semaphore_mem>>
        %dma_start3A_306 = arith.constant 0 : i32
        %dma_start3A_307 = arith.constant 0 : i32
        %dma_start3A_308 = tpu.memref_slice %arg7[%run_scoped3A_245, %dma_start3A_306, %dma_start3A_307] : memref<3x80x128xf32, #tpu.memory_space<vmem>> -> memref<1x80x128xf32, #tpu.memory_space<vmem>>
        %dma_start3A_309 = tpu.memref_squeeze %dma_start3A_308 : memref<1x80x128xf32, #tpu.memory_space<vmem>> -> memref<80x128xf32, #tpu.memory_space<vmem>>
        %dma_start3A_310 = arith.constant 0 : i32
        %dma_start3A_311 = tpu.memref_slice %arg8[%run_scoped3A_246, %dma_start3A_310] : memref<3x80xi32, #tpu.memory_space<vmem>> -> memref<1x80xi32, #tpu.memory_space<vmem>>
        %dma_start3A_312 = tpu.memref_squeeze %dma_start3A_311 : memref<1x80xi32, #tpu.memory_space<vmem>> -> memref<80xi32, #tpu.memory_space<vmem>>
        %dma_start3A_313 = arith.constant 0 : i32
        %dma_start3A_314 = arith.constant 0 : i32
        %dma_start3A_315 = tpu.memref_slice %arg9[%dma_start3A_313, %dma_start3A_314] : memref<10000x128xf32, #tpu.memory_space<vmem_shared>> -> memref<10000x128xf32, #tpu.memory_space<vmem_shared>>
        tpu.enqueue_indirect_dma source(%dma_start3A_309 : memref<80x128xf32, #tpu.memory_space<vmem>>) target(%dma_start3A_315 : memref<10000x128xf32, #tpu.memory_space<vmem_shared>>) offsets(%dma_start3A_312 : memref<80xi32, #tpu.memory_space<vmem>>) semaphore(%run_scoped3A_305 : memref<!tpu.dma_semaphore, #tpu.memory_space<semaphore_mem>>) {add = true}
        %dma_wait3A_316 = arith.constant 0 : i32
        %dma_wait3A_317 = arith.constant 0 : i32
        %dma_wait3A_318 = tpu.memref_slice %arg7[%run_scoped3A_245, %dma_wait3A_316, %dma_wait3A_317] : memref<3x80x128xf32, #tpu.memory_space<vmem>> -> memref<1x80x128xf32, #tpu.memory_space<vmem>>
        %dma_wait3A_319 = tpu.memref_squeeze %dma_wait3A_318 : memref<1x80x128xf32, #tpu.memory_space<vmem>> -> memref<80x128xf32, #tpu.memory_space<vmem>>
        %dma_wait3A_320 = arith.constant 0 : i32
        %dma_wait3A_321 = tpu.memref_slice %arg8[%run_scoped3A_246, %dma_wait3A_320] : memref<3x80xi32, #tpu.memory_space<vmem>> -> memref<1x80xi32, #tpu.memory_space<vmem>>
        %dma_wait3A_322 = tpu.memref_squeeze %dma_wait3A_321 : memref<1x80xi32, #tpu.memory_space<vmem>> -> memref<80xi32, #tpu.memory_space<vmem>>
        %dma_wait3A_323 = arith.constant 0 : i32
        %dma_wait3A_324 = arith.constant 0 : i32
        %dma_wait3A_325 = tpu.memref_slice %arg9[%dma_wait3A_323, %dma_wait3A_324] : memref<10000x128xf32, #tpu.memory_space<vmem_shared>> -> memref<10000x128xf32, #tpu.memory_space<vmem_shared>>
        tpu.wait_indirect_dma semaphore(%run_scoped3A_305 : memref<!tpu.dma_semaphore, #tpu.memory_space<semaphore_mem>>) src(%dma_wait3A_319 : memref<80x128xf32, #tpu.memory_space<vmem>>) dst(%dma_wait3A_325 : memref<10000x128xf32, #tpu.memory_space<vmem_shared>>)
        tpu.yield
      }) : () -> ()
      %add3A_247 = arith.constant 3 : i32
      %add3A_248 = arith.addi %add3A_204, %add3A_247 : i32
      %lt3A_249 = arith.constant 125 : i32
      %lt3A_250 = arith.cmpi slt, %add3A_248, %lt3A_249 : i32
      %convert_element_type3A_251 = arith.extui %lt3A_250 : i1 to i32
      %cond3A_252 = arith.constant 0 : i32
      %cond3A_253 = arith.cmpi ne, %convert_element_type3A_251, %cond3A_252 : i32
      scf.if %cond3A_253 {
        %add3A_305 = arith.constant 3 : i32
        %add3A_306 = arith.addi %add3A_204, %add3A_305 : i32
        %mul3A_307 = arith.constant 10000 : i32
        %mul3A_308 = arith.muli %add3A, %mul3A_307 : i32
        %add3A_309 = arith.constant 320000 : i32
        %add3A_310 = arith.addi %add3A_309, %mul3A_308 : i32
        %mul3A_311 = arith.constant 80 : i32
        %mul3A_312 = arith.muli %add3A_306, %mul3A_311 : i32
        %add3A_313 = arith.addi %add3A_310, %mul3A_312 : i32
        %dma_start3A_314 = arith.constant 1 : i32
        %dma_start3A_315 = arith.constant 0 : i32
        %dma_start3A_316 = tpu.memref_slice %arg8[%dma_start3A_314, %dma_start3A_315] : memref<3x80xi32, #tpu.memory_space<vmem>> -> memref<1x80xi32, #tpu.memory_space<vmem>>
        %dma_start3A_317 = tpu.memref_squeeze %dma_start3A_316 : memref<1x80xi32, #tpu.memory_space<vmem>> -> memref<80xi32, #tpu.memory_space<vmem>>
        %dma_start3A_318 = tpu.memref_slice %arg3[%add3A_313] : memref<640000xi32, #tpu.memory_space<hbm>> -> memref<80xi32, #tpu.memory_space<hbm>>
        %dma_start3A_319 = arith.constant 0 : i32
        %dma_start3A_320 = tpu.memref_slice %arg8[%dma_start3A_314, %dma_start3A_319] : memref<3x80xi32, #tpu.memory_space<vmem>> -> memref<1x80xi32, #tpu.memory_space<vmem>>
        %dma_start3A_321 = tpu.memref_squeeze %dma_start3A_320 : memref<1x80xi32, #tpu.memory_space<vmem>> -> memref<80xi32, #tpu.memory_space<vmem>>
        %dma_start3A_322 = tpu.memref_slice %arg3[%add3A_313] : memref<640000xi32, #tpu.memory_space<hbm>> -> memref<80xi32, #tpu.memory_space<hbm>>
        tpu.enqueue_dma source(%dma_start3A_322 : memref<80xi32, #tpu.memory_space<hbm>>) target(%dma_start3A_321 : memref<80xi32, #tpu.memory_space<vmem>>) target_semaphore(%arg14 : memref<!tpu.dma_semaphore, #tpu.memory_space<semaphore_mem>>)
      } else {
      }
      %add3A_254 = arith.constant 2 : i32
      %add3A_255 = arith.addi %mul3A_153, %add3A_254 : i32
      %add3A_256 = arith.constant 2 : i32
      %add3A_257 = arith.addi %add3A_255, %add3A_256 : i32
      %mul3A_258 = arith.constant 80 : i32
      %mul3A_259 = arith.muli %add3A_257, %mul3A_258 : i32
      %dma_start3A_260 = arith.constant 1 : i32
      %dma_start3A_261 = arith.constant 0 : i32
      %dma_start3A_262 = arith.constant 0 : i32
      %dma_start3A_263 = tpu.memref_slice %arg7[%dma_start3A_260, %dma_start3A_261, %dma_start3A_262] : memref<3x80x128xf32, #tpu.memory_space<vmem>> -> memref<1x80x128xf32, #tpu.memory_space<vmem>>
      %dma_start3A_264 = tpu.memref_squeeze %dma_start3A_263 : memref<1x80x128xf32, #tpu.memory_space<vmem>> -> memref<80x128xf32, #tpu.memory_space<vmem>>
      %dma_start3A_265 = tpu.memref_slice %arg6[%mul3A_259] : memref<10000xi32, #tpu.memory_space<vmem>> -> memref<80xi32, #tpu.memory_space<vmem>>
      %dma_start3A_266 = arith.constant 0 : i32
      %dma_start3A_267 = arith.constant 0 : i32
      %dma_start3A_268 = tpu.memref_slice %arg2[%dma_start3A_266, %dma_start3A_267] : memref<10000x128xf32, #tpu.memory_space<hbm>> -> memref<10000x128xf32, #tpu.memory_space<hbm>>
      tpu.enqueue_indirect_dma source(%dma_start3A_268 : memref<10000x128xf32, #tpu.memory_space<hbm>>) target(%dma_start3A_264 : memref<80x128xf32, #tpu.memory_space<vmem>>) offsets(%dma_start3A_265 : memref<80xi32, #tpu.memory_space<vmem>>) semaphore(%arg11 : memref<!tpu.dma_semaphore, #tpu.memory_space<semaphore_mem>>)
      %mul3A_269 = arith.constant 80 : i32
      %mul3A_270 = arith.muli %add3A_255, %mul3A_269 : i32
      %dma_wait3A_271 = arith.constant 2 : i32
      %dma_wait3A_272 = arith.constant 0 : i32
      %dma_wait3A_273 = arith.constant 0 : i32
      %dma_wait3A_274 = tpu.memref_slice %arg7[%dma_wait3A_271, %dma_wait3A_272, %dma_wait3A_273] : memref<3x80x128xf32, #tpu.memory_space<vmem>> -> memref<1x80x128xf32, #tpu.memory_space<vmem>>
      %dma_wait3A_275 = tpu.memref_squeeze %dma_wait3A_274 : memref<1x80x128xf32, #tpu.memory_space<vmem>> -> memref<80x128xf32, #tpu.memory_space<vmem>>
      %dma_wait3A_276 = tpu.memref_slice %arg6[%mul3A_270] : memref<10000xi32, #tpu.memory_space<vmem>> -> memref<80xi32, #tpu.memory_space<vmem>>
      %dma_wait3A_277 = arith.constant 0 : i32
      %dma_wait3A_278 = arith.constant 0 : i32
      %dma_wait3A_279 = tpu.memref_slice %arg2[%dma_wait3A_277, %dma_wait3A_278] : memref<10000x128xf32, #tpu.memory_space<hbm>> -> memref<10000x128xf32, #tpu.memory_space<hbm>>
      tpu.wait_indirect_dma semaphore(%arg12 : memref<!tpu.dma_semaphore, #tpu.memory_space<semaphore_mem>>) src(%dma_wait3A_279 : memref<10000x128xf32, #tpu.memory_space<hbm>>) dst(%dma_wait3A_275 : memref<80x128xf32, #tpu.memory_space<vmem>>)
      %mul3A_280 = arith.constant 10000 : i32
      %mul3A_281 = arith.muli %add3A, %mul3A_280 : i32
      %add3A_282 = arith.constant 320000 : i32
      %add3A_283 = arith.addi %add3A_282, %mul3A_281 : i32
      %mul3A_284 = arith.constant 80 : i32
      %mul3A_285 = arith.muli %add3A_255, %mul3A_284 : i32
      %add3A_286 = arith.addi %add3A_283, %mul3A_285 : i32
      %dma_wait3A_287 = arith.constant 2 : i32
      %dma_wait3A_288 = arith.constant 0 : i32
      %dma_wait3A_289 = tpu.memref_slice %arg8[%dma_wait3A_287, %dma_wait3A_288] : memref<3x80xi32, #tpu.memory_space<vmem>> -> memref<1x80xi32, #tpu.memory_space<vmem>>
      %dma_wait3A_290 = tpu.memref_squeeze %dma_wait3A_289 : memref<1x80xi32, #tpu.memory_space<vmem>> -> memref<80xi32, #tpu.memory_space<vmem>>
      %dma_wait3A_291 = tpu.memref_slice %arg3[%add3A_286] : memref<640000xi32, #tpu.memory_space<hbm>> -> memref<80xi32, #tpu.memory_space<hbm>>
      %dma_wait3A_292 = arith.constant 0 : i32
      %dma_wait3A_293 = tpu.memref_slice %arg8[%dma_wait3A_287, %dma_wait3A_292] : memref<3x80xi32, #tpu.memory_space<vmem>> -> memref<1x80xi32, #tpu.memory_space<vmem>>
      %dma_wait3A_294 = tpu.memref_squeeze %dma_wait3A_293 : memref<1x80xi32, #tpu.memory_space<vmem>> -> memref<80xi32, #tpu.memory_space<vmem>>
      %dma_wait3A_295 = tpu.memref_slice %arg3[%add3A_286] : memref<640000xi32, #tpu.memory_space<hbm>> -> memref<80xi32, #tpu.memory_space<hbm>>
      tpu.wait_dma2 semaphore(%arg15 : memref<!tpu.dma_semaphore, #tpu.memory_space<semaphore_mem>>) src(%dma_wait3A_295 : memref<80xi32, #tpu.memory_space<hbm>>) dst(%dma_wait3A_294 : memref<80xi32, #tpu.memory_space<vmem>>)
      %run_scoped3A_296 = arith.constant 2 : i32
      %run_scoped3A_297 = arith.constant 2 : i32
      "tpu.region"() ({
        %run_scoped3A_305 = tpu.sem_alloc : memref<!tpu.dma_semaphore, #tpu.memory_space<semaphore_mem>>
        %dma_start3A_306 = arith.constant 0 : i32
        %dma_start3A_307 = arith.constant 0 : i32
        %dma_start3A_308 = tpu.memref_slice %arg7[%run_scoped3A_296, %dma_start3A_306, %dma_start3A_307] : memref<3x80x128xf32, #tpu.memory_space<vmem>> -> memref<1x80x128xf32, #tpu.memory_space<vmem>>
        %dma_start3A_309 = tpu.memref_squeeze %dma_start3A_308 : memref<1x80x128xf32, #tpu.memory_space<vmem>> -> memref<80x128xf32, #tpu.memory_space<vmem>>
        %dma_start3A_310 = arith.constant 0 : i32
        %dma_start3A_311 = tpu.memref_slice %arg8[%run_scoped3A_297, %dma_start3A_310] : memref<3x80xi32, #tpu.memory_space<vmem>> -> memref<1x80xi32, #tpu.memory_space<vmem>>
        %dma_start3A_312 = tpu.memref_squeeze %dma_start3A_311 : memref<1x80xi32, #tpu.memory_space<vmem>> -> memref<80xi32, #tpu.memory_space<vmem>>
        %dma_start3A_313 = arith.constant 0 : i32
        %dma_start3A_314 = arith.constant 0 : i32
        %dma_start3A_315 = tpu.memref_slice %arg9[%dma_start3A_313, %dma_start3A_314] : memref<10000x128xf32, #tpu.memory_space<vmem_shared>> -> memref<10000x128xf32, #tpu.memory_space<vmem_shared>>
        tpu.enqueue_indirect_dma source(%dma_start3A_309 : memref<80x128xf32, #tpu.memory_space<vmem>>) target(%dma_start3A_315 : memref<10000x128xf32, #tpu.memory_space<vmem_shared>>) offsets(%dma_start3A_312 : memref<80xi32, #tpu.memory_space<vmem>>) semaphore(%run_scoped3A_305 : memref<!tpu.dma_semaphore, #tpu.memory_space<semaphore_mem>>) {add = true}
        %dma_wait3A_316 = arith.constant 0 : i32
        %dma_wait3A_317 = arith.constant 0 : i32
        %dma_wait3A_318 = tpu.memref_slice %arg7[%run_scoped3A_296, %dma_wait3A_316, %dma_wait3A_317] : memref<3x80x128xf32, #tpu.memory_space<vmem>> -> memref<1x80x128xf32, #tpu.memory_space<vmem>>
        %dma_wait3A_319 = tpu.memref_squeeze %dma_wait3A_318 : memref<1x80x128xf32, #tpu.memory_space<vmem>> -> memref<80x128xf32, #tpu.memory_space<vmem>>
        %dma_wait3A_320 = arith.constant 0 : i32
        %dma_wait3A_321 = tpu.memref_slice %arg8[%run_scoped3A_297, %dma_wait3A_320] : memref<3x80xi32, #tpu.memory_space<vmem>> -> memref<1x80xi32, #tpu.memory_space<vmem>>
        %dma_wait3A_322 = tpu.memref_squeeze %dma_wait3A_321 : memref<1x80xi32, #tpu.memory_space<vmem>> -> memref<80xi32, #tpu.memory_space<vmem>>
        %dma_wait3A_323 = arith.constant 0 : i32
        %dma_wait3A_324 = arith.constant 0 : i32
        %dma_wait3A_325 = tpu.memref_slice %arg9[%dma_wait3A_323, %dma_wait3A_324] : memref<10000x128xf32, #tpu.memory_space<vmem_shared>> -> memref<10000x128xf32, #tpu.memory_space<vmem_shared>>
        tpu.wait_indirect_dma semaphore(%run_scoped3A_305 : memref<!tpu.dma_semaphore, #tpu.memory_space<semaphore_mem>>) src(%dma_wait3A_319 : memref<80x128xf32, #tpu.memory_space<vmem>>) dst(%dma_wait3A_325 : memref<10000x128xf32, #tpu.memory_space<vmem_shared>>)
        tpu.yield
      }) : () -> ()
      %add3A_298 = arith.constant 3 : i32
      %add3A_299 = arith.addi %add3A_255, %add3A_298 : i32
      %lt3A_300 = arith.constant 125 : i32
      %lt3A_301 = arith.cmpi slt, %add3A_299, %lt3A_300 : i32
      %convert_element_type3A_302 = arith.extui %lt3A_301 : i1 to i32
      %cond3A_303 = arith.constant 0 : i32
      %cond3A_304 = arith.cmpi ne, %convert_element_type3A_302, %cond3A_303 : i32
      scf.if %cond3A_304 {
        %add3A_305 = arith.constant 3 : i32
        %add3A_306 = arith.addi %add3A_255, %add3A_305 : i32
        %mul3A_307 = arith.constant 10000 : i32
        %mul3A_308 = arith.muli %add3A, %mul3A_307 : i32
        %add3A_309 = arith.constant 320000 : i32
        %add3A_310 = arith.addi %add3A_309, %mul3A_308 : i32
        %mul3A_311 = arith.constant 80 : i32
        %mul3A_312 = arith.muli %add3A_306, %mul3A_311 : i32
        %add3A_313 = arith.addi %add3A_310, %mul3A_312 : i32
        %dma_start3A_314 = arith.constant 2 : i32
        %dma_start3A_315 = arith.constant 0 : i32
        %dma_start3A_316 = tpu.memref_slice %arg8[%dma_start3A_314, %dma_start3A_315] : memref<3x80xi32, #tpu.memory_space<vmem>> -> memref<1x80xi32, #tpu.memory_space<vmem>>
        %dma_start3A_317 = tpu.memref_squeeze %dma_start3A_316 : memref<1x80xi32, #tpu.memory_space<vmem>> -> memref<80xi32, #tpu.memory_space<vmem>>
        %dma_start3A_318 = tpu.memref_slice %arg3[%add3A_313] : memref<640000xi32, #tpu.memory_space<hbm>> -> memref<80xi32, #tpu.memory_space<hbm>>
        %dma_start3A_319 = arith.constant 0 : i32
        %dma_start3A_320 = tpu.memref_slice %arg8[%dma_start3A_314, %dma_start3A_319] : memref<3x80xi32, #tpu.memory_space<vmem>> -> memref<1x80xi32, #tpu.memory_space<vmem>>
        %dma_start3A_321 = tpu.memref_squeeze %dma_start3A_320 : memref<1x80xi32, #tpu.memory_space<vmem>> -> memref<80xi32, #tpu.memory_space<vmem>>
        %dma_start3A_322 = tpu.memref_slice %arg3[%add3A_313] : memref<640000xi32, #tpu.memory_space<hbm>> -> memref<80xi32, #tpu.memory_space<hbm>>
        tpu.enqueue_dma source(%dma_start3A_322 : memref<80xi32, #tpu.memory_space<hbm>>) target(%dma_start3A_321 : memref<80xi32, #tpu.memory_space<vmem>>) target_semaphore(%arg15 : memref<!tpu.dma_semaphore, #tpu.memory_space<semaphore_mem>>)
      } else {
      }
    }
    %scan3A_87 = arith.constant 41 : i32
    %dma_wait3A = arith.constant 0 : i32
    %dma_wait3A_88 = arith.constant 0 : i32
    %dma_wait3A_89 = arith.constant 0 : i32
    %dma_wait3A_90 = tpu.memref_slice %arg7[%dma_wait3A, %dma_wait3A_88, %dma_wait3A_89] : memref<3x80x128xf32, #tpu.memory_space<vmem>> -> memref<1x80x128xf32, #tpu.memory_space<vmem>>
    %dma_wait3A_91 = tpu.memref_squeeze %dma_wait3A_90 : memref<1x80x128xf32, #tpu.memory_space<vmem>> -> memref<80x128xf32, #tpu.memory_space<vmem>>
    %dma_wait3A_92 = arith.constant 9840 : i32
    %dma_wait3A_93 = tpu.memref_slice %arg6[%dma_wait3A_92] : memref<10000xi32, #tpu.memory_space<vmem>> -> memref<80xi32, #tpu.memory_space<vmem>>
    %dma_wait3A_94 = arith.constant 0 : i32
    %dma_wait3A_95 = arith.constant 0 : i32
    %dma_wait3A_96 = tpu.memref_slice %arg2[%dma_wait3A_94, %dma_wait3A_95] : memref<10000x128xf32, #tpu.memory_space<hbm>> -> memref<10000x128xf32, #tpu.memory_space<hbm>>
    tpu.wait_indirect_dma semaphore(%arg10 : memref<!tpu.dma_semaphore, #tpu.memory_space<semaphore_mem>>) src(%dma_wait3A_96 : memref<10000x128xf32, #tpu.memory_space<hbm>>) dst(%dma_wait3A_91 : memref<80x128xf32, #tpu.memory_space<vmem>>)
    %mul3A_97 = arith.constant 10000 : i32
    %mul3A_98 = arith.muli %add3A, %mul3A_97 : i32
    %add3A_99 = arith.constant 320000 : i32
    %add3A_100 = arith.addi %add3A_99, %mul3A_98 : i32
    %add3A_101 = arith.constant 9840 : i32
    %add3A_102 = arith.addi %add3A_100, %add3A_101 : i32
    %dma_wait3A_103 = arith.constant 0 : i32
    %dma_wait3A_104 = arith.constant 0 : i32
    %dma_wait3A_105 = tpu.memref_slice %arg8[%dma_wait3A_103, %dma_wait3A_104] : memref<3x80xi32, #tpu.memory_space<vmem>> -> memref<1x80xi32, #tpu.memory_space<vmem>>
    %dma_wait3A_106 = tpu.memref_squeeze %dma_wait3A_105 : memref<1x80xi32, #tpu.memory_space<vmem>> -> memref<80xi32, #tpu.memory_space<vmem>>
    %dma_wait3A_107 = tpu.memref_slice %arg3[%add3A_102] : memref<640000xi32, #tpu.memory_space<hbm>> -> memref<80xi32, #tpu.memory_space<hbm>>
    %dma_wait3A_108 = arith.constant 0 : i32
    %dma_wait3A_109 = tpu.memref_slice %arg8[%dma_wait3A_103, %dma_wait3A_108] : memref<3x80xi32, #tpu.memory_space<vmem>> -> memref<1x80xi32, #tpu.memory_space<vmem>>
    %dma_wait3A_110 = tpu.memref_squeeze %dma_wait3A_109 : memref<1x80xi32, #tpu.memory_space<vmem>> -> memref<80xi32, #tpu.memory_space<vmem>>
    %dma_wait3A_111 = tpu.memref_slice %arg3[%add3A_102] : memref<640000xi32, #tpu.memory_space<hbm>> -> memref<80xi32, #tpu.memory_space<hbm>>
    tpu.wait_dma2 semaphore(%arg13 : memref<!tpu.dma_semaphore, #tpu.memory_space<semaphore_mem>>) src(%dma_wait3A_111 : memref<80xi32, #tpu.memory_space<hbm>>) dst(%dma_wait3A_110 : memref<80xi32, #tpu.memory_space<vmem>>)
    %run_scoped3A = arith.constant 0 : i32
    %run_scoped3A_112 = arith.constant 0 : i32
    "tpu.region"() ({
      %run_scoped3A_151 = tpu.sem_alloc : memref<!tpu.dma_semaphore, #tpu.memory_space<semaphore_mem>>
      %dma_start3A_152 = arith.constant 0 : i32
      %dma_start3A_153 = arith.constant 0 : i32
      %dma_start3A_154 = tpu.memref_slice %arg7[%run_scoped3A, %dma_start3A_152, %dma_start3A_153] : memref<3x80x128xf32, #tpu.memory_space<vmem>> -> memref<1x80x128xf32, #tpu.memory_space<vmem>>
      %dma_start3A_155 = tpu.memref_squeeze %dma_start3A_154 : memref<1x80x128xf32, #tpu.memory_space<vmem>> -> memref<80x128xf32, #tpu.memory_space<vmem>>
      %dma_start3A_156 = arith.constant 0 : i32
      %dma_start3A_157 = tpu.memref_slice %arg8[%run_scoped3A_112, %dma_start3A_156] : memref<3x80xi32, #tpu.memory_space<vmem>> -> memref<1x80xi32, #tpu.memory_space<vmem>>
      %dma_start3A_158 = tpu.memref_squeeze %dma_start3A_157 : memref<1x80xi32, #tpu.memory_space<vmem>> -> memref<80xi32, #tpu.memory_space<vmem>>
      %dma_start3A_159 = arith.constant 0 : i32
      %dma_start3A_160 = arith.constant 0 : i32
      %dma_start3A_161 = tpu.memref_slice %arg9[%dma_start3A_159, %dma_start3A_160] : memref<10000x128xf32, #tpu.memory_space<vmem_shared>> -> memref<10000x128xf32, #tpu.memory_space<vmem_shared>>
      tpu.enqueue_indirect_dma source(%dma_start3A_155 : memref<80x128xf32, #tpu.memory_space<vmem>>) target(%dma_start3A_161 : memref<10000x128xf32, #tpu.memory_space<vmem_shared>>) offsets(%dma_start3A_158 : memref<80xi32, #tpu.memory_space<vmem>>) semaphore(%run_scoped3A_151 : memref<!tpu.dma_semaphore, #tpu.memory_space<semaphore_mem>>) {add = true}
      %dma_wait3A_162 = arith.constant 0 : i32
      %dma_wait3A_163 = arith.constant 0 : i32
      %dma_wait3A_164 = tpu.memref_slice %arg7[%run_scoped3A, %dma_wait3A_162, %dma_wait3A_163] : memref<3x80x128xf32, #tpu.memory_space<vmem>> -> memref<1x80x128xf32, #tpu.memory_space<vmem>>
      %dma_wait3A_165 = tpu.memref_squeeze %dma_wait3A_164 : memref<1x80x128xf32, #tpu.memory_space<vmem>> -> memref<80x128xf32, #tpu.memory_space<vmem>>
      %dma_wait3A_166 = arith.constant 0 : i32
      %dma_wait3A_167 = tpu.memref_slice %arg8[%run_scoped3A_112, %dma_wait3A_166] : memref<3x80xi32, #tpu.memory_space<vmem>> -> memref<1x80xi32, #tpu.memory_space<vmem>>
      %dma_wait3A_168 = tpu.memref_squeeze %dma_wait3A_167 : memref<1x80xi32, #tpu.memory_space<vmem>> -> memref<80xi32, #tpu.memory_space<vmem>>
      %dma_wait3A_169 = arith.constant 0 : i32
      %dma_wait3A_170 = arith.constant 0 : i32
      %dma_wait3A_171 = tpu.memref_slice %arg9[%dma_wait3A_169, %dma_wait3A_170] : memref<10000x128xf32, #tpu.memory_space<vmem_shared>> -> memref<10000x128xf32, #tpu.memory_space<vmem_shared>>
      tpu.wait_indirect_dma semaphore(%run_scoped3A_151 : memref<!tpu.dma_semaphore, #tpu.memory_space<semaphore_mem>>) src(%dma_wait3A_165 : memref<80x128xf32, #tpu.memory_space<vmem>>) dst(%dma_wait3A_171 : memref<10000x128xf32, #tpu.memory_space<vmem_shared>>)
      tpu.yield
    }) : () -> ()
    %dma_wait3A_113 = arith.constant 1 : i32
    %dma_wait3A_114 = arith.constant 0 : i32
    %dma_wait3A_115 = arith.constant 0 : i32
    %dma_wait3A_116 = tpu.memref_slice %arg7[%dma_wait3A_113, %dma_wait3A_114, %dma_wait3A_115] : memref<3x80x128xf32, #tpu.memory_space<vmem>> -> memref<1x80x128xf32, #tpu.memory_space<vmem>>
    %dma_wait3A_117 = tpu.memref_squeeze %dma_wait3A_116 : memref<1x80x128xf32, #tpu.memory_space<vmem>> -> memref<80x128xf32, #tpu.memory_space<vmem>>
    %dma_wait3A_118 = arith.constant 9920 : i32
    %dma_wait3A_119 = tpu.memref_slice %arg6[%dma_wait3A_118] : memref<10000xi32, #tpu.memory_space<vmem>> -> memref<80xi32, #tpu.memory_space<vmem>>
    %dma_wait3A_120 = arith.constant 0 : i32
    %dma_wait3A_121 = arith.constant 0 : i32
    %dma_wait3A_122 = tpu.memref_slice %arg2[%dma_wait3A_120, %dma_wait3A_121] : memref<10000x128xf32, #tpu.memory_space<hbm>> -> memref<10000x128xf32, #tpu.memory_space<hbm>>
    tpu.wait_indirect_dma semaphore(%arg11 : memref<!tpu.dma_semaphore, #tpu.memory_space<semaphore_mem>>) src(%dma_wait3A_122 : memref<10000x128xf32, #tpu.memory_space<hbm>>) dst(%dma_wait3A_117 : memref<80x128xf32, #tpu.memory_space<vmem>>)
    %mul3A_123 = arith.constant 10000 : i32
    %mul3A_124 = arith.muli %add3A, %mul3A_123 : i32
    %add3A_125 = arith.constant 320000 : i32
    %add3A_126 = arith.addi %add3A_125, %mul3A_124 : i32
    %add3A_127 = arith.constant 9920 : i32
    %add3A_128 = arith.addi %add3A_126, %add3A_127 : i32
    %dma_wait3A_129 = arith.constant 1 : i32
    %dma_wait3A_130 = arith.constant 0 : i32
    %dma_wait3A_131 = tpu.memref_slice %arg8[%dma_wait3A_129, %dma_wait3A_130] : memref<3x80xi32, #tpu.memory_space<vmem>> -> memref<1x80xi32, #tpu.memory_space<vmem>>
    %dma_wait3A_132 = tpu.memref_squeeze %dma_wait3A_131 : memref<1x80xi32, #tpu.memory_space<vmem>> -> memref<80xi32, #tpu.memory_space<vmem>>
    %dma_wait3A_133 = tpu.memref_slice %arg3[%add3A_128] : memref<640000xi32, #tpu.memory_space<hbm>> -> memref<80xi32, #tpu.memory_space<hbm>>
    %dma_wait3A_134 = arith.constant 0 : i32
    %dma_wait3A_135 = tpu.memref_slice %arg8[%dma_wait3A_129, %dma_wait3A_134] : memref<3x80xi32, #tpu.memory_space<vmem>> -> memref<1x80xi32, #tpu.memory_space<vmem>>
    %dma_wait3A_136 = tpu.memref_squeeze %dma_wait3A_135 : memref<1x80xi32, #tpu.memory_space<vmem>> -> memref<80xi32, #tpu.memory_space<vmem>>
    %dma_wait3A_137 = tpu.memref_slice %arg3[%add3A_128] : memref<640000xi32, #tpu.memory_space<hbm>> -> memref<80xi32, #tpu.memory_space<hbm>>
    tpu.wait_dma2 semaphore(%arg14 : memref<!tpu.dma_semaphore, #tpu.memory_space<semaphore_mem>>) src(%dma_wait3A_137 : memref<80xi32, #tpu.memory_space<hbm>>) dst(%dma_wait3A_136 : memref<80xi32, #tpu.memory_space<vmem>>)
    %run_scoped3A_138 = arith.constant 1 : i32
    %run_scoped3A_139 = arith.constant 1 : i32
    "tpu.region"() ({
      %run_scoped3A_151 = tpu.sem_alloc : memref<!tpu.dma_semaphore, #tpu.memory_space<semaphore_mem>>
      %dma_start3A_152 = arith.constant 0 : i32
      %dma_start3A_153 = arith.constant 0 : i32
      %dma_start3A_154 = tpu.memref_slice %arg7[%run_scoped3A_138, %dma_start3A_152, %dma_start3A_153] : memref<3x80x128xf32, #tpu.memory_space<vmem>> -> memref<1x80x128xf32, #tpu.memory_space<vmem>>
      %dma_start3A_155 = tpu.memref_squeeze %dma_start3A_154 : memref<1x80x128xf32, #tpu.memory_space<vmem>> -> memref<80x128xf32, #tpu.memory_space<vmem>>
      %dma_start3A_156 = arith.constant 0 : i32
      %dma_start3A_157 = tpu.memref_slice %arg8[%run_scoped3A_139, %dma_start3A_156] : memref<3x80xi32, #tpu.memory_space<vmem>> -> memref<1x80xi32, #tpu.memory_space<vmem>>
      %dma_start3A_158 = tpu.memref_squeeze %dma_start3A_157 : memref<1x80xi32, #tpu.memory_space<vmem>> -> memref<80xi32, #tpu.memory_space<vmem>>
      %dma_start3A_159 = arith.constant 0 : i32
      %dma_start3A_160 = arith.constant 0 : i32
      %dma_start3A_161 = tpu.memref_slice %arg9[%dma_start3A_159, %dma_start3A_160] : memref<10000x128xf32, #tpu.memory_space<vmem_shared>> -> memref<10000x128xf32, #tpu.memory_space<vmem_shared>>
      tpu.enqueue_indirect_dma source(%dma_start3A_155 : memref<80x128xf32, #tpu.memory_space<vmem>>) target(%dma_start3A_161 : memref<10000x128xf32, #tpu.memory_space<vmem_shared>>) offsets(%dma_start3A_158 : memref<80xi32, #tpu.memory_space<vmem>>) semaphore(%run_scoped3A_151 : memref<!tpu.dma_semaphore, #tpu.memory_space<semaphore_mem>>) {add = true}
      %dma_wait3A_162 = arith.constant 0 : i32
      %dma_wait3A_163 = arith.constant 0 : i32
      %dma_wait3A_164 = tpu.memref_slice %arg7[%run_scoped3A_138, %dma_wait3A_162, %dma_wait3A_163] : memref<3x80x128xf32, #tpu.memory_space<vmem>> -> memref<1x80x128xf32, #tpu.memory_space<vmem>>
      %dma_wait3A_165 = tpu.memref_squeeze %dma_wait3A_164 : memref<1x80x128xf32, #tpu.memory_space<vmem>> -> memref<80x128xf32, #tpu.memory_space<vmem>>
      %dma_wait3A_166 = arith.constant 0 : i32
      %dma_wait3A_167 = tpu.memref_slice %arg8[%run_scoped3A_139, %dma_wait3A_166] : memref<3x80xi32, #tpu.memory_space<vmem>> -> memref<1x80xi32, #tpu.memory_space<vmem>>
      %dma_wait3A_168 = tpu.memref_squeeze %dma_wait3A_167 : memref<1x80xi32, #tpu.memory_space<vmem>> -> memref<80xi32, #tpu.memory_space<vmem>>
      %dma_wait3A_169 = arith.constant 0 : i32
      %dma_wait3A_170 = arith.constant 0 : i32
      %dma_wait3A_171 = tpu.memref_slice %arg9[%dma_wait3A_169, %dma_wait3A_170] : memref<10000x128xf32, #tpu.memory_space<vmem_shared>> -> memref<10000x128xf32, #tpu.memory_space<vmem_shared>>
      tpu.wait_indirect_dma semaphore(%run_scoped3A_151 : memref<!tpu.dma_semaphore, #tpu.memory_space<semaphore_mem>>) src(%dma_wait3A_165 : memref<80x128xf32, #tpu.memory_space<vmem>>) dst(%dma_wait3A_171 : memref<10000x128xf32, #tpu.memory_space<vmem_shared>>)
      tpu.yield
    }) : () -> ()
    %barrier3A_140 = arith.constant 0 : index
    tpu.barrier barrier_id(%barrier3A_140)
    %lt3A_141 = arith.constant 15 : i32
    %lt3A_142 = arith.cmpi slt, %arg1, %lt3A_141 : i32
    %convert_element_type3A_143 = arith.extui %lt3A_142 : i1 to i32
    %cond3A_144 = arith.constant 0 : i32
    %cond3A_145 = arith.cmpi ne, %convert_element_type3A_143, %cond3A_144 : i32
    scf.if %cond3A_145 {
      %mul3A_151 = arith.constant 640 : i32
      %mul3A_152 = arith.muli %arg1, %mul3A_151 : i32
      %mul3A_153 = arith.constant 640 : i32
      %mul3A_154 = arith.muli %arg1, %mul3A_153 : i32
      "tpu.region"() ({
        %run_scoped3A_155 = tpu.sem_alloc : memref<!tpu.dma_semaphore, #tpu.memory_space<semaphore_mem>>
        %dma_start3A_156 = arith.constant 0 : i32
        %dma_start3A_157 = tpu.memref_slice %arg5[%arg0, %mul3A_154, %dma_start3A_156] : memref<2x10000x128xf32, #tpu.memory_space<hbm>> -> memref<1x640x128xf32, #tpu.memory_space<hbm>>
        %dma_start3A_158 = tpu.memref_squeeze %dma_start3A_157 : memref<1x640x128xf32, #tpu.memory_space<hbm>> -> memref<640x128xf32, #tpu.memory_space<hbm>>
        %dma_start3A_159 = arith.constant 0 : i32
        %dma_start3A_160 = tpu.memref_slice %arg9[%mul3A_152, %dma_start3A_159] : memref<10000x128xf32, #tpu.memory_space<vmem_shared>> -> memref<640x128xf32, #tpu.memory_space<vmem_shared>>
        tpu.enqueue_dma source(%dma_start3A_160 : memref<640x128xf32, #tpu.memory_space<vmem_shared>>) target(%dma_start3A_158 : memref<640x128xf32, #tpu.memory_space<hbm>>) target_semaphore(%run_scoped3A_155 : memref<!tpu.dma_semaphore, #tpu.memory_space<semaphore_mem>>)
        %dma_wait3A_161 = arith.constant 0 : i32
        %dma_wait3A_162 = tpu.memref_slice %arg5[%arg0, %mul3A_154, %dma_wait3A_161] : memref<2x10000x128xf32, #tpu.memory_space<hbm>> -> memref<1x640x128xf32, #tpu.memory_space<hbm>>
        %dma_wait3A_163 = tpu.memref_squeeze %dma_wait3A_162 : memref<1x640x128xf32, #tpu.memory_space<hbm>> -> memref<640x128xf32, #tpu.memory_space<hbm>>
        %dma_wait3A_164 = arith.constant 0 : i32
        %dma_wait3A_165 = tpu.memref_slice %arg9[%mul3A_152, %dma_wait3A_164] : memref<10000x128xf32, #tpu.memory_space<vmem_shared>> -> memref<640x128xf32, #tpu.memory_space<vmem_shared>>
        tpu.wait_dma2 semaphore(%run_scoped3A_155 : memref<!tpu.dma_semaphore, #tpu.memory_space<semaphore_mem>>) src(%dma_wait3A_165 : memref<640x128xf32, #tpu.memory_space<vmem_shared>>) dst(%dma_wait3A_163 : memref<640x128xf32, #tpu.memory_space<hbm>>)
        tpu.yield
      }) : () -> ()
    } else {
    }
    %eq3A_146 = arith.constant 15 : i32
    %eq3A_147 = arith.cmpi eq, %arg1, %eq3A_146 : i32
    %convert_element_type3A_148 = arith.extui %eq3A_147 : i1 to i32
    %cond3A_149 = arith.constant 0 : i32
    %cond3A_150 = arith.cmpi ne, %convert_element_type3A_148, %cond3A_149 : i32
    scf.if %cond3A_150 {
      "tpu.region"() ({
        %run_scoped3A_151 = tpu.sem_alloc : memref<!tpu.dma_semaphore, #tpu.memory_space<semaphore_mem>>
        %dma_start3A_152 = arith.constant 9600 : i32
        %dma_start3A_153 = arith.constant 0 : i32
        %dma_start3A_154 = tpu.memref_slice %arg5[%arg0, %dma_start3A_152, %dma_start3A_153] : memref<2x10000x128xf32, #tpu.memory_space<hbm>> -> memref<1x400x128xf32, #tpu.memory_space<hbm>>
        %dma_start3A_155 = tpu.memref_squeeze %dma_start3A_154 : memref<1x400x128xf32, #tpu.memory_space<hbm>> -> memref<400x128xf32, #tpu.memory_space<hbm>>
        %dma_start3A_156 = arith.constant 9600 : i32
        %dma_start3A_157 = arith.constant 0 : i32
        %dma_start3A_158 = tpu.memref_slice %arg9[%dma_start3A_156, %dma_start3A_157] : memref<10000x128xf32, #tpu.memory_space<vmem_shared>> -> memref<400x128xf32, #tpu.memory_space<vmem_shared>>
        tpu.enqueue_dma source(%dma_start3A_158 : memref<400x128xf32, #tpu.memory_space<vmem_shared>>) target(%dma_start3A_155 : memref<400x128xf32, #tpu.memory_space<hbm>>) target_semaphore(%run_scoped3A_151 : memref<!tpu.dma_semaphore, #tpu.memory_space<semaphore_mem>>)
        %dma_wait3A_159 = arith.constant 9600 : i32
        %dma_wait3A_160 = arith.constant 0 : i32
        %dma_wait3A_161 = tpu.memref_slice %arg5[%arg0, %dma_wait3A_159, %dma_wait3A_160] : memref<2x10000x128xf32, #tpu.memory_space<hbm>> -> memref<1x400x128xf32, #tpu.memory_space<hbm>>
        %dma_wait3A_162 = tpu.memref_squeeze %dma_wait3A_161 : memref<1x400x128xf32, #tpu.memory_space<hbm>> -> memref<400x128xf32, #tpu.memory_space<hbm>>
        %dma_wait3A_163 = arith.constant 9600 : i32
        %dma_wait3A_164 = arith.constant 0 : i32
        %dma_wait3A_165 = tpu.memref_slice %arg9[%dma_wait3A_163, %dma_wait3A_164] : memref<10000x128xf32, #tpu.memory_space<vmem_shared>> -> memref<400x128xf32, #tpu.memory_space<vmem_shared>>
        tpu.wait_dma2 semaphore(%run_scoped3A_151 : memref<!tpu.dma_semaphore, #tpu.memory_space<semaphore_mem>>) src(%dma_wait3A_165 : memref<400x128xf32, #tpu.memory_space<vmem_shared>>) dst(%dma_wait3A_162 : memref<400x128xf32, #tpu.memory_space<hbm>>)
        tpu.yield
      }) : () -> ()
    } else {
    }
    return
  }
}

#map = affine_map<(d0, d1) -> (0, 0)>
#map1 = affine_map<(d0, d1) -> (0)>
#map2 = affine_map<(d0, d1) -> (0, 0, 0)>
module attributes {stable_mosaic.version = 14 : i64} {
  func.func @gin_sc_scatter(%arg0: i32, %arg1: i32, %arg2: memref<10000x128xf32, #tpu.memory_space<hbm>>, %arg3: memref<640000xi32, #tpu.memory_space<hbm>>, %arg4: memref<10000x128xf32, #tpu.memory_space<hbm>>, %arg5: memref<2x10000x128xf32, #tpu.memory_space<hbm>>, %arg6: memref<10000xi32, #tpu.memory_space<vmem>>, %arg7: memref<3x80x128xf32, #tpu.memory_space<vmem>>, %arg8: memref<3x80xi32, #tpu.memory_space<vmem>>, %arg9: memref<10000x128xf32, #tpu.memory_space<vmem_shared>>, %arg10: memref<!tpu.dma_semaphore, #tpu.memory_space<semaphore_mem>>, %arg11: memref<!tpu.dma_semaphore, #tpu.memory_space<semaphore_mem>>, %arg12: memref<!tpu.dma_semaphore, #tpu.memory_space<semaphore_mem>>, %arg13: memref<!tpu.dma_semaphore, #tpu.memory_space<semaphore_mem>>, %arg14: memref<!tpu.dma_semaphore, #tpu.memory_space<semaphore_mem>>, %arg15: memref<!tpu.dma_semaphore, #tpu.memory_space<semaphore_mem>>, %arg16: memref<!tpu.dma_semaphore, #tpu.memory_space<semaphore_mem>>) attributes {dimension_semantics = [#tpu.dimension_semantics<core_parallel>, #tpu.dimension_semantics<subcore_parallel>], iteration_bounds = array<i64: 2, 16>, scalar_prefetch = 0 : i64, scratch_operands = 11 : i64, tpu.core_type = #tpu.core_type<sc_vector_subcore>, window_params = [{transform_indices = #map}, {transform_indices = #map1}, {transform_indices = #map}, {transform_indices = #map2}]} {
    %mul3A = arith.constant 2 : i32
    %mul3A_0 = arith.muli %arg1, %mul3A : i32
    %add3A = arith.addi %mul3A_0, %arg0 : i32
    %lt3A = arith.constant 15 : i32
    %lt3A_1 = arith.cmpi slt, %arg1, %lt3A : i32
    %convert_element_type3A = arith.extui %lt3A_1 : i1 to i32
    %cond3A = arith.constant 0 : i32
    %cond3A_2 = arith.cmpi ne, %convert_element_type3A, %cond3A : i32
    scf.if %cond3A_2 {
      %mul3A_151 = arith.constant 640 : i32
      %mul3A_152 = arith.muli %arg1, %mul3A_151 : i32
      %mul3A_153 = arith.constant 640 : i32
      %mul3A_154 = arith.muli %arg1, %mul3A_153 : i32
      %dma_start3A_155 = arith.constant 0 : i32
      %dma_start3A_156 = tpu.memref_slice %arg9[%mul3A_154, %dma_start3A_155] : memref<10000x128xf32, #tpu.memory_space<vmem_shared>> -> memref<640x128xf32, #tpu.memory_space<vmem_shared>>
      %dma_start3A_157 = arith.constant 0 : i32
      %dma_start3A_158 = tpu.memref_slice %arg4[%mul3A_152, %dma_start3A_157] : memref<10000x128xf32, #tpu.memory_space<hbm>> -> memref<640x128xf32, #tpu.memory_space<hbm>>
      tpu.enqueue_dma source(%dma_start3A_158 : memref<640x128xf32, #tpu.memory_space<hbm>>) target(%dma_start3A_156 : memref<640x128xf32, #tpu.memory_space<vmem_shared>>) target_semaphore(%arg16 : memref<!tpu.dma_semaphore, #tpu.memory_space<semaphore_mem>>)
    } else {
    }
    %eq3A = arith.constant 15 : i32
    %eq3A_3 = arith.cmpi eq, %arg1, %eq3A : i32
    %convert_element_type3A_4 = arith.extui %eq3A_3 : i1 to i32
    %cond3A_5 = arith.constant 0 : i32
    %cond3A_6 = arith.cmpi ne, %convert_element_type3A_4, %cond3A_5 : i32
    scf.if %cond3A_6 {
      %dma_start3A_151 = arith.constant 9600 : i32
      %dma_start3A_152 = arith.constant 0 : i32
      %dma_start3A_153 = tpu.memref_slice %arg9[%dma_start3A_151, %dma_start3A_152] : memref<10000x128xf32, #tpu.memory_space<vmem_shared>> -> memref<400x128xf32, #tpu.memory_space<vmem_shared>>
      %dma_start3A_154 = arith.constant 9600 : i32
      %dma_start3A_155 = arith.constant 0 : i32
      %dma_start3A_156 = tpu.memref_slice %arg4[%dma_start3A_154, %dma_start3A_155] : memref<10000x128xf32, #tpu.memory_space<hbm>> -> memref<400x128xf32, #tpu.memory_space<hbm>>
      tpu.enqueue_dma source(%dma_start3A_156 : memref<400x128xf32, #tpu.memory_space<hbm>>) target(%dma_start3A_153 : memref<400x128xf32, #tpu.memory_space<vmem_shared>>) target_semaphore(%arg16 : memref<!tpu.dma_semaphore, #tpu.memory_space<semaphore_mem>>)
    } else {
    }
    %mul3A_7 = arith.constant 10000 : i32
    %mul3A_8 = arith.muli %add3A, %mul3A_7 : i32
    "tpu.region"() ({
      %run_scoped3A_151 = tpu.sem_alloc : memref<!tpu.dma_semaphore, #tpu.memory_space<semaphore_mem>>
      %dma_start3A_152 = tpu.memref_slice %arg3[%mul3A_8] : memref<640000xi32, #tpu.memory_space<hbm>> -> memref<10000xi32, #tpu.memory_space<hbm>>
      %dma_start3A_153 = tpu.memref_slice %arg3[%mul3A_8] : memref<640000xi32, #tpu.memory_space<hbm>> -> memref<10000xi32, #tpu.memory_space<hbm>>
      tpu.enqueue_dma source(%dma_start3A_153 : memref<10000xi32, #tpu.memory_space<hbm>>) target(%arg6 : memref<10000xi32, #tpu.memory_space<vmem>>) target_semaphore(%run_scoped3A_151 : memref<!tpu.dma_semaphore, #tpu.memory_space<semaphore_mem>>)
      %dma_wait3A_154 = tpu.memref_slice %arg3[%mul3A_8] : memref<640000xi32, #tpu.memory_space<hbm>> -> memref<10000xi32, #tpu.memory_space<hbm>>
      %dma_wait3A_155 = tpu.memref_slice %arg3[%mul3A_8] : memref<640000xi32, #tpu.memory_space<hbm>> -> memref<10000xi32, #tpu.memory_space<hbm>>
      tpu.wait_dma2 semaphore(%run_scoped3A_151 : memref<!tpu.dma_semaphore, #tpu.memory_space<semaphore_mem>>) src(%dma_wait3A_155 : memref<10000xi32, #tpu.memory_space<hbm>>) dst(%arg6 : memref<10000xi32, #tpu.memory_space<vmem>>)
      tpu.yield
    }) : () -> ()
    %mul3A_9 = arith.constant 10000 : i32
    %mul3A_10 = arith.muli %add3A, %mul3A_9 : i32
    %add3A_11 = arith.constant 320000 : i32
    %add3A_12 = arith.addi %add3A_11, %mul3A_10 : i32
    %add3A_13 = arith.constant 0 : i32
    %add3A_14 = arith.addi %add3A_12, %add3A_13 : i32
    %dma_start3A = arith.constant 0 : i32
    %dma_start3A_15 = arith.constant 0 : i32
    %dma_start3A_16 = tpu.memref_slice %arg8[%dma_start3A, %dma_start3A_15] : memref<3x80xi32, #tpu.memory_space<vmem>> -> memref<1x80xi32, #tpu.memory_space<vmem>>
    %dma_start3A_17 = tpu.memref_squeeze %dma_start3A_16 : memref<1x80xi32, #tpu.memory_space<vmem>> -> memref<80xi32, #tpu.memory_space<vmem>>
    %dma_start3A_18 = tpu.memref_slice %arg3[%add3A_14] : memref<640000xi32, #tpu.memory_space<hbm>> -> memref<80xi32, #tpu.memory_space<hbm>>
    %dma_start3A_19 = arith.constant 0 : i32
    %dma_start3A_20 = tpu.memref_slice %arg8[%dma_start3A, %dma_start3A_19] : memref<3x80xi32, #tpu.memory_space<vmem>> -> memref<1x80xi32, #tpu.memory_space<vmem>>
    %dma_start3A_21 = tpu.memref_squeeze %dma_start3A_20 : memref<1x80xi32, #tpu.memory_space<vmem>> -> memref<80xi32, #tpu.memory_space<vmem>>
    %dma_start3A_22 = tpu.memref_slice %arg3[%add3A_14] : memref<640000xi32, #tpu.memory_space<hbm>> -> memref<80xi32, #tpu.memory_space<hbm>>
    tpu.enqueue_dma source(%dma_start3A_22 : memref<80xi32, #tpu.memory_space<hbm>>) target(%dma_start3A_21 : memref<80xi32, #tpu.memory_space<vmem>>) target_semaphore(%arg13 : memref<!tpu.dma_semaphore, #tpu.memory_space<semaphore_mem>>)
    %mul3A_23 = arith.constant 10000 : i32
    %mul3A_24 = arith.muli %add3A, %mul3A_23 : i32
    %add3A_25 = arith.constant 320000 : i32
    %add3A_26 = arith.addi %add3A_25, %mul3A_24 : i32
    %add3A_27 = arith.constant 80 : i32
    %add3A_28 = arith.addi %add3A_26, %add3A_27 : i32
    %dma_start3A_29 = arith.constant 1 : i32
    %dma_start3A_30 = arith.constant 0 : i32
    %dma_start3A_31 = tpu.memref_slice %arg8[%dma_start3A_29, %dma_start3A_30] : memref<3x80xi32, #tpu.memory_space<vmem>> -> memref<1x80xi32, #tpu.memory_space<vmem>>
    %dma_start3A_32 = tpu.memref_squeeze %dma_start3A_31 : memref<1x80xi32, #tpu.memory_space<vmem>> -> memref<80xi32, #tpu.memory_space<vmem>>
    %dma_start3A_33 = tpu.memref_slice %arg3[%add3A_28] : memref<640000xi32, #tpu.memory_space<hbm>> -> memref<80xi32, #tpu.memory_space<hbm>>
    %dma_start3A_34 = arith.constant 0 : i32
    %dma_start3A_35 = tpu.memref_slice %arg8[%dma_start3A_29, %dma_start3A_34] : memref<3x80xi32, #tpu.memory_space<vmem>> -> memref<1x80xi32, #tpu.memory_space<vmem>>
    %dma_start3A_36 = tpu.memref_squeeze %dma_start3A_35 : memref<1x80xi32, #tpu.memory_space<vmem>> -> memref<80xi32, #tpu.memory_space<vmem>>
    %dma_start3A_37 = tpu.memref_slice %arg3[%add3A_28] : memref<640000xi32, #tpu.memory_space<hbm>> -> memref<80xi32, #tpu.memory_space<hbm>>
    tpu.enqueue_dma source(%dma_start3A_37 : memref<80xi32, #tpu.memory_space<hbm>>) target(%dma_start3A_36 : memref<80xi32, #tpu.memory_space<vmem>>) target_semaphore(%arg14 : memref<!tpu.dma_semaphore, #tpu.memory_space<semaphore_mem>>)
    %mul3A_38 = arith.constant 10000 : i32
    %mul3A_39 = arith.muli %add3A, %mul3A_38 : i32
    %add3A_40 = arith.constant 320000 : i32
    %add3A_41 = arith.addi %add3A_40, %mul3A_39 : i32
    %add3A_42 = arith.constant 160 : i32
    %add3A_43 = arith.addi %add3A_41, %add3A_42 : i32
    %dma_start3A_44 = arith.constant 2 : i32
    %dma_start3A_45 = arith.constant 0 : i32
    %dma_start3A_46 = tpu.memref_slice %arg8[%dma_start3A_44, %dma_start3A_45] : memref<3x80xi32, #tpu.memory_space<vmem>> -> memref<1x80xi32, #tpu.memory_space<vmem>>
    %dma_start3A_47 = tpu.memref_squeeze %dma_start3A_46 : memref<1x80xi32, #tpu.memory_space<vmem>> -> memref<80xi32, #tpu.memory_space<vmem>>
    %dma_start3A_48 = tpu.memref_slice %arg3[%add3A_43] : memref<640000xi32, #tpu.memory_space<hbm>> -> memref<80xi32, #tpu.memory_space<hbm>>
    %dma_start3A_49 = arith.constant 0 : i32
    %dma_start3A_50 = tpu.memref_slice %arg8[%dma_start3A_44, %dma_start3A_49] : memref<3x80xi32, #tpu.memory_space<vmem>> -> memref<1x80xi32, #tpu.memory_space<vmem>>
    %dma_start3A_51 = tpu.memref_squeeze %dma_start3A_50 : memref<1x80xi32, #tpu.memory_space<vmem>> -> memref<80xi32, #tpu.memory_space<vmem>>
    %dma_start3A_52 = tpu.memref_slice %arg3[%add3A_43] : memref<640000xi32, #tpu.memory_space<hbm>> -> memref<80xi32, #tpu.memory_space<hbm>>
    tpu.enqueue_dma source(%dma_start3A_52 : memref<80xi32, #tpu.memory_space<hbm>>) target(%dma_start3A_51 : memref<80xi32, #tpu.memory_space<vmem>>) target_semaphore(%arg15 : memref<!tpu.dma_semaphore, #tpu.memory_space<semaphore_mem>>)
    %dma_start3A_53 = arith.constant 0 : i32
    %dma_start3A_54 = arith.constant 0 : i32
    %dma_start3A_55 = arith.constant 0 : i32
    %dma_start3A_56 = tpu.memref_slice %arg7[%dma_start3A_53, %dma_start3A_54, %dma_start3A_55] : memref<3x80x128xf32, #tpu.memory_space<vmem>> -> memref<1x80x128xf32, #tpu.memory_space<vmem>>
    %dma_start3A_57 = tpu.memref_squeeze %dma_start3A_56 : memref<1x80x128xf32, #tpu.memory_space<vmem>> -> memref<80x128xf32, #tpu.memory_space<vmem>>
    %dma_start3A_58 = arith.constant 0 : i32
    %dma_start3A_59 = tpu.memref_slice %arg6[%dma_start3A_58] : memref<10000xi32, #tpu.memory_space<vmem>> -> memref<80xi32, #tpu.memory_space<vmem>>
    %dma_start3A_60 = arith.constant 0 : i32
    %dma_start3A_61 = arith.constant 0 : i32
    %dma_start3A_62 = tpu.memref_slice %arg2[%dma_start3A_60, %dma_start3A_61] : memref<10000x128xf32, #tpu.memory_space<hbm>> -> memref<10000x128xf32, #tpu.memory_space<hbm>>
    tpu.enqueue_indirect_dma source(%dma_start3A_62 : memref<10000x128xf32, #tpu.memory_space<hbm>>) target(%dma_start3A_57 : memref<80x128xf32, #tpu.memory_space<vmem>>) offsets(%dma_start3A_59 : memref<80xi32, #tpu.memory_space<vmem>>) semaphore(%arg10 : memref<!tpu.dma_semaphore, #tpu.memory_space<semaphore_mem>>)
    %dma_start3A_63 = arith.constant 1 : i32
    %dma_start3A_64 = arith.constant 0 : i32
    %dma_start3A_65 = arith.constant 0 : i32
    %dma_start3A_66 = tpu.memref_slice %arg7[%dma_start3A_63, %dma_start3A_64, %dma_start3A_65] : memref<3x80x128xf32, #tpu.memory_space<vmem>> -> memref<1x80x128xf32, #tpu.memory_space<vmem>>
    %dma_start3A_67 = tpu.memref_squeeze %dma_start3A_66 : memref<1x80x128xf32, #tpu.memory_space<vmem>> -> memref<80x128xf32, #tpu.memory_space<vmem>>
    %dma_start3A_68 = arith.constant 80 : i32
    %dma_start3A_69 = tpu.memref_slice %arg6[%dma_start3A_68] : memref<10000xi32, #tpu.memory_space<vmem>> -> memref<80xi32, #tpu.memory_space<vmem>>
    %dma_start3A_70 = arith.constant 0 : i32
    %dma_start3A_71 = arith.constant 0 : i32
    %dma_start3A_72 = tpu.memref_slice %arg2[%dma_start3A_70, %dma_start3A_71] : memref<10000x128xf32, #tpu.memory_space<hbm>> -> memref<10000x128xf32, #tpu.memory_space<hbm>>
    tpu.enqueue_indirect_dma source(%dma_start3A_72 : memref<10000x128xf32, #tpu.memory_space<hbm>>) target(%dma_start3A_67 : memref<80x128xf32, #tpu.memory_space<vmem>>) offsets(%dma_start3A_69 : memref<80xi32, #tpu.memory_space<vmem>>) semaphore(%arg11 : memref<!tpu.dma_semaphore, #tpu.memory_space<semaphore_mem>>)
    %lt3A_73 = arith.constant 15 : i32
    %lt3A_74 = arith.cmpi slt, %arg1, %lt3A_73 : i32
    %convert_element_type3A_75 = arith.extui %lt3A_74 : i1 to i32
    %cond3A_76 = arith.constant 0 : i32
    %cond3A_77 = arith.cmpi ne, %convert_element_type3A_75, %cond3A_76 : i32
    scf.if %cond3A_77 {
      %mul3A_151 = arith.constant 640 : i32
      %mul3A_152 = arith.muli %arg1, %mul3A_151 : i32
      %mul3A_153 = arith.constant 640 : i32
      %mul3A_154 = arith.muli %arg1, %mul3A_153 : i32
      %dma_wait3A_155 = arith.constant 0 : i32
      %dma_wait3A_156 = tpu.memref_slice %arg9[%mul3A_154, %dma_wait3A_155] : memref<10000x128xf32, #tpu.memory_space<vmem_shared>> -> memref<640x128xf32, #tpu.memory_space<vmem_shared>>
      %dma_wait3A_157 = arith.constant 0 : i32
      %dma_wait3A_158 = tpu.memref_slice %arg4[%mul3A_152, %dma_wait3A_157] : memref<10000x128xf32, #tpu.memory_space<hbm>> -> memref<640x128xf32, #tpu.memory_space<hbm>>
      tpu.wait_dma2 semaphore(%arg16 : memref<!tpu.dma_semaphore, #tpu.memory_space<semaphore_mem>>) src(%dma_wait3A_158 : memref<640x128xf32, #tpu.memory_space<hbm>>) dst(%dma_wait3A_156 : memref<640x128xf32, #tpu.memory_space<vmem_shared>>)
    } else {
    }
    %eq3A_78 = arith.constant 15 : i32
    %eq3A_79 = arith.cmpi eq, %arg1, %eq3A_78 : i32
    %convert_element_type3A_80 = arith.extui %eq3A_79 : i1 to i32
    %cond3A_81 = arith.constant 0 : i32
    %cond3A_82 = arith.cmpi ne, %convert_element_type3A_80, %cond3A_81 : i32
    scf.if %cond3A_82 {
      %dma_wait3A_151 = arith.constant 9600 : i32
      %dma_wait3A_152 = arith.constant 0 : i32
      %dma_wait3A_153 = tpu.memref_slice %arg9[%dma_wait3A_151, %dma_wait3A_152] : memref<10000x128xf32, #tpu.memory_space<vmem_shared>> -> memref<400x128xf32, #tpu.memory_space<vmem_shared>>
      %dma_wait3A_154 = arith.constant 9600 : i32
      %dma_wait3A_155 = arith.constant 0 : i32
      %dma_wait3A_156 = tpu.memref_slice %arg4[%dma_wait3A_154, %dma_wait3A_155] : memref<10000x128xf32, #tpu.memory_space<hbm>> -> memref<400x128xf32, #tpu.memory_space<hbm>>
      tpu.wait_dma2 semaphore(%arg16 : memref<!tpu.dma_semaphore, #tpu.memory_space<semaphore_mem>>) src(%dma_wait3A_156 : memref<400x128xf32, #tpu.memory_space<hbm>>) dst(%dma_wait3A_153 : memref<400x128xf32, #tpu.memory_space<vmem_shared>>)
    } else {
    }
    %barrier3A = arith.constant 0 : index
    tpu.barrier barrier_id(%barrier3A)
    %scan3A = arith.constant 0 : i32
    %scan3A_83 = arith.constant 0 : i32
    %scan3A_84 = arith.constant 41 : i32
    %scan3A_85 = arith.addi %scan3A_83, %scan3A_84 : i32
    %scan3A_86 = arith.constant 1 : i32
    scf.for %scan3A_151 = %scan3A_83 to %scan3A_85 step %scan3A_86  : i32 {
      %mul3A_152 = arith.constant 3 : i32
      %mul3A_153 = arith.muli %mul3A_152, %scan3A_151 : i32
      %add3A_154 = arith.constant 2 : i32
      %add3A_155 = arith.addi %mul3A_153, %add3A_154 : i32
      %mul3A_156 = arith.constant 80 : i32
      %mul3A_157 = arith.muli %add3A_155, %mul3A_156 : i32
      %dma_start3A_158 = arith.constant 2 : i32
      %dma_start3A_159 = arith.constant 0 : i32
      %dma_start3A_160 = arith.constant 0 : i32
      %dma_start3A_161 = tpu.memref_slice %arg7[%dma_start3A_158, %dma_start3A_159, %dma_start3A_160] : memref<3x80x128xf32, #tpu.memory_space<vmem>> -> memref<1x80x128xf32, #tpu.memory_space<vmem>>
      %dma_start3A_162 = tpu.memref_squeeze %dma_start3A_161 : memref<1x80x128xf32, #tpu.memory_space<vmem>> -> memref<80x128xf32, #tpu.memory_space<vmem>>
      %dma_start3A_163 = tpu.memref_slice %arg6[%mul3A_157] : memref<10000xi32, #tpu.memory_space<vmem>> -> memref<80xi32, #tpu.memory_space<vmem>>
      %dma_start3A_164 = arith.constant 0 : i32
      %dma_start3A_165 = arith.constant 0 : i32
      %dma_start3A_166 = tpu.memref_slice %arg2[%dma_start3A_164, %dma_start3A_165] : memref<10000x128xf32, #tpu.memory_space<hbm>> -> memref<10000x128xf32, #tpu.memory_space<hbm>>
      tpu.enqueue_indirect_dma source(%dma_start3A_166 : memref<10000x128xf32, #tpu.memory_space<hbm>>) target(%dma_start3A_162 : memref<80x128xf32, #tpu.memory_space<vmem>>) offsets(%dma_start3A_163 : memref<80xi32, #tpu.memory_space<vmem>>) semaphore(%arg12 : memref<!tpu.dma_semaphore, #tpu.memory_space<semaphore_mem>>)
      %mul3A_167 = arith.constant 80 : i32
      %mul3A_168 = arith.muli %mul3A_153, %mul3A_167 : i32
      %dma_wait3A_169 = arith.constant 0 : i32
      %dma_wait3A_170 = arith.constant 0 : i32
      %dma_wait3A_171 = arith.constant 0 : i32
      %dma_wait3A_172 = tpu.memref_slice %arg7[%dma_wait3A_169, %dma_wait3A_170, %dma_wait3A_171] : memref<3x80x128xf32, #tpu.memory_space<vmem>> -> memref<1x80x128xf32, #tpu.memory_space<vmem>>
      %dma_wait3A_173 = tpu.memref_squeeze %dma_wait3A_172 : memref<1x80x128xf32, #tpu.memory_space<vmem>> -> memref<80x128xf32, #tpu.memory_space<vmem>>
      %dma_wait3A_174 = tpu.memref_slice %arg6[%mul3A_168] : memref<10000xi32, #tpu.memory_space<vmem>> -> memref<80xi32, #tpu.memory_space<vmem>>
      %dma_wait3A_175 = arith.constant 0 : i32
      %dma_wait3A_176 = arith.constant 0 : i32
      %dma_wait3A_177 = tpu.memref_slice %arg2[%dma_wait3A_175, %dma_wait3A_176] : memref<10000x128xf32, #tpu.memory_space<hbm>> -> memref<10000x128xf32, #tpu.memory_space<hbm>>
      tpu.wait_indirect_dma semaphore(%arg10 : memref<!tpu.dma_semaphore, #tpu.memory_space<semaphore_mem>>) src(%dma_wait3A_177 : memref<10000x128xf32, #tpu.memory_space<hbm>>) dst(%dma_wait3A_173 : memref<80x128xf32, #tpu.memory_space<vmem>>)
      %mul3A_178 = arith.constant 10000 : i32
      %mul3A_179 = arith.muli %add3A, %mul3A_178 : i32
      %add3A_180 = arith.constant 320000 : i32
      %add3A_181 = arith.addi %add3A_180, %mul3A_179 : i32
      %mul3A_182 = arith.constant 80 : i32
      %mul3A_183 = arith.muli %mul3A_153, %mul3A_182 : i32
      %add3A_184 = arith.addi %add3A_181, %mul3A_183 : i32
      %dma_wait3A_185 = arith.constant 0 : i32
      %dma_wait3A_186 = arith.constant 0 : i32
      %dma_wait3A_187 = tpu.memref_slice %arg8[%dma_wait3A_185, %dma_wait3A_186] : memref<3x80xi32, #tpu.memory_space<vmem>> -> memref<1x80xi32, #tpu.memory_space<vmem>>
      %dma_wait3A_188 = tpu.memref_squeeze %dma_wait3A_187 : memref<1x80xi32, #tpu.memory_space<vmem>> -> memref<80xi32, #tpu.memory_space<vmem>>
      %dma_wait3A_189 = tpu.memref_slice %arg3[%add3A_184] : memref<640000xi32, #tpu.memory_space<hbm>> -> memref<80xi32, #tpu.memory_space<hbm>>
      %dma_wait3A_190 = arith.constant 0 : i32
      %dma_wait3A_191 = tpu.memref_slice %arg8[%dma_wait3A_185, %dma_wait3A_190] : memref<3x80xi32, #tpu.memory_space<vmem>> -> memref<1x80xi32, #tpu.memory_space<vmem>>
      %dma_wait3A_192 = tpu.memref_squeeze %dma_wait3A_191 : memref<1x80xi32, #tpu.memory_space<vmem>> -> memref<80xi32, #tpu.memory_space<vmem>>
      %dma_wait3A_193 = tpu.memref_slice %arg3[%add3A_184] : memref<640000xi32, #tpu.memory_space<hbm>> -> memref<80xi32, #tpu.memory_space<hbm>>
      tpu.wait_dma2 semaphore(%arg13 : memref<!tpu.dma_semaphore, #tpu.memory_space<semaphore_mem>>) src(%dma_wait3A_193 : memref<80xi32, #tpu.memory_space<hbm>>) dst(%dma_wait3A_192 : memref<80xi32, #tpu.memory_space<vmem>>)
      %run_scoped3A_194 = arith.constant 0 : i32
      %run_scoped3A_195 = arith.constant 0 : i32
      "tpu.region"() ({
        %run_scoped3A_305 = tpu.sem_alloc : memref<!tpu.dma_semaphore, #tpu.memory_space<semaphore_mem>>
        %dma_start3A_306 = arith.constant 0 : i32
        %dma_start3A_307 = arith.constant 0 : i32
        %dma_start3A_308 = tpu.memref_slice %arg7[%run_scoped3A_194, %dma_start3A_306, %dma_start3A_307] : memref<3x80x128xf32, #tpu.memory_space<vmem>> -> memref<1x80x128xf32, #tpu.memory_space<vmem>>
        %dma_start3A_309 = tpu.memref_squeeze %dma_start3A_308 : memref<1x80x128xf32, #tpu.memory_space<vmem>> -> memref<80x128xf32, #tpu.memory_space<vmem>>
        %dma_start3A_310 = arith.constant 0 : i32
        %dma_start3A_311 = tpu.memref_slice %arg8[%run_scoped3A_195, %dma_start3A_310] : memref<3x80xi32, #tpu.memory_space<vmem>> -> memref<1x80xi32, #tpu.memory_space<vmem>>
        %dma_start3A_312 = tpu.memref_squeeze %dma_start3A_311 : memref<1x80xi32, #tpu.memory_space<vmem>> -> memref<80xi32, #tpu.memory_space<vmem>>
        %dma_start3A_313 = arith.constant 0 : i32
        %dma_start3A_314 = arith.constant 0 : i32
        %dma_start3A_315 = tpu.memref_slice %arg9[%dma_start3A_313, %dma_start3A_314] : memref<10000x128xf32, #tpu.memory_space<vmem_shared>> -> memref<10000x128xf32, #tpu.memory_space<vmem_shared>>
        tpu.enqueue_indirect_dma source(%dma_start3A_309 : memref<80x128xf32, #tpu.memory_space<vmem>>) target(%dma_start3A_315 : memref<10000x128xf32, #tpu.memory_space<vmem_shared>>) offsets(%dma_start3A_312 : memref<80xi32, #tpu.memory_space<vmem>>) semaphore(%run_scoped3A_305 : memref<!tpu.dma_semaphore, #tpu.memory_space<semaphore_mem>>) {add = true}
        %dma_wait3A_316 = arith.constant 0 : i32
        %dma_wait3A_317 = arith.constant 0 : i32
        %dma_wait3A_318 = tpu.memref_slice %arg7[%run_scoped3A_194, %dma_wait3A_316, %dma_wait3A_317] : memref<3x80x128xf32, #tpu.memory_space<vmem>> -> memref<1x80x128xf32, #tpu.memory_space<vmem>>
        %dma_wait3A_319 = tpu.memref_squeeze %dma_wait3A_318 : memref<1x80x128xf32, #tpu.memory_space<vmem>> -> memref<80x128xf32, #tpu.memory_space<vmem>>
        %dma_wait3A_320 = arith.constant 0 : i32
        %dma_wait3A_321 = tpu.memref_slice %arg8[%run_scoped3A_195, %dma_wait3A_320] : memref<3x80xi32, #tpu.memory_space<vmem>> -> memref<1x80xi32, #tpu.memory_space<vmem>>
        %dma_wait3A_322 = tpu.memref_squeeze %dma_wait3A_321 : memref<1x80xi32, #tpu.memory_space<vmem>> -> memref<80xi32, #tpu.memory_space<vmem>>
        %dma_wait3A_323 = arith.constant 0 : i32
        %dma_wait3A_324 = arith.constant 0 : i32
        %dma_wait3A_325 = tpu.memref_slice %arg9[%dma_wait3A_323, %dma_wait3A_324] : memref<10000x128xf32, #tpu.memory_space<vmem_shared>> -> memref<10000x128xf32, #tpu.memory_space<vmem_shared>>
        tpu.wait_indirect_dma semaphore(%run_scoped3A_305 : memref<!tpu.dma_semaphore, #tpu.memory_space<semaphore_mem>>) src(%dma_wait3A_319 : memref<80x128xf32, #tpu.memory_space<vmem>>) dst(%dma_wait3A_325 : memref<10000x128xf32, #tpu.memory_space<vmem_shared>>)
        tpu.yield
      }) : () -> ()
      %add3A_196 = arith.constant 3 : i32
      %add3A_197 = arith.addi %mul3A_153, %add3A_196 : i32
      %lt3A_198 = arith.constant 125 : i32
      %lt3A_199 = arith.cmpi slt, %add3A_197, %lt3A_198 : i32
      %convert_element_type3A_200 = arith.extui %lt3A_199 : i1 to i32
      %cond3A_201 = arith.constant 0 : i32
      %cond3A_202 = arith.cmpi ne, %convert_element_type3A_200, %cond3A_201 : i32
      scf.if %cond3A_202 {
        %add3A_305 = arith.constant 3 : i32
        %add3A_306 = arith.addi %mul3A_153, %add3A_305 : i32
        %mul3A_307 = arith.constant 10000 : i32
        %mul3A_308 = arith.muli %add3A, %mul3A_307 : i32
        %add3A_309 = arith.constant 320000 : i32
        %add3A_310 = arith.addi %add3A_309, %mul3A_308 : i32
        %mul3A_311 = arith.constant 80 : i32
        %mul3A_312 = arith.muli %add3A_306, %mul3A_311 : i32
        %add3A_313 = arith.addi %add3A_310, %mul3A_312 : i32
        %dma_start3A_314 = arith.constant 0 : i32
        %dma_start3A_315 = arith.constant 0 : i32
        %dma_start3A_316 = tpu.memref_slice %arg8[%dma_start3A_314, %dma_start3A_315] : memref<3x80xi32, #tpu.memory_space<vmem>> -> memref<1x80xi32, #tpu.memory_space<vmem>>
        %dma_start3A_317 = tpu.memref_squeeze %dma_start3A_316 : memref<1x80xi32, #tpu.memory_space<vmem>> -> memref<80xi32, #tpu.memory_space<vmem>>
        %dma_start3A_318 = tpu.memref_slice %arg3[%add3A_313] : memref<640000xi32, #tpu.memory_space<hbm>> -> memref<80xi32, #tpu.memory_space<hbm>>
        %dma_start3A_319 = arith.constant 0 : i32
        %dma_start3A_320 = tpu.memref_slice %arg8[%dma_start3A_314, %dma_start3A_319] : memref<3x80xi32, #tpu.memory_space<vmem>> -> memref<1x80xi32, #tpu.memory_space<vmem>>
        %dma_start3A_321 = tpu.memref_squeeze %dma_start3A_320 : memref<1x80xi32, #tpu.memory_space<vmem>> -> memref<80xi32, #tpu.memory_space<vmem>>
        %dma_start3A_322 = tpu.memref_slice %arg3[%add3A_313] : memref<640000xi32, #tpu.memory_space<hbm>> -> memref<80xi32, #tpu.memory_space<hbm>>
        tpu.enqueue_dma source(%dma_start3A_322 : memref<80xi32, #tpu.memory_space<hbm>>) target(%dma_start3A_321 : memref<80xi32, #tpu.memory_space<vmem>>) target_semaphore(%arg13 : memref<!tpu.dma_semaphore, #tpu.memory_space<semaphore_mem>>)
      } else {
      }
      %add3A_203 = arith.constant 1 : i32
      %add3A_204 = arith.addi %mul3A_153, %add3A_203 : i32
      %add3A_205 = arith.constant 2 : i32
      %add3A_206 = arith.addi %add3A_204, %add3A_205 : i32
      %mul3A_207 = arith.constant 80 : i32
      %mul3A_208 = arith.muli %add3A_206, %mul3A_207 : i32
      %dma_start3A_209 = arith.constant 0 : i32
      %dma_start3A_210 = arith.constant 0 : i32
      %dma_start3A_211 = arith.constant 0 : i32
      %dma_start3A_212 = tpu.memref_slice %arg7[%dma_start3A_209, %dma_start3A_210, %dma_start3A_211] : memref<3x80x128xf32, #tpu.memory_space<vmem>> -> memref<1x80x128xf32, #tpu.memory_space<vmem>>
      %dma_start3A_213 = tpu.memref_squeeze %dma_start3A_212 : memref<1x80x128xf32, #tpu.memory_space<vmem>> -> memref<80x128xf32, #tpu.memory_space<vmem>>
      %dma_start3A_214 = tpu.memref_slice %arg6[%mul3A_208] : memref<10000xi32, #tpu.memory_space<vmem>> -> memref<80xi32, #tpu.memory_space<vmem>>
      %dma_start3A_215 = arith.constant 0 : i32
      %dma_start3A_216 = arith.constant 0 : i32
      %dma_start3A_217 = tpu.memref_slice %arg2[%dma_start3A_215, %dma_start3A_216] : memref<10000x128xf32, #tpu.memory_space<hbm>> -> memref<10000x128xf32, #tpu.memory_space<hbm>>
      tpu.enqueue_indirect_dma source(%dma_start3A_217 : memref<10000x128xf32, #tpu.memory_space<hbm>>) target(%dma_start3A_213 : memref<80x128xf32, #tpu.memory_space<vmem>>) offsets(%dma_start3A_214 : memref<80xi32, #tpu.memory_space<vmem>>) semaphore(%arg10 : memref<!tpu.dma_semaphore, #tpu.memory_space<semaphore_mem>>)
      %mul3A_218 = arith.constant 80 : i32
      %mul3A_219 = arith.muli %add3A_204, %mul3A_218 : i32
      %dma_wait3A_220 = arith.constant 1 : i32
      %dma_wait3A_221 = arith.constant 0 : i32
      %dma_wait3A_222 = arith.constant 0 : i32
      %dma_wait3A_223 = tpu.memref_slice %arg7[%dma_wait3A_220, %dma_wait3A_221, %dma_wait3A_222] : memref<3x80x128xf32, #tpu.memory_space<vmem>> -> memref<1x80x128xf32, #tpu.memory_space<vmem>>
      %dma_wait3A_224 = tpu.memref_squeeze %dma_wait3A_223 : memref<1x80x128xf32, #tpu.memory_space<vmem>> -> memref<80x128xf32, #tpu.memory_space<vmem>>
      %dma_wait3A_225 = tpu.memref_slice %arg6[%mul3A_219] : memref<10000xi32, #tpu.memory_space<vmem>> -> memref<80xi32, #tpu.memory_space<vmem>>
      %dma_wait3A_226 = arith.constant 0 : i32
      %dma_wait3A_227 = arith.constant 0 : i32
      %dma_wait3A_228 = tpu.memref_slice %arg2[%dma_wait3A_226, %dma_wait3A_227] : memref<10000x128xf32, #tpu.memory_space<hbm>> -> memref<10000x128xf32, #tpu.memory_space<hbm>>
      tpu.wait_indirect_dma semaphore(%arg11 : memref<!tpu.dma_semaphore, #tpu.memory_space<semaphore_mem>>) src(%dma_wait3A_228 : memref<10000x128xf32, #tpu.memory_space<hbm>>) dst(%dma_wait3A_224 : memref<80x128xf32, #tpu.memory_space<vmem>>)
      %mul3A_229 = arith.constant 10000 : i32
      %mul3A_230 = arith.muli %add3A, %mul3A_229 : i32
      %add3A_231 = arith.constant 320000 : i32
      %add3A_232 = arith.addi %add3A_231, %mul3A_230 : i32
      %mul3A_233 = arith.constant 80 : i32
      %mul3A_234 = arith.muli %add3A_204, %mul3A_233 : i32
      %add3A_235 = arith.addi %add3A_232, %mul3A_234 : i32
      %dma_wait3A_236 = arith.constant 1 : i32
      %dma_wait3A_237 = arith.constant 0 : i32
      %dma_wait3A_238 = tpu.memref_slice %arg8[%dma_wait3A_236, %dma_wait3A_237] : memref<3x80xi32, #tpu.memory_space<vmem>> -> memref<1x80xi32, #tpu.memory_space<vmem>>
      %dma_wait3A_239 = tpu.memref_squeeze %dma_wait3A_238 : memref<1x80xi32, #tpu.memory_space<vmem>> -> memref<80xi32, #tpu.memory_space<vmem>>
      %dma_wait3A_240 = tpu.memref_slice %arg3[%add3A_235] : memref<640000xi32, #tpu.memory_space<hbm>> -> memref<80xi32, #tpu.memory_space<hbm>>
      %dma_wait3A_241 = arith.constant 0 : i32
      %dma_wait3A_242 = tpu.memref_slice %arg8[%dma_wait3A_236, %dma_wait3A_241] : memref<3x80xi32, #tpu.memory_space<vmem>> -> memref<1x80xi32, #tpu.memory_space<vmem>>
      %dma_wait3A_243 = tpu.memref_squeeze %dma_wait3A_242 : memref<1x80xi32, #tpu.memory_space<vmem>> -> memref<80xi32, #tpu.memory_space<vmem>>
      %dma_wait3A_244 = tpu.memref_slice %arg3[%add3A_235] : memref<640000xi32, #tpu.memory_space<hbm>> -> memref<80xi32, #tpu.memory_space<hbm>>
      tpu.wait_dma2 semaphore(%arg14 : memref<!tpu.dma_semaphore, #tpu.memory_space<semaphore_mem>>) src(%dma_wait3A_244 : memref<80xi32, #tpu.memory_space<hbm>>) dst(%dma_wait3A_243 : memref<80xi32, #tpu.memory_space<vmem>>)
      %run_scoped3A_245 = arith.constant 1 : i32
      %run_scoped3A_246 = arith.constant 1 : i32
      "tpu.region"() ({
        %run_scoped3A_305 = tpu.sem_alloc : memref<!tpu.dma_semaphore, #tpu.memory_space<semaphore_mem>>
        %dma_start3A_306 = arith.constant 0 : i32
        %dma_start3A_307 = arith.constant 0 : i32
        %dma_start3A_308 = tpu.memref_slice %arg7[%run_scoped3A_245, %dma_start3A_306, %dma_start3A_307] : memref<3x80x128xf32, #tpu.memory_space<vmem>> -> memref<1x80x128xf32, #tpu.memory_space<vmem>>
        %dma_start3A_309 = tpu.memref_squeeze %dma_start3A_308 : memref<1x80x128xf32, #tpu.memory_space<vmem>> -> memref<80x128xf32, #tpu.memory_space<vmem>>
        %dma_start3A_310 = arith.constant 0 : i32
        %dma_start3A_311 = tpu.memref_slice %arg8[%run_scoped3A_246, %dma_start3A_310] : memref<3x80xi32, #tpu.memory_space<vmem>> -> memref<1x80xi32, #tpu.memory_space<vmem>>
        %dma_start3A_312 = tpu.memref_squeeze %dma_start3A_311 : memref<1x80xi32, #tpu.memory_space<vmem>> -> memref<80xi32, #tpu.memory_space<vmem>>
        %dma_start3A_313 = arith.constant 0 : i32
        %dma_start3A_314 = arith.constant 0 : i32
        %dma_start3A_315 = tpu.memref_slice %arg9[%dma_start3A_313, %dma_start3A_314] : memref<10000x128xf32, #tpu.memory_space<vmem_shared>> -> memref<10000x128xf32, #tpu.memory_space<vmem_shared>>
        tpu.enqueue_indirect_dma source(%dma_start3A_309 : memref<80x128xf32, #tpu.memory_space<vmem>>) target(%dma_start3A_315 : memref<10000x128xf32, #tpu.memory_space<vmem_shared>>) offsets(%dma_start3A_312 : memref<80xi32, #tpu.memory_space<vmem>>) semaphore(%run_scoped3A_305 : memref<!tpu.dma_semaphore, #tpu.memory_space<semaphore_mem>>) {add = true}
        %dma_wait3A_316 = arith.constant 0 : i32
        %dma_wait3A_317 = arith.constant 0 : i32
        %dma_wait3A_318 = tpu.memref_slice %arg7[%run_scoped3A_245, %dma_wait3A_316, %dma_wait3A_317] : memref<3x80x128xf32, #tpu.memory_space<vmem>> -> memref<1x80x128xf32, #tpu.memory_space<vmem>>
        %dma_wait3A_319 = tpu.memref_squeeze %dma_wait3A_318 : memref<1x80x128xf32, #tpu.memory_space<vmem>> -> memref<80x128xf32, #tpu.memory_space<vmem>>
        %dma_wait3A_320 = arith.constant 0 : i32
        %dma_wait3A_321 = tpu.memref_slice %arg8[%run_scoped3A_246, %dma_wait3A_320] : memref<3x80xi32, #tpu.memory_space<vmem>> -> memref<1x80xi32, #tpu.memory_space<vmem>>
        %dma_wait3A_322 = tpu.memref_squeeze %dma_wait3A_321 : memref<1x80xi32, #tpu.memory_space<vmem>> -> memref<80xi32, #tpu.memory_space<vmem>>
        %dma_wait3A_323 = arith.constant 0 : i32
        %dma_wait3A_324 = arith.constant 0 : i32
        %dma_wait3A_325 = tpu.memref_slice %arg9[%dma_wait3A_323, %dma_wait3A_324] : memref<10000x128xf32, #tpu.memory_space<vmem_shared>> -> memref<10000x128xf32, #tpu.memory_space<vmem_shared>>
        tpu.wait_indirect_dma semaphore(%run_scoped3A_305 : memref<!tpu.dma_semaphore, #tpu.memory_space<semaphore_mem>>) src(%dma_wait3A_319 : memref<80x128xf32, #tpu.memory_space<vmem>>) dst(%dma_wait3A_325 : memref<10000x128xf32, #tpu.memory_space<vmem_shared>>)
        tpu.yield
      }) : () -> ()
      %add3A_247 = arith.constant 3 : i32
      %add3A_248 = arith.addi %add3A_204, %add3A_247 : i32
      %lt3A_249 = arith.constant 125 : i32
      %lt3A_250 = arith.cmpi slt, %add3A_248, %lt3A_249 : i32
      %convert_element_type3A_251 = arith.extui %lt3A_250 : i1 to i32
      %cond3A_252 = arith.constant 0 : i32
      %cond3A_253 = arith.cmpi ne, %convert_element_type3A_251, %cond3A_252 : i32
      scf.if %cond3A_253 {
        %add3A_305 = arith.constant 3 : i32
        %add3A_306 = arith.addi %add3A_204, %add3A_305 : i32
        %mul3A_307 = arith.constant 10000 : i32
        %mul3A_308 = arith.muli %add3A, %mul3A_307 : i32
        %add3A_309 = arith.constant 320000 : i32
        %add3A_310 = arith.addi %add3A_309, %mul3A_308 : i32
        %mul3A_311 = arith.constant 80 : i32
        %mul3A_312 = arith.muli %add3A_306, %mul3A_311 : i32
        %add3A_313 = arith.addi %add3A_310, %mul3A_312 : i32
        %dma_start3A_314 = arith.constant 1 : i32
        %dma_start3A_315 = arith.constant 0 : i32
        %dma_start3A_316 = tpu.memref_slice %arg8[%dma_start3A_314, %dma_start3A_315] : memref<3x80xi32, #tpu.memory_space<vmem>> -> memref<1x80xi32, #tpu.memory_space<vmem>>
        %dma_start3A_317 = tpu.memref_squeeze %dma_start3A_316 : memref<1x80xi32, #tpu.memory_space<vmem>> -> memref<80xi32, #tpu.memory_space<vmem>>
        %dma_start3A_318 = tpu.memref_slice %arg3[%add3A_313] : memref<640000xi32, #tpu.memory_space<hbm>> -> memref<80xi32, #tpu.memory_space<hbm>>
        %dma_start3A_319 = arith.constant 0 : i32
        %dma_start3A_320 = tpu.memref_slice %arg8[%dma_start3A_314, %dma_start3A_319] : memref<3x80xi32, #tpu.memory_space<vmem>> -> memref<1x80xi32, #tpu.memory_space<vmem>>
        %dma_start3A_321 = tpu.memref_squeeze %dma_start3A_320 : memref<1x80xi32, #tpu.memory_space<vmem>> -> memref<80xi32, #tpu.memory_space<vmem>>
        %dma_start3A_322 = tpu.memref_slice %arg3[%add3A_313] : memref<640000xi32, #tpu.memory_space<hbm>> -> memref<80xi32, #tpu.memory_space<hbm>>
        tpu.enqueue_dma source(%dma_start3A_322 : memref<80xi32, #tpu.memory_space<hbm>>) target(%dma_start3A_321 : memref<80xi32, #tpu.memory_space<vmem>>) target_semaphore(%arg14 : memref<!tpu.dma_semaphore, #tpu.memory_space<semaphore_mem>>)
      } else {
      }
      %add3A_254 = arith.constant 2 : i32
      %add3A_255 = arith.addi %mul3A_153, %add3A_254 : i32
      %add3A_256 = arith.constant 2 : i32
      %add3A_257 = arith.addi %add3A_255, %add3A_256 : i32
      %mul3A_258 = arith.constant 80 : i32
      %mul3A_259 = arith.muli %add3A_257, %mul3A_258 : i32
      %dma_start3A_260 = arith.constant 1 : i32
      %dma_start3A_261 = arith.constant 0 : i32
      %dma_start3A_262 = arith.constant 0 : i32
      %dma_start3A_263 = tpu.memref_slice %arg7[%dma_start3A_260, %dma_start3A_261, %dma_start3A_262] : memref<3x80x128xf32, #tpu.memory_space<vmem>> -> memref<1x80x128xf32, #tpu.memory_space<vmem>>
      %dma_start3A_264 = tpu.memref_squeeze %dma_start3A_263 : memref<1x80x128xf32, #tpu.memory_space<vmem>> -> memref<80x128xf32, #tpu.memory_space<vmem>>
      %dma_start3A_265 = tpu.memref_slice %arg6[%mul3A_259] : memref<10000xi32, #tpu.memory_space<vmem>> -> memref<80xi32, #tpu.memory_space<vmem>>
      %dma_start3A_266 = arith.constant 0 : i32
      %dma_start3A_267 = arith.constant 0 : i32
      %dma_start3A_268 = tpu.memref_slice %arg2[%dma_start3A_266, %dma_start3A_267] : memref<10000x128xf32, #tpu.memory_space<hbm>> -> memref<10000x128xf32, #tpu.memory_space<hbm>>
      tpu.enqueue_indirect_dma source(%dma_start3A_268 : memref<10000x128xf32, #tpu.memory_space<hbm>>) target(%dma_start3A_264 : memref<80x128xf32, #tpu.memory_space<vmem>>) offsets(%dma_start3A_265 : memref<80xi32, #tpu.memory_space<vmem>>) semaphore(%arg11 : memref<!tpu.dma_semaphore, #tpu.memory_space<semaphore_mem>>)
      %mul3A_269 = arith.constant 80 : i32
      %mul3A_270 = arith.muli %add3A_255, %mul3A_269 : i32
      %dma_wait3A_271 = arith.constant 2 : i32
      %dma_wait3A_272 = arith.constant 0 : i32
      %dma_wait3A_273 = arith.constant 0 : i32
      %dma_wait3A_274 = tpu.memref_slice %arg7[%dma_wait3A_271, %dma_wait3A_272, %dma_wait3A_273] : memref<3x80x128xf32, #tpu.memory_space<vmem>> -> memref<1x80x128xf32, #tpu.memory_space<vmem>>
      %dma_wait3A_275 = tpu.memref_squeeze %dma_wait3A_274 : memref<1x80x128xf32, #tpu.memory_space<vmem>> -> memref<80x128xf32, #tpu.memory_space<vmem>>
      %dma_wait3A_276 = tpu.memref_slice %arg6[%mul3A_270] : memref<10000xi32, #tpu.memory_space<vmem>> -> memref<80xi32, #tpu.memory_space<vmem>>
      %dma_wait3A_277 = arith.constant 0 : i32
      %dma_wait3A_278 = arith.constant 0 : i32
      %dma_wait3A_279 = tpu.memref_slice %arg2[%dma_wait3A_277, %dma_wait3A_278] : memref<10000x128xf32, #tpu.memory_space<hbm>> -> memref<10000x128xf32, #tpu.memory_space<hbm>>
      tpu.wait_indirect_dma semaphore(%arg12 : memref<!tpu.dma_semaphore, #tpu.memory_space<semaphore_mem>>) src(%dma_wait3A_279 : memref<10000x128xf32, #tpu.memory_space<hbm>>) dst(%dma_wait3A_275 : memref<80x128xf32, #tpu.memory_space<vmem>>)
      %mul3A_280 = arith.constant 10000 : i32
      %mul3A_281 = arith.muli %add3A, %mul3A_280 : i32
      %add3A_282 = arith.constant 320000 : i32
      %add3A_283 = arith.addi %add3A_282, %mul3A_281 : i32
      %mul3A_284 = arith.constant 80 : i32
      %mul3A_285 = arith.muli %add3A_255, %mul3A_284 : i32
      %add3A_286 = arith.addi %add3A_283, %mul3A_285 : i32
      %dma_wait3A_287 = arith.constant 2 : i32
      %dma_wait3A_288 = arith.constant 0 : i32
      %dma_wait3A_289 = tpu.memref_slice %arg8[%dma_wait3A_287, %dma_wait3A_288] : memref<3x80xi32, #tpu.memory_space<vmem>> -> memref<1x80xi32, #tpu.memory_space<vmem>>
      %dma_wait3A_290 = tpu.memref_squeeze %dma_wait3A_289 : memref<1x80xi32, #tpu.memory_space<vmem>> -> memref<80xi32, #tpu.memory_space<vmem>>
      %dma_wait3A_291 = tpu.memref_slice %arg3[%add3A_286] : memref<640000xi32, #tpu.memory_space<hbm>> -> memref<80xi32, #tpu.memory_space<hbm>>
      %dma_wait3A_292 = arith.constant 0 : i32
      %dma_wait3A_293 = tpu.memref_slice %arg8[%dma_wait3A_287, %dma_wait3A_292] : memref<3x80xi32, #tpu.memory_space<vmem>> -> memref<1x80xi32, #tpu.memory_space<vmem>>
      %dma_wait3A_294 = tpu.memref_squeeze %dma_wait3A_293 : memref<1x80xi32, #tpu.memory_space<vmem>> -> memref<80xi32, #tpu.memory_space<vmem>>
      %dma_wait3A_295 = tpu.memref_slice %arg3[%add3A_286] : memref<640000xi32, #tpu.memory_space<hbm>> -> memref<80xi32, #tpu.memory_space<hbm>>
      tpu.wait_dma2 semaphore(%arg15 : memref<!tpu.dma_semaphore, #tpu.memory_space<semaphore_mem>>) src(%dma_wait3A_295 : memref<80xi32, #tpu.memory_space<hbm>>) dst(%dma_wait3A_294 : memref<80xi32, #tpu.memory_space<vmem>>)
      %run_scoped3A_296 = arith.constant 2 : i32
      %run_scoped3A_297 = arith.constant 2 : i32
      "tpu.region"() ({
        %run_scoped3A_305 = tpu.sem_alloc : memref<!tpu.dma_semaphore, #tpu.memory_space<semaphore_mem>>
        %dma_start3A_306 = arith.constant 0 : i32
        %dma_start3A_307 = arith.constant 0 : i32
        %dma_start3A_308 = tpu.memref_slice %arg7[%run_scoped3A_296, %dma_start3A_306, %dma_start3A_307] : memref<3x80x128xf32, #tpu.memory_space<vmem>> -> memref<1x80x128xf32, #tpu.memory_space<vmem>>
        %dma_start3A_309 = tpu.memref_squeeze %dma_start3A_308 : memref<1x80x128xf32, #tpu.memory_space<vmem>> -> memref<80x128xf32, #tpu.memory_space<vmem>>
        %dma_start3A_310 = arith.constant 0 : i32
        %dma_start3A_311 = tpu.memref_slice %arg8[%run_scoped3A_297, %dma_start3A_310] : memref<3x80xi32, #tpu.memory_space<vmem>> -> memref<1x80xi32, #tpu.memory_space<vmem>>
        %dma_start3A_312 = tpu.memref_squeeze %dma_start3A_311 : memref<1x80xi32, #tpu.memory_space<vmem>> -> memref<80xi32, #tpu.memory_space<vmem>>
        %dma_start3A_313 = arith.constant 0 : i32
        %dma_start3A_314 = arith.constant 0 : i32
        %dma_start3A_315 = tpu.memref_slice %arg9[%dma_start3A_313, %dma_start3A_314] : memref<10000x128xf32, #tpu.memory_space<vmem_shared>> -> memref<10000x128xf32, #tpu.memory_space<vmem_shared>>
        tpu.enqueue_indirect_dma source(%dma_start3A_309 : memref<80x128xf32, #tpu.memory_space<vmem>>) target(%dma_start3A_315 : memref<10000x128xf32, #tpu.memory_space<vmem_shared>>) offsets(%dma_start3A_312 : memref<80xi32, #tpu.memory_space<vmem>>) semaphore(%run_scoped3A_305 : memref<!tpu.dma_semaphore, #tpu.memory_space<semaphore_mem>>) {add = true}
        %dma_wait3A_316 = arith.constant 0 : i32
        %dma_wait3A_317 = arith.constant 0 : i32
        %dma_wait3A_318 = tpu.memref_slice %arg7[%run_scoped3A_296, %dma_wait3A_316, %dma_wait3A_317] : memref<3x80x128xf32, #tpu.memory_space<vmem>> -> memref<1x80x128xf32, #tpu.memory_space<vmem>>
        %dma_wait3A_319 = tpu.memref_squeeze %dma_wait3A_318 : memref<1x80x128xf32, #tpu.memory_space<vmem>> -> memref<80x128xf32, #tpu.memory_space<vmem>>
        %dma_wait3A_320 = arith.constant 0 : i32
        %dma_wait3A_321 = tpu.memref_slice %arg8[%run_scoped3A_297, %dma_wait3A_320] : memref<3x80xi32, #tpu.memory_space<vmem>> -> memref<1x80xi32, #tpu.memory_space<vmem>>
        %dma_wait3A_322 = tpu.memref_squeeze %dma_wait3A_321 : memref<1x80xi32, #tpu.memory_space<vmem>> -> memref<80xi32, #tpu.memory_space<vmem>>
        %dma_wait3A_323 = arith.constant 0 : i32
        %dma_wait3A_324 = arith.constant 0 : i32
        %dma_wait3A_325 = tpu.memref_slice %arg9[%dma_wait3A_323, %dma_wait3A_324] : memref<10000x128xf32, #tpu.memory_space<vmem_shared>> -> memref<10000x128xf32, #tpu.memory_space<vmem_shared>>
        tpu.wait_indirect_dma semaphore(%run_scoped3A_305 : memref<!tpu.dma_semaphore, #tpu.memory_space<semaphore_mem>>) src(%dma_wait3A_319 : memref<80x128xf32, #tpu.memory_space<vmem>>) dst(%dma_wait3A_325 : memref<10000x128xf32, #tpu.memory_space<vmem_shared>>)
        tpu.yield
      }) : () -> ()
      %add3A_298 = arith.constant 3 : i32
      %add3A_299 = arith.addi %add3A_255, %add3A_298 : i32
      %lt3A_300 = arith.constant 125 : i32
      %lt3A_301 = arith.cmpi slt, %add3A_299, %lt3A_300 : i32
      %convert_element_type3A_302 = arith.extui %lt3A_301 : i1 to i32
      %cond3A_303 = arith.constant 0 : i32
      %cond3A_304 = arith.cmpi ne, %convert_element_type3A_302, %cond3A_303 : i32
      scf.if %cond3A_304 {
        %add3A_305 = arith.constant 3 : i32
        %add3A_306 = arith.addi %add3A_255, %add3A_305 : i32
        %mul3A_307 = arith.constant 10000 : i32
        %mul3A_308 = arith.muli %add3A, %mul3A_307 : i32
        %add3A_309 = arith.constant 320000 : i32
        %add3A_310 = arith.addi %add3A_309, %mul3A_308 : i32
        %mul3A_311 = arith.constant 80 : i32
        %mul3A_312 = arith.muli %add3A_306, %mul3A_311 : i32
        %add3A_313 = arith.addi %add3A_310, %mul3A_312 : i32
        %dma_start3A_314 = arith.constant 2 : i32
        %dma_start3A_315 = arith.constant 0 : i32
        %dma_start3A_316 = tpu.memref_slice %arg8[%dma_start3A_314, %dma_start3A_315] : memref<3x80xi32, #tpu.memory_space<vmem>> -> memref<1x80xi32, #tpu.memory_space<vmem>>
        %dma_start3A_317 = tpu.memref_squeeze %dma_start3A_316 : memref<1x80xi32, #tpu.memory_space<vmem>> -> memref<80xi32, #tpu.memory_space<vmem>>
        %dma_start3A_318 = tpu.memref_slice %arg3[%add3A_313] : memref<640000xi32, #tpu.memory_space<hbm>> -> memref<80xi32, #tpu.memory_space<hbm>>
        %dma_start3A_319 = arith.constant 0 : i32
        %dma_start3A_320 = tpu.memref_slice %arg8[%dma_start3A_314, %dma_start3A_319] : memref<3x80xi32, #tpu.memory_space<vmem>> -> memref<1x80xi32, #tpu.memory_space<vmem>>
        %dma_start3A_321 = tpu.memref_squeeze %dma_start3A_320 : memref<1x80xi32, #tpu.memory_space<vmem>> -> memref<80xi32, #tpu.memory_space<vmem>>
        %dma_start3A_322 = tpu.memref_slice %arg3[%add3A_313] : memref<640000xi32, #tpu.memory_space<hbm>> -> memref<80xi32, #tpu.memory_space<hbm>>
        tpu.enqueue_dma source(%dma_start3A_322 : memref<80xi32, #tpu.memory_space<hbm>>) target(%dma_start3A_321 : memref<80xi32, #tpu.memory_space<vmem>>) target_semaphore(%arg15 : memref<!tpu.dma_semaphore, #tpu.memory_space<semaphore_mem>>)
      } else {
      }
    }
    %scan3A_87 = arith.constant 41 : i32
    %dma_wait3A = arith.constant 0 : i32
    %dma_wait3A_88 = arith.constant 0 : i32
    %dma_wait3A_89 = arith.constant 0 : i32
    %dma_wait3A_90 = tpu.memref_slice %arg7[%dma_wait3A, %dma_wait3A_88, %dma_wait3A_89] : memref<3x80x128xf32, #tpu.memory_space<vmem>> -> memref<1x80x128xf32, #tpu.memory_space<vmem>>
    %dma_wait3A_91 = tpu.memref_squeeze %dma_wait3A_90 : memref<1x80x128xf32, #tpu.memory_space<vmem>> -> memref<80x128xf32, #tpu.memory_space<vmem>>
    %dma_wait3A_92 = arith.constant 9840 : i32
    %dma_wait3A_93 = tpu.memref_slice %arg6[%dma_wait3A_92] : memref<10000xi32, #tpu.memory_space<vmem>> -> memref<80xi32, #tpu.memory_space<vmem>>
    %dma_wait3A_94 = arith.constant 0 : i32
    %dma_wait3A_95 = arith.constant 0 : i32
    %dma_wait3A_96 = tpu.memref_slice %arg2[%dma_wait3A_94, %dma_wait3A_95] : memref<10000x128xf32, #tpu.memory_space<hbm>> -> memref<10000x128xf32, #tpu.memory_space<hbm>>
    tpu.wait_indirect_dma semaphore(%arg10 : memref<!tpu.dma_semaphore, #tpu.memory_space<semaphore_mem>>) src(%dma_wait3A_96 : memref<10000x128xf32, #tpu.memory_space<hbm>>) dst(%dma_wait3A_91 : memref<80x128xf32, #tpu.memory_space<vmem>>)
    %mul3A_97 = arith.constant 10000 : i32
    %mul3A_98 = arith.muli %add3A, %mul3A_97 : i32
    %add3A_99 = arith.constant 320000 : i32
    %add3A_100 = arith.addi %add3A_99, %mul3A_98 : i32
    %add3A_101 = arith.constant 9840 : i32
    %add3A_102 = arith.addi %add3A_100, %add3A_101 : i32
    %dma_wait3A_103 = arith.constant 0 : i32
    %dma_wait3A_104 = arith.constant 0 : i32
    %dma_wait3A_105 = tpu.memref_slice %arg8[%dma_wait3A_103, %dma_wait3A_104] : memref<3x80xi32, #tpu.memory_space<vmem>> -> memref<1x80xi32, #tpu.memory_space<vmem>>
    %dma_wait3A_106 = tpu.memref_squeeze %dma_wait3A_105 : memref<1x80xi32, #tpu.memory_space<vmem>> -> memref<80xi32, #tpu.memory_space<vmem>>
    %dma_wait3A_107 = tpu.memref_slice %arg3[%add3A_102] : memref<640000xi32, #tpu.memory_space<hbm>> -> memref<80xi32, #tpu.memory_space<hbm>>
    %dma_wait3A_108 = arith.constant 0 : i32
    %dma_wait3A_109 = tpu.memref_slice %arg8[%dma_wait3A_103, %dma_wait3A_108] : memref<3x80xi32, #tpu.memory_space<vmem>> -> memref<1x80xi32, #tpu.memory_space<vmem>>
    %dma_wait3A_110 = tpu.memref_squeeze %dma_wait3A_109 : memref<1x80xi32, #tpu.memory_space<vmem>> -> memref<80xi32, #tpu.memory_space<vmem>>
    %dma_wait3A_111 = tpu.memref_slice %arg3[%add3A_102] : memref<640000xi32, #tpu.memory_space<hbm>> -> memref<80xi32, #tpu.memory_space<hbm>>
    tpu.wait_dma2 semaphore(%arg13 : memref<!tpu.dma_semaphore, #tpu.memory_space<semaphore_mem>>) src(%dma_wait3A_111 : memref<80xi32, #tpu.memory_space<hbm>>) dst(%dma_wait3A_110 : memref<80xi32, #tpu.memory_space<vmem>>)
    %run_scoped3A = arith.constant 0 : i32
    %run_scoped3A_112 = arith.constant 0 : i32
    "tpu.region"() ({
      %run_scoped3A_151 = tpu.sem_alloc : memref<!tpu.dma_semaphore, #tpu.memory_space<semaphore_mem>>
      %dma_start3A_152 = arith.constant 0 : i32
      %dma_start3A_153 = arith.constant 0 : i32
      %dma_start3A_154 = tpu.memref_slice %arg7[%run_scoped3A, %dma_start3A_152, %dma_start3A_153] : memref<3x80x128xf32, #tpu.memory_space<vmem>> -> memref<1x80x128xf32, #tpu.memory_space<vmem>>
      %dma_start3A_155 = tpu.memref_squeeze %dma_start3A_154 : memref<1x80x128xf32, #tpu.memory_space<vmem>> -> memref<80x128xf32, #tpu.memory_space<vmem>>
      %dma_start3A_156 = arith.constant 0 : i32
      %dma_start3A_157 = tpu.memref_slice %arg8[%run_scoped3A_112, %dma_start3A_156] : memref<3x80xi32, #tpu.memory_space<vmem>> -> memref<1x80xi32, #tpu.memory_space<vmem>>
      %dma_start3A_158 = tpu.memref_squeeze %dma_start3A_157 : memref<1x80xi32, #tpu.memory_space<vmem>> -> memref<80xi32, #tpu.memory_space<vmem>>
      %dma_start3A_159 = arith.constant 0 : i32
      %dma_start3A_160 = arith.constant 0 : i32
      %dma_start3A_161 = tpu.memref_slice %arg9[%dma_start3A_159, %dma_start3A_160] : memref<10000x128xf32, #tpu.memory_space<vmem_shared>> -> memref<10000x128xf32, #tpu.memory_space<vmem_shared>>
      tpu.enqueue_indirect_dma source(%dma_start3A_155 : memref<80x128xf32, #tpu.memory_space<vmem>>) target(%dma_start3A_161 : memref<10000x128xf32, #tpu.memory_space<vmem_shared>>) offsets(%dma_start3A_158 : memref<80xi32, #tpu.memory_space<vmem>>) semaphore(%run_scoped3A_151 : memref<!tpu.dma_semaphore, #tpu.memory_space<semaphore_mem>>) {add = true}
      %dma_wait3A_162 = arith.constant 0 : i32
      %dma_wait3A_163 = arith.constant 0 : i32
      %dma_wait3A_164 = tpu.memref_slice %arg7[%run_scoped3A, %dma_wait3A_162, %dma_wait3A_163] : memref<3x80x128xf32, #tpu.memory_space<vmem>> -> memref<1x80x128xf32, #tpu.memory_space<vmem>>
      %dma_wait3A_165 = tpu.memref_squeeze %dma_wait3A_164 : memref<1x80x128xf32, #tpu.memory_space<vmem>> -> memref<80x128xf32, #tpu.memory_space<vmem>>
      %dma_wait3A_166 = arith.constant 0 : i32
      %dma_wait3A_167 = tpu.memref_slice %arg8[%run_scoped3A_112, %dma_wait3A_166] : memref<3x80xi32, #tpu.memory_space<vmem>> -> memref<1x80xi32, #tpu.memory_space<vmem>>
      %dma_wait3A_168 = tpu.memref_squeeze %dma_wait3A_167 : memref<1x80xi32, #tpu.memory_space<vmem>> -> memref<80xi32, #tpu.memory_space<vmem>>
      %dma_wait3A_169 = arith.constant 0 : i32
      %dma_wait3A_170 = arith.constant 0 : i32
      %dma_wait3A_171 = tpu.memref_slice %arg9[%dma_wait3A_169, %dma_wait3A_170] : memref<10000x128xf32, #tpu.memory_space<vmem_shared>> -> memref<10000x128xf32, #tpu.memory_space<vmem_shared>>
      tpu.wait_indirect_dma semaphore(%run_scoped3A_151 : memref<!tpu.dma_semaphore, #tpu.memory_space<semaphore_mem>>) src(%dma_wait3A_165 : memref<80x128xf32, #tpu.memory_space<vmem>>) dst(%dma_wait3A_171 : memref<10000x128xf32, #tpu.memory_space<vmem_shared>>)
      tpu.yield
    }) : () -> ()
    %dma_wait3A_113 = arith.constant 1 : i32
    %dma_wait3A_114 = arith.constant 0 : i32
    %dma_wait3A_115 = arith.constant 0 : i32
    %dma_wait3A_116 = tpu.memref_slice %arg7[%dma_wait3A_113, %dma_wait3A_114, %dma_wait3A_115] : memref<3x80x128xf32, #tpu.memory_space<vmem>> -> memref<1x80x128xf32, #tpu.memory_space<vmem>>
    %dma_wait3A_117 = tpu.memref_squeeze %dma_wait3A_116 : memref<1x80x128xf32, #tpu.memory_space<vmem>> -> memref<80x128xf32, #tpu.memory_space<vmem>>
    %dma_wait3A_118 = arith.constant 9920 : i32
    %dma_wait3A_119 = tpu.memref_slice %arg6[%dma_wait3A_118] : memref<10000xi32, #tpu.memory_space<vmem>> -> memref<80xi32, #tpu.memory_space<vmem>>
    %dma_wait3A_120 = arith.constant 0 : i32
    %dma_wait3A_121 = arith.constant 0 : i32
    %dma_wait3A_122 = tpu.memref_slice %arg2[%dma_wait3A_120, %dma_wait3A_121] : memref<10000x128xf32, #tpu.memory_space<hbm>> -> memref<10000x128xf32, #tpu.memory_space<hbm>>
    tpu.wait_indirect_dma semaphore(%arg11 : memref<!tpu.dma_semaphore, #tpu.memory_space<semaphore_mem>>) src(%dma_wait3A_122 : memref<10000x128xf32, #tpu.memory_space<hbm>>) dst(%dma_wait3A_117 : memref<80x128xf32, #tpu.memory_space<vmem>>)
    %mul3A_123 = arith.constant 10000 : i32
    %mul3A_124 = arith.muli %add3A, %mul3A_123 : i32
    %add3A_125 = arith.constant 320000 : i32
    %add3A_126 = arith.addi %add3A_125, %mul3A_124 : i32
    %add3A_127 = arith.constant 9920 : i32
    %add3A_128 = arith.addi %add3A_126, %add3A_127 : i32
    %dma_wait3A_129 = arith.constant 1 : i32
    %dma_wait3A_130 = arith.constant 0 : i32
    %dma_wait3A_131 = tpu.memref_slice %arg8[%dma_wait3A_129, %dma_wait3A_130] : memref<3x80xi32, #tpu.memory_space<vmem>> -> memref<1x80xi32, #tpu.memory_space<vmem>>
    %dma_wait3A_132 = tpu.memref_squeeze %dma_wait3A_131 : memref<1x80xi32, #tpu.memory_space<vmem>> -> memref<80xi32, #tpu.memory_space<vmem>>
    %dma_wait3A_133 = tpu.memref_slice %arg3[%add3A_128] : memref<640000xi32, #tpu.memory_space<hbm>> -> memref<80xi32, #tpu.memory_space<hbm>>
    %dma_wait3A_134 = arith.constant 0 : i32
    %dma_wait3A_135 = tpu.memref_slice %arg8[%dma_wait3A_129, %dma_wait3A_134] : memref<3x80xi32, #tpu.memory_space<vmem>> -> memref<1x80xi32, #tpu.memory_space<vmem>>
    %dma_wait3A_136 = tpu.memref_squeeze %dma_wait3A_135 : memref<1x80xi32, #tpu.memory_space<vmem>> -> memref<80xi32, #tpu.memory_space<vmem>>
    %dma_wait3A_137 = tpu.memref_slice %arg3[%add3A_128] : memref<640000xi32, #tpu.memory_space<hbm>> -> memref<80xi32, #tpu.memory_space<hbm>>
    tpu.wait_dma2 semaphore(%arg14 : memref<!tpu.dma_semaphore, #tpu.memory_space<semaphore_mem>>) src(%dma_wait3A_137 : memref<80xi32, #tpu.memory_space<hbm>>) dst(%dma_wait3A_136 : memref<80xi32, #tpu.memory_space<vmem>>)
    %run_scoped3A_138 = arith.constant 1 : i32
    %run_scoped3A_139 = arith.constant 1 : i32
    "tpu.region"() ({
      %run_scoped3A_151 = tpu.sem_alloc : memref<!tpu.dma_semaphore, #tpu.memory_space<semaphore_mem>>
      %dma_start3A_152 = arith.constant 0 : i32
      %dma_start3A_153 = arith.constant 0 : i32
      %dma_start3A_154 = tpu.memref_slice %arg7[%run_scoped3A_138, %dma_start3A_152, %dma_start3A_153] : memref<3x80x128xf32, #tpu.memory_space<vmem>> -> memref<1x80x128xf32, #tpu.memory_space<vmem>>
      %dma_start3A_155 = tpu.memref_squeeze %dma_start3A_154 : memref<1x80x128xf32, #tpu.memory_space<vmem>> -> memref<80x128xf32, #tpu.memory_space<vmem>>
      %dma_start3A_156 = arith.constant 0 : i32
      %dma_start3A_157 = tpu.memref_slice %arg8[%run_scoped3A_139, %dma_start3A_156] : memref<3x80xi32, #tpu.memory_space<vmem>> -> memref<1x80xi32, #tpu.memory_space<vmem>>
      %dma_start3A_158 = tpu.memref_squeeze %dma_start3A_157 : memref<1x80xi32, #tpu.memory_space<vmem>> -> memref<80xi32, #tpu.memory_space<vmem>>
      %dma_start3A_159 = arith.constant 0 : i32
      %dma_start3A_160 = arith.constant 0 : i32
      %dma_start3A_161 = tpu.memref_slice %arg9[%dma_start3A_159, %dma_start3A_160] : memref<10000x128xf32, #tpu.memory_space<vmem_shared>> -> memref<10000x128xf32, #tpu.memory_space<vmem_shared>>
      tpu.enqueue_indirect_dma source(%dma_start3A_155 : memref<80x128xf32, #tpu.memory_space<vmem>>) target(%dma_start3A_161 : memref<10000x128xf32, #tpu.memory_space<vmem_shared>>) offsets(%dma_start3A_158 : memref<80xi32, #tpu.memory_space<vmem>>) semaphore(%run_scoped3A_151 : memref<!tpu.dma_semaphore, #tpu.memory_space<semaphore_mem>>) {add = true}
      %dma_wait3A_162 = arith.constant 0 : i32
      %dma_wait3A_163 = arith.constant 0 : i32
      %dma_wait3A_164 = tpu.memref_slice %arg7[%run_scoped3A_138, %dma_wait3A_162, %dma_wait3A_163] : memref<3x80x128xf32, #tpu.memory_space<vmem>> -> memref<1x80x128xf32, #tpu.memory_space<vmem>>
      %dma_wait3A_165 = tpu.memref_squeeze %dma_wait3A_164 : memref<1x80x128xf32, #tpu.memory_space<vmem>> -> memref<80x128xf32, #tpu.memory_space<vmem>>
      %dma_wait3A_166 = arith.constant 0 : i32
      %dma_wait3A_167 = tpu.memref_slice %arg8[%run_scoped3A_139, %dma_wait3A_166] : memref<3x80xi32, #tpu.memory_space<vmem>> -> memref<1x80xi32, #tpu.memory_space<vmem>>
      %dma_wait3A_168 = tpu.memref_squeeze %dma_wait3A_167 : memref<1x80xi32, #tpu.memory_space<vmem>> -> memref<80xi32, #tpu.memory_space<vmem>>
      %dma_wait3A_169 = arith.constant 0 : i32
      %dma_wait3A_170 = arith.constant 0 : i32
      %dma_wait3A_171 = tpu.memref_slice %arg9[%dma_wait3A_169, %dma_wait3A_170] : memref<10000x128xf32, #tpu.memory_space<vmem_shared>> -> memref<10000x128xf32, #tpu.memory_space<vmem_shared>>
      tpu.wait_indirect_dma semaphore(%run_scoped3A_151 : memref<!tpu.dma_semaphore, #tpu.memory_space<semaphore_mem>>) src(%dma_wait3A_165 : memref<80x128xf32, #tpu.memory_space<vmem>>) dst(%dma_wait3A_171 : memref<10000x128xf32, #tpu.memory_space<vmem_shared>>)
      tpu.yield
    }) : () -> ()
    %barrier3A_140 = arith.constant 0 : index
    tpu.barrier barrier_id(%barrier3A_140)
    %lt3A_141 = arith.constant 15 : i32
    %lt3A_142 = arith.cmpi slt, %arg1, %lt3A_141 : i32
    %convert_element_type3A_143 = arith.extui %lt3A_142 : i1 to i32
    %cond3A_144 = arith.constant 0 : i32
    %cond3A_145 = arith.cmpi ne, %convert_element_type3A_143, %cond3A_144 : i32
    scf.if %cond3A_145 {
      %mul3A_151 = arith.constant 640 : i32
      %mul3A_152 = arith.muli %arg1, %mul3A_151 : i32
      %mul3A_153 = arith.constant 640 : i32
      %mul3A_154 = arith.muli %arg1, %mul3A_153 : i32
      "tpu.region"() ({
        %run_scoped3A_155 = tpu.sem_alloc : memref<!tpu.dma_semaphore, #tpu.memory_space<semaphore_mem>>
        %dma_start3A_156 = arith.constant 0 : i32
        %dma_start3A_157 = tpu.memref_slice %arg5[%arg0, %mul3A_154, %dma_start3A_156] : memref<2x10000x128xf32, #tpu.memory_space<hbm>> -> memref<1x640x128xf32, #tpu.memory_space<hbm>>
        %dma_start3A_158 = tpu.memref_squeeze %dma_start3A_157 : memref<1x640x128xf32, #tpu.memory_space<hbm>> -> memref<640x128xf32, #tpu.memory_space<hbm>>
        %dma_start3A_159 = arith.constant 0 : i32
        %dma_start3A_160 = tpu.memref_slice %arg9[%mul3A_152, %dma_start3A_159] : memref<10000x128xf32, #tpu.memory_space<vmem_shared>> -> memref<640x128xf32, #tpu.memory_space<vmem_shared>>
        tpu.enqueue_dma source(%dma_start3A_160 : memref<640x128xf32, #tpu.memory_space<vmem_shared>>) target(%dma_start3A_158 : memref<640x128xf32, #tpu.memory_space<hbm>>) target_semaphore(%run_scoped3A_155 : memref<!tpu.dma_semaphore, #tpu.memory_space<semaphore_mem>>)
        %dma_wait3A_161 = arith.constant 0 : i32
        %dma_wait3A_162 = tpu.memref_slice %arg5[%arg0, %mul3A_154, %dma_wait3A_161] : memref<2x10000x128xf32, #tpu.memory_space<hbm>> -> memref<1x640x128xf32, #tpu.memory_space<hbm>>
        %dma_wait3A_163 = tpu.memref_squeeze %dma_wait3A_162 : memref<1x640x128xf32, #tpu.memory_space<hbm>> -> memref<640x128xf32, #tpu.memory_space<hbm>>
        %dma_wait3A_164 = arith.constant 0 : i32
        %dma_wait3A_165 = tpu.memref_slice %arg9[%mul3A_152, %dma_wait3A_164] : memref<10000x128xf32, #tpu.memory_space<vmem_shared>> -> memref<640x128xf32, #tpu.memory_space<vmem_shared>>
        tpu.wait_dma2 semaphore(%run_scoped3A_155 : memref<!tpu.dma_semaphore, #tpu.memory_space<semaphore_mem>>) src(%dma_wait3A_165 : memref<640x128xf32, #tpu.memory_space<vmem_shared>>) dst(%dma_wait3A_163 : memref<640x128xf32, #tpu.memory_space<hbm>>)
        tpu.yield
      }) : () -> ()
    } else {
    }
    %eq3A_146 = arith.constant 15 : i32
    %eq3A_147 = arith.cmpi eq, %arg1, %eq3A_146 : i32
    %convert_element_type3A_148 = arith.extui %eq3A_147 : i1 to i32
    %cond3A_149 = arith.constant 0 : i32
    %cond3A_150 = arith.cmpi ne, %convert_element_type3A_148, %cond3A_149 : i32
    scf.if %cond3A_150 {
      "tpu.region"() ({
        %run_scoped3A_151 = tpu.sem_alloc : memref<!tpu.dma_semaphore, #tpu.memory_space<semaphore_mem>>
        %dma_start3A_152 = arith.constant 9600 : i32
        %dma_start3A_153 = arith.constant 0 : i32
        %dma_start3A_154 = tpu.memref_slice %arg5[%arg0, %dma_start3A_152, %dma_start3A_153] : memref<2x10000x128xf32, #tpu.memory_space<hbm>> -> memref<1x400x128xf32, #tpu.memory_space<hbm>>
        %dma_start3A_155 = tpu.memref_squeeze %dma_start3A_154 : memref<1x400x128xf32, #tpu.memory_space<hbm>> -> memref<400x128xf32, #tpu.memory_space<hbm>>
        %dma_start3A_156 = arith.constant 9600 : i32
        %dma_start3A_157 = arith.constant 0 : i32
        %dma_start3A_158 = tpu.memref_slice %arg9[%dma_start3A_156, %dma_start3A_157] : memref<10000x128xf32, #tpu.memory_space<vmem_shared>> -> memref<400x128xf32, #tpu.memory_space<vmem_shared>>
        tpu.enqueue_dma source(%dma_start3A_158 : memref<400x128xf32, #tpu.memory_space<vmem_shared>>) target(%dma_start3A_155 : memref<400x128xf32, #tpu.memory_space<hbm>>) target_semaphore(%run_scoped3A_151 : memref<!tpu.dma_semaphore, #tpu.memory_space<semaphore_mem>>)
        %dma_wait3A_159 = arith.constant 9600 : i32
        %dma_wait3A_160 = arith.constant 0 : i32
        %dma_wait3A_161 = tpu.memref_slice %arg5[%arg0, %dma_wait3A_159, %dma_wait3A_160] : memref<2x10000x128xf32, #tpu.memory_space<hbm>> -> memref<1x400x128xf32, #tpu.memory_space<hbm>>
        %dma_wait3A_162 = tpu.memref_squeeze %dma_wait3A_161 : memref<1x400x128xf32, #tpu.memory_space<hbm>> -> memref<400x128xf32, #tpu.memory_space<hbm>>
        %dma_wait3A_163 = arith.constant 9600 : i32
        %dma_wait3A_164 = arith.constant 0 : i32
        %dma_wait3A_165 = tpu.memref_slice %arg9[%dma_wait3A_163, %dma_wait3A_164] : memref<10000x128xf32, #tpu.memory_space<vmem_shared>> -> memref<400x128xf32, #tpu.memory_space<vmem_shared>>
        tpu.wait_dma2 semaphore(%run_scoped3A_151 : memref<!tpu.dma_semaphore, #tpu.memory_space<semaphore_mem>>) src(%dma_wait3A_165 : memref<400x128xf32, #tpu.memory_space<vmem_shared>>) dst(%dma_wait3A_162 : memref<400x128xf32, #tpu.memory_space<hbm>>)
        tpu.yield
      }) : () -> ()
    } else {
    }
    return
  }
}

#map = affine_map<(d0, d1) -> (0, 0)>
#map1 = affine_map<(d0, d1) -> (0)>
#map2 = affine_map<(d0, d1) -> (0, 0, 0)>
module attributes {stable_mosaic.version = 14 : i64} {
  func.func @gin_sc_scatter(%arg0: i32, %arg1: i32, %arg2: memref<10000x128xf32, #tpu.memory_space<hbm>>, %arg3: memref<640000xi32, #tpu.memory_space<hbm>>, %arg4: memref<10000x128xf32, #tpu.memory_space<hbm>>, %arg5: memref<2x10000x128xf32, #tpu.memory_space<hbm>>, %arg6: memref<10000xi32, #tpu.memory_space<vmem>>, %arg7: memref<3x80x128xf32, #tpu.memory_space<vmem>>, %arg8: memref<3x80xi32, #tpu.memory_space<vmem>>, %arg9: memref<10000x128xf32, #tpu.memory_space<vmem_shared>>, %arg10: memref<!tpu.dma_semaphore, #tpu.memory_space<semaphore_mem>>, %arg11: memref<!tpu.dma_semaphore, #tpu.memory_space<semaphore_mem>>, %arg12: memref<!tpu.dma_semaphore, #tpu.memory_space<semaphore_mem>>, %arg13: memref<!tpu.dma_semaphore, #tpu.memory_space<semaphore_mem>>, %arg14: memref<!tpu.dma_semaphore, #tpu.memory_space<semaphore_mem>>, %arg15: memref<!tpu.dma_semaphore, #tpu.memory_space<semaphore_mem>>, %arg16: memref<!tpu.dma_semaphore, #tpu.memory_space<semaphore_mem>>) attributes {dimension_semantics = [#tpu.dimension_semantics<core_parallel>, #tpu.dimension_semantics<subcore_parallel>], iteration_bounds = array<i64: 2, 16>, scalar_prefetch = 0 : i64, scratch_operands = 11 : i64, tpu.core_type = #tpu.core_type<sc_vector_subcore>, window_params = [{transform_indices = #map}, {transform_indices = #map1}, {transform_indices = #map}, {transform_indices = #map2}]} {
    %mul3A = arith.constant 2 : i32
    %mul3A_0 = arith.muli %arg1, %mul3A : i32
    %add3A = arith.addi %mul3A_0, %arg0 : i32
    %lt3A = arith.constant 15 : i32
    %lt3A_1 = arith.cmpi slt, %arg1, %lt3A : i32
    %convert_element_type3A = arith.extui %lt3A_1 : i1 to i32
    %cond3A = arith.constant 0 : i32
    %cond3A_2 = arith.cmpi ne, %convert_element_type3A, %cond3A : i32
    scf.if %cond3A_2 {
      %mul3A_151 = arith.constant 640 : i32
      %mul3A_152 = arith.muli %arg1, %mul3A_151 : i32
      %mul3A_153 = arith.constant 640 : i32
      %mul3A_154 = arith.muli %arg1, %mul3A_153 : i32
      %dma_start3A_155 = arith.constant 0 : i32
      %dma_start3A_156 = tpu.memref_slice %arg9[%mul3A_154, %dma_start3A_155] : memref<10000x128xf32, #tpu.memory_space<vmem_shared>> -> memref<640x128xf32, #tpu.memory_space<vmem_shared>>
      %dma_start3A_157 = arith.constant 0 : i32
      %dma_start3A_158 = tpu.memref_slice %arg4[%mul3A_152, %dma_start3A_157] : memref<10000x128xf32, #tpu.memory_space<hbm>> -> memref<640x128xf32, #tpu.memory_space<hbm>>
      tpu.enqueue_dma source(%dma_start3A_158 : memref<640x128xf32, #tpu.memory_space<hbm>>) target(%dma_start3A_156 : memref<640x128xf32, #tpu.memory_space<vmem_shared>>) target_semaphore(%arg16 : memref<!tpu.dma_semaphore, #tpu.memory_space<semaphore_mem>>)
    } else {
    }
    %eq3A = arith.constant 15 : i32
    %eq3A_3 = arith.cmpi eq, %arg1, %eq3A : i32
    %convert_element_type3A_4 = arith.extui %eq3A_3 : i1 to i32
    %cond3A_5 = arith.constant 0 : i32
    %cond3A_6 = arith.cmpi ne, %convert_element_type3A_4, %cond3A_5 : i32
    scf.if %cond3A_6 {
      %dma_start3A_151 = arith.constant 9600 : i32
      %dma_start3A_152 = arith.constant 0 : i32
      %dma_start3A_153 = tpu.memref_slice %arg9[%dma_start3A_151, %dma_start3A_152] : memref<10000x128xf32, #tpu.memory_space<vmem_shared>> -> memref<400x128xf32, #tpu.memory_space<vmem_shared>>
      %dma_start3A_154 = arith.constant 9600 : i32
      %dma_start3A_155 = arith.constant 0 : i32
      %dma_start3A_156 = tpu.memref_slice %arg4[%dma_start3A_154, %dma_start3A_155] : memref<10000x128xf32, #tpu.memory_space<hbm>> -> memref<400x128xf32, #tpu.memory_space<hbm>>
      tpu.enqueue_dma source(%dma_start3A_156 : memref<400x128xf32, #tpu.memory_space<hbm>>) target(%dma_start3A_153 : memref<400x128xf32, #tpu.memory_space<vmem_shared>>) target_semaphore(%arg16 : memref<!tpu.dma_semaphore, #tpu.memory_space<semaphore_mem>>)
    } else {
    }
    %mul3A_7 = arith.constant 10000 : i32
    %mul3A_8 = arith.muli %add3A, %mul3A_7 : i32
    "tpu.region"() ({
      %run_scoped3A_151 = tpu.sem_alloc : memref<!tpu.dma_semaphore, #tpu.memory_space<semaphore_mem>>
      %dma_start3A_152 = tpu.memref_slice %arg3[%mul3A_8] : memref<640000xi32, #tpu.memory_space<hbm>> -> memref<10000xi32, #tpu.memory_space<hbm>>
      %dma_start3A_153 = tpu.memref_slice %arg3[%mul3A_8] : memref<640000xi32, #tpu.memory_space<hbm>> -> memref<10000xi32, #tpu.memory_space<hbm>>
      tpu.enqueue_dma source(%dma_start3A_153 : memref<10000xi32, #tpu.memory_space<hbm>>) target(%arg6 : memref<10000xi32, #tpu.memory_space<vmem>>) target_semaphore(%run_scoped3A_151 : memref<!tpu.dma_semaphore, #tpu.memory_space<semaphore_mem>>)
      %dma_wait3A_154 = tpu.memref_slice %arg3[%mul3A_8] : memref<640000xi32, #tpu.memory_space<hbm>> -> memref<10000xi32, #tpu.memory_space<hbm>>
      %dma_wait3A_155 = tpu.memref_slice %arg3[%mul3A_8] : memref<640000xi32, #tpu.memory_space<hbm>> -> memref<10000xi32, #tpu.memory_space<hbm>>
      tpu.wait_dma2 semaphore(%run_scoped3A_151 : memref<!tpu.dma_semaphore, #tpu.memory_space<semaphore_mem>>) src(%dma_wait3A_155 : memref<10000xi32, #tpu.memory_space<hbm>>) dst(%arg6 : memref<10000xi32, #tpu.memory_space<vmem>>)
      tpu.yield
    }) : () -> ()
    %mul3A_9 = arith.constant 10000 : i32
    %mul3A_10 = arith.muli %add3A, %mul3A_9 : i32
    %add3A_11 = arith.constant 320000 : i32
    %add3A_12 = arith.addi %add3A_11, %mul3A_10 : i32
    %add3A_13 = arith.constant 0 : i32
    %add3A_14 = arith.addi %add3A_12, %add3A_13 : i32
    %dma_start3A = arith.constant 0 : i32
    %dma_start3A_15 = arith.constant 0 : i32
    %dma_start3A_16 = tpu.memref_slice %arg8[%dma_start3A, %dma_start3A_15] : memref<3x80xi32, #tpu.memory_space<vmem>> -> memref<1x80xi32, #tpu.memory_space<vmem>>
    %dma_start3A_17 = tpu.memref_squeeze %dma_start3A_16 : memref<1x80xi32, #tpu.memory_space<vmem>> -> memref<80xi32, #tpu.memory_space<vmem>>
    %dma_start3A_18 = tpu.memref_slice %arg3[%add3A_14] : memref<640000xi32, #tpu.memory_space<hbm>> -> memref<80xi32, #tpu.memory_space<hbm>>
    %dma_start3A_19 = arith.constant 0 : i32
    %dma_start3A_20 = tpu.memref_slice %arg8[%dma_start3A, %dma_start3A_19] : memref<3x80xi32, #tpu.memory_space<vmem>> -> memref<1x80xi32, #tpu.memory_space<vmem>>
    %dma_start3A_21 = tpu.memref_squeeze %dma_start3A_20 : memref<1x80xi32, #tpu.memory_space<vmem>> -> memref<80xi32, #tpu.memory_space<vmem>>
    %dma_start3A_22 = tpu.memref_slice %arg3[%add3A_14] : memref<640000xi32, #tpu.memory_space<hbm>> -> memref<80xi32, #tpu.memory_space<hbm>>
    tpu.enqueue_dma source(%dma_start3A_22 : memref<80xi32, #tpu.memory_space<hbm>>) target(%dma_start3A_21 : memref<80xi32, #tpu.memory_space<vmem>>) target_semaphore(%arg13 : memref<!tpu.dma_semaphore, #tpu.memory_space<semaphore_mem>>)
    %mul3A_23 = arith.constant 10000 : i32
    %mul3A_24 = arith.muli %add3A, %mul3A_23 : i32
    %add3A_25 = arith.constant 320000 : i32
    %add3A_26 = arith.addi %add3A_25, %mul3A_24 : i32
    %add3A_27 = arith.constant 80 : i32
    %add3A_28 = arith.addi %add3A_26, %add3A_27 : i32
    %dma_start3A_29 = arith.constant 1 : i32
    %dma_start3A_30 = arith.constant 0 : i32
    %dma_start3A_31 = tpu.memref_slice %arg8[%dma_start3A_29, %dma_start3A_30] : memref<3x80xi32, #tpu.memory_space<vmem>> -> memref<1x80xi32, #tpu.memory_space<vmem>>
    %dma_start3A_32 = tpu.memref_squeeze %dma_start3A_31 : memref<1x80xi32, #tpu.memory_space<vmem>> -> memref<80xi32, #tpu.memory_space<vmem>>
    %dma_start3A_33 = tpu.memref_slice %arg3[%add3A_28] : memref<640000xi32, #tpu.memory_space<hbm>> -> memref<80xi32, #tpu.memory_space<hbm>>
    %dma_start3A_34 = arith.constant 0 : i32
    %dma_start3A_35 = tpu.memref_slice %arg8[%dma_start3A_29, %dma_start3A_34] : memref<3x80xi32, #tpu.memory_space<vmem>> -> memref<1x80xi32, #tpu.memory_space<vmem>>
    %dma_start3A_36 = tpu.memref_squeeze %dma_start3A_35 : memref<1x80xi32, #tpu.memory_space<vmem>> -> memref<80xi32, #tpu.memory_space<vmem>>
    %dma_start3A_37 = tpu.memref_slice %arg3[%add3A_28] : memref<640000xi32, #tpu.memory_space<hbm>> -> memref<80xi32, #tpu.memory_space<hbm>>
    tpu.enqueue_dma source(%dma_start3A_37 : memref<80xi32, #tpu.memory_space<hbm>>) target(%dma_start3A_36 : memref<80xi32, #tpu.memory_space<vmem>>) target_semaphore(%arg14 : memref<!tpu.dma_semaphore, #tpu.memory_space<semaphore_mem>>)
    %mul3A_38 = arith.constant 10000 : i32
    %mul3A_39 = arith.muli %add3A, %mul3A_38 : i32
    %add3A_40 = arith.constant 320000 : i32
    %add3A_41 = arith.addi %add3A_40, %mul3A_39 : i32
    %add3A_42 = arith.constant 160 : i32
    %add3A_43 = arith.addi %add3A_41, %add3A_42 : i32
    %dma_start3A_44 = arith.constant 2 : i32
    %dma_start3A_45 = arith.constant 0 : i32
    %dma_start3A_46 = tpu.memref_slice %arg8[%dma_start3A_44, %dma_start3A_45] : memref<3x80xi32, #tpu.memory_space<vmem>> -> memref<1x80xi32, #tpu.memory_space<vmem>>
    %dma_start3A_47 = tpu.memref_squeeze %dma_start3A_46 : memref<1x80xi32, #tpu.memory_space<vmem>> -> memref<80xi32, #tpu.memory_space<vmem>>
    %dma_start3A_48 = tpu.memref_slice %arg3[%add3A_43] : memref<640000xi32, #tpu.memory_space<hbm>> -> memref<80xi32, #tpu.memory_space<hbm>>
    %dma_start3A_49 = arith.constant 0 : i32
    %dma_start3A_50 = tpu.memref_slice %arg8[%dma_start3A_44, %dma_start3A_49] : memref<3x80xi32, #tpu.memory_space<vmem>> -> memref<1x80xi32, #tpu.memory_space<vmem>>
    %dma_start3A_51 = tpu.memref_squeeze %dma_start3A_50 : memref<1x80xi32, #tpu.memory_space<vmem>> -> memref<80xi32, #tpu.memory_space<vmem>>
    %dma_start3A_52 = tpu.memref_slice %arg3[%add3A_43] : memref<640000xi32, #tpu.memory_space<hbm>> -> memref<80xi32, #tpu.memory_space<hbm>>
    tpu.enqueue_dma source(%dma_start3A_52 : memref<80xi32, #tpu.memory_space<hbm>>) target(%dma_start3A_51 : memref<80xi32, #tpu.memory_space<vmem>>) target_semaphore(%arg15 : memref<!tpu.dma_semaphore, #tpu.memory_space<semaphore_mem>>)
    %dma_start3A_53 = arith.constant 0 : i32
    %dma_start3A_54 = arith.constant 0 : i32
    %dma_start3A_55 = arith.constant 0 : i32
    %dma_start3A_56 = tpu.memref_slice %arg7[%dma_start3A_53, %dma_start3A_54, %dma_start3A_55] : memref<3x80x128xf32, #tpu.memory_space<vmem>> -> memref<1x80x128xf32, #tpu.memory_space<vmem>>
    %dma_start3A_57 = tpu.memref_squeeze %dma_start3A_56 : memref<1x80x128xf32, #tpu.memory_space<vmem>> -> memref<80x128xf32, #tpu.memory_space<vmem>>
    %dma_start3A_58 = arith.constant 0 : i32
    %dma_start3A_59 = tpu.memref_slice %arg6[%dma_start3A_58] : memref<10000xi32, #tpu.memory_space<vmem>> -> memref<80xi32, #tpu.memory_space<vmem>>
    %dma_start3A_60 = arith.constant 0 : i32
    %dma_start3A_61 = arith.constant 0 : i32
    %dma_start3A_62 = tpu.memref_slice %arg2[%dma_start3A_60, %dma_start3A_61] : memref<10000x128xf32, #tpu.memory_space<hbm>> -> memref<10000x128xf32, #tpu.memory_space<hbm>>
    tpu.enqueue_indirect_dma source(%dma_start3A_62 : memref<10000x128xf32, #tpu.memory_space<hbm>>) target(%dma_start3A_57 : memref<80x128xf32, #tpu.memory_space<vmem>>) offsets(%dma_start3A_59 : memref<80xi32, #tpu.memory_space<vmem>>) semaphore(%arg10 : memref<!tpu.dma_semaphore, #tpu.memory_space<semaphore_mem>>)
    %dma_start3A_63 = arith.constant 1 : i32
    %dma_start3A_64 = arith.constant 0 : i32
    %dma_start3A_65 = arith.constant 0 : i32
    %dma_start3A_66 = tpu.memref_slice %arg7[%dma_start3A_63, %dma_start3A_64, %dma_start3A_65] : memref<3x80x128xf32, #tpu.memory_space<vmem>> -> memref<1x80x128xf32, #tpu.memory_space<vmem>>
    %dma_start3A_67 = tpu.memref_squeeze %dma_start3A_66 : memref<1x80x128xf32, #tpu.memory_space<vmem>> -> memref<80x128xf32, #tpu.memory_space<vmem>>
    %dma_start3A_68 = arith.constant 80 : i32
    %dma_start3A_69 = tpu.memref_slice %arg6[%dma_start3A_68] : memref<10000xi32, #tpu.memory_space<vmem>> -> memref<80xi32, #tpu.memory_space<vmem>>
    %dma_start3A_70 = arith.constant 0 : i32
    %dma_start3A_71 = arith.constant 0 : i32
    %dma_start3A_72 = tpu.memref_slice %arg2[%dma_start3A_70, %dma_start3A_71] : memref<10000x128xf32, #tpu.memory_space<hbm>> -> memref<10000x128xf32, #tpu.memory_space<hbm>>
    tpu.enqueue_indirect_dma source(%dma_start3A_72 : memref<10000x128xf32, #tpu.memory_space<hbm>>) target(%dma_start3A_67 : memref<80x128xf32, #tpu.memory_space<vmem>>) offsets(%dma_start3A_69 : memref<80xi32, #tpu.memory_space<vmem>>) semaphore(%arg11 : memref<!tpu.dma_semaphore, #tpu.memory_space<semaphore_mem>>)
    %lt3A_73 = arith.constant 15 : i32
    %lt3A_74 = arith.cmpi slt, %arg1, %lt3A_73 : i32
    %convert_element_type3A_75 = arith.extui %lt3A_74 : i1 to i32
    %cond3A_76 = arith.constant 0 : i32
    %cond3A_77 = arith.cmpi ne, %convert_element_type3A_75, %cond3A_76 : i32
    scf.if %cond3A_77 {
      %mul3A_151 = arith.constant 640 : i32
      %mul3A_152 = arith.muli %arg1, %mul3A_151 : i32
      %mul3A_153 = arith.constant 640 : i32
      %mul3A_154 = arith.muli %arg1, %mul3A_153 : i32
      %dma_wait3A_155 = arith.constant 0 : i32
      %dma_wait3A_156 = tpu.memref_slice %arg9[%mul3A_154, %dma_wait3A_155] : memref<10000x128xf32, #tpu.memory_space<vmem_shared>> -> memref<640x128xf32, #tpu.memory_space<vmem_shared>>
      %dma_wait3A_157 = arith.constant 0 : i32
      %dma_wait3A_158 = tpu.memref_slice %arg4[%mul3A_152, %dma_wait3A_157] : memref<10000x128xf32, #tpu.memory_space<hbm>> -> memref<640x128xf32, #tpu.memory_space<hbm>>
      tpu.wait_dma2 semaphore(%arg16 : memref<!tpu.dma_semaphore, #tpu.memory_space<semaphore_mem>>) src(%dma_wait3A_158 : memref<640x128xf32, #tpu.memory_space<hbm>>) dst(%dma_wait3A_156 : memref<640x128xf32, #tpu.memory_space<vmem_shared>>)
    } else {
    }
    %eq3A_78 = arith.constant 15 : i32
    %eq3A_79 = arith.cmpi eq, %arg1, %eq3A_78 : i32
    %convert_element_type3A_80 = arith.extui %eq3A_79 : i1 to i32
    %cond3A_81 = arith.constant 0 : i32
    %cond3A_82 = arith.cmpi ne, %convert_element_type3A_80, %cond3A_81 : i32
    scf.if %cond3A_82 {
      %dma_wait3A_151 = arith.constant 9600 : i32
      %dma_wait3A_152 = arith.constant 0 : i32
      %dma_wait3A_153 = tpu.memref_slice %arg9[%dma_wait3A_151, %dma_wait3A_152] : memref<10000x128xf32, #tpu.memory_space<vmem_shared>> -> memref<400x128xf32, #tpu.memory_space<vmem_shared>>
      %dma_wait3A_154 = arith.constant 9600 : i32
      %dma_wait3A_155 = arith.constant 0 : i32
      %dma_wait3A_156 = tpu.memref_slice %arg4[%dma_wait3A_154, %dma_wait3A_155] : memref<10000x128xf32, #tpu.memory_space<hbm>> -> memref<400x128xf32, #tpu.memory_space<hbm>>
      tpu.wait_dma2 semaphore(%arg16 : memref<!tpu.dma_semaphore, #tpu.memory_space<semaphore_mem>>) src(%dma_wait3A_156 : memref<400x128xf32, #tpu.memory_space<hbm>>) dst(%dma_wait3A_153 : memref<400x128xf32, #tpu.memory_space<vmem_shared>>)
    } else {
    }
    %barrier3A = arith.constant 0 : index
    tpu.barrier barrier_id(%barrier3A)
    %scan3A = arith.constant 0 : i32
    %scan3A_83 = arith.constant 0 : i32
    %scan3A_84 = arith.constant 41 : i32
    %scan3A_85 = arith.addi %scan3A_83, %scan3A_84 : i32
    %scan3A_86 = arith.constant 1 : i32
    scf.for %scan3A_151 = %scan3A_83 to %scan3A_85 step %scan3A_86  : i32 {
      %mul3A_152 = arith.constant 3 : i32
      %mul3A_153 = arith.muli %mul3A_152, %scan3A_151 : i32
      %add3A_154 = arith.constant 2 : i32
      %add3A_155 = arith.addi %mul3A_153, %add3A_154 : i32
      %mul3A_156 = arith.constant 80 : i32
      %mul3A_157 = arith.muli %add3A_155, %mul3A_156 : i32
      %dma_start3A_158 = arith.constant 2 : i32
      %dma_start3A_159 = arith.constant 0 : i32
      %dma_start3A_160 = arith.constant 0 : i32
      %dma_start3A_161 = tpu.memref_slice %arg7[%dma_start3A_158, %dma_start3A_159, %dma_start3A_160] : memref<3x80x128xf32, #tpu.memory_space<vmem>> -> memref<1x80x128xf32, #tpu.memory_space<vmem>>
      %dma_start3A_162 = tpu.memref_squeeze %dma_start3A_161 : memref<1x80x128xf32, #tpu.memory_space<vmem>> -> memref<80x128xf32, #tpu.memory_space<vmem>>
      %dma_start3A_163 = tpu.memref_slice %arg6[%mul3A_157] : memref<10000xi32, #tpu.memory_space<vmem>> -> memref<80xi32, #tpu.memory_space<vmem>>
      %dma_start3A_164 = arith.constant 0 : i32
      %dma_start3A_165 = arith.constant 0 : i32
      %dma_start3A_166 = tpu.memref_slice %arg2[%dma_start3A_164, %dma_start3A_165] : memref<10000x128xf32, #tpu.memory_space<hbm>> -> memref<10000x128xf32, #tpu.memory_space<hbm>>
      tpu.enqueue_indirect_dma source(%dma_start3A_166 : memref<10000x128xf32, #tpu.memory_space<hbm>>) target(%dma_start3A_162 : memref<80x128xf32, #tpu.memory_space<vmem>>) offsets(%dma_start3A_163 : memref<80xi32, #tpu.memory_space<vmem>>) semaphore(%arg12 : memref<!tpu.dma_semaphore, #tpu.memory_space<semaphore_mem>>)
      %mul3A_167 = arith.constant 80 : i32
      %mul3A_168 = arith.muli %mul3A_153, %mul3A_167 : i32
      %dma_wait3A_169 = arith.constant 0 : i32
      %dma_wait3A_170 = arith.constant 0 : i32
      %dma_wait3A_171 = arith.constant 0 : i32
      %dma_wait3A_172 = tpu.memref_slice %arg7[%dma_wait3A_169, %dma_wait3A_170, %dma_wait3A_171] : memref<3x80x128xf32, #tpu.memory_space<vmem>> -> memref<1x80x128xf32, #tpu.memory_space<vmem>>
      %dma_wait3A_173 = tpu.memref_squeeze %dma_wait3A_172 : memref<1x80x128xf32, #tpu.memory_space<vmem>> -> memref<80x128xf32, #tpu.memory_space<vmem>>
      %dma_wait3A_174 = tpu.memref_slice %arg6[%mul3A_168] : memref<10000xi32, #tpu.memory_space<vmem>> -> memref<80xi32, #tpu.memory_space<vmem>>
      %dma_wait3A_175 = arith.constant 0 : i32
      %dma_wait3A_176 = arith.constant 0 : i32
      %dma_wait3A_177 = tpu.memref_slice %arg2[%dma_wait3A_175, %dma_wait3A_176] : memref<10000x128xf32, #tpu.memory_space<hbm>> -> memref<10000x128xf32, #tpu.memory_space<hbm>>
      tpu.wait_indirect_dma semaphore(%arg10 : memref<!tpu.dma_semaphore, #tpu.memory_space<semaphore_mem>>) src(%dma_wait3A_177 : memref<10000x128xf32, #tpu.memory_space<hbm>>) dst(%dma_wait3A_173 : memref<80x128xf32, #tpu.memory_space<vmem>>)
      %mul3A_178 = arith.constant 10000 : i32
      %mul3A_179 = arith.muli %add3A, %mul3A_178 : i32
      %add3A_180 = arith.constant 320000 : i32
      %add3A_181 = arith.addi %add3A_180, %mul3A_179 : i32
      %mul3A_182 = arith.constant 80 : i32
      %mul3A_183 = arith.muli %mul3A_153, %mul3A_182 : i32
      %add3A_184 = arith.addi %add3A_181, %mul3A_183 : i32
      %dma_wait3A_185 = arith.constant 0 : i32
      %dma_wait3A_186 = arith.constant 0 : i32
      %dma_wait3A_187 = tpu.memref_slice %arg8[%dma_wait3A_185, %dma_wait3A_186] : memref<3x80xi32, #tpu.memory_space<vmem>> -> memref<1x80xi32, #tpu.memory_space<vmem>>
      %dma_wait3A_188 = tpu.memref_squeeze %dma_wait3A_187 : memref<1x80xi32, #tpu.memory_space<vmem>> -> memref<80xi32, #tpu.memory_space<vmem>>
      %dma_wait3A_189 = tpu.memref_slice %arg3[%add3A_184] : memref<640000xi32, #tpu.memory_space<hbm>> -> memref<80xi32, #tpu.memory_space<hbm>>
      %dma_wait3A_190 = arith.constant 0 : i32
      %dma_wait3A_191 = tpu.memref_slice %arg8[%dma_wait3A_185, %dma_wait3A_190] : memref<3x80xi32, #tpu.memory_space<vmem>> -> memref<1x80xi32, #tpu.memory_space<vmem>>
      %dma_wait3A_192 = tpu.memref_squeeze %dma_wait3A_191 : memref<1x80xi32, #tpu.memory_space<vmem>> -> memref<80xi32, #tpu.memory_space<vmem>>
      %dma_wait3A_193 = tpu.memref_slice %arg3[%add3A_184] : memref<640000xi32, #tpu.memory_space<hbm>> -> memref<80xi32, #tpu.memory_space<hbm>>
      tpu.wait_dma2 semaphore(%arg13 : memref<!tpu.dma_semaphore, #tpu.memory_space<semaphore_mem>>) src(%dma_wait3A_193 : memref<80xi32, #tpu.memory_space<hbm>>) dst(%dma_wait3A_192 : memref<80xi32, #tpu.memory_space<vmem>>)
      %run_scoped3A_194 = arith.constant 0 : i32
      %run_scoped3A_195 = arith.constant 0 : i32
      "tpu.region"() ({
        %run_scoped3A_305 = tpu.sem_alloc : memref<!tpu.dma_semaphore, #tpu.memory_space<semaphore_mem>>
        %dma_start3A_306 = arith.constant 0 : i32
        %dma_start3A_307 = arith.constant 0 : i32
        %dma_start3A_308 = tpu.memref_slice %arg7[%run_scoped3A_194, %dma_start3A_306, %dma_start3A_307] : memref<3x80x128xf32, #tpu.memory_space<vmem>> -> memref<1x80x128xf32, #tpu.memory_space<vmem>>
        %dma_start3A_309 = tpu.memref_squeeze %dma_start3A_308 : memref<1x80x128xf32, #tpu.memory_space<vmem>> -> memref<80x128xf32, #tpu.memory_space<vmem>>
        %dma_start3A_310 = arith.constant 0 : i32
        %dma_start3A_311 = tpu.memref_slice %arg8[%run_scoped3A_195, %dma_start3A_310] : memref<3x80xi32, #tpu.memory_space<vmem>> -> memref<1x80xi32, #tpu.memory_space<vmem>>
        %dma_start3A_312 = tpu.memref_squeeze %dma_start3A_311 : memref<1x80xi32, #tpu.memory_space<vmem>> -> memref<80xi32, #tpu.memory_space<vmem>>
        %dma_start3A_313 = arith.constant 0 : i32
        %dma_start3A_314 = arith.constant 0 : i32
        %dma_start3A_315 = tpu.memref_slice %arg9[%dma_start3A_313, %dma_start3A_314] : memref<10000x128xf32, #tpu.memory_space<vmem_shared>> -> memref<10000x128xf32, #tpu.memory_space<vmem_shared>>
        tpu.enqueue_indirect_dma source(%dma_start3A_309 : memref<80x128xf32, #tpu.memory_space<vmem>>) target(%dma_start3A_315 : memref<10000x128xf32, #tpu.memory_space<vmem_shared>>) offsets(%dma_start3A_312 : memref<80xi32, #tpu.memory_space<vmem>>) semaphore(%run_scoped3A_305 : memref<!tpu.dma_semaphore, #tpu.memory_space<semaphore_mem>>) {add = true}
        %dma_wait3A_316 = arith.constant 0 : i32
        %dma_wait3A_317 = arith.constant 0 : i32
        %dma_wait3A_318 = tpu.memref_slice %arg7[%run_scoped3A_194, %dma_wait3A_316, %dma_wait3A_317] : memref<3x80x128xf32, #tpu.memory_space<vmem>> -> memref<1x80x128xf32, #tpu.memory_space<vmem>>
        %dma_wait3A_319 = tpu.memref_squeeze %dma_wait3A_318 : memref<1x80x128xf32, #tpu.memory_space<vmem>> -> memref<80x128xf32, #tpu.memory_space<vmem>>
        %dma_wait3A_320 = arith.constant 0 : i32
        %dma_wait3A_321 = tpu.memref_slice %arg8[%run_scoped3A_195, %dma_wait3A_320] : memref<3x80xi32, #tpu.memory_space<vmem>> -> memref<1x80xi32, #tpu.memory_space<vmem>>
        %dma_wait3A_322 = tpu.memref_squeeze %dma_wait3A_321 : memref<1x80xi32, #tpu.memory_space<vmem>> -> memref<80xi32, #tpu.memory_space<vmem>>
        %dma_wait3A_323 = arith.constant 0 : i32
        %dma_wait3A_324 = arith.constant 0 : i32
        %dma_wait3A_325 = tpu.memref_slice %arg9[%dma_wait3A_323, %dma_wait3A_324] : memref<10000x128xf32, #tpu.memory_space<vmem_shared>> -> memref<10000x128xf32, #tpu.memory_space<vmem_shared>>
        tpu.wait_indirect_dma semaphore(%run_scoped3A_305 : memref<!tpu.dma_semaphore, #tpu.memory_space<semaphore_mem>>) src(%dma_wait3A_319 : memref<80x128xf32, #tpu.memory_space<vmem>>) dst(%dma_wait3A_325 : memref<10000x128xf32, #tpu.memory_space<vmem_shared>>)
        tpu.yield
      }) : () -> ()
      %add3A_196 = arith.constant 3 : i32
      %add3A_197 = arith.addi %mul3A_153, %add3A_196 : i32
      %lt3A_198 = arith.constant 125 : i32
      %lt3A_199 = arith.cmpi slt, %add3A_197, %lt3A_198 : i32
      %convert_element_type3A_200 = arith.extui %lt3A_199 : i1 to i32
      %cond3A_201 = arith.constant 0 : i32
      %cond3A_202 = arith.cmpi ne, %convert_element_type3A_200, %cond3A_201 : i32
      scf.if %cond3A_202 {
        %add3A_305 = arith.constant 3 : i32
        %add3A_306 = arith.addi %mul3A_153, %add3A_305 : i32
        %mul3A_307 = arith.constant 10000 : i32
        %mul3A_308 = arith.muli %add3A, %mul3A_307 : i32
        %add3A_309 = arith.constant 320000 : i32
        %add3A_310 = arith.addi %add3A_309, %mul3A_308 : i32
        %mul3A_311 = arith.constant 80 : i32
        %mul3A_312 = arith.muli %add3A_306, %mul3A_311 : i32
        %add3A_313 = arith.addi %add3A_310, %mul3A_312 : i32
        %dma_start3A_314 = arith.constant 0 : i32
        %dma_start3A_315 = arith.constant 0 : i32
        %dma_start3A_316 = tpu.memref_slice %arg8[%dma_start3A_314, %dma_start3A_315] : memref<3x80xi32, #tpu.memory_space<vmem>> -> memref<1x80xi32, #tpu.memory_space<vmem>>
        %dma_start3A_317 = tpu.memref_squeeze %dma_start3A_316 : memref<1x80xi32, #tpu.memory_space<vmem>> -> memref<80xi32, #tpu.memory_space<vmem>>
        %dma_start3A_318 = tpu.memref_slice %arg3[%add3A_313] : memref<640000xi32, #tpu.memory_space<hbm>> -> memref<80xi32, #tpu.memory_space<hbm>>
        %dma_start3A_319 = arith.constant 0 : i32
        %dma_start3A_320 = tpu.memref_slice %arg8[%dma_start3A_314, %dma_start3A_319] : memref<3x80xi32, #tpu.memory_space<vmem>> -> memref<1x80xi32, #tpu.memory_space<vmem>>
        %dma_start3A_321 = tpu.memref_squeeze %dma_start3A_320 : memref<1x80xi32, #tpu.memory_space<vmem>> -> memref<80xi32, #tpu.memory_space<vmem>>
        %dma_start3A_322 = tpu.memref_slice %arg3[%add3A_313] : memref<640000xi32, #tpu.memory_space<hbm>> -> memref<80xi32, #tpu.memory_space<hbm>>
        tpu.enqueue_dma source(%dma_start3A_322 : memref<80xi32, #tpu.memory_space<hbm>>) target(%dma_start3A_321 : memref<80xi32, #tpu.memory_space<vmem>>) target_semaphore(%arg13 : memref<!tpu.dma_semaphore, #tpu.memory_space<semaphore_mem>>)
      } else {
      }
      %add3A_203 = arith.constant 1 : i32
      %add3A_204 = arith.addi %mul3A_153, %add3A_203 : i32
      %add3A_205 = arith.constant 2 : i32
      %add3A_206 = arith.addi %add3A_204, %add3A_205 : i32
      %mul3A_207 = arith.constant 80 : i32
      %mul3A_208 = arith.muli %add3A_206, %mul3A_207 : i32
      %dma_start3A_209 = arith.constant 0 : i32
      %dma_start3A_210 = arith.constant 0 : i32
      %dma_start3A_211 = arith.constant 0 : i32
      %dma_start3A_212 = tpu.memref_slice %arg7[%dma_start3A_209, %dma_start3A_210, %dma_start3A_211] : memref<3x80x128xf32, #tpu.memory_space<vmem>> -> memref<1x80x128xf32, #tpu.memory_space<vmem>>
      %dma_start3A_213 = tpu.memref_squeeze %dma_start3A_212 : memref<1x80x128xf32, #tpu.memory_space<vmem>> -> memref<80x128xf32, #tpu.memory_space<vmem>>
      %dma_start3A_214 = tpu.memref_slice %arg6[%mul3A_208] : memref<10000xi32, #tpu.memory_space<vmem>> -> memref<80xi32, #tpu.memory_space<vmem>>
      %dma_start3A_215 = arith.constant 0 : i32
      %dma_start3A_216 = arith.constant 0 : i32
      %dma_start3A_217 = tpu.memref_slice %arg2[%dma_start3A_215, %dma_start3A_216] : memref<10000x128xf32, #tpu.memory_space<hbm>> -> memref<10000x128xf32, #tpu.memory_space<hbm>>
      tpu.enqueue_indirect_dma source(%dma_start3A_217 : memref<10000x128xf32, #tpu.memory_space<hbm>>) target(%dma_start3A_213 : memref<80x128xf32, #tpu.memory_space<vmem>>) offsets(%dma_start3A_214 : memref<80xi32, #tpu.memory_space<vmem>>) semaphore(%arg10 : memref<!tpu.dma_semaphore, #tpu.memory_space<semaphore_mem>>)
      %mul3A_218 = arith.constant 80 : i32
      %mul3A_219 = arith.muli %add3A_204, %mul3A_218 : i32
      %dma_wait3A_220 = arith.constant 1 : i32
      %dma_wait3A_221 = arith.constant 0 : i32
      %dma_wait3A_222 = arith.constant 0 : i32
      %dma_wait3A_223 = tpu.memref_slice %arg7[%dma_wait3A_220, %dma_wait3A_221, %dma_wait3A_222] : memref<3x80x128xf32, #tpu.memory_space<vmem>> -> memref<1x80x128xf32, #tpu.memory_space<vmem>>
      %dma_wait3A_224 = tpu.memref_squeeze %dma_wait3A_223 : memref<1x80x128xf32, #tpu.memory_space<vmem>> -> memref<80x128xf32, #tpu.memory_space<vmem>>
      %dma_wait3A_225 = tpu.memref_slice %arg6[%mul3A_219] : memref<10000xi32, #tpu.memory_space<vmem>> -> memref<80xi32, #tpu.memory_space<vmem>>
      %dma_wait3A_226 = arith.constant 0 : i32
      %dma_wait3A_227 = arith.constant 0 : i32
      %dma_wait3A_228 = tpu.memref_slice %arg2[%dma_wait3A_226, %dma_wait3A_227] : memref<10000x128xf32, #tpu.memory_space<hbm>> -> memref<10000x128xf32, #tpu.memory_space<hbm>>
      tpu.wait_indirect_dma semaphore(%arg11 : memref<!tpu.dma_semaphore, #tpu.memory_space<semaphore_mem>>) src(%dma_wait3A_228 : memref<10000x128xf32, #tpu.memory_space<hbm>>) dst(%dma_wait3A_224 : memref<80x128xf32, #tpu.memory_space<vmem>>)
      %mul3A_229 = arith.constant 10000 : i32
      %mul3A_230 = arith.muli %add3A, %mul3A_229 : i32
      %add3A_231 = arith.constant 320000 : i32
      %add3A_232 = arith.addi %add3A_231, %mul3A_230 : i32
      %mul3A_233 = arith.constant 80 : i32
      %mul3A_234 = arith.muli %add3A_204, %mul3A_233 : i32
      %add3A_235 = arith.addi %add3A_232, %mul3A_234 : i32
      %dma_wait3A_236 = arith.constant 1 : i32
      %dma_wait3A_237 = arith.constant 0 : i32
      %dma_wait3A_238 = tpu.memref_slice %arg8[%dma_wait3A_236, %dma_wait3A_237] : memref<3x80xi32, #tpu.memory_space<vmem>> -> memref<1x80xi32, #tpu.memory_space<vmem>>
      %dma_wait3A_239 = tpu.memref_squeeze %dma_wait3A_238 : memref<1x80xi32, #tpu.memory_space<vmem>> -> memref<80xi32, #tpu.memory_space<vmem>>
      %dma_wait3A_240 = tpu.memref_slice %arg3[%add3A_235] : memref<640000xi32, #tpu.memory_space<hbm>> -> memref<80xi32, #tpu.memory_space<hbm>>
      %dma_wait3A_241 = arith.constant 0 : i32
      %dma_wait3A_242 = tpu.memref_slice %arg8[%dma_wait3A_236, %dma_wait3A_241] : memref<3x80xi32, #tpu.memory_space<vmem>> -> memref<1x80xi32, #tpu.memory_space<vmem>>
      %dma_wait3A_243 = tpu.memref_squeeze %dma_wait3A_242 : memref<1x80xi32, #tpu.memory_space<vmem>> -> memref<80xi32, #tpu.memory_space<vmem>>
      %dma_wait3A_244 = tpu.memref_slice %arg3[%add3A_235] : memref<640000xi32, #tpu.memory_space<hbm>> -> memref<80xi32, #tpu.memory_space<hbm>>
      tpu.wait_dma2 semaphore(%arg14 : memref<!tpu.dma_semaphore, #tpu.memory_space<semaphore_mem>>) src(%dma_wait3A_244 : memref<80xi32, #tpu.memory_space<hbm>>) dst(%dma_wait3A_243 : memref<80xi32, #tpu.memory_space<vmem>>)
      %run_scoped3A_245 = arith.constant 1 : i32
      %run_scoped3A_246 = arith.constant 1 : i32
      "tpu.region"() ({
        %run_scoped3A_305 = tpu.sem_alloc : memref<!tpu.dma_semaphore, #tpu.memory_space<semaphore_mem>>
        %dma_start3A_306 = arith.constant 0 : i32
        %dma_start3A_307 = arith.constant 0 : i32
        %dma_start3A_308 = tpu.memref_slice %arg7[%run_scoped3A_245, %dma_start3A_306, %dma_start3A_307] : memref<3x80x128xf32, #tpu.memory_space<vmem>> -> memref<1x80x128xf32, #tpu.memory_space<vmem>>
        %dma_start3A_309 = tpu.memref_squeeze %dma_start3A_308 : memref<1x80x128xf32, #tpu.memory_space<vmem>> -> memref<80x128xf32, #tpu.memory_space<vmem>>
        %dma_start3A_310 = arith.constant 0 : i32
        %dma_start3A_311 = tpu.memref_slice %arg8[%run_scoped3A_246, %dma_start3A_310] : memref<3x80xi32, #tpu.memory_space<vmem>> -> memref<1x80xi32, #tpu.memory_space<vmem>>
        %dma_start3A_312 = tpu.memref_squeeze %dma_start3A_311 : memref<1x80xi32, #tpu.memory_space<vmem>> -> memref<80xi32, #tpu.memory_space<vmem>>
        %dma_start3A_313 = arith.constant 0 : i32
        %dma_start3A_314 = arith.constant 0 : i32
        %dma_start3A_315 = tpu.memref_slice %arg9[%dma_start3A_313, %dma_start3A_314] : memref<10000x128xf32, #tpu.memory_space<vmem_shared>> -> memref<10000x128xf32, #tpu.memory_space<vmem_shared>>
        tpu.enqueue_indirect_dma source(%dma_start3A_309 : memref<80x128xf32, #tpu.memory_space<vmem>>) target(%dma_start3A_315 : memref<10000x128xf32, #tpu.memory_space<vmem_shared>>) offsets(%dma_start3A_312 : memref<80xi32, #tpu.memory_space<vmem>>) semaphore(%run_scoped3A_305 : memref<!tpu.dma_semaphore, #tpu.memory_space<semaphore_mem>>) {add = true}
        %dma_wait3A_316 = arith.constant 0 : i32
        %dma_wait3A_317 = arith.constant 0 : i32
        %dma_wait3A_318 = tpu.memref_slice %arg7[%run_scoped3A_245, %dma_wait3A_316, %dma_wait3A_317] : memref<3x80x128xf32, #tpu.memory_space<vmem>> -> memref<1x80x128xf32, #tpu.memory_space<vmem>>
        %dma_wait3A_319 = tpu.memref_squeeze %dma_wait3A_318 : memref<1x80x128xf32, #tpu.memory_space<vmem>> -> memref<80x128xf32, #tpu.memory_space<vmem>>
        %dma_wait3A_320 = arith.constant 0 : i32
        %dma_wait3A_321 = tpu.memref_slice %arg8[%run_scoped3A_246, %dma_wait3A_320] : memref<3x80xi32, #tpu.memory_space<vmem>> -> memref<1x80xi32, #tpu.memory_space<vmem>>
        %dma_wait3A_322 = tpu.memref_squeeze %dma_wait3A_321 : memref<1x80xi32, #tpu.memory_space<vmem>> -> memref<80xi32, #tpu.memory_space<vmem>>
        %dma_wait3A_323 = arith.constant 0 : i32
        %dma_wait3A_324 = arith.constant 0 : i32
        %dma_wait3A_325 = tpu.memref_slice %arg9[%dma_wait3A_323, %dma_wait3A_324] : memref<10000x128xf32, #tpu.memory_space<vmem_shared>> -> memref<10000x128xf32, #tpu.memory_space<vmem_shared>>
        tpu.wait_indirect_dma semaphore(%run_scoped3A_305 : memref<!tpu.dma_semaphore, #tpu.memory_space<semaphore_mem>>) src(%dma_wait3A_319 : memref<80x128xf32, #tpu.memory_space<vmem>>) dst(%dma_wait3A_325 : memref<10000x128xf32, #tpu.memory_space<vmem_shared>>)
        tpu.yield
      }) : () -> ()
      %add3A_247 = arith.constant 3 : i32
      %add3A_248 = arith.addi %add3A_204, %add3A_247 : i32
      %lt3A_249 = arith.constant 125 : i32
      %lt3A_250 = arith.cmpi slt, %add3A_248, %lt3A_249 : i32
      %convert_element_type3A_251 = arith.extui %lt3A_250 : i1 to i32
      %cond3A_252 = arith.constant 0 : i32
      %cond3A_253 = arith.cmpi ne, %convert_element_type3A_251, %cond3A_252 : i32
      scf.if %cond3A_253 {
        %add3A_305 = arith.constant 3 : i32
        %add3A_306 = arith.addi %add3A_204, %add3A_305 : i32
        %mul3A_307 = arith.constant 10000 : i32
        %mul3A_308 = arith.muli %add3A, %mul3A_307 : i32
        %add3A_309 = arith.constant 320000 : i32
        %add3A_310 = arith.addi %add3A_309, %mul3A_308 : i32
        %mul3A_311 = arith.constant 80 : i32
        %mul3A_312 = arith.muli %add3A_306, %mul3A_311 : i32
        %add3A_313 = arith.addi %add3A_310, %mul3A_312 : i32
        %dma_start3A_314 = arith.constant 1 : i32
        %dma_start3A_315 = arith.constant 0 : i32
        %dma_start3A_316 = tpu.memref_slice %arg8[%dma_start3A_314, %dma_start3A_315] : memref<3x80xi32, #tpu.memory_space<vmem>> -> memref<1x80xi32, #tpu.memory_space<vmem>>
        %dma_start3A_317 = tpu.memref_squeeze %dma_start3A_316 : memref<1x80xi32, #tpu.memory_space<vmem>> -> memref<80xi32, #tpu.memory_space<vmem>>
        %dma_start3A_318 = tpu.memref_slice %arg3[%add3A_313] : memref<640000xi32, #tpu.memory_space<hbm>> -> memref<80xi32, #tpu.memory_space<hbm>>
        %dma_start3A_319 = arith.constant 0 : i32
        %dma_start3A_320 = tpu.memref_slice %arg8[%dma_start3A_314, %dma_start3A_319] : memref<3x80xi32, #tpu.memory_space<vmem>> -> memref<1x80xi32, #tpu.memory_space<vmem>>
        %dma_start3A_321 = tpu.memref_squeeze %dma_start3A_320 : memref<1x80xi32, #tpu.memory_space<vmem>> -> memref<80xi32, #tpu.memory_space<vmem>>
        %dma_start3A_322 = tpu.memref_slice %arg3[%add3A_313] : memref<640000xi32, #tpu.memory_space<hbm>> -> memref<80xi32, #tpu.memory_space<hbm>>
        tpu.enqueue_dma source(%dma_start3A_322 : memref<80xi32, #tpu.memory_space<hbm>>) target(%dma_start3A_321 : memref<80xi32, #tpu.memory_space<vmem>>) target_semaphore(%arg14 : memref<!tpu.dma_semaphore, #tpu.memory_space<semaphore_mem>>)
      } else {
      }
      %add3A_254 = arith.constant 2 : i32
      %add3A_255 = arith.addi %mul3A_153, %add3A_254 : i32
      %add3A_256 = arith.constant 2 : i32
      %add3A_257 = arith.addi %add3A_255, %add3A_256 : i32
      %mul3A_258 = arith.constant 80 : i32
      %mul3A_259 = arith.muli %add3A_257, %mul3A_258 : i32
      %dma_start3A_260 = arith.constant 1 : i32
      %dma_start3A_261 = arith.constant 0 : i32
      %dma_start3A_262 = arith.constant 0 : i32
      %dma_start3A_263 = tpu.memref_slice %arg7[%dma_start3A_260, %dma_start3A_261, %dma_start3A_262] : memref<3x80x128xf32, #tpu.memory_space<vmem>> -> memref<1x80x128xf32, #tpu.memory_space<vmem>>
      %dma_start3A_264 = tpu.memref_squeeze %dma_start3A_263 : memref<1x80x128xf32, #tpu.memory_space<vmem>> -> memref<80x128xf32, #tpu.memory_space<vmem>>
      %dma_start3A_265 = tpu.memref_slice %arg6[%mul3A_259] : memref<10000xi32, #tpu.memory_space<vmem>> -> memref<80xi32, #tpu.memory_space<vmem>>
      %dma_start3A_266 = arith.constant 0 : i32
      %dma_start3A_267 = arith.constant 0 : i32
      %dma_start3A_268 = tpu.memref_slice %arg2[%dma_start3A_266, %dma_start3A_267] : memref<10000x128xf32, #tpu.memory_space<hbm>> -> memref<10000x128xf32, #tpu.memory_space<hbm>>
      tpu.enqueue_indirect_dma source(%dma_start3A_268 : memref<10000x128xf32, #tpu.memory_space<hbm>>) target(%dma_start3A_264 : memref<80x128xf32, #tpu.memory_space<vmem>>) offsets(%dma_start3A_265 : memref<80xi32, #tpu.memory_space<vmem>>) semaphore(%arg11 : memref<!tpu.dma_semaphore, #tpu.memory_space<semaphore_mem>>)
      %mul3A_269 = arith.constant 80 : i32
      %mul3A_270 = arith.muli %add3A_255, %mul3A_269 : i32
      %dma_wait3A_271 = arith.constant 2 : i32
      %dma_wait3A_272 = arith.constant 0 : i32
      %dma_wait3A_273 = arith.constant 0 : i32
      %dma_wait3A_274 = tpu.memref_slice %arg7[%dma_wait3A_271, %dma_wait3A_272, %dma_wait3A_273] : memref<3x80x128xf32, #tpu.memory_space<vmem>> -> memref<1x80x128xf32, #tpu.memory_space<vmem>>
      %dma_wait3A_275 = tpu.memref_squeeze %dma_wait3A_274 : memref<1x80x128xf32, #tpu.memory_space<vmem>> -> memref<80x128xf32, #tpu.memory_space<vmem>>
      %dma_wait3A_276 = tpu.memref_slice %arg6[%mul3A_270] : memref<10000xi32, #tpu.memory_space<vmem>> -> memref<80xi32, #tpu.memory_space<vmem>>
      %dma_wait3A_277 = arith.constant 0 : i32
      %dma_wait3A_278 = arith.constant 0 : i32
      %dma_wait3A_279 = tpu.memref_slice %arg2[%dma_wait3A_277, %dma_wait3A_278] : memref<10000x128xf32, #tpu.memory_space<hbm>> -> memref<10000x128xf32, #tpu.memory_space<hbm>>
      tpu.wait_indirect_dma semaphore(%arg12 : memref<!tpu.dma_semaphore, #tpu.memory_space<semaphore_mem>>) src(%dma_wait3A_279 : memref<10000x128xf32, #tpu.memory_space<hbm>>) dst(%dma_wait3A_275 : memref<80x128xf32, #tpu.memory_space<vmem>>)
      %mul3A_280 = arith.constant 10000 : i32
      %mul3A_281 = arith.muli %add3A, %mul3A_280 : i32
      %add3A_282 = arith.constant 320000 : i32
      %add3A_283 = arith.addi %add3A_282, %mul3A_281 : i32
      %mul3A_284 = arith.constant 80 : i32
      %mul3A_285 = arith.muli %add3A_255, %mul3A_284 : i32
      %add3A_286 = arith.addi %add3A_283, %mul3A_285 : i32
      %dma_wait3A_287 = arith.constant 2 : i32
      %dma_wait3A_288 = arith.constant 0 : i32
      %dma_wait3A_289 = tpu.memref_slice %arg8[%dma_wait3A_287, %dma_wait3A_288] : memref<3x80xi32, #tpu.memory_space<vmem>> -> memref<1x80xi32, #tpu.memory_space<vmem>>
      %dma_wait3A_290 = tpu.memref_squeeze %dma_wait3A_289 : memref<1x80xi32, #tpu.memory_space<vmem>> -> memref<80xi32, #tpu.memory_space<vmem>>
      %dma_wait3A_291 = tpu.memref_slice %arg3[%add3A_286] : memref<640000xi32, #tpu.memory_space<hbm>> -> memref<80xi32, #tpu.memory_space<hbm>>
      %dma_wait3A_292 = arith.constant 0 : i32
      %dma_wait3A_293 = tpu.memref_slice %arg8[%dma_wait3A_287, %dma_wait3A_292] : memref<3x80xi32, #tpu.memory_space<vmem>> -> memref<1x80xi32, #tpu.memory_space<vmem>>
      %dma_wait3A_294 = tpu.memref_squeeze %dma_wait3A_293 : memref<1x80xi32, #tpu.memory_space<vmem>> -> memref<80xi32, #tpu.memory_space<vmem>>
      %dma_wait3A_295 = tpu.memref_slice %arg3[%add3A_286] : memref<640000xi32, #tpu.memory_space<hbm>> -> memref<80xi32, #tpu.memory_space<hbm>>
      tpu.wait_dma2 semaphore(%arg15 : memref<!tpu.dma_semaphore, #tpu.memory_space<semaphore_mem>>) src(%dma_wait3A_295 : memref<80xi32, #tpu.memory_space<hbm>>) dst(%dma_wait3A_294 : memref<80xi32, #tpu.memory_space<vmem>>)
      %run_scoped3A_296 = arith.constant 2 : i32
      %run_scoped3A_297 = arith.constant 2 : i32
      "tpu.region"() ({
        %run_scoped3A_305 = tpu.sem_alloc : memref<!tpu.dma_semaphore, #tpu.memory_space<semaphore_mem>>
        %dma_start3A_306 = arith.constant 0 : i32
        %dma_start3A_307 = arith.constant 0 : i32
        %dma_start3A_308 = tpu.memref_slice %arg7[%run_scoped3A_296, %dma_start3A_306, %dma_start3A_307] : memref<3x80x128xf32, #tpu.memory_space<vmem>> -> memref<1x80x128xf32, #tpu.memory_space<vmem>>
        %dma_start3A_309 = tpu.memref_squeeze %dma_start3A_308 : memref<1x80x128xf32, #tpu.memory_space<vmem>> -> memref<80x128xf32, #tpu.memory_space<vmem>>
        %dma_start3A_310 = arith.constant 0 : i32
        %dma_start3A_311 = tpu.memref_slice %arg8[%run_scoped3A_297, %dma_start3A_310] : memref<3x80xi32, #tpu.memory_space<vmem>> -> memref<1x80xi32, #tpu.memory_space<vmem>>
        %dma_start3A_312 = tpu.memref_squeeze %dma_start3A_311 : memref<1x80xi32, #tpu.memory_space<vmem>> -> memref<80xi32, #tpu.memory_space<vmem>>
        %dma_start3A_313 = arith.constant 0 : i32
        %dma_start3A_314 = arith.constant 0 : i32
        %dma_start3A_315 = tpu.memref_slice %arg9[%dma_start3A_313, %dma_start3A_314] : memref<10000x128xf32, #tpu.memory_space<vmem_shared>> -> memref<10000x128xf32, #tpu.memory_space<vmem_shared>>
        tpu.enqueue_indirect_dma source(%dma_start3A_309 : memref<80x128xf32, #tpu.memory_space<vmem>>) target(%dma_start3A_315 : memref<10000x128xf32, #tpu.memory_space<vmem_shared>>) offsets(%dma_start3A_312 : memref<80xi32, #tpu.memory_space<vmem>>) semaphore(%run_scoped3A_305 : memref<!tpu.dma_semaphore, #tpu.memory_space<semaphore_mem>>) {add = true}
        %dma_wait3A_316 = arith.constant 0 : i32
        %dma_wait3A_317 = arith.constant 0 : i32
        %dma_wait3A_318 = tpu.memref_slice %arg7[%run_scoped3A_296, %dma_wait3A_316, %dma_wait3A_317] : memref<3x80x128xf32, #tpu.memory_space<vmem>> -> memref<1x80x128xf32, #tpu.memory_space<vmem>>
        %dma_wait3A_319 = tpu.memref_squeeze %dma_wait3A_318 : memref<1x80x128xf32, #tpu.memory_space<vmem>> -> memref<80x128xf32, #tpu.memory_space<vmem>>
        %dma_wait3A_320 = arith.constant 0 : i32
        %dma_wait3A_321 = tpu.memref_slice %arg8[%run_scoped3A_297, %dma_wait3A_320] : memref<3x80xi32, #tpu.memory_space<vmem>> -> memref<1x80xi32, #tpu.memory_space<vmem>>
        %dma_wait3A_322 = tpu.memref_squeeze %dma_wait3A_321 : memref<1x80xi32, #tpu.memory_space<vmem>> -> memref<80xi32, #tpu.memory_space<vmem>>
        %dma_wait3A_323 = arith.constant 0 : i32
        %dma_wait3A_324 = arith.constant 0 : i32
        %dma_wait3A_325 = tpu.memref_slice %arg9[%dma_wait3A_323, %dma_wait3A_324] : memref<10000x128xf32, #tpu.memory_space<vmem_shared>> -> memref<10000x128xf32, #tpu.memory_space<vmem_shared>>
        tpu.wait_indirect_dma semaphore(%run_scoped3A_305 : memref<!tpu.dma_semaphore, #tpu.memory_space<semaphore_mem>>) src(%dma_wait3A_319 : memref<80x128xf32, #tpu.memory_space<vmem>>) dst(%dma_wait3A_325 : memref<10000x128xf32, #tpu.memory_space<vmem_shared>>)
        tpu.yield
      }) : () -> ()
      %add3A_298 = arith.constant 3 : i32
      %add3A_299 = arith.addi %add3A_255, %add3A_298 : i32
      %lt3A_300 = arith.constant 125 : i32
      %lt3A_301 = arith.cmpi slt, %add3A_299, %lt3A_300 : i32
      %convert_element_type3A_302 = arith.extui %lt3A_301 : i1 to i32
      %cond3A_303 = arith.constant 0 : i32
      %cond3A_304 = arith.cmpi ne, %convert_element_type3A_302, %cond3A_303 : i32
      scf.if %cond3A_304 {
        %add3A_305 = arith.constant 3 : i32
        %add3A_306 = arith.addi %add3A_255, %add3A_305 : i32
        %mul3A_307 = arith.constant 10000 : i32
        %mul3A_308 = arith.muli %add3A, %mul3A_307 : i32
        %add3A_309 = arith.constant 320000 : i32
        %add3A_310 = arith.addi %add3A_309, %mul3A_308 : i32
        %mul3A_311 = arith.constant 80 : i32
        %mul3A_312 = arith.muli %add3A_306, %mul3A_311 : i32
        %add3A_313 = arith.addi %add3A_310, %mul3A_312 : i32
        %dma_start3A_314 = arith.constant 2 : i32
        %dma_start3A_315 = arith.constant 0 : i32
        %dma_start3A_316 = tpu.memref_slice %arg8[%dma_start3A_314, %dma_start3A_315] : memref<3x80xi32, #tpu.memory_space<vmem>> -> memref<1x80xi32, #tpu.memory_space<vmem>>
        %dma_start3A_317 = tpu.memref_squeeze %dma_start3A_316 : memref<1x80xi32, #tpu.memory_space<vmem>> -> memref<80xi32, #tpu.memory_space<vmem>>
        %dma_start3A_318 = tpu.memref_slice %arg3[%add3A_313] : memref<640000xi32, #tpu.memory_space<hbm>> -> memref<80xi32, #tpu.memory_space<hbm>>
        %dma_start3A_319 = arith.constant 0 : i32
        %dma_start3A_320 = tpu.memref_slice %arg8[%dma_start3A_314, %dma_start3A_319] : memref<3x80xi32, #tpu.memory_space<vmem>> -> memref<1x80xi32, #tpu.memory_space<vmem>>
        %dma_start3A_321 = tpu.memref_squeeze %dma_start3A_320 : memref<1x80xi32, #tpu.memory_space<vmem>> -> memref<80xi32, #tpu.memory_space<vmem>>
        %dma_start3A_322 = tpu.memref_slice %arg3[%add3A_313] : memref<640000xi32, #tpu.memory_space<hbm>> -> memref<80xi32, #tpu.memory_space<hbm>>
        tpu.enqueue_dma source(%dma_start3A_322 : memref<80xi32, #tpu.memory_space<hbm>>) target(%dma_start3A_321 : memref<80xi32, #tpu.memory_space<vmem>>) target_semaphore(%arg15 : memref<!tpu.dma_semaphore, #tpu.memory_space<semaphore_mem>>)
      } else {
      }
    }
    %scan3A_87 = arith.constant 41 : i32
    %dma_wait3A = arith.constant 0 : i32
    %dma_wait3A_88 = arith.constant 0 : i32
    %dma_wait3A_89 = arith.constant 0 : i32
    %dma_wait3A_90 = tpu.memref_slice %arg7[%dma_wait3A, %dma_wait3A_88, %dma_wait3A_89] : memref<3x80x128xf32, #tpu.memory_space<vmem>> -> memref<1x80x128xf32, #tpu.memory_space<vmem>>
    %dma_wait3A_91 = tpu.memref_squeeze %dma_wait3A_90 : memref<1x80x128xf32, #tpu.memory_space<vmem>> -> memref<80x128xf32, #tpu.memory_space<vmem>>
    %dma_wait3A_92 = arith.constant 9840 : i32
    %dma_wait3A_93 = tpu.memref_slice %arg6[%dma_wait3A_92] : memref<10000xi32, #tpu.memory_space<vmem>> -> memref<80xi32, #tpu.memory_space<vmem>>
    %dma_wait3A_94 = arith.constant 0 : i32
    %dma_wait3A_95 = arith.constant 0 : i32
    %dma_wait3A_96 = tpu.memref_slice %arg2[%dma_wait3A_94, %dma_wait3A_95] : memref<10000x128xf32, #tpu.memory_space<hbm>> -> memref<10000x128xf32, #tpu.memory_space<hbm>>
    tpu.wait_indirect_dma semaphore(%arg10 : memref<!tpu.dma_semaphore, #tpu.memory_space<semaphore_mem>>) src(%dma_wait3A_96 : memref<10000x128xf32, #tpu.memory_space<hbm>>) dst(%dma_wait3A_91 : memref<80x128xf32, #tpu.memory_space<vmem>>)
    %mul3A_97 = arith.constant 10000 : i32
    %mul3A_98 = arith.muli %add3A, %mul3A_97 : i32
    %add3A_99 = arith.constant 320000 : i32
    %add3A_100 = arith.addi %add3A_99, %mul3A_98 : i32
    %add3A_101 = arith.constant 9840 : i32
    %add3A_102 = arith.addi %add3A_100, %add3A_101 : i32
    %dma_wait3A_103 = arith.constant 0 : i32
    %dma_wait3A_104 = arith.constant 0 : i32
    %dma_wait3A_105 = tpu.memref_slice %arg8[%dma_wait3A_103, %dma_wait3A_104] : memref<3x80xi32, #tpu.memory_space<vmem>> -> memref<1x80xi32, #tpu.memory_space<vmem>>
    %dma_wait3A_106 = tpu.memref_squeeze %dma_wait3A_105 : memref<1x80xi32, #tpu.memory_space<vmem>> -> memref<80xi32, #tpu.memory_space<vmem>>
    %dma_wait3A_107 = tpu.memref_slice %arg3[%add3A_102] : memref<640000xi32, #tpu.memory_space<hbm>> -> memref<80xi32, #tpu.memory_space<hbm>>
    %dma_wait3A_108 = arith.constant 0 : i32
    %dma_wait3A_109 = tpu.memref_slice %arg8[%dma_wait3A_103, %dma_wait3A_108] : memref<3x80xi32, #tpu.memory_space<vmem>> -> memref<1x80xi32, #tpu.memory_space<vmem>>
    %dma_wait3A_110 = tpu.memref_squeeze %dma_wait3A_109 : memref<1x80xi32, #tpu.memory_space<vmem>> -> memref<80xi32, #tpu.memory_space<vmem>>
    %dma_wait3A_111 = tpu.memref_slice %arg3[%add3A_102] : memref<640000xi32, #tpu.memory_space<hbm>> -> memref<80xi32, #tpu.memory_space<hbm>>
    tpu.wait_dma2 semaphore(%arg13 : memref<!tpu.dma_semaphore, #tpu.memory_space<semaphore_mem>>) src(%dma_wait3A_111 : memref<80xi32, #tpu.memory_space<hbm>>) dst(%dma_wait3A_110 : memref<80xi32, #tpu.memory_space<vmem>>)
    %run_scoped3A = arith.constant 0 : i32
    %run_scoped3A_112 = arith.constant 0 : i32
    "tpu.region"() ({
      %run_scoped3A_151 = tpu.sem_alloc : memref<!tpu.dma_semaphore, #tpu.memory_space<semaphore_mem>>
      %dma_start3A_152 = arith.constant 0 : i32
      %dma_start3A_153 = arith.constant 0 : i32
      %dma_start3A_154 = tpu.memref_slice %arg7[%run_scoped3A, %dma_start3A_152, %dma_start3A_153] : memref<3x80x128xf32, #tpu.memory_space<vmem>> -> memref<1x80x128xf32, #tpu.memory_space<vmem>>
      %dma_start3A_155 = tpu.memref_squeeze %dma_start3A_154 : memref<1x80x128xf32, #tpu.memory_space<vmem>> -> memref<80x128xf32, #tpu.memory_space<vmem>>
      %dma_start3A_156 = arith.constant 0 : i32
      %dma_start3A_157 = tpu.memref_slice %arg8[%run_scoped3A_112, %dma_start3A_156] : memref<3x80xi32, #tpu.memory_space<vmem>> -> memref<1x80xi32, #tpu.memory_space<vmem>>
      %dma_start3A_158 = tpu.memref_squeeze %dma_start3A_157 : memref<1x80xi32, #tpu.memory_space<vmem>> -> memref<80xi32, #tpu.memory_space<vmem>>
      %dma_start3A_159 = arith.constant 0 : i32
      %dma_start3A_160 = arith.constant 0 : i32
      %dma_start3A_161 = tpu.memref_slice %arg9[%dma_start3A_159, %dma_start3A_160] : memref<10000x128xf32, #tpu.memory_space<vmem_shared>> -> memref<10000x128xf32, #tpu.memory_space<vmem_shared>>
      tpu.enqueue_indirect_dma source(%dma_start3A_155 : memref<80x128xf32, #tpu.memory_space<vmem>>) target(%dma_start3A_161 : memref<10000x128xf32, #tpu.memory_space<vmem_shared>>) offsets(%dma_start3A_158 : memref<80xi32, #tpu.memory_space<vmem>>) semaphore(%run_scoped3A_151 : memref<!tpu.dma_semaphore, #tpu.memory_space<semaphore_mem>>) {add = true}
      %dma_wait3A_162 = arith.constant 0 : i32
      %dma_wait3A_163 = arith.constant 0 : i32
      %dma_wait3A_164 = tpu.memref_slice %arg7[%run_scoped3A, %dma_wait3A_162, %dma_wait3A_163] : memref<3x80x128xf32, #tpu.memory_space<vmem>> -> memref<1x80x128xf32, #tpu.memory_space<vmem>>
      %dma_wait3A_165 = tpu.memref_squeeze %dma_wait3A_164 : memref<1x80x128xf32, #tpu.memory_space<vmem>> -> memref<80x128xf32, #tpu.memory_space<vmem>>
      %dma_wait3A_166 = arith.constant 0 : i32
      %dma_wait3A_167 = tpu.memref_slice %arg8[%run_scoped3A_112, %dma_wait3A_166] : memref<3x80xi32, #tpu.memory_space<vmem>> -> memref<1x80xi32, #tpu.memory_space<vmem>>
      %dma_wait3A_168 = tpu.memref_squeeze %dma_wait3A_167 : memref<1x80xi32, #tpu.memory_space<vmem>> -> memref<80xi32, #tpu.memory_space<vmem>>
      %dma_wait3A_169 = arith.constant 0 : i32
      %dma_wait3A_170 = arith.constant 0 : i32
      %dma_wait3A_171 = tpu.memref_slice %arg9[%dma_wait3A_169, %dma_wait3A_170] : memref<10000x128xf32, #tpu.memory_space<vmem_shared>> -> memref<10000x128xf32, #tpu.memory_space<vmem_shared>>
      tpu.wait_indirect_dma semaphore(%run_scoped3A_151 : memref<!tpu.dma_semaphore, #tpu.memory_space<semaphore_mem>>) src(%dma_wait3A_165 : memref<80x128xf32, #tpu.memory_space<vmem>>) dst(%dma_wait3A_171 : memref<10000x128xf32, #tpu.memory_space<vmem_shared>>)
      tpu.yield
    }) : () -> ()
    %dma_wait3A_113 = arith.constant 1 : i32
    %dma_wait3A_114 = arith.constant 0 : i32
    %dma_wait3A_115 = arith.constant 0 : i32
    %dma_wait3A_116 = tpu.memref_slice %arg7[%dma_wait3A_113, %dma_wait3A_114, %dma_wait3A_115] : memref<3x80x128xf32, #tpu.memory_space<vmem>> -> memref<1x80x128xf32, #tpu.memory_space<vmem>>
    %dma_wait3A_117 = tpu.memref_squeeze %dma_wait3A_116 : memref<1x80x128xf32, #tpu.memory_space<vmem>> -> memref<80x128xf32, #tpu.memory_space<vmem>>
    %dma_wait3A_118 = arith.constant 9920 : i32
    %dma_wait3A_119 = tpu.memref_slice %arg6[%dma_wait3A_118] : memref<10000xi32, #tpu.memory_space<vmem>> -> memref<80xi32, #tpu.memory_space<vmem>>
    %dma_wait3A_120 = arith.constant 0 : i32
    %dma_wait3A_121 = arith.constant 0 : i32
    %dma_wait3A_122 = tpu.memref_slice %arg2[%dma_wait3A_120, %dma_wait3A_121] : memref<10000x128xf32, #tpu.memory_space<hbm>> -> memref<10000x128xf32, #tpu.memory_space<hbm>>
    tpu.wait_indirect_dma semaphore(%arg11 : memref<!tpu.dma_semaphore, #tpu.memory_space<semaphore_mem>>) src(%dma_wait3A_122 : memref<10000x128xf32, #tpu.memory_space<hbm>>) dst(%dma_wait3A_117 : memref<80x128xf32, #tpu.memory_space<vmem>>)
    %mul3A_123 = arith.constant 10000 : i32
    %mul3A_124 = arith.muli %add3A, %mul3A_123 : i32
    %add3A_125 = arith.constant 320000 : i32
    %add3A_126 = arith.addi %add3A_125, %mul3A_124 : i32
    %add3A_127 = arith.constant 9920 : i32
    %add3A_128 = arith.addi %add3A_126, %add3A_127 : i32
    %dma_wait3A_129 = arith.constant 1 : i32
    %dma_wait3A_130 = arith.constant 0 : i32
    %dma_wait3A_131 = tpu.memref_slice %arg8[%dma_wait3A_129, %dma_wait3A_130] : memref<3x80xi32, #tpu.memory_space<vmem>> -> memref<1x80xi32, #tpu.memory_space<vmem>>
    %dma_wait3A_132 = tpu.memref_squeeze %dma_wait3A_131 : memref<1x80xi32, #tpu.memory_space<vmem>> -> memref<80xi32, #tpu.memory_space<vmem>>
    %dma_wait3A_133 = tpu.memref_slice %arg3[%add3A_128] : memref<640000xi32, #tpu.memory_space<hbm>> -> memref<80xi32, #tpu.memory_space<hbm>>
    %dma_wait3A_134 = arith.constant 0 : i32
    %dma_wait3A_135 = tpu.memref_slice %arg8[%dma_wait3A_129, %dma_wait3A_134] : memref<3x80xi32, #tpu.memory_space<vmem>> -> memref<1x80xi32, #tpu.memory_space<vmem>>
    %dma_wait3A_136 = tpu.memref_squeeze %dma_wait3A_135 : memref<1x80xi32, #tpu.memory_space<vmem>> -> memref<80xi32, #tpu.memory_space<vmem>>
    %dma_wait3A_137 = tpu.memref_slice %arg3[%add3A_128] : memref<640000xi32, #tpu.memory_space<hbm>> -> memref<80xi32, #tpu.memory_space<hbm>>
    tpu.wait_dma2 semaphore(%arg14 : memref<!tpu.dma_semaphore, #tpu.memory_space<semaphore_mem>>) src(%dma_wait3A_137 : memref<80xi32, #tpu.memory_space<hbm>>) dst(%dma_wait3A_136 : memref<80xi32, #tpu.memory_space<vmem>>)
    %run_scoped3A_138 = arith.constant 1 : i32
    %run_scoped3A_139 = arith.constant 1 : i32
    "tpu.region"() ({
      %run_scoped3A_151 = tpu.sem_alloc : memref<!tpu.dma_semaphore, #tpu.memory_space<semaphore_mem>>
      %dma_start3A_152 = arith.constant 0 : i32
      %dma_start3A_153 = arith.constant 0 : i32
      %dma_start3A_154 = tpu.memref_slice %arg7[%run_scoped3A_138, %dma_start3A_152, %dma_start3A_153] : memref<3x80x128xf32, #tpu.memory_space<vmem>> -> memref<1x80x128xf32, #tpu.memory_space<vmem>>
      %dma_start3A_155 = tpu.memref_squeeze %dma_start3A_154 : memref<1x80x128xf32, #tpu.memory_space<vmem>> -> memref<80x128xf32, #tpu.memory_space<vmem>>
      %dma_start3A_156 = arith.constant 0 : i32
      %dma_start3A_157 = tpu.memref_slice %arg8[%run_scoped3A_139, %dma_start3A_156] : memref<3x80xi32, #tpu.memory_space<vmem>> -> memref<1x80xi32, #tpu.memory_space<vmem>>
      %dma_start3A_158 = tpu.memref_squeeze %dma_start3A_157 : memref<1x80xi32, #tpu.memory_space<vmem>> -> memref<80xi32, #tpu.memory_space<vmem>>
      %dma_start3A_159 = arith.constant 0 : i32
      %dma_start3A_160 = arith.constant 0 : i32
      %dma_start3A_161 = tpu.memref_slice %arg9[%dma_start3A_159, %dma_start3A_160] : memref<10000x128xf32, #tpu.memory_space<vmem_shared>> -> memref<10000x128xf32, #tpu.memory_space<vmem_shared>>
      tpu.enqueue_indirect_dma source(%dma_start3A_155 : memref<80x128xf32, #tpu.memory_space<vmem>>) target(%dma_start3A_161 : memref<10000x128xf32, #tpu.memory_space<vmem_shared>>) offsets(%dma_start3A_158 : memref<80xi32, #tpu.memory_space<vmem>>) semaphore(%run_scoped3A_151 : memref<!tpu.dma_semaphore, #tpu.memory_space<semaphore_mem>>) {add = true}
      %dma_wait3A_162 = arith.constant 0 : i32
      %dma_wait3A_163 = arith.constant 0 : i32
      %dma_wait3A_164 = tpu.memref_slice %arg7[%run_scoped3A_138, %dma_wait3A_162, %dma_wait3A_163] : memref<3x80x128xf32, #tpu.memory_space<vmem>> -> memref<1x80x128xf32, #tpu.memory_space<vmem>>
      %dma_wait3A_165 = tpu.memref_squeeze %dma_wait3A_164 : memref<1x80x128xf32, #tpu.memory_space<vmem>> -> memref<80x128xf32, #tpu.memory_space<vmem>>
      %dma_wait3A_166 = arith.constant 0 : i32
      %dma_wait3A_167 = tpu.memref_slice %arg8[%run_scoped3A_139, %dma_wait3A_166] : memref<3x80xi32, #tpu.memory_space<vmem>> -> memref<1x80xi32, #tpu.memory_space<vmem>>
      %dma_wait3A_168 = tpu.memref_squeeze %dma_wait3A_167 : memref<1x80xi32, #tpu.memory_space<vmem>> -> memref<80xi32, #tpu.memory_space<vmem>>
      %dma_wait3A_169 = arith.constant 0 : i32
      %dma_wait3A_170 = arith.constant 0 : i32
      %dma_wait3A_171 = tpu.memref_slice %arg9[%dma_wait3A_169, %dma_wait3A_170] : memref<10000x128xf32, #tpu.memory_space<vmem_shared>> -> memref<10000x128xf32, #tpu.memory_space<vmem_shared>>
      tpu.wait_indirect_dma semaphore(%run_scoped3A_151 : memref<!tpu.dma_semaphore, #tpu.memory_space<semaphore_mem>>) src(%dma_wait3A_165 : memref<80x128xf32, #tpu.memory_space<vmem>>) dst(%dma_wait3A_171 : memref<10000x128xf32, #tpu.memory_space<vmem_shared>>)
      tpu.yield
    }) : () -> ()
    %barrier3A_140 = arith.constant 0 : index
    tpu.barrier barrier_id(%barrier3A_140)
    %lt3A_141 = arith.constant 15 : i32
    %lt3A_142 = arith.cmpi slt, %arg1, %lt3A_141 : i32
    %convert_element_type3A_143 = arith.extui %lt3A_142 : i1 to i32
    %cond3A_144 = arith.constant 0 : i32
    %cond3A_145 = arith.cmpi ne, %convert_element_type3A_143, %cond3A_144 : i32
    scf.if %cond3A_145 {
      %mul3A_151 = arith.constant 640 : i32
      %mul3A_152 = arith.muli %arg1, %mul3A_151 : i32
      %mul3A_153 = arith.constant 640 : i32
      %mul3A_154 = arith.muli %arg1, %mul3A_153 : i32
      "tpu.region"() ({
        %run_scoped3A_155 = tpu.sem_alloc : memref<!tpu.dma_semaphore, #tpu.memory_space<semaphore_mem>>
        %dma_start3A_156 = arith.constant 0 : i32
        %dma_start3A_157 = tpu.memref_slice %arg5[%arg0, %mul3A_154, %dma_start3A_156] : memref<2x10000x128xf32, #tpu.memory_space<hbm>> -> memref<1x640x128xf32, #tpu.memory_space<hbm>>
        %dma_start3A_158 = tpu.memref_squeeze %dma_start3A_157 : memref<1x640x128xf32, #tpu.memory_space<hbm>> -> memref<640x128xf32, #tpu.memory_space<hbm>>
        %dma_start3A_159 = arith.constant 0 : i32
        %dma_start3A_160 = tpu.memref_slice %arg9[%mul3A_152, %dma_start3A_159] : memref<10000x128xf32, #tpu.memory_space<vmem_shared>> -> memref<640x128xf32, #tpu.memory_space<vmem_shared>>
        tpu.enqueue_dma source(%dma_start3A_160 : memref<640x128xf32, #tpu.memory_space<vmem_shared>>) target(%dma_start3A_158 : memref<640x128xf32, #tpu.memory_space<hbm>>) target_semaphore(%run_scoped3A_155 : memref<!tpu.dma_semaphore, #tpu.memory_space<semaphore_mem>>)
        %dma_wait3A_161 = arith.constant 0 : i32
        %dma_wait3A_162 = tpu.memref_slice %arg5[%arg0, %mul3A_154, %dma_wait3A_161] : memref<2x10000x128xf32, #tpu.memory_space<hbm>> -> memref<1x640x128xf32, #tpu.memory_space<hbm>>
        %dma_wait3A_163 = tpu.memref_squeeze %dma_wait3A_162 : memref<1x640x128xf32, #tpu.memory_space<hbm>> -> memref<640x128xf32, #tpu.memory_space<hbm>>
        %dma_wait3A_164 = arith.constant 0 : i32
        %dma_wait3A_165 = tpu.memref_slice %arg9[%mul3A_152, %dma_wait3A_164] : memref<10000x128xf32, #tpu.memory_space<vmem_shared>> -> memref<640x128xf32, #tpu.memory_space<vmem_shared>>
        tpu.wait_dma2 semaphore(%run_scoped3A_155 : memref<!tpu.dma_semaphore, #tpu.memory_space<semaphore_mem>>) src(%dma_wait3A_165 : memref<640x128xf32, #tpu.memory_space<vmem_shared>>) dst(%dma_wait3A_163 : memref<640x128xf32, #tpu.memory_space<hbm>>)
        tpu.yield
      }) : () -> ()
    } else {
    }
    %eq3A_146 = arith.constant 15 : i32
    %eq3A_147 = arith.cmpi eq, %arg1, %eq3A_146 : i32
    %convert_element_type3A_148 = arith.extui %eq3A_147 : i1 to i32
    %cond3A_149 = arith.constant 0 : i32
    %cond3A_150 = arith.cmpi ne, %convert_element_type3A_148, %cond3A_149 : i32
    scf.if %cond3A_150 {
      "tpu.region"() ({
        %run_scoped3A_151 = tpu.sem_alloc : memref<!tpu.dma_semaphore, #tpu.memory_space<semaphore_mem>>
        %dma_start3A_152 = arith.constant 9600 : i32
        %dma_start3A_153 = arith.constant 0 : i32
        %dma_start3A_154 = tpu.memref_slice %arg5[%arg0, %dma_start3A_152, %dma_start3A_153] : memref<2x10000x128xf32, #tpu.memory_space<hbm>> -> memref<1x400x128xf32, #tpu.memory_space<hbm>>
        %dma_start3A_155 = tpu.memref_squeeze %dma_start3A_154 : memref<1x400x128xf32, #tpu.memory_space<hbm>> -> memref<400x128xf32, #tpu.memory_space<hbm>>
        %dma_start3A_156 = arith.constant 9600 : i32
        %dma_start3A_157 = arith.constant 0 : i32
        %dma_start3A_158 = tpu.memref_slice %arg9[%dma_start3A_156, %dma_start3A_157] : memref<10000x128xf32, #tpu.memory_space<vmem_shared>> -> memref<400x128xf32, #tpu.memory_space<vmem_shared>>
        tpu.enqueue_dma source(%dma_start3A_158 : memref<400x128xf32, #tpu.memory_space<vmem_shared>>) target(%dma_start3A_155 : memref<400x128xf32, #tpu.memory_space<hbm>>) target_semaphore(%run_scoped3A_151 : memref<!tpu.dma_semaphore, #tpu.memory_space<semaphore_mem>>)
        %dma_wait3A_159 = arith.constant 9600 : i32
        %dma_wait3A_160 = arith.constant 0 : i32
        %dma_wait3A_161 = tpu.memref_slice %arg5[%arg0, %dma_wait3A_159, %dma_wait3A_160] : memref<2x10000x128xf32, #tpu.memory_space<hbm>> -> memref<1x400x128xf32, #tpu.memory_space<hbm>>
        %dma_wait3A_162 = tpu.memref_squeeze %dma_wait3A_161 : memref<1x400x128xf32, #tpu.memory_space<hbm>> -> memref<400x128xf32, #tpu.memory_space<hbm>>
        %dma_wait3A_163 = arith.constant 9600 : i32
        %dma_wait3A_164 = arith.constant 0 : i32
        %dma_wait3A_165 = tpu.memref_slice %arg9[%dma_wait3A_163, %dma_wait3A_164] : memref<10000x128xf32, #tpu.memory_space<vmem_shared>> -> memref<400x128xf32, #tpu.memory_space<vmem_shared>>
        tpu.wait_dma2 semaphore(%run_scoped3A_151 : memref<!tpu.dma_semaphore, #tpu.memory_space<semaphore_mem>>) src(%dma_wait3A_165 : memref<400x128xf32, #tpu.memory_space<vmem_shared>>) dst(%dma_wait3A_162 : memref<400x128xf32, #tpu.memory_space<hbm>>)
        tpu.yield
      }) : () -> ()
    } else {
    }
    return
  }
}

#map = affine_map<(d0, d1) -> (0, 0)>
#map1 = affine_map<(d0, d1) -> (0)>
#map2 = affine_map<(d0, d1) -> (0, 0, 0)>
module attributes {stable_mosaic.version = 14 : i64} {
  func.func @gin_sc_scatter(%arg0: i32, %arg1: i32, %arg2: memref<10000x128xf32, #tpu.memory_space<hbm>>, %arg3: memref<640000xi32, #tpu.memory_space<hbm>>, %arg4: memref<10000x128xf32, #tpu.memory_space<hbm>>, %arg5: memref<2x10000x128xf32, #tpu.memory_space<hbm>>, %arg6: memref<10000xi32, #tpu.memory_space<vmem>>, %arg7: memref<3x80x128xf32, #tpu.memory_space<vmem>>, %arg8: memref<3x80xi32, #tpu.memory_space<vmem>>, %arg9: memref<10000x128xf32, #tpu.memory_space<vmem_shared>>, %arg10: memref<!tpu.dma_semaphore, #tpu.memory_space<semaphore_mem>>, %arg11: memref<!tpu.dma_semaphore, #tpu.memory_space<semaphore_mem>>, %arg12: memref<!tpu.dma_semaphore, #tpu.memory_space<semaphore_mem>>, %arg13: memref<!tpu.dma_semaphore, #tpu.memory_space<semaphore_mem>>, %arg14: memref<!tpu.dma_semaphore, #tpu.memory_space<semaphore_mem>>, %arg15: memref<!tpu.dma_semaphore, #tpu.memory_space<semaphore_mem>>, %arg16: memref<!tpu.dma_semaphore, #tpu.memory_space<semaphore_mem>>) attributes {dimension_semantics = [#tpu.dimension_semantics<core_parallel>, #tpu.dimension_semantics<subcore_parallel>], iteration_bounds = array<i64: 2, 16>, scalar_prefetch = 0 : i64, scratch_operands = 11 : i64, tpu.core_type = #tpu.core_type<sc_vector_subcore>, window_params = [{transform_indices = #map}, {transform_indices = #map1}, {transform_indices = #map}, {transform_indices = #map2}]} {
    %mul3A = arith.constant 2 : i32
    %mul3A_0 = arith.muli %arg1, %mul3A : i32
    %add3A = arith.addi %mul3A_0, %arg0 : i32
    %lt3A = arith.constant 15 : i32
    %lt3A_1 = arith.cmpi slt, %arg1, %lt3A : i32
    %convert_element_type3A = arith.extui %lt3A_1 : i1 to i32
    %cond3A = arith.constant 0 : i32
    %cond3A_2 = arith.cmpi ne, %convert_element_type3A, %cond3A : i32
    scf.if %cond3A_2 {
      %mul3A_151 = arith.constant 640 : i32
      %mul3A_152 = arith.muli %arg1, %mul3A_151 : i32
      %mul3A_153 = arith.constant 640 : i32
      %mul3A_154 = arith.muli %arg1, %mul3A_153 : i32
      %dma_start3A_155 = arith.constant 0 : i32
      %dma_start3A_156 = tpu.memref_slice %arg9[%mul3A_154, %dma_start3A_155] : memref<10000x128xf32, #tpu.memory_space<vmem_shared>> -> memref<640x128xf32, #tpu.memory_space<vmem_shared>>
      %dma_start3A_157 = arith.constant 0 : i32
      %dma_start3A_158 = tpu.memref_slice %arg4[%mul3A_152, %dma_start3A_157] : memref<10000x128xf32, #tpu.memory_space<hbm>> -> memref<640x128xf32, #tpu.memory_space<hbm>>
      tpu.enqueue_dma source(%dma_start3A_158 : memref<640x128xf32, #tpu.memory_space<hbm>>) target(%dma_start3A_156 : memref<640x128xf32, #tpu.memory_space<vmem_shared>>) target_semaphore(%arg16 : memref<!tpu.dma_semaphore, #tpu.memory_space<semaphore_mem>>)
    } else {
    }
    %eq3A = arith.constant 15 : i32
    %eq3A_3 = arith.cmpi eq, %arg1, %eq3A : i32
    %convert_element_type3A_4 = arith.extui %eq3A_3 : i1 to i32
    %cond3A_5 = arith.constant 0 : i32
    %cond3A_6 = arith.cmpi ne, %convert_element_type3A_4, %cond3A_5 : i32
    scf.if %cond3A_6 {
      %dma_start3A_151 = arith.constant 9600 : i32
      %dma_start3A_152 = arith.constant 0 : i32
      %dma_start3A_153 = tpu.memref_slice %arg9[%dma_start3A_151, %dma_start3A_152] : memref<10000x128xf32, #tpu.memory_space<vmem_shared>> -> memref<400x128xf32, #tpu.memory_space<vmem_shared>>
      %dma_start3A_154 = arith.constant 9600 : i32
      %dma_start3A_155 = arith.constant 0 : i32
      %dma_start3A_156 = tpu.memref_slice %arg4[%dma_start3A_154, %dma_start3A_155] : memref<10000x128xf32, #tpu.memory_space<hbm>> -> memref<400x128xf32, #tpu.memory_space<hbm>>
      tpu.enqueue_dma source(%dma_start3A_156 : memref<400x128xf32, #tpu.memory_space<hbm>>) target(%dma_start3A_153 : memref<400x128xf32, #tpu.memory_space<vmem_shared>>) target_semaphore(%arg16 : memref<!tpu.dma_semaphore, #tpu.memory_space<semaphore_mem>>)
    } else {
    }
    %mul3A_7 = arith.constant 10000 : i32
    %mul3A_8 = arith.muli %add3A, %mul3A_7 : i32
    "tpu.region"() ({
      %run_scoped3A_151 = tpu.sem_alloc : memref<!tpu.dma_semaphore, #tpu.memory_space<semaphore_mem>>
      %dma_start3A_152 = tpu.memref_slice %arg3[%mul3A_8] : memref<640000xi32, #tpu.memory_space<hbm>> -> memref<10000xi32, #tpu.memory_space<hbm>>
      %dma_start3A_153 = tpu.memref_slice %arg3[%mul3A_8] : memref<640000xi32, #tpu.memory_space<hbm>> -> memref<10000xi32, #tpu.memory_space<hbm>>
      tpu.enqueue_dma source(%dma_start3A_153 : memref<10000xi32, #tpu.memory_space<hbm>>) target(%arg6 : memref<10000xi32, #tpu.memory_space<vmem>>) target_semaphore(%run_scoped3A_151 : memref<!tpu.dma_semaphore, #tpu.memory_space<semaphore_mem>>)
      %dma_wait3A_154 = tpu.memref_slice %arg3[%mul3A_8] : memref<640000xi32, #tpu.memory_space<hbm>> -> memref<10000xi32, #tpu.memory_space<hbm>>
      %dma_wait3A_155 = tpu.memref_slice %arg3[%mul3A_8] : memref<640000xi32, #tpu.memory_space<hbm>> -> memref<10000xi32, #tpu.memory_space<hbm>>
      tpu.wait_dma2 semaphore(%run_scoped3A_151 : memref<!tpu.dma_semaphore, #tpu.memory_space<semaphore_mem>>) src(%dma_wait3A_155 : memref<10000xi32, #tpu.memory_space<hbm>>) dst(%arg6 : memref<10000xi32, #tpu.memory_space<vmem>>)
      tpu.yield
    }) : () -> ()
    %mul3A_9 = arith.constant 10000 : i32
    %mul3A_10 = arith.muli %add3A, %mul3A_9 : i32
    %add3A_11 = arith.constant 320000 : i32
    %add3A_12 = arith.addi %add3A_11, %mul3A_10 : i32
    %add3A_13 = arith.constant 0 : i32
    %add3A_14 = arith.addi %add3A_12, %add3A_13 : i32
    %dma_start3A = arith.constant 0 : i32
    %dma_start3A_15 = arith.constant 0 : i32
    %dma_start3A_16 = tpu.memref_slice %arg8[%dma_start3A, %dma_start3A_15] : memref<3x80xi32, #tpu.memory_space<vmem>> -> memref<1x80xi32, #tpu.memory_space<vmem>>
    %dma_start3A_17 = tpu.memref_squeeze %dma_start3A_16 : memref<1x80xi32, #tpu.memory_space<vmem>> -> memref<80xi32, #tpu.memory_space<vmem>>
    %dma_start3A_18 = tpu.memref_slice %arg3[%add3A_14] : memref<640000xi32, #tpu.memory_space<hbm>> -> memref<80xi32, #tpu.memory_space<hbm>>
    %dma_start3A_19 = arith.constant 0 : i32
    %dma_start3A_20 = tpu.memref_slice %arg8[%dma_start3A, %dma_start3A_19] : memref<3x80xi32, #tpu.memory_space<vmem>> -> memref<1x80xi32, #tpu.memory_space<vmem>>
    %dma_start3A_21 = tpu.memref_squeeze %dma_start3A_20 : memref<1x80xi32, #tpu.memory_space<vmem>> -> memref<80xi32, #tpu.memory_space<vmem>>
    %dma_start3A_22 = tpu.memref_slice %arg3[%add3A_14] : memref<640000xi32, #tpu.memory_space<hbm>> -> memref<80xi32, #tpu.memory_space<hbm>>
    tpu.enqueue_dma source(%dma_start3A_22 : memref<80xi32, #tpu.memory_space<hbm>>) target(%dma_start3A_21 : memref<80xi32, #tpu.memory_space<vmem>>) target_semaphore(%arg13 : memref<!tpu.dma_semaphore, #tpu.memory_space<semaphore_mem>>)
    %mul3A_23 = arith.constant 10000 : i32
    %mul3A_24 = arith.muli %add3A, %mul3A_23 : i32
    %add3A_25 = arith.constant 320000 : i32
    %add3A_26 = arith.addi %add3A_25, %mul3A_24 : i32
    %add3A_27 = arith.constant 80 : i32
    %add3A_28 = arith.addi %add3A_26, %add3A_27 : i32
    %dma_start3A_29 = arith.constant 1 : i32
    %dma_start3A_30 = arith.constant 0 : i32
    %dma_start3A_31 = tpu.memref_slice %arg8[%dma_start3A_29, %dma_start3A_30] : memref<3x80xi32, #tpu.memory_space<vmem>> -> memref<1x80xi32, #tpu.memory_space<vmem>>
    %dma_start3A_32 = tpu.memref_squeeze %dma_start3A_31 : memref<1x80xi32, #tpu.memory_space<vmem>> -> memref<80xi32, #tpu.memory_space<vmem>>
    %dma_start3A_33 = tpu.memref_slice %arg3[%add3A_28] : memref<640000xi32, #tpu.memory_space<hbm>> -> memref<80xi32, #tpu.memory_space<hbm>>
    %dma_start3A_34 = arith.constant 0 : i32
    %dma_start3A_35 = tpu.memref_slice %arg8[%dma_start3A_29, %dma_start3A_34] : memref<3x80xi32, #tpu.memory_space<vmem>> -> memref<1x80xi32, #tpu.memory_space<vmem>>
    %dma_start3A_36 = tpu.memref_squeeze %dma_start3A_35 : memref<1x80xi32, #tpu.memory_space<vmem>> -> memref<80xi32, #tpu.memory_space<vmem>>
    %dma_start3A_37 = tpu.memref_slice %arg3[%add3A_28] : memref<640000xi32, #tpu.memory_space<hbm>> -> memref<80xi32, #tpu.memory_space<hbm>>
    tpu.enqueue_dma source(%dma_start3A_37 : memref<80xi32, #tpu.memory_space<hbm>>) target(%dma_start3A_36 : memref<80xi32, #tpu.memory_space<vmem>>) target_semaphore(%arg14 : memref<!tpu.dma_semaphore, #tpu.memory_space<semaphore_mem>>)
    %mul3A_38 = arith.constant 10000 : i32
    %mul3A_39 = arith.muli %add3A, %mul3A_38 : i32
    %add3A_40 = arith.constant 320000 : i32
    %add3A_41 = arith.addi %add3A_40, %mul3A_39 : i32
    %add3A_42 = arith.constant 160 : i32
    %add3A_43 = arith.addi %add3A_41, %add3A_42 : i32
    %dma_start3A_44 = arith.constant 2 : i32
    %dma_start3A_45 = arith.constant 0 : i32
    %dma_start3A_46 = tpu.memref_slice %arg8[%dma_start3A_44, %dma_start3A_45] : memref<3x80xi32, #tpu.memory_space<vmem>> -> memref<1x80xi32, #tpu.memory_space<vmem>>
    %dma_start3A_47 = tpu.memref_squeeze %dma_start3A_46 : memref<1x80xi32, #tpu.memory_space<vmem>> -> memref<80xi32, #tpu.memory_space<vmem>>
    %dma_start3A_48 = tpu.memref_slice %arg3[%add3A_43] : memref<640000xi32, #tpu.memory_space<hbm>> -> memref<80xi32, #tpu.memory_space<hbm>>
    %dma_start3A_49 = arith.constant 0 : i32
    %dma_start3A_50 = tpu.memref_slice %arg8[%dma_start3A_44, %dma_start3A_49] : memref<3x80xi32, #tpu.memory_space<vmem>> -> memref<1x80xi32, #tpu.memory_space<vmem>>
    %dma_start3A_51 = tpu.memref_squeeze %dma_start3A_50 : memref<1x80xi32, #tpu.memory_space<vmem>> -> memref<80xi32, #tpu.memory_space<vmem>>
    %dma_start3A_52 = tpu.memref_slice %arg3[%add3A_43] : memref<640000xi32, #tpu.memory_space<hbm>> -> memref<80xi32, #tpu.memory_space<hbm>>
    tpu.enqueue_dma source(%dma_start3A_52 : memref<80xi32, #tpu.memory_space<hbm>>) target(%dma_start3A_51 : memref<80xi32, #tpu.memory_space<vmem>>) target_semaphore(%arg15 : memref<!tpu.dma_semaphore, #tpu.memory_space<semaphore_mem>>)
    %dma_start3A_53 = arith.constant 0 : i32
    %dma_start3A_54 = arith.constant 0 : i32
    %dma_start3A_55 = arith.constant 0 : i32
    %dma_start3A_56 = tpu.memref_slice %arg7[%dma_start3A_53, %dma_start3A_54, %dma_start3A_55] : memref<3x80x128xf32, #tpu.memory_space<vmem>> -> memref<1x80x128xf32, #tpu.memory_space<vmem>>
    %dma_start3A_57 = tpu.memref_squeeze %dma_start3A_56 : memref<1x80x128xf32, #tpu.memory_space<vmem>> -> memref<80x128xf32, #tpu.memory_space<vmem>>
    %dma_start3A_58 = arith.constant 0 : i32
    %dma_start3A_59 = tpu.memref_slice %arg6[%dma_start3A_58] : memref<10000xi32, #tpu.memory_space<vmem>> -> memref<80xi32, #tpu.memory_space<vmem>>
    %dma_start3A_60 = arith.constant 0 : i32
    %dma_start3A_61 = arith.constant 0 : i32
    %dma_start3A_62 = tpu.memref_slice %arg2[%dma_start3A_60, %dma_start3A_61] : memref<10000x128xf32, #tpu.memory_space<hbm>> -> memref<10000x128xf32, #tpu.memory_space<hbm>>
    tpu.enqueue_indirect_dma source(%dma_start3A_62 : memref<10000x128xf32, #tpu.memory_space<hbm>>) target(%dma_start3A_57 : memref<80x128xf32, #tpu.memory_space<vmem>>) offsets(%dma_start3A_59 : memref<80xi32, #tpu.memory_space<vmem>>) semaphore(%arg10 : memref<!tpu.dma_semaphore, #tpu.memory_space<semaphore_mem>>)
    %dma_start3A_63 = arith.constant 1 : i32
    %dma_start3A_64 = arith.constant 0 : i32
    %dma_start3A_65 = arith.constant 0 : i32
    %dma_start3A_66 = tpu.memref_slice %arg7[%dma_start3A_63, %dma_start3A_64, %dma_start3A_65] : memref<3x80x128xf32, #tpu.memory_space<vmem>> -> memref<1x80x128xf32, #tpu.memory_space<vmem>>
    %dma_start3A_67 = tpu.memref_squeeze %dma_start3A_66 : memref<1x80x128xf32, #tpu.memory_space<vmem>> -> memref<80x128xf32, #tpu.memory_space<vmem>>
    %dma_start3A_68 = arith.constant 80 : i32
    %dma_start3A_69 = tpu.memref_slice %arg6[%dma_start3A_68] : memref<10000xi32, #tpu.memory_space<vmem>> -> memref<80xi32, #tpu.memory_space<vmem>>
    %dma_start3A_70 = arith.constant 0 : i32
    %dma_start3A_71 = arith.constant 0 : i32
    %dma_start3A_72 = tpu.memref_slice %arg2[%dma_start3A_70, %dma_start3A_71] : memref<10000x128xf32, #tpu.memory_space<hbm>> -> memref<10000x128xf32, #tpu.memory_space<hbm>>
    tpu.enqueue_indirect_dma source(%dma_start3A_72 : memref<10000x128xf32, #tpu.memory_space<hbm>>) target(%dma_start3A_67 : memref<80x128xf32, #tpu.memory_space<vmem>>) offsets(%dma_start3A_69 : memref<80xi32, #tpu.memory_space<vmem>>) semaphore(%arg11 : memref<!tpu.dma_semaphore, #tpu.memory_space<semaphore_mem>>)
    %lt3A_73 = arith.constant 15 : i32
    %lt3A_74 = arith.cmpi slt, %arg1, %lt3A_73 : i32
    %convert_element_type3A_75 = arith.extui %lt3A_74 : i1 to i32
    %cond3A_76 = arith.constant 0 : i32
    %cond3A_77 = arith.cmpi ne, %convert_element_type3A_75, %cond3A_76 : i32
    scf.if %cond3A_77 {
      %mul3A_151 = arith.constant 640 : i32
      %mul3A_152 = arith.muli %arg1, %mul3A_151 : i32
      %mul3A_153 = arith.constant 640 : i32
      %mul3A_154 = arith.muli %arg1, %mul3A_153 : i32
      %dma_wait3A_155 = arith.constant 0 : i32
      %dma_wait3A_156 = tpu.memref_slice %arg9[%mul3A_154, %dma_wait3A_155] : memref<10000x128xf32, #tpu.memory_space<vmem_shared>> -> memref<640x128xf32, #tpu.memory_space<vmem_shared>>
      %dma_wait3A_157 = arith.constant 0 : i32
      %dma_wait3A_158 = tpu.memref_slice %arg4[%mul3A_152, %dma_wait3A_157] : memref<10000x128xf32, #tpu.memory_space<hbm>> -> memref<640x128xf32, #tpu.memory_space<hbm>>
      tpu.wait_dma2 semaphore(%arg16 : memref<!tpu.dma_semaphore, #tpu.memory_space<semaphore_mem>>) src(%dma_wait3A_158 : memref<640x128xf32, #tpu.memory_space<hbm>>) dst(%dma_wait3A_156 : memref<640x128xf32, #tpu.memory_space<vmem_shared>>)
    } else {
    }
    %eq3A_78 = arith.constant 15 : i32
    %eq3A_79 = arith.cmpi eq, %arg1, %eq3A_78 : i32
    %convert_element_type3A_80 = arith.extui %eq3A_79 : i1 to i32
    %cond3A_81 = arith.constant 0 : i32
    %cond3A_82 = arith.cmpi ne, %convert_element_type3A_80, %cond3A_81 : i32
    scf.if %cond3A_82 {
      %dma_wait3A_151 = arith.constant 9600 : i32
      %dma_wait3A_152 = arith.constant 0 : i32
      %dma_wait3A_153 = tpu.memref_slice %arg9[%dma_wait3A_151, %dma_wait3A_152] : memref<10000x128xf32, #tpu.memory_space<vmem_shared>> -> memref<400x128xf32, #tpu.memory_space<vmem_shared>>
      %dma_wait3A_154 = arith.constant 9600 : i32
      %dma_wait3A_155 = arith.constant 0 : i32
      %dma_wait3A_156 = tpu.memref_slice %arg4[%dma_wait3A_154, %dma_wait3A_155] : memref<10000x128xf32, #tpu.memory_space<hbm>> -> memref<400x128xf32, #tpu.memory_space<hbm>>
      tpu.wait_dma2 semaphore(%arg16 : memref<!tpu.dma_semaphore, #tpu.memory_space<semaphore_mem>>) src(%dma_wait3A_156 : memref<400x128xf32, #tpu.memory_space<hbm>>) dst(%dma_wait3A_153 : memref<400x128xf32, #tpu.memory_space<vmem_shared>>)
    } else {
    }
    %barrier3A = arith.constant 0 : index
    tpu.barrier barrier_id(%barrier3A)
    %scan3A = arith.constant 0 : i32
    %scan3A_83 = arith.constant 0 : i32
    %scan3A_84 = arith.constant 41 : i32
    %scan3A_85 = arith.addi %scan3A_83, %scan3A_84 : i32
    %scan3A_86 = arith.constant 1 : i32
    scf.for %scan3A_151 = %scan3A_83 to %scan3A_85 step %scan3A_86  : i32 {
      %mul3A_152 = arith.constant 3 : i32
      %mul3A_153 = arith.muli %mul3A_152, %scan3A_151 : i32
      %add3A_154 = arith.constant 2 : i32
      %add3A_155 = arith.addi %mul3A_153, %add3A_154 : i32
      %mul3A_156 = arith.constant 80 : i32
      %mul3A_157 = arith.muli %add3A_155, %mul3A_156 : i32
      %dma_start3A_158 = arith.constant 2 : i32
      %dma_start3A_159 = arith.constant 0 : i32
      %dma_start3A_160 = arith.constant 0 : i32
      %dma_start3A_161 = tpu.memref_slice %arg7[%dma_start3A_158, %dma_start3A_159, %dma_start3A_160] : memref<3x80x128xf32, #tpu.memory_space<vmem>> -> memref<1x80x128xf32, #tpu.memory_space<vmem>>
      %dma_start3A_162 = tpu.memref_squeeze %dma_start3A_161 : memref<1x80x128xf32, #tpu.memory_space<vmem>> -> memref<80x128xf32, #tpu.memory_space<vmem>>
      %dma_start3A_163 = tpu.memref_slice %arg6[%mul3A_157] : memref<10000xi32, #tpu.memory_space<vmem>> -> memref<80xi32, #tpu.memory_space<vmem>>
      %dma_start3A_164 = arith.constant 0 : i32
      %dma_start3A_165 = arith.constant 0 : i32
      %dma_start3A_166 = tpu.memref_slice %arg2[%dma_start3A_164, %dma_start3A_165] : memref<10000x128xf32, #tpu.memory_space<hbm>> -> memref<10000x128xf32, #tpu.memory_space<hbm>>
      tpu.enqueue_indirect_dma source(%dma_start3A_166 : memref<10000x128xf32, #tpu.memory_space<hbm>>) target(%dma_start3A_162 : memref<80x128xf32, #tpu.memory_space<vmem>>) offsets(%dma_start3A_163 : memref<80xi32, #tpu.memory_space<vmem>>) semaphore(%arg12 : memref<!tpu.dma_semaphore, #tpu.memory_space<semaphore_mem>>)
      %mul3A_167 = arith.constant 80 : i32
      %mul3A_168 = arith.muli %mul3A_153, %mul3A_167 : i32
      %dma_wait3A_169 = arith.constant 0 : i32
      %dma_wait3A_170 = arith.constant 0 : i32
      %dma_wait3A_171 = arith.constant 0 : i32
      %dma_wait3A_172 = tpu.memref_slice %arg7[%dma_wait3A_169, %dma_wait3A_170, %dma_wait3A_171] : memref<3x80x128xf32, #tpu.memory_space<vmem>> -> memref<1x80x128xf32, #tpu.memory_space<vmem>>
      %dma_wait3A_173 = tpu.memref_squeeze %dma_wait3A_172 : memref<1x80x128xf32, #tpu.memory_space<vmem>> -> memref<80x128xf32, #tpu.memory_space<vmem>>
      %dma_wait3A_174 = tpu.memref_slice %arg6[%mul3A_168] : memref<10000xi32, #tpu.memory_space<vmem>> -> memref<80xi32, #tpu.memory_space<vmem>>
      %dma_wait3A_175 = arith.constant 0 : i32
      %dma_wait3A_176 = arith.constant 0 : i32
      %dma_wait3A_177 = tpu.memref_slice %arg2[%dma_wait3A_175, %dma_wait3A_176] : memref<10000x128xf32, #tpu.memory_space<hbm>> -> memref<10000x128xf32, #tpu.memory_space<hbm>>
      tpu.wait_indirect_dma semaphore(%arg10 : memref<!tpu.dma_semaphore, #tpu.memory_space<semaphore_mem>>) src(%dma_wait3A_177 : memref<10000x128xf32, #tpu.memory_space<hbm>>) dst(%dma_wait3A_173 : memref<80x128xf32, #tpu.memory_space<vmem>>)
      %mul3A_178 = arith.constant 10000 : i32
      %mul3A_179 = arith.muli %add3A, %mul3A_178 : i32
      %add3A_180 = arith.constant 320000 : i32
      %add3A_181 = arith.addi %add3A_180, %mul3A_179 : i32
      %mul3A_182 = arith.constant 80 : i32
      %mul3A_183 = arith.muli %mul3A_153, %mul3A_182 : i32
      %add3A_184 = arith.addi %add3A_181, %mul3A_183 : i32
      %dma_wait3A_185 = arith.constant 0 : i32
      %dma_wait3A_186 = arith.constant 0 : i32
      %dma_wait3A_187 = tpu.memref_slice %arg8[%dma_wait3A_185, %dma_wait3A_186] : memref<3x80xi32, #tpu.memory_space<vmem>> -> memref<1x80xi32, #tpu.memory_space<vmem>>
      %dma_wait3A_188 = tpu.memref_squeeze %dma_wait3A_187 : memref<1x80xi32, #tpu.memory_space<vmem>> -> memref<80xi32, #tpu.memory_space<vmem>>
      %dma_wait3A_189 = tpu.memref_slice %arg3[%add3A_184] : memref<640000xi32, #tpu.memory_space<hbm>> -> memref<80xi32, #tpu.memory_space<hbm>>
      %dma_wait3A_190 = arith.constant 0 : i32
      %dma_wait3A_191 = tpu.memref_slice %arg8[%dma_wait3A_185, %dma_wait3A_190] : memref<3x80xi32, #tpu.memory_space<vmem>> -> memref<1x80xi32, #tpu.memory_space<vmem>>
      %dma_wait3A_192 = tpu.memref_squeeze %dma_wait3A_191 : memref<1x80xi32, #tpu.memory_space<vmem>> -> memref<80xi32, #tpu.memory_space<vmem>>
      %dma_wait3A_193 = tpu.memref_slice %arg3[%add3A_184] : memref<640000xi32, #tpu.memory_space<hbm>> -> memref<80xi32, #tpu.memory_space<hbm>>
      tpu.wait_dma2 semaphore(%arg13 : memref<!tpu.dma_semaphore, #tpu.memory_space<semaphore_mem>>) src(%dma_wait3A_193 : memref<80xi32, #tpu.memory_space<hbm>>) dst(%dma_wait3A_192 : memref<80xi32, #tpu.memory_space<vmem>>)
      %run_scoped3A_194 = arith.constant 0 : i32
      %run_scoped3A_195 = arith.constant 0 : i32
      "tpu.region"() ({
        %run_scoped3A_305 = tpu.sem_alloc : memref<!tpu.dma_semaphore, #tpu.memory_space<semaphore_mem>>
        %dma_start3A_306 = arith.constant 0 : i32
        %dma_start3A_307 = arith.constant 0 : i32
        %dma_start3A_308 = tpu.memref_slice %arg7[%run_scoped3A_194, %dma_start3A_306, %dma_start3A_307] : memref<3x80x128xf32, #tpu.memory_space<vmem>> -> memref<1x80x128xf32, #tpu.memory_space<vmem>>
        %dma_start3A_309 = tpu.memref_squeeze %dma_start3A_308 : memref<1x80x128xf32, #tpu.memory_space<vmem>> -> memref<80x128xf32, #tpu.memory_space<vmem>>
        %dma_start3A_310 = arith.constant 0 : i32
        %dma_start3A_311 = tpu.memref_slice %arg8[%run_scoped3A_195, %dma_start3A_310] : memref<3x80xi32, #tpu.memory_space<vmem>> -> memref<1x80xi32, #tpu.memory_space<vmem>>
        %dma_start3A_312 = tpu.memref_squeeze %dma_start3A_311 : memref<1x80xi32, #tpu.memory_space<vmem>> -> memref<80xi32, #tpu.memory_space<vmem>>
        %dma_start3A_313 = arith.constant 0 : i32
        %dma_start3A_314 = arith.constant 0 : i32
        %dma_start3A_315 = tpu.memref_slice %arg9[%dma_start3A_313, %dma_start3A_314] : memref<10000x128xf32, #tpu.memory_space<vmem_shared>> -> memref<10000x128xf32, #tpu.memory_space<vmem_shared>>
        tpu.enqueue_indirect_dma source(%dma_start3A_309 : memref<80x128xf32, #tpu.memory_space<vmem>>) target(%dma_start3A_315 : memref<10000x128xf32, #tpu.memory_space<vmem_shared>>) offsets(%dma_start3A_312 : memref<80xi32, #tpu.memory_space<vmem>>) semaphore(%run_scoped3A_305 : memref<!tpu.dma_semaphore, #tpu.memory_space<semaphore_mem>>) {add = true}
        %dma_wait3A_316 = arith.constant 0 : i32
        %dma_wait3A_317 = arith.constant 0 : i32
        %dma_wait3A_318 = tpu.memref_slice %arg7[%run_scoped3A_194, %dma_wait3A_316, %dma_wait3A_317] : memref<3x80x128xf32, #tpu.memory_space<vmem>> -> memref<1x80x128xf32, #tpu.memory_space<vmem>>
        %dma_wait3A_319 = tpu.memref_squeeze %dma_wait3A_318 : memref<1x80x128xf32, #tpu.memory_space<vmem>> -> memref<80x128xf32, #tpu.memory_space<vmem>>
        %dma_wait3A_320 = arith.constant 0 : i32
        %dma_wait3A_321 = tpu.memref_slice %arg8[%run_scoped3A_195, %dma_wait3A_320] : memref<3x80xi32, #tpu.memory_space<vmem>> -> memref<1x80xi32, #tpu.memory_space<vmem>>
        %dma_wait3A_322 = tpu.memref_squeeze %dma_wait3A_321 : memref<1x80xi32, #tpu.memory_space<vmem>> -> memref<80xi32, #tpu.memory_space<vmem>>
        %dma_wait3A_323 = arith.constant 0 : i32
        %dma_wait3A_324 = arith.constant 0 : i32
        %dma_wait3A_325 = tpu.memref_slice %arg9[%dma_wait3A_323, %dma_wait3A_324] : memref<10000x128xf32, #tpu.memory_space<vmem_shared>> -> memref<10000x128xf32, #tpu.memory_space<vmem_shared>>
        tpu.wait_indirect_dma semaphore(%run_scoped3A_305 : memref<!tpu.dma_semaphore, #tpu.memory_space<semaphore_mem>>) src(%dma_wait3A_319 : memref<80x128xf32, #tpu.memory_space<vmem>>) dst(%dma_wait3A_325 : memref<10000x128xf32, #tpu.memory_space<vmem_shared>>)
        tpu.yield
      }) : () -> ()
      %add3A_196 = arith.constant 3 : i32
      %add3A_197 = arith.addi %mul3A_153, %add3A_196 : i32
      %lt3A_198 = arith.constant 125 : i32
      %lt3A_199 = arith.cmpi slt, %add3A_197, %lt3A_198 : i32
      %convert_element_type3A_200 = arith.extui %lt3A_199 : i1 to i32
      %cond3A_201 = arith.constant 0 : i32
      %cond3A_202 = arith.cmpi ne, %convert_element_type3A_200, %cond3A_201 : i32
      scf.if %cond3A_202 {
        %add3A_305 = arith.constant 3 : i32
        %add3A_306 = arith.addi %mul3A_153, %add3A_305 : i32
        %mul3A_307 = arith.constant 10000 : i32
        %mul3A_308 = arith.muli %add3A, %mul3A_307 : i32
        %add3A_309 = arith.constant 320000 : i32
        %add3A_310 = arith.addi %add3A_309, %mul3A_308 : i32
        %mul3A_311 = arith.constant 80 : i32
        %mul3A_312 = arith.muli %add3A_306, %mul3A_311 : i32
        %add3A_313 = arith.addi %add3A_310, %mul3A_312 : i32
        %dma_start3A_314 = arith.constant 0 : i32
        %dma_start3A_315 = arith.constant 0 : i32
        %dma_start3A_316 = tpu.memref_slice %arg8[%dma_start3A_314, %dma_start3A_315] : memref<3x80xi32, #tpu.memory_space<vmem>> -> memref<1x80xi32, #tpu.memory_space<vmem>>
        %dma_start3A_317 = tpu.memref_squeeze %dma_start3A_316 : memref<1x80xi32, #tpu.memory_space<vmem>> -> memref<80xi32, #tpu.memory_space<vmem>>
        %dma_start3A_318 = tpu.memref_slice %arg3[%add3A_313] : memref<640000xi32, #tpu.memory_space<hbm>> -> memref<80xi32, #tpu.memory_space<hbm>>
        %dma_start3A_319 = arith.constant 0 : i32
        %dma_start3A_320 = tpu.memref_slice %arg8[%dma_start3A_314, %dma_start3A_319] : memref<3x80xi32, #tpu.memory_space<vmem>> -> memref<1x80xi32, #tpu.memory_space<vmem>>
        %dma_start3A_321 = tpu.memref_squeeze %dma_start3A_320 : memref<1x80xi32, #tpu.memory_space<vmem>> -> memref<80xi32, #tpu.memory_space<vmem>>
        %dma_start3A_322 = tpu.memref_slice %arg3[%add3A_313] : memref<640000xi32, #tpu.memory_space<hbm>> -> memref<80xi32, #tpu.memory_space<hbm>>
        tpu.enqueue_dma source(%dma_start3A_322 : memref<80xi32, #tpu.memory_space<hbm>>) target(%dma_start3A_321 : memref<80xi32, #tpu.memory_space<vmem>>) target_semaphore(%arg13 : memref<!tpu.dma_semaphore, #tpu.memory_space<semaphore_mem>>)
      } else {
      }
      %add3A_203 = arith.constant 1 : i32
      %add3A_204 = arith.addi %mul3A_153, %add3A_203 : i32
      %add3A_205 = arith.constant 2 : i32
      %add3A_206 = arith.addi %add3A_204, %add3A_205 : i32
      %mul3A_207 = arith.constant 80 : i32
      %mul3A_208 = arith.muli %add3A_206, %mul3A_207 : i32
      %dma_start3A_209 = arith.constant 0 : i32
      %dma_start3A_210 = arith.constant 0 : i32
      %dma_start3A_211 = arith.constant 0 : i32
      %dma_start3A_212 = tpu.memref_slice %arg7[%dma_start3A_209, %dma_start3A_210, %dma_start3A_211] : memref<3x80x128xf32, #tpu.memory_space<vmem>> -> memref<1x80x128xf32, #tpu.memory_space<vmem>>
      %dma_start3A_213 = tpu.memref_squeeze %dma_start3A_212 : memref<1x80x128xf32, #tpu.memory_space<vmem>> -> memref<80x128xf32, #tpu.memory_space<vmem>>
      %dma_start3A_214 = tpu.memref_slice %arg6[%mul3A_208] : memref<10000xi32, #tpu.memory_space<vmem>> -> memref<80xi32, #tpu.memory_space<vmem>>
      %dma_start3A_215 = arith.constant 0 : i32
      %dma_start3A_216 = arith.constant 0 : i32
      %dma_start3A_217 = tpu.memref_slice %arg2[%dma_start3A_215, %dma_start3A_216] : memref<10000x128xf32, #tpu.memory_space<hbm>> -> memref<10000x128xf32, #tpu.memory_space<hbm>>
      tpu.enqueue_indirect_dma source(%dma_start3A_217 : memref<10000x128xf32, #tpu.memory_space<hbm>>) target(%dma_start3A_213 : memref<80x128xf32, #tpu.memory_space<vmem>>) offsets(%dma_start3A_214 : memref<80xi32, #tpu.memory_space<vmem>>) semaphore(%arg10 : memref<!tpu.dma_semaphore, #tpu.memory_space<semaphore_mem>>)
      %mul3A_218 = arith.constant 80 : i32
      %mul3A_219 = arith.muli %add3A_204, %mul3A_218 : i32
      %dma_wait3A_220 = arith.constant 1 : i32
      %dma_wait3A_221 = arith.constant 0 : i32
      %dma_wait3A_222 = arith.constant 0 : i32
      %dma_wait3A_223 = tpu.memref_slice %arg7[%dma_wait3A_220, %dma_wait3A_221, %dma_wait3A_222] : memref<3x80x128xf32, #tpu.memory_space<vmem>> -> memref<1x80x128xf32, #tpu.memory_space<vmem>>
      %dma_wait3A_224 = tpu.memref_squeeze %dma_wait3A_223 : memref<1x80x128xf32, #tpu.memory_space<vmem>> -> memref<80x128xf32, #tpu.memory_space<vmem>>
      %dma_wait3A_225 = tpu.memref_slice %arg6[%mul3A_219] : memref<10000xi32, #tpu.memory_space<vmem>> -> memref<80xi32, #tpu.memory_space<vmem>>
      %dma_wait3A_226 = arith.constant 0 : i32
      %dma_wait3A_227 = arith.constant 0 : i32
      %dma_wait3A_228 = tpu.memref_slice %arg2[%dma_wait3A_226, %dma_wait3A_227] : memref<10000x128xf32, #tpu.memory_space<hbm>> -> memref<10000x128xf32, #tpu.memory_space<hbm>>
      tpu.wait_indirect_dma semaphore(%arg11 : memref<!tpu.dma_semaphore, #tpu.memory_space<semaphore_mem>>) src(%dma_wait3A_228 : memref<10000x128xf32, #tpu.memory_space<hbm>>) dst(%dma_wait3A_224 : memref<80x128xf32, #tpu.memory_space<vmem>>)
      %mul3A_229 = arith.constant 10000 : i32
      %mul3A_230 = arith.muli %add3A, %mul3A_229 : i32
      %add3A_231 = arith.constant 320000 : i32
      %add3A_232 = arith.addi %add3A_231, %mul3A_230 : i32
      %mul3A_233 = arith.constant 80 : i32
      %mul3A_234 = arith.muli %add3A_204, %mul3A_233 : i32
      %add3A_235 = arith.addi %add3A_232, %mul3A_234 : i32
      %dma_wait3A_236 = arith.constant 1 : i32
      %dma_wait3A_237 = arith.constant 0 : i32
      %dma_wait3A_238 = tpu.memref_slice %arg8[%dma_wait3A_236, %dma_wait3A_237] : memref<3x80xi32, #tpu.memory_space<vmem>> -> memref<1x80xi32, #tpu.memory_space<vmem>>
      %dma_wait3A_239 = tpu.memref_squeeze %dma_wait3A_238 : memref<1x80xi32, #tpu.memory_space<vmem>> -> memref<80xi32, #tpu.memory_space<vmem>>
      %dma_wait3A_240 = tpu.memref_slice %arg3[%add3A_235] : memref<640000xi32, #tpu.memory_space<hbm>> -> memref<80xi32, #tpu.memory_space<hbm>>
      %dma_wait3A_241 = arith.constant 0 : i32
      %dma_wait3A_242 = tpu.memref_slice %arg8[%dma_wait3A_236, %dma_wait3A_241] : memref<3x80xi32, #tpu.memory_space<vmem>> -> memref<1x80xi32, #tpu.memory_space<vmem>>
      %dma_wait3A_243 = tpu.memref_squeeze %dma_wait3A_242 : memref<1x80xi32, #tpu.memory_space<vmem>> -> memref<80xi32, #tpu.memory_space<vmem>>
      %dma_wait3A_244 = tpu.memref_slice %arg3[%add3A_235] : memref<640000xi32, #tpu.memory_space<hbm>> -> memref<80xi32, #tpu.memory_space<hbm>>
      tpu.wait_dma2 semaphore(%arg14 : memref<!tpu.dma_semaphore, #tpu.memory_space<semaphore_mem>>) src(%dma_wait3A_244 : memref<80xi32, #tpu.memory_space<hbm>>) dst(%dma_wait3A_243 : memref<80xi32, #tpu.memory_space<vmem>>)
      %run_scoped3A_245 = arith.constant 1 : i32
      %run_scoped3A_246 = arith.constant 1 : i32
      "tpu.region"() ({
        %run_scoped3A_305 = tpu.sem_alloc : memref<!tpu.dma_semaphore, #tpu.memory_space<semaphore_mem>>
        %dma_start3A_306 = arith.constant 0 : i32
        %dma_start3A_307 = arith.constant 0 : i32
        %dma_start3A_308 = tpu.memref_slice %arg7[%run_scoped3A_245, %dma_start3A_306, %dma_start3A_307] : memref<3x80x128xf32, #tpu.memory_space<vmem>> -> memref<1x80x128xf32, #tpu.memory_space<vmem>>
        %dma_start3A_309 = tpu.memref_squeeze %dma_start3A_308 : memref<1x80x128xf32, #tpu.memory_space<vmem>> -> memref<80x128xf32, #tpu.memory_space<vmem>>
        %dma_start3A_310 = arith.constant 0 : i32
        %dma_start3A_311 = tpu.memref_slice %arg8[%run_scoped3A_246, %dma_start3A_310] : memref<3x80xi32, #tpu.memory_space<vmem>> -> memref<1x80xi32, #tpu.memory_space<vmem>>
        %dma_start3A_312 = tpu.memref_squeeze %dma_start3A_311 : memref<1x80xi32, #tpu.memory_space<vmem>> -> memref<80xi32, #tpu.memory_space<vmem>>
        %dma_start3A_313 = arith.constant 0 : i32
        %dma_start3A_314 = arith.constant 0 : i32
        %dma_start3A_315 = tpu.memref_slice %arg9[%dma_start3A_313, %dma_start3A_314] : memref<10000x128xf32, #tpu.memory_space<vmem_shared>> -> memref<10000x128xf32, #tpu.memory_space<vmem_shared>>
        tpu.enqueue_indirect_dma source(%dma_start3A_309 : memref<80x128xf32, #tpu.memory_space<vmem>>) target(%dma_start3A_315 : memref<10000x128xf32, #tpu.memory_space<vmem_shared>>) offsets(%dma_start3A_312 : memref<80xi32, #tpu.memory_space<vmem>>) semaphore(%run_scoped3A_305 : memref<!tpu.dma_semaphore, #tpu.memory_space<semaphore_mem>>) {add = true}
        %dma_wait3A_316 = arith.constant 0 : i32
        %dma_wait3A_317 = arith.constant 0 : i32
        %dma_wait3A_318 = tpu.memref_slice %arg7[%run_scoped3A_245, %dma_wait3A_316, %dma_wait3A_317] : memref<3x80x128xf32, #tpu.memory_space<vmem>> -> memref<1x80x128xf32, #tpu.memory_space<vmem>>
        %dma_wait3A_319 = tpu.memref_squeeze %dma_wait3A_318 : memref<1x80x128xf32, #tpu.memory_space<vmem>> -> memref<80x128xf32, #tpu.memory_space<vmem>>
        %dma_wait3A_320 = arith.constant 0 : i32
        %dma_wait3A_321 = tpu.memref_slice %arg8[%run_scoped3A_246, %dma_wait3A_320] : memref<3x80xi32, #tpu.memory_space<vmem>> -> memref<1x80xi32, #tpu.memory_space<vmem>>
        %dma_wait3A_322 = tpu.memref_squeeze %dma_wait3A_321 : memref<1x80xi32, #tpu.memory_space<vmem>> -> memref<80xi32, #tpu.memory_space<vmem>>
        %dma_wait3A_323 = arith.constant 0 : i32
        %dma_wait3A_324 = arith.constant 0 : i32
        %dma_wait3A_325 = tpu.memref_slice %arg9[%dma_wait3A_323, %dma_wait3A_324] : memref<10000x128xf32, #tpu.memory_space<vmem_shared>> -> memref<10000x128xf32, #tpu.memory_space<vmem_shared>>
        tpu.wait_indirect_dma semaphore(%run_scoped3A_305 : memref<!tpu.dma_semaphore, #tpu.memory_space<semaphore_mem>>) src(%dma_wait3A_319 : memref<80x128xf32, #tpu.memory_space<vmem>>) dst(%dma_wait3A_325 : memref<10000x128xf32, #tpu.memory_space<vmem_shared>>)
        tpu.yield
      }) : () -> ()
      %add3A_247 = arith.constant 3 : i32
      %add3A_248 = arith.addi %add3A_204, %add3A_247 : i32
      %lt3A_249 = arith.constant 125 : i32
      %lt3A_250 = arith.cmpi slt, %add3A_248, %lt3A_249 : i32
      %convert_element_type3A_251 = arith.extui %lt3A_250 : i1 to i32
      %cond3A_252 = arith.constant 0 : i32
      %cond3A_253 = arith.cmpi ne, %convert_element_type3A_251, %cond3A_252 : i32
      scf.if %cond3A_253 {
        %add3A_305 = arith.constant 3 : i32
        %add3A_306 = arith.addi %add3A_204, %add3A_305 : i32
        %mul3A_307 = arith.constant 10000 : i32
        %mul3A_308 = arith.muli %add3A, %mul3A_307 : i32
        %add3A_309 = arith.constant 320000 : i32
        %add3A_310 = arith.addi %add3A_309, %mul3A_308 : i32
        %mul3A_311 = arith.constant 80 : i32
        %mul3A_312 = arith.muli %add3A_306, %mul3A_311 : i32
        %add3A_313 = arith.addi %add3A_310, %mul3A_312 : i32
        %dma_start3A_314 = arith.constant 1 : i32
        %dma_start3A_315 = arith.constant 0 : i32
        %dma_start3A_316 = tpu.memref_slice %arg8[%dma_start3A_314, %dma_start3A_315] : memref<3x80xi32, #tpu.memory_space<vmem>> -> memref<1x80xi32, #tpu.memory_space<vmem>>
        %dma_start3A_317 = tpu.memref_squeeze %dma_start3A_316 : memref<1x80xi32, #tpu.memory_space<vmem>> -> memref<80xi32, #tpu.memory_space<vmem>>
        %dma_start3A_318 = tpu.memref_slice %arg3[%add3A_313] : memref<640000xi32, #tpu.memory_space<hbm>> -> memref<80xi32, #tpu.memory_space<hbm>>
        %dma_start3A_319 = arith.constant 0 : i32
        %dma_start3A_320 = tpu.memref_slice %arg8[%dma_start3A_314, %dma_start3A_319] : memref<3x80xi32, #tpu.memory_space<vmem>> -> memref<1x80xi32, #tpu.memory_space<vmem>>
        %dma_start3A_321 = tpu.memref_squeeze %dma_start3A_320 : memref<1x80xi32, #tpu.memory_space<vmem>> -> memref<80xi32, #tpu.memory_space<vmem>>
        %dma_start3A_322 = tpu.memref_slice %arg3[%add3A_313] : memref<640000xi32, #tpu.memory_space<hbm>> -> memref<80xi32, #tpu.memory_space<hbm>>
        tpu.enqueue_dma source(%dma_start3A_322 : memref<80xi32, #tpu.memory_space<hbm>>) target(%dma_start3A_321 : memref<80xi32, #tpu.memory_space<vmem>>) target_semaphore(%arg14 : memref<!tpu.dma_semaphore, #tpu.memory_space<semaphore_mem>>)
      } else {
      }
      %add3A_254 = arith.constant 2 : i32
      %add3A_255 = arith.addi %mul3A_153, %add3A_254 : i32
      %add3A_256 = arith.constant 2 : i32
      %add3A_257 = arith.addi %add3A_255, %add3A_256 : i32
      %mul3A_258 = arith.constant 80 : i32
      %mul3A_259 = arith.muli %add3A_257, %mul3A_258 : i32
      %dma_start3A_260 = arith.constant 1 : i32
      %dma_start3A_261 = arith.constant 0 : i32
      %dma_start3A_262 = arith.constant 0 : i32
      %dma_start3A_263 = tpu.memref_slice %arg7[%dma_start3A_260, %dma_start3A_261, %dma_start3A_262] : memref<3x80x128xf32, #tpu.memory_space<vmem>> -> memref<1x80x128xf32, #tpu.memory_space<vmem>>
      %dma_start3A_264 = tpu.memref_squeeze %dma_start3A_263 : memref<1x80x128xf32, #tpu.memory_space<vmem>> -> memref<80x128xf32, #tpu.memory_space<vmem>>
      %dma_start3A_265 = tpu.memref_slice %arg6[%mul3A_259] : memref<10000xi32, #tpu.memory_space<vmem>> -> memref<80xi32, #tpu.memory_space<vmem>>
      %dma_start3A_266 = arith.constant 0 : i32
      %dma_start3A_267 = arith.constant 0 : i32
      %dma_start3A_268 = tpu.memref_slice %arg2[%dma_start3A_266, %dma_start3A_267] : memref<10000x128xf32, #tpu.memory_space<hbm>> -> memref<10000x128xf32, #tpu.memory_space<hbm>>
      tpu.enqueue_indirect_dma source(%dma_start3A_268 : memref<10000x128xf32, #tpu.memory_space<hbm>>) target(%dma_start3A_264 : memref<80x128xf32, #tpu.memory_space<vmem>>) offsets(%dma_start3A_265 : memref<80xi32, #tpu.memory_space<vmem>>) semaphore(%arg11 : memref<!tpu.dma_semaphore, #tpu.memory_space<semaphore_mem>>)
      %mul3A_269 = arith.constant 80 : i32
      %mul3A_270 = arith.muli %add3A_255, %mul3A_269 : i32
      %dma_wait3A_271 = arith.constant 2 : i32
      %dma_wait3A_272 = arith.constant 0 : i32
      %dma_wait3A_273 = arith.constant 0 : i32
      %dma_wait3A_274 = tpu.memref_slice %arg7[%dma_wait3A_271, %dma_wait3A_272, %dma_wait3A_273] : memref<3x80x128xf32, #tpu.memory_space<vmem>> -> memref<1x80x128xf32, #tpu.memory_space<vmem>>
      %dma_wait3A_275 = tpu.memref_squeeze %dma_wait3A_274 : memref<1x80x128xf32, #tpu.memory_space<vmem>> -> memref<80x128xf32, #tpu.memory_space<vmem>>
      %dma_wait3A_276 = tpu.memref_slice %arg6[%mul3A_270] : memref<10000xi32, #tpu.memory_space<vmem>> -> memref<80xi32, #tpu.memory_space<vmem>>
      %dma_wait3A_277 = arith.constant 0 : i32
      %dma_wait3A_278 = arith.constant 0 : i32
      %dma_wait3A_279 = tpu.memref_slice %arg2[%dma_wait3A_277, %dma_wait3A_278] : memref<10000x128xf32, #tpu.memory_space<hbm>> -> memref<10000x128xf32, #tpu.memory_space<hbm>>
      tpu.wait_indirect_dma semaphore(%arg12 : memref<!tpu.dma_semaphore, #tpu.memory_space<semaphore_mem>>) src(%dma_wait3A_279 : memref<10000x128xf32, #tpu.memory_space<hbm>>) dst(%dma_wait3A_275 : memref<80x128xf32, #tpu.memory_space<vmem>>)
      %mul3A_280 = arith.constant 10000 : i32
      %mul3A_281 = arith.muli %add3A, %mul3A_280 : i32
      %add3A_282 = arith.constant 320000 : i32
      %add3A_283 = arith.addi %add3A_282, %mul3A_281 : i32
      %mul3A_284 = arith.constant 80 : i32
      %mul3A_285 = arith.muli %add3A_255, %mul3A_284 : i32
      %add3A_286 = arith.addi %add3A_283, %mul3A_285 : i32
      %dma_wait3A_287 = arith.constant 2 : i32
      %dma_wait3A_288 = arith.constant 0 : i32
      %dma_wait3A_289 = tpu.memref_slice %arg8[%dma_wait3A_287, %dma_wait3A_288] : memref<3x80xi32, #tpu.memory_space<vmem>> -> memref<1x80xi32, #tpu.memory_space<vmem>>
      %dma_wait3A_290 = tpu.memref_squeeze %dma_wait3A_289 : memref<1x80xi32, #tpu.memory_space<vmem>> -> memref<80xi32, #tpu.memory_space<vmem>>
      %dma_wait3A_291 = tpu.memref_slice %arg3[%add3A_286] : memref<640000xi32, #tpu.memory_space<hbm>> -> memref<80xi32, #tpu.memory_space<hbm>>
      %dma_wait3A_292 = arith.constant 0 : i32
      %dma_wait3A_293 = tpu.memref_slice %arg8[%dma_wait3A_287, %dma_wait3A_292] : memref<3x80xi32, #tpu.memory_space<vmem>> -> memref<1x80xi32, #tpu.memory_space<vmem>>
      %dma_wait3A_294 = tpu.memref_squeeze %dma_wait3A_293 : memref<1x80xi32, #tpu.memory_space<vmem>> -> memref<80xi32, #tpu.memory_space<vmem>>
      %dma_wait3A_295 = tpu.memref_slice %arg3[%add3A_286] : memref<640000xi32, #tpu.memory_space<hbm>> -> memref<80xi32, #tpu.memory_space<hbm>>
      tpu.wait_dma2 semaphore(%arg15 : memref<!tpu.dma_semaphore, #tpu.memory_space<semaphore_mem>>) src(%dma_wait3A_295 : memref<80xi32, #tpu.memory_space<hbm>>) dst(%dma_wait3A_294 : memref<80xi32, #tpu.memory_space<vmem>>)
      %run_scoped3A_296 = arith.constant 2 : i32
      %run_scoped3A_297 = arith.constant 2 : i32
      "tpu.region"() ({
        %run_scoped3A_305 = tpu.sem_alloc : memref<!tpu.dma_semaphore, #tpu.memory_space<semaphore_mem>>
        %dma_start3A_306 = arith.constant 0 : i32
        %dma_start3A_307 = arith.constant 0 : i32
        %dma_start3A_308 = tpu.memref_slice %arg7[%run_scoped3A_296, %dma_start3A_306, %dma_start3A_307] : memref<3x80x128xf32, #tpu.memory_space<vmem>> -> memref<1x80x128xf32, #tpu.memory_space<vmem>>
        %dma_start3A_309 = tpu.memref_squeeze %dma_start3A_308 : memref<1x80x128xf32, #tpu.memory_space<vmem>> -> memref<80x128xf32, #tpu.memory_space<vmem>>
        %dma_start3A_310 = arith.constant 0 : i32
        %dma_start3A_311 = tpu.memref_slice %arg8[%run_scoped3A_297, %dma_start3A_310] : memref<3x80xi32, #tpu.memory_space<vmem>> -> memref<1x80xi32, #tpu.memory_space<vmem>>
        %dma_start3A_312 = tpu.memref_squeeze %dma_start3A_311 : memref<1x80xi32, #tpu.memory_space<vmem>> -> memref<80xi32, #tpu.memory_space<vmem>>
        %dma_start3A_313 = arith.constant 0 : i32
        %dma_start3A_314 = arith.constant 0 : i32
        %dma_start3A_315 = tpu.memref_slice %arg9[%dma_start3A_313, %dma_start3A_314] : memref<10000x128xf32, #tpu.memory_space<vmem_shared>> -> memref<10000x128xf32, #tpu.memory_space<vmem_shared>>
        tpu.enqueue_indirect_dma source(%dma_start3A_309 : memref<80x128xf32, #tpu.memory_space<vmem>>) target(%dma_start3A_315 : memref<10000x128xf32, #tpu.memory_space<vmem_shared>>) offsets(%dma_start3A_312 : memref<80xi32, #tpu.memory_space<vmem>>) semaphore(%run_scoped3A_305 : memref<!tpu.dma_semaphore, #tpu.memory_space<semaphore_mem>>) {add = true}
        %dma_wait3A_316 = arith.constant 0 : i32
        %dma_wait3A_317 = arith.constant 0 : i32
        %dma_wait3A_318 = tpu.memref_slice %arg7[%run_scoped3A_296, %dma_wait3A_316, %dma_wait3A_317] : memref<3x80x128xf32, #tpu.memory_space<vmem>> -> memref<1x80x128xf32, #tpu.memory_space<vmem>>
        %dma_wait3A_319 = tpu.memref_squeeze %dma_wait3A_318 : memref<1x80x128xf32, #tpu.memory_space<vmem>> -> memref<80x128xf32, #tpu.memory_space<vmem>>
        %dma_wait3A_320 = arith.constant 0 : i32
        %dma_wait3A_321 = tpu.memref_slice %arg8[%run_scoped3A_297, %dma_wait3A_320] : memref<3x80xi32, #tpu.memory_space<vmem>> -> memref<1x80xi32, #tpu.memory_space<vmem>>
        %dma_wait3A_322 = tpu.memref_squeeze %dma_wait3A_321 : memref<1x80xi32, #tpu.memory_space<vmem>> -> memref<80xi32, #tpu.memory_space<vmem>>
        %dma_wait3A_323 = arith.constant 0 : i32
        %dma_wait3A_324 = arith.constant 0 : i32
        %dma_wait3A_325 = tpu.memref_slice %arg9[%dma_wait3A_323, %dma_wait3A_324] : memref<10000x128xf32, #tpu.memory_space<vmem_shared>> -> memref<10000x128xf32, #tpu.memory_space<vmem_shared>>
        tpu.wait_indirect_dma semaphore(%run_scoped3A_305 : memref<!tpu.dma_semaphore, #tpu.memory_space<semaphore_mem>>) src(%dma_wait3A_319 : memref<80x128xf32, #tpu.memory_space<vmem>>) dst(%dma_wait3A_325 : memref<10000x128xf32, #tpu.memory_space<vmem_shared>>)
        tpu.yield
      }) : () -> ()
      %add3A_298 = arith.constant 3 : i32
      %add3A_299 = arith.addi %add3A_255, %add3A_298 : i32
      %lt3A_300 = arith.constant 125 : i32
      %lt3A_301 = arith.cmpi slt, %add3A_299, %lt3A_300 : i32
      %convert_element_type3A_302 = arith.extui %lt3A_301 : i1 to i32
      %cond3A_303 = arith.constant 0 : i32
      %cond3A_304 = arith.cmpi ne, %convert_element_type3A_302, %cond3A_303 : i32
      scf.if %cond3A_304 {
        %add3A_305 = arith.constant 3 : i32
        %add3A_306 = arith.addi %add3A_255, %add3A_305 : i32
        %mul3A_307 = arith.constant 10000 : i32
        %mul3A_308 = arith.muli %add3A, %mul3A_307 : i32
        %add3A_309 = arith.constant 320000 : i32
        %add3A_310 = arith.addi %add3A_309, %mul3A_308 : i32
        %mul3A_311 = arith.constant 80 : i32
        %mul3A_312 = arith.muli %add3A_306, %mul3A_311 : i32
        %add3A_313 = arith.addi %add3A_310, %mul3A_312 : i32
        %dma_start3A_314 = arith.constant 2 : i32
        %dma_start3A_315 = arith.constant 0 : i32
        %dma_start3A_316 = tpu.memref_slice %arg8[%dma_start3A_314, %dma_start3A_315] : memref<3x80xi32, #tpu.memory_space<vmem>> -> memref<1x80xi32, #tpu.memory_space<vmem>>
        %dma_start3A_317 = tpu.memref_squeeze %dma_start3A_316 : memref<1x80xi32, #tpu.memory_space<vmem>> -> memref<80xi32, #tpu.memory_space<vmem>>
        %dma_start3A_318 = tpu.memref_slice %arg3[%add3A_313] : memref<640000xi32, #tpu.memory_space<hbm>> -> memref<80xi32, #tpu.memory_space<hbm>>
        %dma_start3A_319 = arith.constant 0 : i32
        %dma_start3A_320 = tpu.memref_slice %arg8[%dma_start3A_314, %dma_start3A_319] : memref<3x80xi32, #tpu.memory_space<vmem>> -> memref<1x80xi32, #tpu.memory_space<vmem>>
        %dma_start3A_321 = tpu.memref_squeeze %dma_start3A_320 : memref<1x80xi32, #tpu.memory_space<vmem>> -> memref<80xi32, #tpu.memory_space<vmem>>
        %dma_start3A_322 = tpu.memref_slice %arg3[%add3A_313] : memref<640000xi32, #tpu.memory_space<hbm>> -> memref<80xi32, #tpu.memory_space<hbm>>
        tpu.enqueue_dma source(%dma_start3A_322 : memref<80xi32, #tpu.memory_space<hbm>>) target(%dma_start3A_321 : memref<80xi32, #tpu.memory_space<vmem>>) target_semaphore(%arg15 : memref<!tpu.dma_semaphore, #tpu.memory_space<semaphore_mem>>)
      } else {
      }
    }
    %scan3A_87 = arith.constant 41 : i32
    %dma_wait3A = arith.constant 0 : i32
    %dma_wait3A_88 = arith.constant 0 : i32
    %dma_wait3A_89 = arith.constant 0 : i32
    %dma_wait3A_90 = tpu.memref_slice %arg7[%dma_wait3A, %dma_wait3A_88, %dma_wait3A_89] : memref<3x80x128xf32, #tpu.memory_space<vmem>> -> memref<1x80x128xf32, #tpu.memory_space<vmem>>
    %dma_wait3A_91 = tpu.memref_squeeze %dma_wait3A_90 : memref<1x80x128xf32, #tpu.memory_space<vmem>> -> memref<80x128xf32, #tpu.memory_space<vmem>>
    %dma_wait3A_92 = arith.constant 9840 : i32
    %dma_wait3A_93 = tpu.memref_slice %arg6[%dma_wait3A_92] : memref<10000xi32, #tpu.memory_space<vmem>> -> memref<80xi32, #tpu.memory_space<vmem>>
    %dma_wait3A_94 = arith.constant 0 : i32
    %dma_wait3A_95 = arith.constant 0 : i32
    %dma_wait3A_96 = tpu.memref_slice %arg2[%dma_wait3A_94, %dma_wait3A_95] : memref<10000x128xf32, #tpu.memory_space<hbm>> -> memref<10000x128xf32, #tpu.memory_space<hbm>>
    tpu.wait_indirect_dma semaphore(%arg10 : memref<!tpu.dma_semaphore, #tpu.memory_space<semaphore_mem>>) src(%dma_wait3A_96 : memref<10000x128xf32, #tpu.memory_space<hbm>>) dst(%dma_wait3A_91 : memref<80x128xf32, #tpu.memory_space<vmem>>)
    %mul3A_97 = arith.constant 10000 : i32
    %mul3A_98 = arith.muli %add3A, %mul3A_97 : i32
    %add3A_99 = arith.constant 320000 : i32
    %add3A_100 = arith.addi %add3A_99, %mul3A_98 : i32
    %add3A_101 = arith.constant 9840 : i32
    %add3A_102 = arith.addi %add3A_100, %add3A_101 : i32
    %dma_wait3A_103 = arith.constant 0 : i32
    %dma_wait3A_104 = arith.constant 0 : i32
    %dma_wait3A_105 = tpu.memref_slice %arg8[%dma_wait3A_103, %dma_wait3A_104] : memref<3x80xi32, #tpu.memory_space<vmem>> -> memref<1x80xi32, #tpu.memory_space<vmem>>
    %dma_wait3A_106 = tpu.memref_squeeze %dma_wait3A_105 : memref<1x80xi32, #tpu.memory_space<vmem>> -> memref<80xi32, #tpu.memory_space<vmem>>
    %dma_wait3A_107 = tpu.memref_slice %arg3[%add3A_102] : memref<640000xi32, #tpu.memory_space<hbm>> -> memref<80xi32, #tpu.memory_space<hbm>>
    %dma_wait3A_108 = arith.constant 0 : i32
    %dma_wait3A_109 = tpu.memref_slice %arg8[%dma_wait3A_103, %dma_wait3A_108] : memref<3x80xi32, #tpu.memory_space<vmem>> -> memref<1x80xi32, #tpu.memory_space<vmem>>
    %dma_wait3A_110 = tpu.memref_squeeze %dma_wait3A_109 : memref<1x80xi32, #tpu.memory_space<vmem>> -> memref<80xi32, #tpu.memory_space<vmem>>
    %dma_wait3A_111 = tpu.memref_slice %arg3[%add3A_102] : memref<640000xi32, #tpu.memory_space<hbm>> -> memref<80xi32, #tpu.memory_space<hbm>>
    tpu.wait_dma2 semaphore(%arg13 : memref<!tpu.dma_semaphore, #tpu.memory_space<semaphore_mem>>) src(%dma_wait3A_111 : memref<80xi32, #tpu.memory_space<hbm>>) dst(%dma_wait3A_110 : memref<80xi32, #tpu.memory_space<vmem>>)
    %run_scoped3A = arith.constant 0 : i32
    %run_scoped3A_112 = arith.constant 0 : i32
    "tpu.region"() ({
      %run_scoped3A_151 = tpu.sem_alloc : memref<!tpu.dma_semaphore, #tpu.memory_space<semaphore_mem>>
      %dma_start3A_152 = arith.constant 0 : i32
      %dma_start3A_153 = arith.constant 0 : i32
      %dma_start3A_154 = tpu.memref_slice %arg7[%run_scoped3A, %dma_start3A_152, %dma_start3A_153] : memref<3x80x128xf32, #tpu.memory_space<vmem>> -> memref<1x80x128xf32, #tpu.memory_space<vmem>>
      %dma_start3A_155 = tpu.memref_squeeze %dma_start3A_154 : memref<1x80x128xf32, #tpu.memory_space<vmem>> -> memref<80x128xf32, #tpu.memory_space<vmem>>
      %dma_start3A_156 = arith.constant 0 : i32
      %dma_start3A_157 = tpu.memref_slice %arg8[%run_scoped3A_112, %dma_start3A_156] : memref<3x80xi32, #tpu.memory_space<vmem>> -> memref<1x80xi32, #tpu.memory_space<vmem>>
      %dma_start3A_158 = tpu.memref_squeeze %dma_start3A_157 : memref<1x80xi32, #tpu.memory_space<vmem>> -> memref<80xi32, #tpu.memory_space<vmem>>
      %dma_start3A_159 = arith.constant 0 : i32
      %dma_start3A_160 = arith.constant 0 : i32
      %dma_start3A_161 = tpu.memref_slice %arg9[%dma_start3A_159, %dma_start3A_160] : memref<10000x128xf32, #tpu.memory_space<vmem_shared>> -> memref<10000x128xf32, #tpu.memory_space<vmem_shared>>
      tpu.enqueue_indirect_dma source(%dma_start3A_155 : memref<80x128xf32, #tpu.memory_space<vmem>>) target(%dma_start3A_161 : memref<10000x128xf32, #tpu.memory_space<vmem_shared>>) offsets(%dma_start3A_158 : memref<80xi32, #tpu.memory_space<vmem>>) semaphore(%run_scoped3A_151 : memref<!tpu.dma_semaphore, #tpu.memory_space<semaphore_mem>>) {add = true}
      %dma_wait3A_162 = arith.constant 0 : i32
      %dma_wait3A_163 = arith.constant 0 : i32
      %dma_wait3A_164 = tpu.memref_slice %arg7[%run_scoped3A, %dma_wait3A_162, %dma_wait3A_163] : memref<3x80x128xf32, #tpu.memory_space<vmem>> -> memref<1x80x128xf32, #tpu.memory_space<vmem>>
      %dma_wait3A_165 = tpu.memref_squeeze %dma_wait3A_164 : memref<1x80x128xf32, #tpu.memory_space<vmem>> -> memref<80x128xf32, #tpu.memory_space<vmem>>
      %dma_wait3A_166 = arith.constant 0 : i32
      %dma_wait3A_167 = tpu.memref_slice %arg8[%run_scoped3A_112, %dma_wait3A_166] : memref<3x80xi32, #tpu.memory_space<vmem>> -> memref<1x80xi32, #tpu.memory_space<vmem>>
      %dma_wait3A_168 = tpu.memref_squeeze %dma_wait3A_167 : memref<1x80xi32, #tpu.memory_space<vmem>> -> memref<80xi32, #tpu.memory_space<vmem>>
      %dma_wait3A_169 = arith.constant 0 : i32
      %dma_wait3A_170 = arith.constant 0 : i32
      %dma_wait3A_171 = tpu.memref_slice %arg9[%dma_wait3A_169, %dma_wait3A_170] : memref<10000x128xf32, #tpu.memory_space<vmem_shared>> -> memref<10000x128xf32, #tpu.memory_space<vmem_shared>>
      tpu.wait_indirect_dma semaphore(%run_scoped3A_151 : memref<!tpu.dma_semaphore, #tpu.memory_space<semaphore_mem>>) src(%dma_wait3A_165 : memref<80x128xf32, #tpu.memory_space<vmem>>) dst(%dma_wait3A_171 : memref<10000x128xf32, #tpu.memory_space<vmem_shared>>)
      tpu.yield
    }) : () -> ()
    %dma_wait3A_113 = arith.constant 1 : i32
    %dma_wait3A_114 = arith.constant 0 : i32
    %dma_wait3A_115 = arith.constant 0 : i32
    %dma_wait3A_116 = tpu.memref_slice %arg7[%dma_wait3A_113, %dma_wait3A_114, %dma_wait3A_115] : memref<3x80x128xf32, #tpu.memory_space<vmem>> -> memref<1x80x128xf32, #tpu.memory_space<vmem>>
    %dma_wait3A_117 = tpu.memref_squeeze %dma_wait3A_116 : memref<1x80x128xf32, #tpu.memory_space<vmem>> -> memref<80x128xf32, #tpu.memory_space<vmem>>
    %dma_wait3A_118 = arith.constant 9920 : i32
    %dma_wait3A_119 = tpu.memref_slice %arg6[%dma_wait3A_118] : memref<10000xi32, #tpu.memory_space<vmem>> -> memref<80xi32, #tpu.memory_space<vmem>>
    %dma_wait3A_120 = arith.constant 0 : i32
    %dma_wait3A_121 = arith.constant 0 : i32
    %dma_wait3A_122 = tpu.memref_slice %arg2[%dma_wait3A_120, %dma_wait3A_121] : memref<10000x128xf32, #tpu.memory_space<hbm>> -> memref<10000x128xf32, #tpu.memory_space<hbm>>
    tpu.wait_indirect_dma semaphore(%arg11 : memref<!tpu.dma_semaphore, #tpu.memory_space<semaphore_mem>>) src(%dma_wait3A_122 : memref<10000x128xf32, #tpu.memory_space<hbm>>) dst(%dma_wait3A_117 : memref<80x128xf32, #tpu.memory_space<vmem>>)
    %mul3A_123 = arith.constant 10000 : i32
    %mul3A_124 = arith.muli %add3A, %mul3A_123 : i32
    %add3A_125 = arith.constant 320000 : i32
    %add3A_126 = arith.addi %add3A_125, %mul3A_124 : i32
    %add3A_127 = arith.constant 9920 : i32
    %add3A_128 = arith.addi %add3A_126, %add3A_127 : i32
    %dma_wait3A_129 = arith.constant 1 : i32
    %dma_wait3A_130 = arith.constant 0 : i32
    %dma_wait3A_131 = tpu.memref_slice %arg8[%dma_wait3A_129, %dma_wait3A_130] : memref<3x80xi32, #tpu.memory_space<vmem>> -> memref<1x80xi32, #tpu.memory_space<vmem>>
    %dma_wait3A_132 = tpu.memref_squeeze %dma_wait3A_131 : memref<1x80xi32, #tpu.memory_space<vmem>> -> memref<80xi32, #tpu.memory_space<vmem>>
    %dma_wait3A_133 = tpu.memref_slice %arg3[%add3A_128] : memref<640000xi32, #tpu.memory_space<hbm>> -> memref<80xi32, #tpu.memory_space<hbm>>
    %dma_wait3A_134 = arith.constant 0 : i32
    %dma_wait3A_135 = tpu.memref_slice %arg8[%dma_wait3A_129, %dma_wait3A_134] : memref<3x80xi32, #tpu.memory_space<vmem>> -> memref<1x80xi32, #tpu.memory_space<vmem>>
    %dma_wait3A_136 = tpu.memref_squeeze %dma_wait3A_135 : memref<1x80xi32, #tpu.memory_space<vmem>> -> memref<80xi32, #tpu.memory_space<vmem>>
    %dma_wait3A_137 = tpu.memref_slice %arg3[%add3A_128] : memref<640000xi32, #tpu.memory_space<hbm>> -> memref<80xi32, #tpu.memory_space<hbm>>
    tpu.wait_dma2 semaphore(%arg14 : memref<!tpu.dma_semaphore, #tpu.memory_space<semaphore_mem>>) src(%dma_wait3A_137 : memref<80xi32, #tpu.memory_space<hbm>>) dst(%dma_wait3A_136 : memref<80xi32, #tpu.memory_space<vmem>>)
    %run_scoped3A_138 = arith.constant 1 : i32
    %run_scoped3A_139 = arith.constant 1 : i32
    "tpu.region"() ({
      %run_scoped3A_151 = tpu.sem_alloc : memref<!tpu.dma_semaphore, #tpu.memory_space<semaphore_mem>>
      %dma_start3A_152 = arith.constant 0 : i32
      %dma_start3A_153 = arith.constant 0 : i32
      %dma_start3A_154 = tpu.memref_slice %arg7[%run_scoped3A_138, %dma_start3A_152, %dma_start3A_153] : memref<3x80x128xf32, #tpu.memory_space<vmem>> -> memref<1x80x128xf32, #tpu.memory_space<vmem>>
      %dma_start3A_155 = tpu.memref_squeeze %dma_start3A_154 : memref<1x80x128xf32, #tpu.memory_space<vmem>> -> memref<80x128xf32, #tpu.memory_space<vmem>>
      %dma_start3A_156 = arith.constant 0 : i32
      %dma_start3A_157 = tpu.memref_slice %arg8[%run_scoped3A_139, %dma_start3A_156] : memref<3x80xi32, #tpu.memory_space<vmem>> -> memref<1x80xi32, #tpu.memory_space<vmem>>
      %dma_start3A_158 = tpu.memref_squeeze %dma_start3A_157 : memref<1x80xi32, #tpu.memory_space<vmem>> -> memref<80xi32, #tpu.memory_space<vmem>>
      %dma_start3A_159 = arith.constant 0 : i32
      %dma_start3A_160 = arith.constant 0 : i32
      %dma_start3A_161 = tpu.memref_slice %arg9[%dma_start3A_159, %dma_start3A_160] : memref<10000x128xf32, #tpu.memory_space<vmem_shared>> -> memref<10000x128xf32, #tpu.memory_space<vmem_shared>>
      tpu.enqueue_indirect_dma source(%dma_start3A_155 : memref<80x128xf32, #tpu.memory_space<vmem>>) target(%dma_start3A_161 : memref<10000x128xf32, #tpu.memory_space<vmem_shared>>) offsets(%dma_start3A_158 : memref<80xi32, #tpu.memory_space<vmem>>) semaphore(%run_scoped3A_151 : memref<!tpu.dma_semaphore, #tpu.memory_space<semaphore_mem>>) {add = true}
      %dma_wait3A_162 = arith.constant 0 : i32
      %dma_wait3A_163 = arith.constant 0 : i32
      %dma_wait3A_164 = tpu.memref_slice %arg7[%run_scoped3A_138, %dma_wait3A_162, %dma_wait3A_163] : memref<3x80x128xf32, #tpu.memory_space<vmem>> -> memref<1x80x128xf32, #tpu.memory_space<vmem>>
      %dma_wait3A_165 = tpu.memref_squeeze %dma_wait3A_164 : memref<1x80x128xf32, #tpu.memory_space<vmem>> -> memref<80x128xf32, #tpu.memory_space<vmem>>
      %dma_wait3A_166 = arith.constant 0 : i32
      %dma_wait3A_167 = tpu.memref_slice %arg8[%run_scoped3A_139, %dma_wait3A_166] : memref<3x80xi32, #tpu.memory_space<vmem>> -> memref<1x80xi32, #tpu.memory_space<vmem>>
      %dma_wait3A_168 = tpu.memref_squeeze %dma_wait3A_167 : memref<1x80xi32, #tpu.memory_space<vmem>> -> memref<80xi32, #tpu.memory_space<vmem>>
      %dma_wait3A_169 = arith.constant 0 : i32
      %dma_wait3A_170 = arith.constant 0 : i32
      %dma_wait3A_171 = tpu.memref_slice %arg9[%dma_wait3A_169, %dma_wait3A_170] : memref<10000x128xf32, #tpu.memory_space<vmem_shared>> -> memref<10000x128xf32, #tpu.memory_space<vmem_shared>>
      tpu.wait_indirect_dma semaphore(%run_scoped3A_151 : memref<!tpu.dma_semaphore, #tpu.memory_space<semaphore_mem>>) src(%dma_wait3A_165 : memref<80x128xf32, #tpu.memory_space<vmem>>) dst(%dma_wait3A_171 : memref<10000x128xf32, #tpu.memory_space<vmem_shared>>)
      tpu.yield
    }) : () -> ()
    %barrier3A_140 = arith.constant 0 : index
    tpu.barrier barrier_id(%barrier3A_140)
    %lt3A_141 = arith.constant 15 : i32
    %lt3A_142 = arith.cmpi slt, %arg1, %lt3A_141 : i32
    %convert_element_type3A_143 = arith.extui %lt3A_142 : i1 to i32
    %cond3A_144 = arith.constant 0 : i32
    %cond3A_145 = arith.cmpi ne, %convert_element_type3A_143, %cond3A_144 : i32
    scf.if %cond3A_145 {
      %mul3A_151 = arith.constant 640 : i32
      %mul3A_152 = arith.muli %arg1, %mul3A_151 : i32
      %mul3A_153 = arith.constant 640 : i32
      %mul3A_154 = arith.muli %arg1, %mul3A_153 : i32
      "tpu.region"() ({
        %run_scoped3A_155 = tpu.sem_alloc : memref<!tpu.dma_semaphore, #tpu.memory_space<semaphore_mem>>
        %dma_start3A_156 = arith.constant 0 : i32
        %dma_start3A_157 = tpu.memref_slice %arg5[%arg0, %mul3A_154, %dma_start3A_156] : memref<2x10000x128xf32, #tpu.memory_space<hbm>> -> memref<1x640x128xf32, #tpu.memory_space<hbm>>
        %dma_start3A_158 = tpu.memref_squeeze %dma_start3A_157 : memref<1x640x128xf32, #tpu.memory_space<hbm>> -> memref<640x128xf32, #tpu.memory_space<hbm>>
        %dma_start3A_159 = arith.constant 0 : i32
        %dma_start3A_160 = tpu.memref_slice %arg9[%mul3A_152, %dma_start3A_159] : memref<10000x128xf32, #tpu.memory_space<vmem_shared>> -> memref<640x128xf32, #tpu.memory_space<vmem_shared>>
        tpu.enqueue_dma source(%dma_start3A_160 : memref<640x128xf32, #tpu.memory_space<vmem_shared>>) target(%dma_start3A_158 : memref<640x128xf32, #tpu.memory_space<hbm>>) target_semaphore(%run_scoped3A_155 : memref<!tpu.dma_semaphore, #tpu.memory_space<semaphore_mem>>)
        %dma_wait3A_161 = arith.constant 0 : i32
        %dma_wait3A_162 = tpu.memref_slice %arg5[%arg0, %mul3A_154, %dma_wait3A_161] : memref<2x10000x128xf32, #tpu.memory_space<hbm>> -> memref<1x640x128xf32, #tpu.memory_space<hbm>>
        %dma_wait3A_163 = tpu.memref_squeeze %dma_wait3A_162 : memref<1x640x128xf32, #tpu.memory_space<hbm>> -> memref<640x128xf32, #tpu.memory_space<hbm>>
        %dma_wait3A_164 = arith.constant 0 : i32
        %dma_wait3A_165 = tpu.memref_slice %arg9[%mul3A_152, %dma_wait3A_164] : memref<10000x128xf32, #tpu.memory_space<vmem_shared>> -> memref<640x128xf32, #tpu.memory_space<vmem_shared>>
        tpu.wait_dma2 semaphore(%run_scoped3A_155 : memref<!tpu.dma_semaphore, #tpu.memory_space<semaphore_mem>>) src(%dma_wait3A_165 : memref<640x128xf32, #tpu.memory_space<vmem_shared>>) dst(%dma_wait3A_163 : memref<640x128xf32, #tpu.memory_space<hbm>>)
        tpu.yield
      }) : () -> ()
    } else {
    }
    %eq3A_146 = arith.constant 15 : i32
    %eq3A_147 = arith.cmpi eq, %arg1, %eq3A_146 : i32
    %convert_element_type3A_148 = arith.extui %eq3A_147 : i1 to i32
    %cond3A_149 = arith.constant 0 : i32
    %cond3A_150 = arith.cmpi ne, %convert_element_type3A_148, %cond3A_149 : i32
    scf.if %cond3A_150 {
      "tpu.region"() ({
        %run_scoped3A_151 = tpu.sem_alloc : memref<!tpu.dma_semaphore, #tpu.memory_space<semaphore_mem>>
        %dma_start3A_152 = arith.constant 9600 : i32
        %dma_start3A_153 = arith.constant 0 : i32
        %dma_start3A_154 = tpu.memref_slice %arg5[%arg0, %dma_start3A_152, %dma_start3A_153] : memref<2x10000x128xf32, #tpu.memory_space<hbm>> -> memref<1x400x128xf32, #tpu.memory_space<hbm>>
        %dma_start3A_155 = tpu.memref_squeeze %dma_start3A_154 : memref<1x400x128xf32, #tpu.memory_space<hbm>> -> memref<400x128xf32, #tpu.memory_space<hbm>>
        %dma_start3A_156 = arith.constant 9600 : i32
        %dma_start3A_157 = arith.constant 0 : i32
        %dma_start3A_158 = tpu.memref_slice %arg9[%dma_start3A_156, %dma_start3A_157] : memref<10000x128xf32, #tpu.memory_space<vmem_shared>> -> memref<400x128xf32, #tpu.memory_space<vmem_shared>>
        tpu.enqueue_dma source(%dma_start3A_158 : memref<400x128xf32, #tpu.memory_space<vmem_shared>>) target(%dma_start3A_155 : memref<400x128xf32, #tpu.memory_space<hbm>>) target_semaphore(%run_scoped3A_151 : memref<!tpu.dma_semaphore, #tpu.memory_space<semaphore_mem>>)
        %dma_wait3A_159 = arith.constant 9600 : i32
        %dma_wait3A_160 = arith.constant 0 : i32
        %dma_wait3A_161 = tpu.memref_slice %arg5[%arg0, %dma_wait3A_159, %dma_wait3A_160] : memref<2x10000x128xf32, #tpu.memory_space<hbm>> -> memref<1x400x128xf32, #tpu.memory_space<hbm>>
        %dma_wait3A_162 = tpu.memref_squeeze %dma_wait3A_161 : memref<1x400x128xf32, #tpu.memory_space<hbm>> -> memref<400x128xf32, #tpu.memory_space<hbm>>
        %dma_wait3A_163 = arith.constant 9600 : i32
        %dma_wait3A_164 = arith.constant 0 : i32
        %dma_wait3A_165 = tpu.memref_slice %arg9[%dma_wait3A_163, %dma_wait3A_164] : memref<10000x128xf32, #tpu.memory_space<vmem_shared>> -> memref<400x128xf32, #tpu.memory_space<vmem_shared>>
        tpu.wait_dma2 semaphore(%run_scoped3A_151 : memref<!tpu.dma_semaphore, #tpu.memory_space<semaphore_mem>>) src(%dma_wait3A_165 : memref<400x128xf32, #tpu.memory_space<vmem_shared>>) dst(%dma_wait3A_162 : memref<400x128xf32, #tpu.memory_space<hbm>>)
        tpu.yield
      }) : () -> ()
    } else {
    }
    return
  }
}

#map = affine_map<(d0, d1) -> (0, 0)>
#map1 = affine_map<(d0, d1) -> (0)>
#map2 = affine_map<(d0, d1) -> (0, 0, 0)>
module attributes {stable_mosaic.version = 14 : i64} {
  func.func @gin_sc_scatter(%arg0: i32, %arg1: i32, %arg2: memref<10000x128xf32, #tpu.memory_space<hbm>>, %arg3: memref<640000xi32, #tpu.memory_space<hbm>>, %arg4: memref<10000x128xf32, #tpu.memory_space<hbm>>, %arg5: memref<2x10000x128xf32, #tpu.memory_space<hbm>>, %arg6: memref<10000xi32, #tpu.memory_space<vmem>>, %arg7: memref<3x80x128xf32, #tpu.memory_space<vmem>>, %arg8: memref<3x80xi32, #tpu.memory_space<vmem>>, %arg9: memref<10000x128xf32, #tpu.memory_space<vmem_shared>>, %arg10: memref<!tpu.dma_semaphore, #tpu.memory_space<semaphore_mem>>, %arg11: memref<!tpu.dma_semaphore, #tpu.memory_space<semaphore_mem>>, %arg12: memref<!tpu.dma_semaphore, #tpu.memory_space<semaphore_mem>>, %arg13: memref<!tpu.dma_semaphore, #tpu.memory_space<semaphore_mem>>, %arg14: memref<!tpu.dma_semaphore, #tpu.memory_space<semaphore_mem>>, %arg15: memref<!tpu.dma_semaphore, #tpu.memory_space<semaphore_mem>>, %arg16: memref<!tpu.dma_semaphore, #tpu.memory_space<semaphore_mem>>) attributes {dimension_semantics = [#tpu.dimension_semantics<core_parallel>, #tpu.dimension_semantics<subcore_parallel>], iteration_bounds = array<i64: 2, 16>, scalar_prefetch = 0 : i64, scratch_operands = 11 : i64, tpu.core_type = #tpu.core_type<sc_vector_subcore>, window_params = [{transform_indices = #map}, {transform_indices = #map1}, {transform_indices = #map}, {transform_indices = #map2}]} {
    %mul3A = arith.constant 2 : i32
    %mul3A_0 = arith.muli %arg1, %mul3A : i32
    %add3A = arith.addi %mul3A_0, %arg0 : i32
    %lt3A = arith.constant 15 : i32
    %lt3A_1 = arith.cmpi slt, %arg1, %lt3A : i32
    %convert_element_type3A = arith.extui %lt3A_1 : i1 to i32
    %cond3A = arith.constant 0 : i32
    %cond3A_2 = arith.cmpi ne, %convert_element_type3A, %cond3A : i32
    scf.if %cond3A_2 {
      %mul3A_151 = arith.constant 640 : i32
      %mul3A_152 = arith.muli %arg1, %mul3A_151 : i32
      %mul3A_153 = arith.constant 640 : i32
      %mul3A_154 = arith.muli %arg1, %mul3A_153 : i32
      %dma_start3A_155 = arith.constant 0 : i32
      %dma_start3A_156 = tpu.memref_slice %arg9[%mul3A_154, %dma_start3A_155] : memref<10000x128xf32, #tpu.memory_space<vmem_shared>> -> memref<640x128xf32, #tpu.memory_space<vmem_shared>>
      %dma_start3A_157 = arith.constant 0 : i32
      %dma_start3A_158 = tpu.memref_slice %arg4[%mul3A_152, %dma_start3A_157] : memref<10000x128xf32, #tpu.memory_space<hbm>> -> memref<640x128xf32, #tpu.memory_space<hbm>>
      tpu.enqueue_dma source(%dma_start3A_158 : memref<640x128xf32, #tpu.memory_space<hbm>>) target(%dma_start3A_156 : memref<640x128xf32, #tpu.memory_space<vmem_shared>>) target_semaphore(%arg16 : memref<!tpu.dma_semaphore, #tpu.memory_space<semaphore_mem>>)
    } else {
    }
    %eq3A = arith.constant 15 : i32
    %eq3A_3 = arith.cmpi eq, %arg1, %eq3A : i32
    %convert_element_type3A_4 = arith.extui %eq3A_3 : i1 to i32
    %cond3A_5 = arith.constant 0 : i32
    %cond3A_6 = arith.cmpi ne, %convert_element_type3A_4, %cond3A_5 : i32
    scf.if %cond3A_6 {
      %dma_start3A_151 = arith.constant 9600 : i32
      %dma_start3A_152 = arith.constant 0 : i32
      %dma_start3A_153 = tpu.memref_slice %arg9[%dma_start3A_151, %dma_start3A_152] : memref<10000x128xf32, #tpu.memory_space<vmem_shared>> -> memref<400x128xf32, #tpu.memory_space<vmem_shared>>
      %dma_start3A_154 = arith.constant 9600 : i32
      %dma_start3A_155 = arith.constant 0 : i32
      %dma_start3A_156 = tpu.memref_slice %arg4[%dma_start3A_154, %dma_start3A_155] : memref<10000x128xf32, #tpu.memory_space<hbm>> -> memref<400x128xf32, #tpu.memory_space<hbm>>
      tpu.enqueue_dma source(%dma_start3A_156 : memref<400x128xf32, #tpu.memory_space<hbm>>) target(%dma_start3A_153 : memref<400x128xf32, #tpu.memory_space<vmem_shared>>) target_semaphore(%arg16 : memref<!tpu.dma_semaphore, #tpu.memory_space<semaphore_mem>>)
    } else {
    }
    %mul3A_7 = arith.constant 10000 : i32
    %mul3A_8 = arith.muli %add3A, %mul3A_7 : i32
    "tpu.region"() ({
      %run_scoped3A_151 = tpu.sem_alloc : memref<!tpu.dma_semaphore, #tpu.memory_space<semaphore_mem>>
      %dma_start3A_152 = tpu.memref_slice %arg3[%mul3A_8] : memref<640000xi32, #tpu.memory_space<hbm>> -> memref<10000xi32, #tpu.memory_space<hbm>>
      %dma_start3A_153 = tpu.memref_slice %arg3[%mul3A_8] : memref<640000xi32, #tpu.memory_space<hbm>> -> memref<10000xi32, #tpu.memory_space<hbm>>
      tpu.enqueue_dma source(%dma_start3A_153 : memref<10000xi32, #tpu.memory_space<hbm>>) target(%arg6 : memref<10000xi32, #tpu.memory_space<vmem>>) target_semaphore(%run_scoped3A_151 : memref<!tpu.dma_semaphore, #tpu.memory_space<semaphore_mem>>)
      %dma_wait3A_154 = tpu.memref_slice %arg3[%mul3A_8] : memref<640000xi32, #tpu.memory_space<hbm>> -> memref<10000xi32, #tpu.memory_space<hbm>>
      %dma_wait3A_155 = tpu.memref_slice %arg3[%mul3A_8] : memref<640000xi32, #tpu.memory_space<hbm>> -> memref<10000xi32, #tpu.memory_space<hbm>>
      tpu.wait_dma2 semaphore(%run_scoped3A_151 : memref<!tpu.dma_semaphore, #tpu.memory_space<semaphore_mem>>) src(%dma_wait3A_155 : memref<10000xi32, #tpu.memory_space<hbm>>) dst(%arg6 : memref<10000xi32, #tpu.memory_space<vmem>>)
      tpu.yield
    }) : () -> ()
    %mul3A_9 = arith.constant 10000 : i32
    %mul3A_10 = arith.muli %add3A, %mul3A_9 : i32
    %add3A_11 = arith.constant 320000 : i32
    %add3A_12 = arith.addi %add3A_11, %mul3A_10 : i32
    %add3A_13 = arith.constant 0 : i32
    %add3A_14 = arith.addi %add3A_12, %add3A_13 : i32
    %dma_start3A = arith.constant 0 : i32
    %dma_start3A_15 = arith.constant 0 : i32
    %dma_start3A_16 = tpu.memref_slice %arg8[%dma_start3A, %dma_start3A_15] : memref<3x80xi32, #tpu.memory_space<vmem>> -> memref<1x80xi32, #tpu.memory_space<vmem>>
    %dma_start3A_17 = tpu.memref_squeeze %dma_start3A_16 : memref<1x80xi32, #tpu.memory_space<vmem>> -> memref<80xi32, #tpu.memory_space<vmem>>
    %dma_start3A_18 = tpu.memref_slice %arg3[%add3A_14] : memref<640000xi32, #tpu.memory_space<hbm>> -> memref<80xi32, #tpu.memory_space<hbm>>
    %dma_start3A_19 = arith.constant 0 : i32
    %dma_start3A_20 = tpu.memref_slice %arg8[%dma_start3A, %dma_start3A_19] : memref<3x80xi32, #tpu.memory_space<vmem>> -> memref<1x80xi32, #tpu.memory_space<vmem>>
    %dma_start3A_21 = tpu.memref_squeeze %dma_start3A_20 : memref<1x80xi32, #tpu.memory_space<vmem>> -> memref<80xi32, #tpu.memory_space<vmem>>
    %dma_start3A_22 = tpu.memref_slice %arg3[%add3A_14] : memref<640000xi32, #tpu.memory_space<hbm>> -> memref<80xi32, #tpu.memory_space<hbm>>
    tpu.enqueue_dma source(%dma_start3A_22 : memref<80xi32, #tpu.memory_space<hbm>>) target(%dma_start3A_21 : memref<80xi32, #tpu.memory_space<vmem>>) target_semaphore(%arg13 : memref<!tpu.dma_semaphore, #tpu.memory_space<semaphore_mem>>)
    %mul3A_23 = arith.constant 10000 : i32
    %mul3A_24 = arith.muli %add3A, %mul3A_23 : i32
    %add3A_25 = arith.constant 320000 : i32
    %add3A_26 = arith.addi %add3A_25, %mul3A_24 : i32
    %add3A_27 = arith.constant 80 : i32
    %add3A_28 = arith.addi %add3A_26, %add3A_27 : i32
    %dma_start3A_29 = arith.constant 1 : i32
    %dma_start3A_30 = arith.constant 0 : i32
    %dma_start3A_31 = tpu.memref_slice %arg8[%dma_start3A_29, %dma_start3A_30] : memref<3x80xi32, #tpu.memory_space<vmem>> -> memref<1x80xi32, #tpu.memory_space<vmem>>
    %dma_start3A_32 = tpu.memref_squeeze %dma_start3A_31 : memref<1x80xi32, #tpu.memory_space<vmem>> -> memref<80xi32, #tpu.memory_space<vmem>>
    %dma_start3A_33 = tpu.memref_slice %arg3[%add3A_28] : memref<640000xi32, #tpu.memory_space<hbm>> -> memref<80xi32, #tpu.memory_space<hbm>>
    %dma_start3A_34 = arith.constant 0 : i32
    %dma_start3A_35 = tpu.memref_slice %arg8[%dma_start3A_29, %dma_start3A_34] : memref<3x80xi32, #tpu.memory_space<vmem>> -> memref<1x80xi32, #tpu.memory_space<vmem>>
    %dma_start3A_36 = tpu.memref_squeeze %dma_start3A_35 : memref<1x80xi32, #tpu.memory_space<vmem>> -> memref<80xi32, #tpu.memory_space<vmem>>
    %dma_start3A_37 = tpu.memref_slice %arg3[%add3A_28] : memref<640000xi32, #tpu.memory_space<hbm>> -> memref<80xi32, #tpu.memory_space<hbm>>
    tpu.enqueue_dma source(%dma_start3A_37 : memref<80xi32, #tpu.memory_space<hbm>>) target(%dma_start3A_36 : memref<80xi32, #tpu.memory_space<vmem>>) target_semaphore(%arg14 : memref<!tpu.dma_semaphore, #tpu.memory_space<semaphore_mem>>)
    %mul3A_38 = arith.constant 10000 : i32
    %mul3A_39 = arith.muli %add3A, %mul3A_38 : i32
    %add3A_40 = arith.constant 320000 : i32
    %add3A_41 = arith.addi %add3A_40, %mul3A_39 : i32
    %add3A_42 = arith.constant 160 : i32
    %add3A_43 = arith.addi %add3A_41, %add3A_42 : i32
    %dma_start3A_44 = arith.constant 2 : i32
    %dma_start3A_45 = arith.constant 0 : i32
    %dma_start3A_46 = tpu.memref_slice %arg8[%dma_start3A_44, %dma_start3A_45] : memref<3x80xi32, #tpu.memory_space<vmem>> -> memref<1x80xi32, #tpu.memory_space<vmem>>
    %dma_start3A_47 = tpu.memref_squeeze %dma_start3A_46 : memref<1x80xi32, #tpu.memory_space<vmem>> -> memref<80xi32, #tpu.memory_space<vmem>>
    %dma_start3A_48 = tpu.memref_slice %arg3[%add3A_43] : memref<640000xi32, #tpu.memory_space<hbm>> -> memref<80xi32, #tpu.memory_space<hbm>>
    %dma_start3A_49 = arith.constant 0 : i32
    %dma_start3A_50 = tpu.memref_slice %arg8[%dma_start3A_44, %dma_start3A_49] : memref<3x80xi32, #tpu.memory_space<vmem>> -> memref<1x80xi32, #tpu.memory_space<vmem>>
    %dma_start3A_51 = tpu.memref_squeeze %dma_start3A_50 : memref<1x80xi32, #tpu.memory_space<vmem>> -> memref<80xi32, #tpu.memory_space<vmem>>
    %dma_start3A_52 = tpu.memref_slice %arg3[%add3A_43] : memref<640000xi32, #tpu.memory_space<hbm>> -> memref<80xi32, #tpu.memory_space<hbm>>
    tpu.enqueue_dma source(%dma_start3A_52 : memref<80xi32, #tpu.memory_space<hbm>>) target(%dma_start3A_51 : memref<80xi32, #tpu.memory_space<vmem>>) target_semaphore(%arg15 : memref<!tpu.dma_semaphore, #tpu.memory_space<semaphore_mem>>)
    %dma_start3A_53 = arith.constant 0 : i32
    %dma_start3A_54 = arith.constant 0 : i32
    %dma_start3A_55 = arith.constant 0 : i32
    %dma_start3A_56 = tpu.memref_slice %arg7[%dma_start3A_53, %dma_start3A_54, %dma_start3A_55] : memref<3x80x128xf32, #tpu.memory_space<vmem>> -> memref<1x80x128xf32, #tpu.memory_space<vmem>>
    %dma_start3A_57 = tpu.memref_squeeze %dma_start3A_56 : memref<1x80x128xf32, #tpu.memory_space<vmem>> -> memref<80x128xf32, #tpu.memory_space<vmem>>
    %dma_start3A_58 = arith.constant 0 : i32
    %dma_start3A_59 = tpu.memref_slice %arg6[%dma_start3A_58] : memref<10000xi32, #tpu.memory_space<vmem>> -> memref<80xi32, #tpu.memory_space<vmem>>
    %dma_start3A_60 = arith.constant 0 : i32
    %dma_start3A_61 = arith.constant 0 : i32
    %dma_start3A_62 = tpu.memref_slice %arg2[%dma_start3A_60, %dma_start3A_61] : memref<10000x128xf32, #tpu.memory_space<hbm>> -> memref<10000x128xf32, #tpu.memory_space<hbm>>
    tpu.enqueue_indirect_dma source(%dma_start3A_62 : memref<10000x128xf32, #tpu.memory_space<hbm>>) target(%dma_start3A_57 : memref<80x128xf32, #tpu.memory_space<vmem>>) offsets(%dma_start3A_59 : memref<80xi32, #tpu.memory_space<vmem>>) semaphore(%arg10 : memref<!tpu.dma_semaphore, #tpu.memory_space<semaphore_mem>>)
    %dma_start3A_63 = arith.constant 1 : i32
    %dma_start3A_64 = arith.constant 0 : i32
    %dma_start3A_65 = arith.constant 0 : i32
    %dma_start3A_66 = tpu.memref_slice %arg7[%dma_start3A_63, %dma_start3A_64, %dma_start3A_65] : memref<3x80x128xf32, #tpu.memory_space<vmem>> -> memref<1x80x128xf32, #tpu.memory_space<vmem>>
    %dma_start3A_67 = tpu.memref_squeeze %dma_start3A_66 : memref<1x80x128xf32, #tpu.memory_space<vmem>> -> memref<80x128xf32, #tpu.memory_space<vmem>>
    %dma_start3A_68 = arith.constant 80 : i32
    %dma_start3A_69 = tpu.memref_slice %arg6[%dma_start3A_68] : memref<10000xi32, #tpu.memory_space<vmem>> -> memref<80xi32, #tpu.memory_space<vmem>>
    %dma_start3A_70 = arith.constant 0 : i32
    %dma_start3A_71 = arith.constant 0 : i32
    %dma_start3A_72 = tpu.memref_slice %arg2[%dma_start3A_70, %dma_start3A_71] : memref<10000x128xf32, #tpu.memory_space<hbm>> -> memref<10000x128xf32, #tpu.memory_space<hbm>>
    tpu.enqueue_indirect_dma source(%dma_start3A_72 : memref<10000x128xf32, #tpu.memory_space<hbm>>) target(%dma_start3A_67 : memref<80x128xf32, #tpu.memory_space<vmem>>) offsets(%dma_start3A_69 : memref<80xi32, #tpu.memory_space<vmem>>) semaphore(%arg11 : memref<!tpu.dma_semaphore, #tpu.memory_space<semaphore_mem>>)
    %lt3A_73 = arith.constant 15 : i32
    %lt3A_74 = arith.cmpi slt, %arg1, %lt3A_73 : i32
    %convert_element_type3A_75 = arith.extui %lt3A_74 : i1 to i32
    %cond3A_76 = arith.constant 0 : i32
    %cond3A_77 = arith.cmpi ne, %convert_element_type3A_75, %cond3A_76 : i32
    scf.if %cond3A_77 {
      %mul3A_151 = arith.constant 640 : i32
      %mul3A_152 = arith.muli %arg1, %mul3A_151 : i32
      %mul3A_153 = arith.constant 640 : i32
      %mul3A_154 = arith.muli %arg1, %mul3A_153 : i32
      %dma_wait3A_155 = arith.constant 0 : i32
      %dma_wait3A_156 = tpu.memref_slice %arg9[%mul3A_154, %dma_wait3A_155] : memref<10000x128xf32, #tpu.memory_space<vmem_shared>> -> memref<640x128xf32, #tpu.memory_space<vmem_shared>>
      %dma_wait3A_157 = arith.constant 0 : i32
      %dma_wait3A_158 = tpu.memref_slice %arg4[%mul3A_152, %dma_wait3A_157] : memref<10000x128xf32, #tpu.memory_space<hbm>> -> memref<640x128xf32, #tpu.memory_space<hbm>>
      tpu.wait_dma2 semaphore(%arg16 : memref<!tpu.dma_semaphore, #tpu.memory_space<semaphore_mem>>) src(%dma_wait3A_158 : memref<640x128xf32, #tpu.memory_space<hbm>>) dst(%dma_wait3A_156 : memref<640x128xf32, #tpu.memory_space<vmem_shared>>)
    } else {
    }
    %eq3A_78 = arith.constant 15 : i32
    %eq3A_79 = arith.cmpi eq, %arg1, %eq3A_78 : i32
    %convert_element_type3A_80 = arith.extui %eq3A_79 : i1 to i32
    %cond3A_81 = arith.constant 0 : i32
    %cond3A_82 = arith.cmpi ne, %convert_element_type3A_80, %cond3A_81 : i32
    scf.if %cond3A_82 {
      %dma_wait3A_151 = arith.constant 9600 : i32
      %dma_wait3A_152 = arith.constant 0 : i32
      %dma_wait3A_153 = tpu.memref_slice %arg9[%dma_wait3A_151, %dma_wait3A_152] : memref<10000x128xf32, #tpu.memory_space<vmem_shared>> -> memref<400x128xf32, #tpu.memory_space<vmem_shared>>
      %dma_wait3A_154 = arith.constant 9600 : i32
      %dma_wait3A_155 = arith.constant 0 : i32
      %dma_wait3A_156 = tpu.memref_slice %arg4[%dma_wait3A_154, %dma_wait3A_155] : memref<10000x128xf32, #tpu.memory_space<hbm>> -> memref<400x128xf32, #tpu.memory_space<hbm>>
      tpu.wait_dma2 semaphore(%arg16 : memref<!tpu.dma_semaphore, #tpu.memory_space<semaphore_mem>>) src(%dma_wait3A_156 : memref<400x128xf32, #tpu.memory_space<hbm>>) dst(%dma_wait3A_153 : memref<400x128xf32, #tpu.memory_space<vmem_shared>>)
    } else {
    }
    %barrier3A = arith.constant 0 : index
    tpu.barrier barrier_id(%barrier3A)
    %scan3A = arith.constant 0 : i32
    %scan3A_83 = arith.constant 0 : i32
    %scan3A_84 = arith.constant 41 : i32
    %scan3A_85 = arith.addi %scan3A_83, %scan3A_84 : i32
    %scan3A_86 = arith.constant 1 : i32
    scf.for %scan3A_151 = %scan3A_83 to %scan3A_85 step %scan3A_86  : i32 {
      %mul3A_152 = arith.constant 3 : i32
      %mul3A_153 = arith.muli %mul3A_152, %scan3A_151 : i32
      %add3A_154 = arith.constant 2 : i32
      %add3A_155 = arith.addi %mul3A_153, %add3A_154 : i32
      %mul3A_156 = arith.constant 80 : i32
      %mul3A_157 = arith.muli %add3A_155, %mul3A_156 : i32
      %dma_start3A_158 = arith.constant 2 : i32
      %dma_start3A_159 = arith.constant 0 : i32
      %dma_start3A_160 = arith.constant 0 : i32
      %dma_start3A_161 = tpu.memref_slice %arg7[%dma_start3A_158, %dma_start3A_159, %dma_start3A_160] : memref<3x80x128xf32, #tpu.memory_space<vmem>> -> memref<1x80x128xf32, #tpu.memory_space<vmem>>
      %dma_start3A_162 = tpu.memref_squeeze %dma_start3A_161 : memref<1x80x128xf32, #tpu.memory_space<vmem>> -> memref<80x128xf32, #tpu.memory_space<vmem>>
      %dma_start3A_163 = tpu.memref_slice %arg6[%mul3A_157] : memref<10000xi32, #tpu.memory_space<vmem>> -> memref<80xi32, #tpu.memory_space<vmem>>
      %dma_start3A_164 = arith.constant 0 : i32
      %dma_start3A_165 = arith.constant 0 : i32
      %dma_start3A_166 = tpu.memref_slice %arg2[%dma_start3A_164, %dma_start3A_165] : memref<10000x128xf32, #tpu.memory_space<hbm>> -> memref<10000x128xf32, #tpu.memory_space<hbm>>
      tpu.enqueue_indirect_dma source(%dma_start3A_166 : memref<10000x128xf32, #tpu.memory_space<hbm>>) target(%dma_start3A_162 : memref<80x128xf32, #tpu.memory_space<vmem>>) offsets(%dma_start3A_163 : memref<80xi32, #tpu.memory_space<vmem>>) semaphore(%arg12 : memref<!tpu.dma_semaphore, #tpu.memory_space<semaphore_mem>>)
      %mul3A_167 = arith.constant 80 : i32
      %mul3A_168 = arith.muli %mul3A_153, %mul3A_167 : i32
      %dma_wait3A_169 = arith.constant 0 : i32
      %dma_wait3A_170 = arith.constant 0 : i32
      %dma_wait3A_171 = arith.constant 0 : i32
      %dma_wait3A_172 = tpu.memref_slice %arg7[%dma_wait3A_169, %dma_wait3A_170, %dma_wait3A_171] : memref<3x80x128xf32, #tpu.memory_space<vmem>> -> memref<1x80x128xf32, #tpu.memory_space<vmem>>
      %dma_wait3A_173 = tpu.memref_squeeze %dma_wait3A_172 : memref<1x80x128xf32, #tpu.memory_space<vmem>> -> memref<80x128xf32, #tpu.memory_space<vmem>>
      %dma_wait3A_174 = tpu.memref_slice %arg6[%mul3A_168] : memref<10000xi32, #tpu.memory_space<vmem>> -> memref<80xi32, #tpu.memory_space<vmem>>
      %dma_wait3A_175 = arith.constant 0 : i32
      %dma_wait3A_176 = arith.constant 0 : i32
      %dma_wait3A_177 = tpu.memref_slice %arg2[%dma_wait3A_175, %dma_wait3A_176] : memref<10000x128xf32, #tpu.memory_space<hbm>> -> memref<10000x128xf32, #tpu.memory_space<hbm>>
      tpu.wait_indirect_dma semaphore(%arg10 : memref<!tpu.dma_semaphore, #tpu.memory_space<semaphore_mem>>) src(%dma_wait3A_177 : memref<10000x128xf32, #tpu.memory_space<hbm>>) dst(%dma_wait3A_173 : memref<80x128xf32, #tpu.memory_space<vmem>>)
      %mul3A_178 = arith.constant 10000 : i32
      %mul3A_179 = arith.muli %add3A, %mul3A_178 : i32
      %add3A_180 = arith.constant 320000 : i32
      %add3A_181 = arith.addi %add3A_180, %mul3A_179 : i32
      %mul3A_182 = arith.constant 80 : i32
      %mul3A_183 = arith.muli %mul3A_153, %mul3A_182 : i32
      %add3A_184 = arith.addi %add3A_181, %mul3A_183 : i32
      %dma_wait3A_185 = arith.constant 0 : i32
      %dma_wait3A_186 = arith.constant 0 : i32
      %dma_wait3A_187 = tpu.memref_slice %arg8[%dma_wait3A_185, %dma_wait3A_186] : memref<3x80xi32, #tpu.memory_space<vmem>> -> memref<1x80xi32, #tpu.memory_space<vmem>>
      %dma_wait3A_188 = tpu.memref_squeeze %dma_wait3A_187 : memref<1x80xi32, #tpu.memory_space<vmem>> -> memref<80xi32, #tpu.memory_space<vmem>>
      %dma_wait3A_189 = tpu.memref_slice %arg3[%add3A_184] : memref<640000xi32, #tpu.memory_space<hbm>> -> memref<80xi32, #tpu.memory_space<hbm>>
      %dma_wait3A_190 = arith.constant 0 : i32
      %dma_wait3A_191 = tpu.memref_slice %arg8[%dma_wait3A_185, %dma_wait3A_190] : memref<3x80xi32, #tpu.memory_space<vmem>> -> memref<1x80xi32, #tpu.memory_space<vmem>>
      %dma_wait3A_192 = tpu.memref_squeeze %dma_wait3A_191 : memref<1x80xi32, #tpu.memory_space<vmem>> -> memref<80xi32, #tpu.memory_space<vmem>>
      %dma_wait3A_193 = tpu.memref_slice %arg3[%add3A_184] : memref<640000xi32, #tpu.memory_space<hbm>> -> memref<80xi32, #tpu.memory_space<hbm>>
      tpu.wait_dma2 semaphore(%arg13 : memref<!tpu.dma_semaphore, #tpu.memory_space<semaphore_mem>>) src(%dma_wait3A_193 : memref<80xi32, #tpu.memory_space<hbm>>) dst(%dma_wait3A_192 : memref<80xi32, #tpu.memory_space<vmem>>)
      %run_scoped3A_194 = arith.constant 0 : i32
      %run_scoped3A_195 = arith.constant 0 : i32
      "tpu.region"() ({
        %run_scoped3A_305 = tpu.sem_alloc : memref<!tpu.dma_semaphore, #tpu.memory_space<semaphore_mem>>
        %dma_start3A_306 = arith.constant 0 : i32
        %dma_start3A_307 = arith.constant 0 : i32
        %dma_start3A_308 = tpu.memref_slice %arg7[%run_scoped3A_194, %dma_start3A_306, %dma_start3A_307] : memref<3x80x128xf32, #tpu.memory_space<vmem>> -> memref<1x80x128xf32, #tpu.memory_space<vmem>>
        %dma_start3A_309 = tpu.memref_squeeze %dma_start3A_308 : memref<1x80x128xf32, #tpu.memory_space<vmem>> -> memref<80x128xf32, #tpu.memory_space<vmem>>
        %dma_start3A_310 = arith.constant 0 : i32
        %dma_start3A_311 = tpu.memref_slice %arg8[%run_scoped3A_195, %dma_start3A_310] : memref<3x80xi32, #tpu.memory_space<vmem>> -> memref<1x80xi32, #tpu.memory_space<vmem>>
        %dma_start3A_312 = tpu.memref_squeeze %dma_start3A_311 : memref<1x80xi32, #tpu.memory_space<vmem>> -> memref<80xi32, #tpu.memory_space<vmem>>
        %dma_start3A_313 = arith.constant 0 : i32
        %dma_start3A_314 = arith.constant 0 : i32
        %dma_start3A_315 = tpu.memref_slice %arg9[%dma_start3A_313, %dma_start3A_314] : memref<10000x128xf32, #tpu.memory_space<vmem_shared>> -> memref<10000x128xf32, #tpu.memory_space<vmem_shared>>
        tpu.enqueue_indirect_dma source(%dma_start3A_309 : memref<80x128xf32, #tpu.memory_space<vmem>>) target(%dma_start3A_315 : memref<10000x128xf32, #tpu.memory_space<vmem_shared>>) offsets(%dma_start3A_312 : memref<80xi32, #tpu.memory_space<vmem>>) semaphore(%run_scoped3A_305 : memref<!tpu.dma_semaphore, #tpu.memory_space<semaphore_mem>>) {add = true}
        %dma_wait3A_316 = arith.constant 0 : i32
        %dma_wait3A_317 = arith.constant 0 : i32
        %dma_wait3A_318 = tpu.memref_slice %arg7[%run_scoped3A_194, %dma_wait3A_316, %dma_wait3A_317] : memref<3x80x128xf32, #tpu.memory_space<vmem>> -> memref<1x80x128xf32, #tpu.memory_space<vmem>>
        %dma_wait3A_319 = tpu.memref_squeeze %dma_wait3A_318 : memref<1x80x128xf32, #tpu.memory_space<vmem>> -> memref<80x128xf32, #tpu.memory_space<vmem>>
        %dma_wait3A_320 = arith.constant 0 : i32
        %dma_wait3A_321 = tpu.memref_slice %arg8[%run_scoped3A_195, %dma_wait3A_320] : memref<3x80xi32, #tpu.memory_space<vmem>> -> memref<1x80xi32, #tpu.memory_space<vmem>>
        %dma_wait3A_322 = tpu.memref_squeeze %dma_wait3A_321 : memref<1x80xi32, #tpu.memory_space<vmem>> -> memref<80xi32, #tpu.memory_space<vmem>>
        %dma_wait3A_323 = arith.constant 0 : i32
        %dma_wait3A_324 = arith.constant 0 : i32
        %dma_wait3A_325 = tpu.memref_slice %arg9[%dma_wait3A_323, %dma_wait3A_324] : memref<10000x128xf32, #tpu.memory_space<vmem_shared>> -> memref<10000x128xf32, #tpu.memory_space<vmem_shared>>
        tpu.wait_indirect_dma semaphore(%run_scoped3A_305 : memref<!tpu.dma_semaphore, #tpu.memory_space<semaphore_mem>>) src(%dma_wait3A_319 : memref<80x128xf32, #tpu.memory_space<vmem>>) dst(%dma_wait3A_325 : memref<10000x128xf32, #tpu.memory_space<vmem_shared>>)
        tpu.yield
      }) : () -> ()
      %add3A_196 = arith.constant 3 : i32
      %add3A_197 = arith.addi %mul3A_153, %add3A_196 : i32
      %lt3A_198 = arith.constant 125 : i32
      %lt3A_199 = arith.cmpi slt, %add3A_197, %lt3A_198 : i32
      %convert_element_type3A_200 = arith.extui %lt3A_199 : i1 to i32
      %cond3A_201 = arith.constant 0 : i32
      %cond3A_202 = arith.cmpi ne, %convert_element_type3A_200, %cond3A_201 : i32
      scf.if %cond3A_202 {
        %add3A_305 = arith.constant 3 : i32
        %add3A_306 = arith.addi %mul3A_153, %add3A_305 : i32
        %mul3A_307 = arith.constant 10000 : i32
        %mul3A_308 = arith.muli %add3A, %mul3A_307 : i32
        %add3A_309 = arith.constant 320000 : i32
        %add3A_310 = arith.addi %add3A_309, %mul3A_308 : i32
        %mul3A_311 = arith.constant 80 : i32
        %mul3A_312 = arith.muli %add3A_306, %mul3A_311 : i32
        %add3A_313 = arith.addi %add3A_310, %mul3A_312 : i32
        %dma_start3A_314 = arith.constant 0 : i32
        %dma_start3A_315 = arith.constant 0 : i32
        %dma_start3A_316 = tpu.memref_slice %arg8[%dma_start3A_314, %dma_start3A_315] : memref<3x80xi32, #tpu.memory_space<vmem>> -> memref<1x80xi32, #tpu.memory_space<vmem>>
        %dma_start3A_317 = tpu.memref_squeeze %dma_start3A_316 : memref<1x80xi32, #tpu.memory_space<vmem>> -> memref<80xi32, #tpu.memory_space<vmem>>
        %dma_start3A_318 = tpu.memref_slice %arg3[%add3A_313] : memref<640000xi32, #tpu.memory_space<hbm>> -> memref<80xi32, #tpu.memory_space<hbm>>
        %dma_start3A_319 = arith.constant 0 : i32
        %dma_start3A_320 = tpu.memref_slice %arg8[%dma_start3A_314, %dma_start3A_319] : memref<3x80xi32, #tpu.memory_space<vmem>> -> memref<1x80xi32, #tpu.memory_space<vmem>>
        %dma_start3A_321 = tpu.memref_squeeze %dma_start3A_320 : memref<1x80xi32, #tpu.memory_space<vmem>> -> memref<80xi32, #tpu.memory_space<vmem>>
        %dma_start3A_322 = tpu.memref_slice %arg3[%add3A_313] : memref<640000xi32, #tpu.memory_space<hbm>> -> memref<80xi32, #tpu.memory_space<hbm>>
        tpu.enqueue_dma source(%dma_start3A_322 : memref<80xi32, #tpu.memory_space<hbm>>) target(%dma_start3A_321 : memref<80xi32, #tpu.memory_space<vmem>>) target_semaphore(%arg13 : memref<!tpu.dma_semaphore, #tpu.memory_space<semaphore_mem>>)
      } else {
      }
      %add3A_203 = arith.constant 1 : i32
      %add3A_204 = arith.addi %mul3A_153, %add3A_203 : i32
      %add3A_205 = arith.constant 2 : i32
      %add3A_206 = arith.addi %add3A_204, %add3A_205 : i32
      %mul3A_207 = arith.constant 80 : i32
      %mul3A_208 = arith.muli %add3A_206, %mul3A_207 : i32
      %dma_start3A_209 = arith.constant 0 : i32
      %dma_start3A_210 = arith.constant 0 : i32
      %dma_start3A_211 = arith.constant 0 : i32
      %dma_start3A_212 = tpu.memref_slice %arg7[%dma_start3A_209, %dma_start3A_210, %dma_start3A_211] : memref<3x80x128xf32, #tpu.memory_space<vmem>> -> memref<1x80x128xf32, #tpu.memory_space<vmem>>
      %dma_start3A_213 = tpu.memref_squeeze %dma_start3A_212 : memref<1x80x128xf32, #tpu.memory_space<vmem>> -> memref<80x128xf32, #tpu.memory_space<vmem>>
      %dma_start3A_214 = tpu.memref_slice %arg6[%mul3A_208] : memref<10000xi32, #tpu.memory_space<vmem>> -> memref<80xi32, #tpu.memory_space<vmem>>
      %dma_start3A_215 = arith.constant 0 : i32
      %dma_start3A_216 = arith.constant 0 : i32
      %dma_start3A_217 = tpu.memref_slice %arg2[%dma_start3A_215, %dma_start3A_216] : memref<10000x128xf32, #tpu.memory_space<hbm>> -> memref<10000x128xf32, #tpu.memory_space<hbm>>
      tpu.enqueue_indirect_dma source(%dma_start3A_217 : memref<10000x128xf32, #tpu.memory_space<hbm>>) target(%dma_start3A_213 : memref<80x128xf32, #tpu.memory_space<vmem>>) offsets(%dma_start3A_214 : memref<80xi32, #tpu.memory_space<vmem>>) semaphore(%arg10 : memref<!tpu.dma_semaphore, #tpu.memory_space<semaphore_mem>>)
      %mul3A_218 = arith.constant 80 : i32
      %mul3A_219 = arith.muli %add3A_204, %mul3A_218 : i32
      %dma_wait3A_220 = arith.constant 1 : i32
      %dma_wait3A_221 = arith.constant 0 : i32
      %dma_wait3A_222 = arith.constant 0 : i32
      %dma_wait3A_223 = tpu.memref_slice %arg7[%dma_wait3A_220, %dma_wait3A_221, %dma_wait3A_222] : memref<3x80x128xf32, #tpu.memory_space<vmem>> -> memref<1x80x128xf32, #tpu.memory_space<vmem>>
      %dma_wait3A_224 = tpu.memref_squeeze %dma_wait3A_223 : memref<1x80x128xf32, #tpu.memory_space<vmem>> -> memref<80x128xf32, #tpu.memory_space<vmem>>
      %dma_wait3A_225 = tpu.memref_slice %arg6[%mul3A_219] : memref<10000xi32, #tpu.memory_space<vmem>> -> memref<80xi32, #tpu.memory_space<vmem>>
      %dma_wait3A_226 = arith.constant 0 : i32
      %dma_wait3A_227 = arith.constant 0 : i32
      %dma_wait3A_228 = tpu.memref_slice %arg2[%dma_wait3A_226, %dma_wait3A_227] : memref<10000x128xf32, #tpu.memory_space<hbm>> -> memref<10000x128xf32, #tpu.memory_space<hbm>>
      tpu.wait_indirect_dma semaphore(%arg11 : memref<!tpu.dma_semaphore, #tpu.memory_space<semaphore_mem>>) src(%dma_wait3A_228 : memref<10000x128xf32, #tpu.memory_space<hbm>>) dst(%dma_wait3A_224 : memref<80x128xf32, #tpu.memory_space<vmem>>)
      %mul3A_229 = arith.constant 10000 : i32
      %mul3A_230 = arith.muli %add3A, %mul3A_229 : i32
      %add3A_231 = arith.constant 320000 : i32
      %add3A_232 = arith.addi %add3A_231, %mul3A_230 : i32
      %mul3A_233 = arith.constant 80 : i32
      %mul3A_234 = arith.muli %add3A_204, %mul3A_233 : i32
      %add3A_235 = arith.addi %add3A_232, %mul3A_234 : i32
      %dma_wait3A_236 = arith.constant 1 : i32
      %dma_wait3A_237 = arith.constant 0 : i32
      %dma_wait3A_238 = tpu.memref_slice %arg8[%dma_wait3A_236, %dma_wait3A_237] : memref<3x80xi32, #tpu.memory_space<vmem>> -> memref<1x80xi32, #tpu.memory_space<vmem>>
      %dma_wait3A_239 = tpu.memref_squeeze %dma_wait3A_238 : memref<1x80xi32, #tpu.memory_space<vmem>> -> memref<80xi32, #tpu.memory_space<vmem>>
      %dma_wait3A_240 = tpu.memref_slice %arg3[%add3A_235] : memref<640000xi32, #tpu.memory_space<hbm>> -> memref<80xi32, #tpu.memory_space<hbm>>
      %dma_wait3A_241 = arith.constant 0 : i32
      %dma_wait3A_242 = tpu.memref_slice %arg8[%dma_wait3A_236, %dma_wait3A_241] : memref<3x80xi32, #tpu.memory_space<vmem>> -> memref<1x80xi32, #tpu.memory_space<vmem>>
      %dma_wait3A_243 = tpu.memref_squeeze %dma_wait3A_242 : memref<1x80xi32, #tpu.memory_space<vmem>> -> memref<80xi32, #tpu.memory_space<vmem>>
      %dma_wait3A_244 = tpu.memref_slice %arg3[%add3A_235] : memref<640000xi32, #tpu.memory_space<hbm>> -> memref<80xi32, #tpu.memory_space<hbm>>
      tpu.wait_dma2 semaphore(%arg14 : memref<!tpu.dma_semaphore, #tpu.memory_space<semaphore_mem>>) src(%dma_wait3A_244 : memref<80xi32, #tpu.memory_space<hbm>>) dst(%dma_wait3A_243 : memref<80xi32, #tpu.memory_space<vmem>>)
      %run_scoped3A_245 = arith.constant 1 : i32
      %run_scoped3A_246 = arith.constant 1 : i32
      "tpu.region"() ({
        %run_scoped3A_305 = tpu.sem_alloc : memref<!tpu.dma_semaphore, #tpu.memory_space<semaphore_mem>>
        %dma_start3A_306 = arith.constant 0 : i32
        %dma_start3A_307 = arith.constant 0 : i32
        %dma_start3A_308 = tpu.memref_slice %arg7[%run_scoped3A_245, %dma_start3A_306, %dma_start3A_307] : memref<3x80x128xf32, #tpu.memory_space<vmem>> -> memref<1x80x128xf32, #tpu.memory_space<vmem>>
        %dma_start3A_309 = tpu.memref_squeeze %dma_start3A_308 : memref<1x80x128xf32, #tpu.memory_space<vmem>> -> memref<80x128xf32, #tpu.memory_space<vmem>>
        %dma_start3A_310 = arith.constant 0 : i32
        %dma_start3A_311 = tpu.memref_slice %arg8[%run_scoped3A_246, %dma_start3A_310] : memref<3x80xi32, #tpu.memory_space<vmem>> -> memref<1x80xi32, #tpu.memory_space<vmem>>
        %dma_start3A_312 = tpu.memref_squeeze %dma_start3A_311 : memref<1x80xi32, #tpu.memory_space<vmem>> -> memref<80xi32, #tpu.memory_space<vmem>>
        %dma_start3A_313 = arith.constant 0 : i32
        %dma_start3A_314 = arith.constant 0 : i32
        %dma_start3A_315 = tpu.memref_slice %arg9[%dma_start3A_313, %dma_start3A_314] : memref<10000x128xf32, #tpu.memory_space<vmem_shared>> -> memref<10000x128xf32, #tpu.memory_space<vmem_shared>>
        tpu.enqueue_indirect_dma source(%dma_start3A_309 : memref<80x128xf32, #tpu.memory_space<vmem>>) target(%dma_start3A_315 : memref<10000x128xf32, #tpu.memory_space<vmem_shared>>) offsets(%dma_start3A_312 : memref<80xi32, #tpu.memory_space<vmem>>) semaphore(%run_scoped3A_305 : memref<!tpu.dma_semaphore, #tpu.memory_space<semaphore_mem>>) {add = true}
        %dma_wait3A_316 = arith.constant 0 : i32
        %dma_wait3A_317 = arith.constant 0 : i32
        %dma_wait3A_318 = tpu.memref_slice %arg7[%run_scoped3A_245, %dma_wait3A_316, %dma_wait3A_317] : memref<3x80x128xf32, #tpu.memory_space<vmem>> -> memref<1x80x128xf32, #tpu.memory_space<vmem>>
        %dma_wait3A_319 = tpu.memref_squeeze %dma_wait3A_318 : memref<1x80x128xf32, #tpu.memory_space<vmem>> -> memref<80x128xf32, #tpu.memory_space<vmem>>
        %dma_wait3A_320 = arith.constant 0 : i32
        %dma_wait3A_321 = tpu.memref_slice %arg8[%run_scoped3A_246, %dma_wait3A_320] : memref<3x80xi32, #tpu.memory_space<vmem>> -> memref<1x80xi32, #tpu.memory_space<vmem>>
        %dma_wait3A_322 = tpu.memref_squeeze %dma_wait3A_321 : memref<1x80xi32, #tpu.memory_space<vmem>> -> memref<80xi32, #tpu.memory_space<vmem>>
        %dma_wait3A_323 = arith.constant 0 : i32
        %dma_wait3A_324 = arith.constant 0 : i32
        %dma_wait3A_325 = tpu.memref_slice %arg9[%dma_wait3A_323, %dma_wait3A_324] : memref<10000x128xf32, #tpu.memory_space<vmem_shared>> -> memref<10000x128xf32, #tpu.memory_space<vmem_shared>>
        tpu.wait_indirect_dma semaphore(%run_scoped3A_305 : memref<!tpu.dma_semaphore, #tpu.memory_space<semaphore_mem>>) src(%dma_wait3A_319 : memref<80x128xf32, #tpu.memory_space<vmem>>) dst(%dma_wait3A_325 : memref<10000x128xf32, #tpu.memory_space<vmem_shared>>)
        tpu.yield
      }) : () -> ()
      %add3A_247 = arith.constant 3 : i32
      %add3A_248 = arith.addi %add3A_204, %add3A_247 : i32
      %lt3A_249 = arith.constant 125 : i32
      %lt3A_250 = arith.cmpi slt, %add3A_248, %lt3A_249 : i32
      %convert_element_type3A_251 = arith.extui %lt3A_250 : i1 to i32
      %cond3A_252 = arith.constant 0 : i32
      %cond3A_253 = arith.cmpi ne, %convert_element_type3A_251, %cond3A_252 : i32
      scf.if %cond3A_253 {
        %add3A_305 = arith.constant 3 : i32
        %add3A_306 = arith.addi %add3A_204, %add3A_305 : i32
        %mul3A_307 = arith.constant 10000 : i32
        %mul3A_308 = arith.muli %add3A, %mul3A_307 : i32
        %add3A_309 = arith.constant 320000 : i32
        %add3A_310 = arith.addi %add3A_309, %mul3A_308 : i32
        %mul3A_311 = arith.constant 80 : i32
        %mul3A_312 = arith.muli %add3A_306, %mul3A_311 : i32
        %add3A_313 = arith.addi %add3A_310, %mul3A_312 : i32
        %dma_start3A_314 = arith.constant 1 : i32
        %dma_start3A_315 = arith.constant 0 : i32
        %dma_start3A_316 = tpu.memref_slice %arg8[%dma_start3A_314, %dma_start3A_315] : memref<3x80xi32, #tpu.memory_space<vmem>> -> memref<1x80xi32, #tpu.memory_space<vmem>>
        %dma_start3A_317 = tpu.memref_squeeze %dma_start3A_316 : memref<1x80xi32, #tpu.memory_space<vmem>> -> memref<80xi32, #tpu.memory_space<vmem>>
        %dma_start3A_318 = tpu.memref_slice %arg3[%add3A_313] : memref<640000xi32, #tpu.memory_space<hbm>> -> memref<80xi32, #tpu.memory_space<hbm>>
        %dma_start3A_319 = arith.constant 0 : i32
        %dma_start3A_320 = tpu.memref_slice %arg8[%dma_start3A_314, %dma_start3A_319] : memref<3x80xi32, #tpu.memory_space<vmem>> -> memref<1x80xi32, #tpu.memory_space<vmem>>
        %dma_start3A_321 = tpu.memref_squeeze %dma_start3A_320 : memref<1x80xi32, #tpu.memory_space<vmem>> -> memref<80xi32, #tpu.memory_space<vmem>>
        %dma_start3A_322 = tpu.memref_slice %arg3[%add3A_313] : memref<640000xi32, #tpu.memory_space<hbm>> -> memref<80xi32, #tpu.memory_space<hbm>>
        tpu.enqueue_dma source(%dma_start3A_322 : memref<80xi32, #tpu.memory_space<hbm>>) target(%dma_start3A_321 : memref<80xi32, #tpu.memory_space<vmem>>) target_semaphore(%arg14 : memref<!tpu.dma_semaphore, #tpu.memory_space<semaphore_mem>>)
      } else {
      }
      %add3A_254 = arith.constant 2 : i32
      %add3A_255 = arith.addi %mul3A_153, %add3A_254 : i32
      %add3A_256 = arith.constant 2 : i32
      %add3A_257 = arith.addi %add3A_255, %add3A_256 : i32
      %mul3A_258 = arith.constant 80 : i32
      %mul3A_259 = arith.muli %add3A_257, %mul3A_258 : i32
      %dma_start3A_260 = arith.constant 1 : i32
      %dma_start3A_261 = arith.constant 0 : i32
      %dma_start3A_262 = arith.constant 0 : i32
      %dma_start3A_263 = tpu.memref_slice %arg7[%dma_start3A_260, %dma_start3A_261, %dma_start3A_262] : memref<3x80x128xf32, #tpu.memory_space<vmem>> -> memref<1x80x128xf32, #tpu.memory_space<vmem>>
      %dma_start3A_264 = tpu.memref_squeeze %dma_start3A_263 : memref<1x80x128xf32, #tpu.memory_space<vmem>> -> memref<80x128xf32, #tpu.memory_space<vmem>>
      %dma_start3A_265 = tpu.memref_slice %arg6[%mul3A_259] : memref<10000xi32, #tpu.memory_space<vmem>> -> memref<80xi32, #tpu.memory_space<vmem>>
      %dma_start3A_266 = arith.constant 0 : i32
      %dma_start3A_267 = arith.constant 0 : i32
      %dma_start3A_268 = tpu.memref_slice %arg2[%dma_start3A_266, %dma_start3A_267] : memref<10000x128xf32, #tpu.memory_space<hbm>> -> memref<10000x128xf32, #tpu.memory_space<hbm>>
      tpu.enqueue_indirect_dma source(%dma_start3A_268 : memref<10000x128xf32, #tpu.memory_space<hbm>>) target(%dma_start3A_264 : memref<80x128xf32, #tpu.memory_space<vmem>>) offsets(%dma_start3A_265 : memref<80xi32, #tpu.memory_space<vmem>>) semaphore(%arg11 : memref<!tpu.dma_semaphore, #tpu.memory_space<semaphore_mem>>)
      %mul3A_269 = arith.constant 80 : i32
      %mul3A_270 = arith.muli %add3A_255, %mul3A_269 : i32
      %dma_wait3A_271 = arith.constant 2 : i32
      %dma_wait3A_272 = arith.constant 0 : i32
      %dma_wait3A_273 = arith.constant 0 : i32
      %dma_wait3A_274 = tpu.memref_slice %arg7[%dma_wait3A_271, %dma_wait3A_272, %dma_wait3A_273] : memref<3x80x128xf32, #tpu.memory_space<vmem>> -> memref<1x80x128xf32, #tpu.memory_space<vmem>>
      %dma_wait3A_275 = tpu.memref_squeeze %dma_wait3A_274 : memref<1x80x128xf32, #tpu.memory_space<vmem>> -> memref<80x128xf32, #tpu.memory_space<vmem>>
      %dma_wait3A_276 = tpu.memref_slice %arg6[%mul3A_270] : memref<10000xi32, #tpu.memory_space<vmem>> -> memref<80xi32, #tpu.memory_space<vmem>>
      %dma_wait3A_277 = arith.constant 0 : i32
      %dma_wait3A_278 = arith.constant 0 : i32
      %dma_wait3A_279 = tpu.memref_slice %arg2[%dma_wait3A_277, %dma_wait3A_278] : memref<10000x128xf32, #tpu.memory_space<hbm>> -> memref<10000x128xf32, #tpu.memory_space<hbm>>
      tpu.wait_indirect_dma semaphore(%arg12 : memref<!tpu.dma_semaphore, #tpu.memory_space<semaphore_mem>>) src(%dma_wait3A_279 : memref<10000x128xf32, #tpu.memory_space<hbm>>) dst(%dma_wait3A_275 : memref<80x128xf32, #tpu.memory_space<vmem>>)
      %mul3A_280 = arith.constant 10000 : i32
      %mul3A_281 = arith.muli %add3A, %mul3A_280 : i32
      %add3A_282 = arith.constant 320000 : i32
      %add3A_283 = arith.addi %add3A_282, %mul3A_281 : i32
      %mul3A_284 = arith.constant 80 : i32
      %mul3A_285 = arith.muli %add3A_255, %mul3A_284 : i32
      %add3A_286 = arith.addi %add3A_283, %mul3A_285 : i32
      %dma_wait3A_287 = arith.constant 2 : i32
      %dma_wait3A_288 = arith.constant 0 : i32
      %dma_wait3A_289 = tpu.memref_slice %arg8[%dma_wait3A_287, %dma_wait3A_288] : memref<3x80xi32, #tpu.memory_space<vmem>> -> memref<1x80xi32, #tpu.memory_space<vmem>>
      %dma_wait3A_290 = tpu.memref_squeeze %dma_wait3A_289 : memref<1x80xi32, #tpu.memory_space<vmem>> -> memref<80xi32, #tpu.memory_space<vmem>>
      %dma_wait3A_291 = tpu.memref_slice %arg3[%add3A_286] : memref<640000xi32, #tpu.memory_space<hbm>> -> memref<80xi32, #tpu.memory_space<hbm>>
      %dma_wait3A_292 = arith.constant 0 : i32
      %dma_wait3A_293 = tpu.memref_slice %arg8[%dma_wait3A_287, %dma_wait3A_292] : memref<3x80xi32, #tpu.memory_space<vmem>> -> memref<1x80xi32, #tpu.memory_space<vmem>>
      %dma_wait3A_294 = tpu.memref_squeeze %dma_wait3A_293 : memref<1x80xi32, #tpu.memory_space<vmem>> -> memref<80xi32, #tpu.memory_space<vmem>>
      %dma_wait3A_295 = tpu.memref_slice %arg3[%add3A_286] : memref<640000xi32, #tpu.memory_space<hbm>> -> memref<80xi32, #tpu.memory_space<hbm>>
      tpu.wait_dma2 semaphore(%arg15 : memref<!tpu.dma_semaphore, #tpu.memory_space<semaphore_mem>>) src(%dma_wait3A_295 : memref<80xi32, #tpu.memory_space<hbm>>) dst(%dma_wait3A_294 : memref<80xi32, #tpu.memory_space<vmem>>)
      %run_scoped3A_296 = arith.constant 2 : i32
      %run_scoped3A_297 = arith.constant 2 : i32
      "tpu.region"() ({
        %run_scoped3A_305 = tpu.sem_alloc : memref<!tpu.dma_semaphore, #tpu.memory_space<semaphore_mem>>
        %dma_start3A_306 = arith.constant 0 : i32
        %dma_start3A_307 = arith.constant 0 : i32
        %dma_start3A_308 = tpu.memref_slice %arg7[%run_scoped3A_296, %dma_start3A_306, %dma_start3A_307] : memref<3x80x128xf32, #tpu.memory_space<vmem>> -> memref<1x80x128xf32, #tpu.memory_space<vmem>>
        %dma_start3A_309 = tpu.memref_squeeze %dma_start3A_308 : memref<1x80x128xf32, #tpu.memory_space<vmem>> -> memref<80x128xf32, #tpu.memory_space<vmem>>
        %dma_start3A_310 = arith.constant 0 : i32
        %dma_start3A_311 = tpu.memref_slice %arg8[%run_scoped3A_297, %dma_start3A_310] : memref<3x80xi32, #tpu.memory_space<vmem>> -> memref<1x80xi32, #tpu.memory_space<vmem>>
        %dma_start3A_312 = tpu.memref_squeeze %dma_start3A_311 : memref<1x80xi32, #tpu.memory_space<vmem>> -> memref<80xi32, #tpu.memory_space<vmem>>
        %dma_start3A_313 = arith.constant 0 : i32
        %dma_start3A_314 = arith.constant 0 : i32
        %dma_start3A_315 = tpu.memref_slice %arg9[%dma_start3A_313, %dma_start3A_314] : memref<10000x128xf32, #tpu.memory_space<vmem_shared>> -> memref<10000x128xf32, #tpu.memory_space<vmem_shared>>
        tpu.enqueue_indirect_dma source(%dma_start3A_309 : memref<80x128xf32, #tpu.memory_space<vmem>>) target(%dma_start3A_315 : memref<10000x128xf32, #tpu.memory_space<vmem_shared>>) offsets(%dma_start3A_312 : memref<80xi32, #tpu.memory_space<vmem>>) semaphore(%run_scoped3A_305 : memref<!tpu.dma_semaphore, #tpu.memory_space<semaphore_mem>>) {add = true}
        %dma_wait3A_316 = arith.constant 0 : i32
        %dma_wait3A_317 = arith.constant 0 : i32
        %dma_wait3A_318 = tpu.memref_slice %arg7[%run_scoped3A_296, %dma_wait3A_316, %dma_wait3A_317] : memref<3x80x128xf32, #tpu.memory_space<vmem>> -> memref<1x80x128xf32, #tpu.memory_space<vmem>>
        %dma_wait3A_319 = tpu.memref_squeeze %dma_wait3A_318 : memref<1x80x128xf32, #tpu.memory_space<vmem>> -> memref<80x128xf32, #tpu.memory_space<vmem>>
        %dma_wait3A_320 = arith.constant 0 : i32
        %dma_wait3A_321 = tpu.memref_slice %arg8[%run_scoped3A_297, %dma_wait3A_320] : memref<3x80xi32, #tpu.memory_space<vmem>> -> memref<1x80xi32, #tpu.memory_space<vmem>>
        %dma_wait3A_322 = tpu.memref_squeeze %dma_wait3A_321 : memref<1x80xi32, #tpu.memory_space<vmem>> -> memref<80xi32, #tpu.memory_space<vmem>>
        %dma_wait3A_323 = arith.constant 0 : i32
        %dma_wait3A_324 = arith.constant 0 : i32
        %dma_wait3A_325 = tpu.memref_slice %arg9[%dma_wait3A_323, %dma_wait3A_324] : memref<10000x128xf32, #tpu.memory_space<vmem_shared>> -> memref<10000x128xf32, #tpu.memory_space<vmem_shared>>
        tpu.wait_indirect_dma semaphore(%run_scoped3A_305 : memref<!tpu.dma_semaphore, #tpu.memory_space<semaphore_mem>>) src(%dma_wait3A_319 : memref<80x128xf32, #tpu.memory_space<vmem>>) dst(%dma_wait3A_325 : memref<10000x128xf32, #tpu.memory_space<vmem_shared>>)
        tpu.yield
      }) : () -> ()
      %add3A_298 = arith.constant 3 : i32
      %add3A_299 = arith.addi %add3A_255, %add3A_298 : i32
      %lt3A_300 = arith.constant 125 : i32
      %lt3A_301 = arith.cmpi slt, %add3A_299, %lt3A_300 : i32
      %convert_element_type3A_302 = arith.extui %lt3A_301 : i1 to i32
      %cond3A_303 = arith.constant 0 : i32
      %cond3A_304 = arith.cmpi ne, %convert_element_type3A_302, %cond3A_303 : i32
      scf.if %cond3A_304 {
        %add3A_305 = arith.constant 3 : i32
        %add3A_306 = arith.addi %add3A_255, %add3A_305 : i32
        %mul3A_307 = arith.constant 10000 : i32
        %mul3A_308 = arith.muli %add3A, %mul3A_307 : i32
        %add3A_309 = arith.constant 320000 : i32
        %add3A_310 = arith.addi %add3A_309, %mul3A_308 : i32
        %mul3A_311 = arith.constant 80 : i32
        %mul3A_312 = arith.muli %add3A_306, %mul3A_311 : i32
        %add3A_313 = arith.addi %add3A_310, %mul3A_312 : i32
        %dma_start3A_314 = arith.constant 2 : i32
        %dma_start3A_315 = arith.constant 0 : i32
        %dma_start3A_316 = tpu.memref_slice %arg8[%dma_start3A_314, %dma_start3A_315] : memref<3x80xi32, #tpu.memory_space<vmem>> -> memref<1x80xi32, #tpu.memory_space<vmem>>
        %dma_start3A_317 = tpu.memref_squeeze %dma_start3A_316 : memref<1x80xi32, #tpu.memory_space<vmem>> -> memref<80xi32, #tpu.memory_space<vmem>>
        %dma_start3A_318 = tpu.memref_slice %arg3[%add3A_313] : memref<640000xi32, #tpu.memory_space<hbm>> -> memref<80xi32, #tpu.memory_space<hbm>>
        %dma_start3A_319 = arith.constant 0 : i32
        %dma_start3A_320 = tpu.memref_slice %arg8[%dma_start3A_314, %dma_start3A_319] : memref<3x80xi32, #tpu.memory_space<vmem>> -> memref<1x80xi32, #tpu.memory_space<vmem>>
        %dma_start3A_321 = tpu.memref_squeeze %dma_start3A_320 : memref<1x80xi32, #tpu.memory_space<vmem>> -> memref<80xi32, #tpu.memory_space<vmem>>
        %dma_start3A_322 = tpu.memref_slice %arg3[%add3A_313] : memref<640000xi32, #tpu.memory_space<hbm>> -> memref<80xi32, #tpu.memory_space<hbm>>
        tpu.enqueue_dma source(%dma_start3A_322 : memref<80xi32, #tpu.memory_space<hbm>>) target(%dma_start3A_321 : memref<80xi32, #tpu.memory_space<vmem>>) target_semaphore(%arg15 : memref<!tpu.dma_semaphore, #tpu.memory_space<semaphore_mem>>)
      } else {
      }
    }
    %scan3A_87 = arith.constant 41 : i32
    %dma_wait3A = arith.constant 0 : i32
    %dma_wait3A_88 = arith.constant 0 : i32
    %dma_wait3A_89 = arith.constant 0 : i32
    %dma_wait3A_90 = tpu.memref_slice %arg7[%dma_wait3A, %dma_wait3A_88, %dma_wait3A_89] : memref<3x80x128xf32, #tpu.memory_space<vmem>> -> memref<1x80x128xf32, #tpu.memory_space<vmem>>
    %dma_wait3A_91 = tpu.memref_squeeze %dma_wait3A_90 : memref<1x80x128xf32, #tpu.memory_space<vmem>> -> memref<80x128xf32, #tpu.memory_space<vmem>>
    %dma_wait3A_92 = arith.constant 9840 : i32
    %dma_wait3A_93 = tpu.memref_slice %arg6[%dma_wait3A_92] : memref<10000xi32, #tpu.memory_space<vmem>> -> memref<80xi32, #tpu.memory_space<vmem>>
    %dma_wait3A_94 = arith.constant 0 : i32
    %dma_wait3A_95 = arith.constant 0 : i32
    %dma_wait3A_96 = tpu.memref_slice %arg2[%dma_wait3A_94, %dma_wait3A_95] : memref<10000x128xf32, #tpu.memory_space<hbm>> -> memref<10000x128xf32, #tpu.memory_space<hbm>>
    tpu.wait_indirect_dma semaphore(%arg10 : memref<!tpu.dma_semaphore, #tpu.memory_space<semaphore_mem>>) src(%dma_wait3A_96 : memref<10000x128xf32, #tpu.memory_space<hbm>>) dst(%dma_wait3A_91 : memref<80x128xf32, #tpu.memory_space<vmem>>)
    %mul3A_97 = arith.constant 10000 : i32
    %mul3A_98 = arith.muli %add3A, %mul3A_97 : i32
    %add3A_99 = arith.constant 320000 : i32
    %add3A_100 = arith.addi %add3A_99, %mul3A_98 : i32
    %add3A_101 = arith.constant 9840 : i32
    %add3A_102 = arith.addi %add3A_100, %add3A_101 : i32
    %dma_wait3A_103 = arith.constant 0 : i32
    %dma_wait3A_104 = arith.constant 0 : i32
    %dma_wait3A_105 = tpu.memref_slice %arg8[%dma_wait3A_103, %dma_wait3A_104] : memref<3x80xi32, #tpu.memory_space<vmem>> -> memref<1x80xi32, #tpu.memory_space<vmem>>
    %dma_wait3A_106 = tpu.memref_squeeze %dma_wait3A_105 : memref<1x80xi32, #tpu.memory_space<vmem>> -> memref<80xi32, #tpu.memory_space<vmem>>
    %dma_wait3A_107 = tpu.memref_slice %arg3[%add3A_102] : memref<640000xi32, #tpu.memory_space<hbm>> -> memref<80xi32, #tpu.memory_space<hbm>>
    %dma_wait3A_108 = arith.constant 0 : i32
    %dma_wait3A_109 = tpu.memref_slice %arg8[%dma_wait3A_103, %dma_wait3A_108] : memref<3x80xi32, #tpu.memory_space<vmem>> -> memref<1x80xi32, #tpu.memory_space<vmem>>
    %dma_wait3A_110 = tpu.memref_squeeze %dma_wait3A_109 : memref<1x80xi32, #tpu.memory_space<vmem>> -> memref<80xi32, #tpu.memory_space<vmem>>
    %dma_wait3A_111 = tpu.memref_slice %arg3[%add3A_102] : memref<640000xi32, #tpu.memory_space<hbm>> -> memref<80xi32, #tpu.memory_space<hbm>>
    tpu.wait_dma2 semaphore(%arg13 : memref<!tpu.dma_semaphore, #tpu.memory_space<semaphore_mem>>) src(%dma_wait3A_111 : memref<80xi32, #tpu.memory_space<hbm>>) dst(%dma_wait3A_110 : memref<80xi32, #tpu.memory_space<vmem>>)
    %run_scoped3A = arith.constant 0 : i32
    %run_scoped3A_112 = arith.constant 0 : i32
    "tpu.region"() ({
      %run_scoped3A_151 = tpu.sem_alloc : memref<!tpu.dma_semaphore, #tpu.memory_space<semaphore_mem>>
      %dma_start3A_152 = arith.constant 0 : i32
      %dma_start3A_153 = arith.constant 0 : i32
      %dma_start3A_154 = tpu.memref_slice %arg7[%run_scoped3A, %dma_start3A_152, %dma_start3A_153] : memref<3x80x128xf32, #tpu.memory_space<vmem>> -> memref<1x80x128xf32, #tpu.memory_space<vmem>>
      %dma_start3A_155 = tpu.memref_squeeze %dma_start3A_154 : memref<1x80x128xf32, #tpu.memory_space<vmem>> -> memref<80x128xf32, #tpu.memory_space<vmem>>
      %dma_start3A_156 = arith.constant 0 : i32
      %dma_start3A_157 = tpu.memref_slice %arg8[%run_scoped3A_112, %dma_start3A_156] : memref<3x80xi32, #tpu.memory_space<vmem>> -> memref<1x80xi32, #tpu.memory_space<vmem>>
      %dma_start3A_158 = tpu.memref_squeeze %dma_start3A_157 : memref<1x80xi32, #tpu.memory_space<vmem>> -> memref<80xi32, #tpu.memory_space<vmem>>
      %dma_start3A_159 = arith.constant 0 : i32
      %dma_start3A_160 = arith.constant 0 : i32
      %dma_start3A_161 = tpu.memref_slice %arg9[%dma_start3A_159, %dma_start3A_160] : memref<10000x128xf32, #tpu.memory_space<vmem_shared>> -> memref<10000x128xf32, #tpu.memory_space<vmem_shared>>
      tpu.enqueue_indirect_dma source(%dma_start3A_155 : memref<80x128xf32, #tpu.memory_space<vmem>>) target(%dma_start3A_161 : memref<10000x128xf32, #tpu.memory_space<vmem_shared>>) offsets(%dma_start3A_158 : memref<80xi32, #tpu.memory_space<vmem>>) semaphore(%run_scoped3A_151 : memref<!tpu.dma_semaphore, #tpu.memory_space<semaphore_mem>>) {add = true}
      %dma_wait3A_162 = arith.constant 0 : i32
      %dma_wait3A_163 = arith.constant 0 : i32
      %dma_wait3A_164 = tpu.memref_slice %arg7[%run_scoped3A, %dma_wait3A_162, %dma_wait3A_163] : memref<3x80x128xf32, #tpu.memory_space<vmem>> -> memref<1x80x128xf32, #tpu.memory_space<vmem>>
      %dma_wait3A_165 = tpu.memref_squeeze %dma_wait3A_164 : memref<1x80x128xf32, #tpu.memory_space<vmem>> -> memref<80x128xf32, #tpu.memory_space<vmem>>
      %dma_wait3A_166 = arith.constant 0 : i32
      %dma_wait3A_167 = tpu.memref_slice %arg8[%run_scoped3A_112, %dma_wait3A_166] : memref<3x80xi32, #tpu.memory_space<vmem>> -> memref<1x80xi32, #tpu.memory_space<vmem>>
      %dma_wait3A_168 = tpu.memref_squeeze %dma_wait3A_167 : memref<1x80xi32, #tpu.memory_space<vmem>> -> memref<80xi32, #tpu.memory_space<vmem>>
      %dma_wait3A_169 = arith.constant 0 : i32
      %dma_wait3A_170 = arith.constant 0 : i32
      %dma_wait3A_171 = tpu.memref_slice %arg9[%dma_wait3A_169, %dma_wait3A_170] : memref<10000x128xf32, #tpu.memory_space<vmem_shared>> -> memref<10000x128xf32, #tpu.memory_space<vmem_shared>>
      tpu.wait_indirect_dma semaphore(%run_scoped3A_151 : memref<!tpu.dma_semaphore, #tpu.memory_space<semaphore_mem>>) src(%dma_wait3A_165 : memref<80x128xf32, #tpu.memory_space<vmem>>) dst(%dma_wait3A_171 : memref<10000x128xf32, #tpu.memory_space<vmem_shared>>)
      tpu.yield
    }) : () -> ()
    %dma_wait3A_113 = arith.constant 1 : i32
    %dma_wait3A_114 = arith.constant 0 : i32
    %dma_wait3A_115 = arith.constant 0 : i32
    %dma_wait3A_116 = tpu.memref_slice %arg7[%dma_wait3A_113, %dma_wait3A_114, %dma_wait3A_115] : memref<3x80x128xf32, #tpu.memory_space<vmem>> -> memref<1x80x128xf32, #tpu.memory_space<vmem>>
    %dma_wait3A_117 = tpu.memref_squeeze %dma_wait3A_116 : memref<1x80x128xf32, #tpu.memory_space<vmem>> -> memref<80x128xf32, #tpu.memory_space<vmem>>
    %dma_wait3A_118 = arith.constant 9920 : i32
    %dma_wait3A_119 = tpu.memref_slice %arg6[%dma_wait3A_118] : memref<10000xi32, #tpu.memory_space<vmem>> -> memref<80xi32, #tpu.memory_space<vmem>>
    %dma_wait3A_120 = arith.constant 0 : i32
    %dma_wait3A_121 = arith.constant 0 : i32
    %dma_wait3A_122 = tpu.memref_slice %arg2[%dma_wait3A_120, %dma_wait3A_121] : memref<10000x128xf32, #tpu.memory_space<hbm>> -> memref<10000x128xf32, #tpu.memory_space<hbm>>
    tpu.wait_indirect_dma semaphore(%arg11 : memref<!tpu.dma_semaphore, #tpu.memory_space<semaphore_mem>>) src(%dma_wait3A_122 : memref<10000x128xf32, #tpu.memory_space<hbm>>) dst(%dma_wait3A_117 : memref<80x128xf32, #tpu.memory_space<vmem>>)
    %mul3A_123 = arith.constant 10000 : i32
    %mul3A_124 = arith.muli %add3A, %mul3A_123 : i32
    %add3A_125 = arith.constant 320000 : i32
    %add3A_126 = arith.addi %add3A_125, %mul3A_124 : i32
    %add3A_127 = arith.constant 9920 : i32
    %add3A_128 = arith.addi %add3A_126, %add3A_127 : i32
    %dma_wait3A_129 = arith.constant 1 : i32
    %dma_wait3A_130 = arith.constant 0 : i32
    %dma_wait3A_131 = tpu.memref_slice %arg8[%dma_wait3A_129, %dma_wait3A_130] : memref<3x80xi32, #tpu.memory_space<vmem>> -> memref<1x80xi32, #tpu.memory_space<vmem>>
    %dma_wait3A_132 = tpu.memref_squeeze %dma_wait3A_131 : memref<1x80xi32, #tpu.memory_space<vmem>> -> memref<80xi32, #tpu.memory_space<vmem>>
    %dma_wait3A_133 = tpu.memref_slice %arg3[%add3A_128] : memref<640000xi32, #tpu.memory_space<hbm>> -> memref<80xi32, #tpu.memory_space<hbm>>
    %dma_wait3A_134 = arith.constant 0 : i32
    %dma_wait3A_135 = tpu.memref_slice %arg8[%dma_wait3A_129, %dma_wait3A_134] : memref<3x80xi32, #tpu.memory_space<vmem>> -> memref<1x80xi32, #tpu.memory_space<vmem>>
    %dma_wait3A_136 = tpu.memref_squeeze %dma_wait3A_135 : memref<1x80xi32, #tpu.memory_space<vmem>> -> memref<80xi32, #tpu.memory_space<vmem>>
    %dma_wait3A_137 = tpu.memref_slice %arg3[%add3A_128] : memref<640000xi32, #tpu.memory_space<hbm>> -> memref<80xi32, #tpu.memory_space<hbm>>
    tpu.wait_dma2 semaphore(%arg14 : memref<!tpu.dma_semaphore, #tpu.memory_space<semaphore_mem>>) src(%dma_wait3A_137 : memref<80xi32, #tpu.memory_space<hbm>>) dst(%dma_wait3A_136 : memref<80xi32, #tpu.memory_space<vmem>>)
    %run_scoped3A_138 = arith.constant 1 : i32
    %run_scoped3A_139 = arith.constant 1 : i32
    "tpu.region"() ({
      %run_scoped3A_151 = tpu.sem_alloc : memref<!tpu.dma_semaphore, #tpu.memory_space<semaphore_mem>>
      %dma_start3A_152 = arith.constant 0 : i32
      %dma_start3A_153 = arith.constant 0 : i32
      %dma_start3A_154 = tpu.memref_slice %arg7[%run_scoped3A_138, %dma_start3A_152, %dma_start3A_153] : memref<3x80x128xf32, #tpu.memory_space<vmem>> -> memref<1x80x128xf32, #tpu.memory_space<vmem>>
      %dma_start3A_155 = tpu.memref_squeeze %dma_start3A_154 : memref<1x80x128xf32, #tpu.memory_space<vmem>> -> memref<80x128xf32, #tpu.memory_space<vmem>>
      %dma_start3A_156 = arith.constant 0 : i32
      %dma_start3A_157 = tpu.memref_slice %arg8[%run_scoped3A_139, %dma_start3A_156] : memref<3x80xi32, #tpu.memory_space<vmem>> -> memref<1x80xi32, #tpu.memory_space<vmem>>
      %dma_start3A_158 = tpu.memref_squeeze %dma_start3A_157 : memref<1x80xi32, #tpu.memory_space<vmem>> -> memref<80xi32, #tpu.memory_space<vmem>>
      %dma_start3A_159 = arith.constant 0 : i32
      %dma_start3A_160 = arith.constant 0 : i32
      %dma_start3A_161 = tpu.memref_slice %arg9[%dma_start3A_159, %dma_start3A_160] : memref<10000x128xf32, #tpu.memory_space<vmem_shared>> -> memref<10000x128xf32, #tpu.memory_space<vmem_shared>>
      tpu.enqueue_indirect_dma source(%dma_start3A_155 : memref<80x128xf32, #tpu.memory_space<vmem>>) target(%dma_start3A_161 : memref<10000x128xf32, #tpu.memory_space<vmem_shared>>) offsets(%dma_start3A_158 : memref<80xi32, #tpu.memory_space<vmem>>) semaphore(%run_scoped3A_151 : memref<!tpu.dma_semaphore, #tpu.memory_space<semaphore_mem>>) {add = true}
      %dma_wait3A_162 = arith.constant 0 : i32
      %dma_wait3A_163 = arith.constant 0 : i32
      %dma_wait3A_164 = tpu.memref_slice %arg7[%run_scoped3A_138, %dma_wait3A_162, %dma_wait3A_163] : memref<3x80x128xf32, #tpu.memory_space<vmem>> -> memref<1x80x128xf32, #tpu.memory_space<vmem>>
      %dma_wait3A_165 = tpu.memref_squeeze %dma_wait3A_164 : memref<1x80x128xf32, #tpu.memory_space<vmem>> -> memref<80x128xf32, #tpu.memory_space<vmem>>
      %dma_wait3A_166 = arith.constant 0 : i32
      %dma_wait3A_167 = tpu.memref_slice %arg8[%run_scoped3A_139, %dma_wait3A_166] : memref<3x80xi32, #tpu.memory_space<vmem>> -> memref<1x80xi32, #tpu.memory_space<vmem>>
      %dma_wait3A_168 = tpu.memref_squeeze %dma_wait3A_167 : memref<1x80xi32, #tpu.memory_space<vmem>> -> memref<80xi32, #tpu.memory_space<vmem>>
      %dma_wait3A_169 = arith.constant 0 : i32
      %dma_wait3A_170 = arith.constant 0 : i32
      %dma_wait3A_171 = tpu.memref_slice %arg9[%dma_wait3A_169, %dma_wait3A_170] : memref<10000x128xf32, #tpu.memory_space<vmem_shared>> -> memref<10000x128xf32, #tpu.memory_space<vmem_shared>>
      tpu.wait_indirect_dma semaphore(%run_scoped3A_151 : memref<!tpu.dma_semaphore, #tpu.memory_space<semaphore_mem>>) src(%dma_wait3A_165 : memref<80x128xf32, #tpu.memory_space<vmem>>) dst(%dma_wait3A_171 : memref<10000x128xf32, #tpu.memory_space<vmem_shared>>)
      tpu.yield
    }) : () -> ()
    %barrier3A_140 = arith.constant 0 : index
    tpu.barrier barrier_id(%barrier3A_140)
    %lt3A_141 = arith.constant 15 : i32
    %lt3A_142 = arith.cmpi slt, %arg1, %lt3A_141 : i32
    %convert_element_type3A_143 = arith.extui %lt3A_142 : i1 to i32
    %cond3A_144 = arith.constant 0 : i32
    %cond3A_145 = arith.cmpi ne, %convert_element_type3A_143, %cond3A_144 : i32
    scf.if %cond3A_145 {
      %mul3A_151 = arith.constant 640 : i32
      %mul3A_152 = arith.muli %arg1, %mul3A_151 : i32
      %mul3A_153 = arith.constant 640 : i32
      %mul3A_154 = arith.muli %arg1, %mul3A_153 : i32
      "tpu.region"() ({
        %run_scoped3A_155 = tpu.sem_alloc : memref<!tpu.dma_semaphore, #tpu.memory_space<semaphore_mem>>
        %dma_start3A_156 = arith.constant 0 : i32
        %dma_start3A_157 = tpu.memref_slice %arg5[%arg0, %mul3A_154, %dma_start3A_156] : memref<2x10000x128xf32, #tpu.memory_space<hbm>> -> memref<1x640x128xf32, #tpu.memory_space<hbm>>
        %dma_start3A_158 = tpu.memref_squeeze %dma_start3A_157 : memref<1x640x128xf32, #tpu.memory_space<hbm>> -> memref<640x128xf32, #tpu.memory_space<hbm>>
        %dma_start3A_159 = arith.constant 0 : i32
        %dma_start3A_160 = tpu.memref_slice %arg9[%mul3A_152, %dma_start3A_159] : memref<10000x128xf32, #tpu.memory_space<vmem_shared>> -> memref<640x128xf32, #tpu.memory_space<vmem_shared>>
        tpu.enqueue_dma source(%dma_start3A_160 : memref<640x128xf32, #tpu.memory_space<vmem_shared>>) target(%dma_start3A_158 : memref<640x128xf32, #tpu.memory_space<hbm>>) target_semaphore(%run_scoped3A_155 : memref<!tpu.dma_semaphore, #tpu.memory_space<semaphore_mem>>)
        %dma_wait3A_161 = arith.constant 0 : i32
        %dma_wait3A_162 = tpu.memref_slice %arg5[%arg0, %mul3A_154, %dma_wait3A_161] : memref<2x10000x128xf32, #tpu.memory_space<hbm>> -> memref<1x640x128xf32, #tpu.memory_space<hbm>>
        %dma_wait3A_163 = tpu.memref_squeeze %dma_wait3A_162 : memref<1x640x128xf32, #tpu.memory_space<hbm>> -> memref<640x128xf32, #tpu.memory_space<hbm>>
        %dma_wait3A_164 = arith.constant 0 : i32
        %dma_wait3A_165 = tpu.memref_slice %arg9[%mul3A_152, %dma_wait3A_164] : memref<10000x128xf32, #tpu.memory_space<vmem_shared>> -> memref<640x128xf32, #tpu.memory_space<vmem_shared>>
        tpu.wait_dma2 semaphore(%run_scoped3A_155 : memref<!tpu.dma_semaphore, #tpu.memory_space<semaphore_mem>>) src(%dma_wait3A_165 : memref<640x128xf32, #tpu.memory_space<vmem_shared>>) dst(%dma_wait3A_163 : memref<640x128xf32, #tpu.memory_space<hbm>>)
        tpu.yield
      }) : () -> ()
    } else {
    }
    %eq3A_146 = arith.constant 15 : i32
    %eq3A_147 = arith.cmpi eq, %arg1, %eq3A_146 : i32
    %convert_element_type3A_148 = arith.extui %eq3A_147 : i1 to i32
    %cond3A_149 = arith.constant 0 : i32
    %cond3A_150 = arith.cmpi ne, %convert_element_type3A_148, %cond3A_149 : i32
    scf.if %cond3A_150 {
      "tpu.region"() ({
        %run_scoped3A_151 = tpu.sem_alloc : memref<!tpu.dma_semaphore, #tpu.memory_space<semaphore_mem>>
        %dma_start3A_152 = arith.constant 9600 : i32
        %dma_start3A_153 = arith.constant 0 : i32
        %dma_start3A_154 = tpu.memref_slice %arg5[%arg0, %dma_start3A_152, %dma_start3A_153] : memref<2x10000x128xf32, #tpu.memory_space<hbm>> -> memref<1x400x128xf32, #tpu.memory_space<hbm>>
        %dma_start3A_155 = tpu.memref_squeeze %dma_start3A_154 : memref<1x400x128xf32, #tpu.memory_space<hbm>> -> memref<400x128xf32, #tpu.memory_space<hbm>>
        %dma_start3A_156 = arith.constant 9600 : i32
        %dma_start3A_157 = arith.constant 0 : i32
        %dma_start3A_158 = tpu.memref_slice %arg9[%dma_start3A_156, %dma_start3A_157] : memref<10000x128xf32, #tpu.memory_space<vmem_shared>> -> memref<400x128xf32, #tpu.memory_space<vmem_shared>>
        tpu.enqueue_dma source(%dma_start3A_158 : memref<400x128xf32, #tpu.memory_space<vmem_shared>>) target(%dma_start3A_155 : memref<400x128xf32, #tpu.memory_space<hbm>>) target_semaphore(%run_scoped3A_151 : memref<!tpu.dma_semaphore, #tpu.memory_space<semaphore_mem>>)
        %dma_wait3A_159 = arith.constant 9600 : i32
        %dma_wait3A_160 = arith.constant 0 : i32
        %dma_wait3A_161 = tpu.memref_slice %arg5[%arg0, %dma_wait3A_159, %dma_wait3A_160] : memref<2x10000x128xf32, #tpu.memory_space<hbm>> -> memref<1x400x128xf32, #tpu.memory_space<hbm>>
        %dma_wait3A_162 = tpu.memref_squeeze %dma_wait3A_161 : memref<1x400x128xf32, #tpu.memory_space<hbm>> -> memref<400x128xf32, #tpu.memory_space<hbm>>
        %dma_wait3A_163 = arith.constant 9600 : i32
        %dma_wait3A_164 = arith.constant 0 : i32
        %dma_wait3A_165 = tpu.memref_slice %arg9[%dma_wait3A_163, %dma_wait3A_164] : memref<10000x128xf32, #tpu.memory_space<vmem_shared>> -> memref<400x128xf32, #tpu.memory_space<vmem_shared>>
        tpu.wait_dma2 semaphore(%run_scoped3A_151 : memref<!tpu.dma_semaphore, #tpu.memory_space<semaphore_mem>>) src(%dma_wait3A_165 : memref<400x128xf32, #tpu.memory_space<vmem_shared>>) dst(%dma_wait3A_162 : memref<400x128xf32, #tpu.memory_space<hbm>>)
        tpu.yield
      }) : () -> ()
    } else {
    }
    return
  }
}

module attributes {stable_mosaic.version = 14 : i64} {
  func.func @_tc_layer_body(%arg0: memref<10000x128xf32, #tpu.memory_space<vmem>>, %arg1: memref<2x10000x128xf32, #tpu.memory_space<vmem>>, %arg2: memref<1x1xf32, #tpu.memory_space<vmem>>, %arg3: memref<128x128xf32, #tpu.memory_space<vmem>>, %arg4: memref<1x128xf32, #tpu.memory_space<vmem>>, %arg5: memref<128x128xf32, #tpu.memory_space<vmem>>, %arg6: memref<1x128xf32, #tpu.memory_space<vmem>>, %arg7: memref<1x128xf32, #tpu.memory_space<vmem>>, %arg8: memref<1x128xf32, #tpu.memory_space<vmem>>, %arg9: memref<10000x128xf32, #tpu.memory_space<vmem>>) attributes {dimension_semantics = [], scalar_prefetch = 0 : i64, scratch_operands = 0 : i64, tpu.core_type = #tpu.core_type<tc>} {
    %get3A = arith.constant 0 : index
    %get3A_0 = arith.constant 0 : index
    %get3A_1 = vector.load %arg2[%get3A, %get3A_0] : memref<1x1xf32, #tpu.memory_space<vmem>>, vector<1x1xf32>
    %get3A_2 = vector.extract %get3A_1[0, 0] : f32 from vector<1x1xf32>
    %get3A_3 = arith.constant 0 : index
    %get3A_4 = arith.constant 0 : index
    %get3A_5 = vector.load %arg0[%get3A_3, %get3A_4] : memref<10000x128xf32, #tpu.memory_space<vmem>>, vector<10000x128xf32>
    %mul3A = vector.broadcast %get3A_2 : f32 to vector<10000x128xf32>
    %mul3A_6 = arith.mulf %mul3A, %get3A_5 : vector<10000x128xf32>
    %get3A_7 = arith.constant 0 : index
    %get3A_8 = arith.constant 0 : index
    %get3A_9 = arith.constant 0 : index
    %get3A_10 = vector.load %arg1[%get3A_7, %get3A_8, %get3A_9] : memref<2x10000x128xf32, #tpu.memory_space<vmem>>, vector<1x10000x128xf32>
    %get3A_11 = vector.shape_cast %get3A_10 : vector<1x10000x128xf32> to vector<10000x128xf32>
    %get3A_12 = arith.constant 1 : index
    %get3A_13 = arith.constant 0 : index
    %get3A_14 = arith.constant 0 : index
    %get3A_15 = vector.load %arg1[%get3A_12, %get3A_13, %get3A_14] : memref<2x10000x128xf32, #tpu.memory_space<vmem>>, vector<1x10000x128xf32>
    %get3A_16 = vector.shape_cast %get3A_15 : vector<1x10000x128xf32> to vector<10000x128xf32>
    %add3A = arith.addf %get3A_11, %get3A_16 : vector<10000x128xf32>
    %add3A_17 = arith.addf %mul3A_6, %add3A : vector<10000x128xf32>
    %get3A_18 = arith.constant 0 : index
    %get3A_19 = arith.constant 0 : index
    %get3A_20 = vector.load %arg3[%get3A_18, %get3A_19] : memref<128x128xf32, #tpu.memory_space<vmem>>, vector<128x128xf32>
    %dot_general3A = arith.constant dense<0.000000e+00> : vector<10000x128xf32>
    %dot_general3A_21 = tpu.matmul %add3A_17, %get3A_20, %dot_general3A {dimension_numbers = #tpu.dot_dimension_numbers<[1], [0], [0], [1], [0, 0, 1, 1], [], []>, transpose_lhs_hint = false} : vector<10000x128xf32>, vector<128x128xf32>, vector<10000x128xf32> -> vector<10000x128xf32>
    %get3A_22 = arith.constant 0 : index
    %get3A_23 = arith.constant 0 : index
    %get3A_24 = vector.load %arg4[%get3A_22, %get3A_23] : memref<1x128xf32, #tpu.memory_space<vmem>>, vector<1x128xf32>
    %add3A_25 = vector.broadcast %get3A_24 : vector<1x128xf32> to vector<10000x128xf32>
    %add3A_26 = arith.addf %dot_general3A_21, %add3A_25 : vector<10000x128xf32>
    %max3A = arith.constant 0.000000e+00 : f32
    %max3A_27 = vector.broadcast %max3A : f32 to vector<10000x128xf32>
    %max3A_28 = arith.maximumf %add3A_26, %max3A_27 : vector<10000x128xf32>
    %get3A_29 = arith.constant 0 : index
    %get3A_30 = arith.constant 0 : index
    %get3A_31 = vector.load %arg5[%get3A_29, %get3A_30] : memref<128x128xf32, #tpu.memory_space<vmem>>, vector<128x128xf32>
    %dot_general3A_32 = arith.constant dense<0.000000e+00> : vector<10000x128xf32>
    %dot_general3A_33 = tpu.matmul %max3A_28, %get3A_31, %dot_general3A_32 {dimension_numbers = #tpu.dot_dimension_numbers<[1], [0], [0], [1], [0, 0, 1, 1], [], []>, transpose_lhs_hint = false} : vector<10000x128xf32>, vector<128x128xf32>, vector<10000x128xf32> -> vector<10000x128xf32>
    %get3A_34 = arith.constant 0 : index
    %get3A_35 = arith.constant 0 : index
    %get3A_36 = vector.load %arg6[%get3A_34, %get3A_35] : memref<1x128xf32, #tpu.memory_space<vmem>>, vector<1x128xf32>
    %add3A_37 = vector.broadcast %get3A_36 : vector<1x128xf32> to vector<10000x128xf32>
    %add3A_38 = arith.addf %dot_general3A_33, %add3A_37 : vector<10000x128xf32>
    %reduce_sum3A = arith.constant dense<0.000000e+00> : vector<128xf32>
    %reduce_sum3A_39 = vector.multi_reduction <add>, %add3A_38, %reduce_sum3A [0] : vector<10000x128xf32> to vector<128xf32>
    %broadcast_in_dim3A = vector.shape_cast %reduce_sum3A_39 : vector<128xf32> to vector<1x128xf32>
    %div3A = arith.constant 1.000000e+04 : f32
    %div3A_40 = vector.broadcast %div3A : f32 to vector<1x128xf32>
    %div3A_41 = arith.divf %broadcast_in_dim3A, %div3A_40 : vector<1x128xf32>
    %sub3A = vector.broadcast %div3A_41 : vector<1x128xf32> to vector<10000x128xf32>
    %sub3A_42 = arith.subf %add3A_38, %sub3A : vector<10000x128xf32>
    %mul3A_43 = arith.mulf %sub3A_42, %sub3A_42 : vector<10000x128xf32>
    %reduce_sum3A_44 = arith.constant dense<0.000000e+00> : vector<128xf32>
    %reduce_sum3A_45 = vector.multi_reduction <add>, %mul3A_43, %reduce_sum3A_44 [0] : vector<10000x128xf32> to vector<128xf32>
    %broadcast_in_dim3A_46 = vector.shape_cast %reduce_sum3A_45 : vector<128xf32> to vector<1x128xf32>
    %div3A_47 = arith.constant 1.000000e+04 : f32
    %div3A_48 = vector.broadcast %div3A_47 : f32 to vector<1x128xf32>
    %div3A_49 = arith.divf %broadcast_in_dim3A_46, %div3A_48 : vector<1x128xf32>
    %add3A_50 = arith.constant 9.99999974E-6 : f32
    %add3A_51 = vector.broadcast %add3A_50 : f32 to vector<1x128xf32>
    %add3A_52 = arith.addf %div3A_49, %add3A_51 : vector<1x128xf32>
    %rsqrt3A = math.rsqrt %add3A_52 : vector<1x128xf32>
    %mul3A_53 = vector.broadcast %rsqrt3A : vector<1x128xf32> to vector<10000x128xf32>
    %mul3A_54 = arith.mulf %sub3A_42, %mul3A_53 : vector<10000x128xf32>
    %get3A_55 = arith.constant 0 : index
    %get3A_56 = arith.constant 0 : index
    %get3A_57 = vector.load %arg7[%get3A_55, %get3A_56] : memref<1x128xf32, #tpu.memory_space<vmem>>, vector<1x128xf32>
    %mul3A_58 = vector.broadcast %get3A_57 : vector<1x128xf32> to vector<10000x128xf32>
    %mul3A_59 = arith.mulf %mul3A_54, %mul3A_58 : vector<10000x128xf32>
    %get3A_60 = arith.constant 0 : index
    %get3A_61 = arith.constant 0 : index
    %get3A_62 = vector.load %arg8[%get3A_60, %get3A_61] : memref<1x128xf32, #tpu.memory_space<vmem>>, vector<1x128xf32>
    %add3A_63 = vector.broadcast %get3A_62 : vector<1x128xf32> to vector<10000x128xf32>
    %add3A_64 = arith.addf %mul3A_59, %add3A_63 : vector<10000x128xf32>
    %max3A_65 = arith.constant 0.000000e+00 : f32
    %max3A_66 = vector.broadcast %max3A_65 : f32 to vector<10000x128xf32>
    %max3A_67 = arith.maximumf %add3A_64, %max3A_66 : vector<10000x128xf32>
    %swap3A = arith.constant 0 : index
    %swap3A_68 = arith.constant 0 : index
    %swap3A_69 = vector.load %arg9[%swap3A, %swap3A_68] : memref<10000x128xf32, #tpu.memory_space<vmem>>, vector<10000x128xf32>
    tpu.vector_store %arg9[%swap3A, %swap3A_68], %max3A_67 {strides = array<i32>} : memref<10000x128xf32, #tpu.memory_space<vmem>>, vector<10000x128xf32>,
    return
  }
}

module attributes {stable_mosaic.version = 14 : i64} {
  func.func @_tc_last_body(%arg0: memref<10000x128xf32, #tpu.memory_space<vmem>>, %arg1: memref<2x10000x128xf32, #tpu.memory_space<vmem>>, %arg2: memref<1x1xf32, #tpu.memory_space<vmem>>, %arg3: memref<128x128xf32, #tpu.memory_space<vmem>>, %arg4: memref<1x128xf32, #tpu.memory_space<vmem>>, %arg5: memref<128x128xf32, #tpu.memory_space<vmem>>, %arg6: memref<1x128xf32, #tpu.memory_space<vmem>>, %arg7: memref<1x128xf32, #tpu.memory_space<vmem>>, %arg8: memref<1x128xf32, #tpu.memory_space<vmem>>, %arg9: memref<1x10000xi32, #tpu.memory_space<vmem>>, %arg10: memref<128x128xf32, #tpu.memory_space<vmem>>, %arg11: memref<1x128xf32, #tpu.memory_space<vmem>>, %arg12: memref<128x10xf32, #tpu.memory_space<vmem>>, %arg13: memref<1x10xf32, #tpu.memory_space<vmem>>, %arg14: memref<64x10xf32, #tpu.memory_space<vmem>>) attributes {dimension_semantics = [], scalar_prefetch = 0 : i64, scratch_operands = 0 : i64, tpu.core_type = #tpu.core_type<tc>} {
    %get3A = arith.constant 0 : index
    %get3A_0 = arith.constant 0 : index
    %get3A_1 = vector.load %arg2[%get3A, %get3A_0] : memref<1x1xf32, #tpu.memory_space<vmem>>, vector<1x1xf32>
    %get3A_2 = vector.extract %get3A_1[0, 0] : f32 from vector<1x1xf32>
    %get3A_3 = arith.constant 0 : index
    %get3A_4 = arith.constant 0 : index
    %get3A_5 = vector.load %arg0[%get3A_3, %get3A_4] : memref<10000x128xf32, #tpu.memory_space<vmem>>, vector<10000x128xf32>
    %mul3A = vector.broadcast %get3A_2 : f32 to vector<10000x128xf32>
    %mul3A_6 = arith.mulf %mul3A, %get3A_5 : vector<10000x128xf32>
    %get3A_7 = arith.constant 0 : index
    %get3A_8 = arith.constant 0 : index
    %get3A_9 = arith.constant 0 : index
    %get3A_10 = vector.load %arg1[%get3A_7, %get3A_8, %get3A_9] : memref<2x10000x128xf32, #tpu.memory_space<vmem>>, vector<1x10000x128xf32>
    %get3A_11 = vector.shape_cast %get3A_10 : vector<1x10000x128xf32> to vector<10000x128xf32>
    %get3A_12 = arith.constant 1 : index
    %get3A_13 = arith.constant 0 : index
    %get3A_14 = arith.constant 0 : index
    %get3A_15 = vector.load %arg1[%get3A_12, %get3A_13, %get3A_14] : memref<2x10000x128xf32, #tpu.memory_space<vmem>>, vector<1x10000x128xf32>
    %get3A_16 = vector.shape_cast %get3A_15 : vector<1x10000x128xf32> to vector<10000x128xf32>
    %add3A = arith.addf %get3A_11, %get3A_16 : vector<10000x128xf32>
    %add3A_17 = arith.addf %mul3A_6, %add3A : vector<10000x128xf32>
    %get3A_18 = arith.constant 0 : index
    %get3A_19 = arith.constant 0 : index
    %get3A_20 = vector.load %arg3[%get3A_18, %get3A_19] : memref<128x128xf32, #tpu.memory_space<vmem>>, vector<128x128xf32>
    %dot_general3A = arith.constant dense<0.000000e+00> : vector<10000x128xf32>
    %dot_general3A_21 = tpu.matmul %add3A_17, %get3A_20, %dot_general3A {dimension_numbers = #tpu.dot_dimension_numbers<[1], [0], [0], [1], [0, 0, 1, 1], [], []>, transpose_lhs_hint = false} : vector<10000x128xf32>, vector<128x128xf32>, vector<10000x128xf32> -> vector<10000x128xf32>
    %get3A_22 = arith.constant 0 : index
    %get3A_23 = arith.constant 0 : index
    %get3A_24 = vector.load %arg4[%get3A_22, %get3A_23] : memref<1x128xf32, #tpu.memory_space<vmem>>, vector<1x128xf32>
    %add3A_25 = vector.broadcast %get3A_24 : vector<1x128xf32> to vector<10000x128xf32>
    %add3A_26 = arith.addf %dot_general3A_21, %add3A_25 : vector<10000x128xf32>
    %max3A = arith.constant 0.000000e+00 : f32
    %max3A_27 = vector.broadcast %max3A : f32 to vector<10000x128xf32>
    %max3A_28 = arith.maximumf %add3A_26, %max3A_27 : vector<10000x128xf32>
    %get3A_29 = arith.constant 0 : index
    %get3A_30 = arith.constant 0 : index
    %get3A_31 = vector.load %arg5[%get3A_29, %get3A_30] : memref<128x128xf32, #tpu.memory_space<vmem>>, vector<128x128xf32>
    %dot_general3A_32 = arith.constant dense<0.000000e+00> : vector<10000x128xf32>
    %dot_general3A_33 = tpu.matmul %max3A_28, %get3A_31, %dot_general3A_32 {dimension_numbers = #tpu.dot_dimension_numbers<[1], [0], [0], [1], [0, 0, 1, 1], [], []>, transpose_lhs_hint = false} : vector<10000x128xf32>, vector<128x128xf32>, vector<10000x128xf32> -> vector<10000x128xf32>
    %get3A_34 = arith.constant 0 : index
    %get3A_35 = arith.constant 0 : index
    %get3A_36 = vector.load %arg6[%get3A_34, %get3A_35] : memref<1x128xf32, #tpu.memory_space<vmem>>, vector<1x128xf32>
    %add3A_37 = vector.broadcast %get3A_36 : vector<1x128xf32> to vector<10000x128xf32>
    %add3A_38 = arith.addf %dot_general3A_33, %add3A_37 : vector<10000x128xf32>
    %reduce_sum3A = arith.constant dense<0.000000e+00> : vector<128xf32>
    %reduce_sum3A_39 = vector.multi_reduction <add>, %add3A_38, %reduce_sum3A [0] : vector<10000x128xf32> to vector<128xf32>
    %broadcast_in_dim3A = vector.shape_cast %reduce_sum3A_39 : vector<128xf32> to vector<1x128xf32>
    %div3A = arith.constant 1.000000e+04 : f32
    %div3A_40 = vector.broadcast %div3A : f32 to vector<1x128xf32>
    %div3A_41 = arith.divf %broadcast_in_dim3A, %div3A_40 : vector<1x128xf32>
    %sub3A = vector.broadcast %div3A_41 : vector<1x128xf32> to vector<10000x128xf32>
    %sub3A_42 = arith.subf %add3A_38, %sub3A : vector<10000x128xf32>
    %mul3A_43 = arith.mulf %sub3A_42, %sub3A_42 : vector<10000x128xf32>
    %reduce_sum3A_44 = arith.constant dense<0.000000e+00> : vector<128xf32>
    %reduce_sum3A_45 = vector.multi_reduction <add>, %mul3A_43, %reduce_sum3A_44 [0] : vector<10000x128xf32> to vector<128xf32>
    %broadcast_in_dim3A_46 = vector.shape_cast %reduce_sum3A_45 : vector<128xf32> to vector<1x128xf32>
    %div3A_47 = arith.constant 1.000000e+04 : f32
    %div3A_48 = vector.broadcast %div3A_47 : f32 to vector<1x128xf32>
    %div3A_49 = arith.divf %broadcast_in_dim3A_46, %div3A_48 : vector<1x128xf32>
    %add3A_50 = arith.constant 9.99999974E-6 : f32
    %add3A_51 = vector.broadcast %add3A_50 : f32 to vector<1x128xf32>
    %add3A_52 = arith.addf %div3A_49, %add3A_51 : vector<1x128xf32>
    %rsqrt3A = math.rsqrt %add3A_52 : vector<1x128xf32>
    %mul3A_53 = vector.broadcast %rsqrt3A : vector<1x128xf32> to vector<10000x128xf32>
    %mul3A_54 = arith.mulf %sub3A_42, %mul3A_53 : vector<10000x128xf32>
    %get3A_55 = arith.constant 0 : index
    %get3A_56 = arith.constant 0 : index
    %get3A_57 = vector.load %arg7[%get3A_55, %get3A_56] : memref<1x128xf32, #tpu.memory_space<vmem>>, vector<1x128xf32>
    %mul3A_58 = vector.broadcast %get3A_57 : vector<1x128xf32> to vector<10000x128xf32>
    %mul3A_59 = arith.mulf %mul3A_54, %mul3A_58 : vector<10000x128xf32>
    %get3A_60 = arith.constant 0 : index
    %get3A_61 = arith.constant 0 : index
    %get3A_62 = vector.load %arg8[%get3A_60, %get3A_61] : memref<1x128xf32, #tpu.memory_space<vmem>>, vector<1x128xf32>
    %add3A_63 = vector.broadcast %get3A_62 : vector<1x128xf32> to vector<10000x128xf32>
    %add3A_64 = arith.addf %mul3A_59, %add3A_63 : vector<10000x128xf32>
    %max3A_65 = arith.constant 0.000000e+00 : f32
    %max3A_66 = vector.broadcast %max3A_65 : f32 to vector<10000x128xf32>
    %max3A_67 = arith.maximumf %add3A_64, %max3A_66 : vector<10000x128xf32>
    %iota3A = tpu.iota {dimensions = array<i32: 0>} : vector<64x10000xi32>
    %get3A_68 = arith.constant 0 : index
    %get3A_69 = arith.constant 0 : index
    %get3A_70 = vector.load %arg9[%get3A_68, %get3A_69] : memref<1x10000xi32, #tpu.memory_space<vmem>>, vector<1x10000xi32>
    %eq3A = vector.broadcast %get3A_70 : vector<1x10000xi32> to vector<64x10000xi32>
    %eq3A_71 = arith.cmpi eq, %iota3A, %eq3A : vector<64x10000xi32>
    %jit3A = arith.constant 1.000000e+00 : f32
    %jit3A_72 = arith.constant 0.000000e+00 : f32
    %broadcast_in_dim3A_73 = vector.broadcast %jit3A : f32 to vector<64x10000xf32>
    %broadcast_in_dim3A_74 = vector.broadcast %jit3A_72 : f32 to vector<64x10000xf32>
    %select_n3A = arith.select %eq3A_71, %broadcast_in_dim3A_73, %broadcast_in_dim3A_74 : vector<64x10000xi1>, vector<64x10000xf32>
    %dot_general3A_75 = arith.constant dense<0.000000e+00> : vector<64x128xf32>
    %dot_general3A_76 = tpu.matmul %select_n3A, %max3A_67, %dot_general3A_75 {dimension_numbers = #tpu.dot_dimension_numbers<[1], [0], [0], [1], [0, 0, 1, 1], [], []>, transpose_lhs_hint = false} : vector<64x10000xf32>, vector<10000x128xf32>, vector<64x128xf32> -> vector<64x128xf32>
    %get3A_77 = arith.constant 0 : index
    %get3A_78 = arith.constant 0 : index
    %get3A_79 = vector.load %arg10[%get3A_77, %get3A_78] : memref<128x128xf32, #tpu.memory_space<vmem>>, vector<128x128xf32>
    %dot_general3A_80 = arith.constant dense<0.000000e+00> : vector<64x128xf32>
    %dot_general3A_81 = tpu.matmul %dot_general3A_76, %get3A_79, %dot_general3A_80 {dimension_numbers = #tpu.dot_dimension_numbers<[1], [0], [0], [1], [0, 0, 1, 1], [], []>, transpose_lhs_hint = false} : vector<64x128xf32>, vector<128x128xf32>, vector<64x128xf32> -> vector<64x128xf32>
    %get3A_82 = arith.constant 0 : index
    %get3A_83 = arith.constant 0 : index
    %get3A_84 = vector.load %arg11[%get3A_82, %get3A_83] : memref<1x128xf32, #tpu.memory_space<vmem>>, vector<1x128xf32>
    %add3A_85 = vector.broadcast %get3A_84 : vector<1x128xf32> to vector<64x128xf32>
    %add3A_86 = arith.addf %dot_general3A_81, %add3A_85 : vector<64x128xf32>
    %max3A_87 = arith.constant 0.000000e+00 : f32
    %max3A_88 = vector.broadcast %max3A_87 : f32 to vector<64x128xf32>
    %max3A_89 = arith.maximumf %add3A_86, %max3A_88 : vector<64x128xf32>
    %get3A_90 = arith.constant 0 : index
    %get3A_91 = arith.constant 0 : index
    %get3A_92 = vector.load %arg12[%get3A_90, %get3A_91] : memref<128x10xf32, #tpu.memory_space<vmem>>, vector<128x10xf32>
    %dot_general3A_93 = arith.constant dense<0.000000e+00> : vector<64x10xf32>
    %dot_general3A_94 = tpu.matmul %max3A_89, %get3A_92, %dot_general3A_93 {dimension_numbers = #tpu.dot_dimension_numbers<[1], [0], [0], [1], [0, 0, 1, 1], [], []>, transpose_lhs_hint = false} : vector<64x128xf32>, vector<128x10xf32>, vector<64x10xf32> -> vector<64x10xf32>
    %get3A_95 = arith.constant 0 : index
    %get3A_96 = arith.constant 0 : index
    %get3A_97 = vector.load %arg13[%get3A_95, %get3A_96] : memref<1x10xf32, #tpu.memory_space<vmem>>, vector<1x10xf32>
    %add3A_98 = vector.broadcast %get3A_97 : vector<1x10xf32> to vector<64x10xf32>
    %add3A_99 = arith.addf %dot_general3A_94, %add3A_98 : vector<64x10xf32>
    %swap3A = arith.constant 0 : index
    %swap3A_100 = arith.constant 0 : index
    %swap3A_101 = vector.load %arg14[%swap3A, %swap3A_100] : memref<64x10xf32, #tpu.memory_space<vmem>>, vector<64x10xf32>
    tpu.vector_store %arg14[%swap3A, %swap3A_100], %add3A_99 {strides = array<i32>} : memref<64x10xf32, #tpu.memory_space<vmem>>, vector<64x10xf32>,
    return
  }
}

</mosaic_0001>

<sc_bundles>
// kernel: gin_sc_scatter.10.cloned.1.call-start
scs
__scs_entry_jumppad:
0x0: {  	(pc) =	sbr.rel $0x88, $3  }
0x1: {  	(tag) =	ssettag $0x0;
	lr =	simm.s32 $0x1  }
0x2: {  	[smem:$0x3F77] =	sst lr;
	_ =	strace $0xD0000000  }
0x3: {  	_ = 	snop  }
0x4: {  	_ = 	snop  }
0x5: {  	_ = 	snop  }
0x6: {  	_ = 	snop  }
0x7: {  	_ = 	snop  }
__scs_overlays_trampoline_lowered:
0x8: {  	[smem:$0x3F86] =	sst s0  }
0x9: {  	[smem:$0x3F87] =	sst s1  }
0xa: {  	[smem:$0x3F88] =	sst s2  }
0xb: {  	[smem:$0x3F89] =	sst s3  }
0xc: {  	[smem:$0x3F8A] =	sst s4  }
0xd: {  	[smem:$0x3F8B] =	sst s5  }
0xe: {  	[smem:$0x3F8C] =	sst s6  }
0xf: {  	[smem:$0x3F8D] =	sst s7  }
0x10: {  	[smem:$0x3F8E] =	sst s8  }
0x11: {  	[smem:$0x3F8F] =	sst s9;
	s0 =	simm.s32 @!p0 $0x0  }
0x12: {  	s1 =	sld [smem:$0x3F75];
	s0 =	simm.s32 @p0 $0x1  }
0x13: {  	[smem:$0x3F90] =	sst s0;
	s0 =	simm.s32 @!p1 $0x0  }
0x14: {  	s2 =	sld [smem:$0x3F74];
	s0 =	simm.s32 @p1 $0x1  }
0x15: {  	[smem:$0x3F91] =	sst s0;
	s0 =	simm.s32 @!p2 $0x0  }
0x16: {  	s3 =	sld [smem:$0x3FDB];
	s0 =	simm.s32 @p2 $0x1  }
0x17: {  	s4 =	simm.s32 $0x1BF5;
	[smem:$0x3F93] =	sst s0  }
0x18: {  	s0 =	sld [smem:$0x3F76];
	_ =	swait.ge [sflag:s4], $0x0  }
0x19: {  	s7 =	sld [smem:$0x3F77]  }
0x1a: {  	s8 =	sadd.s32 $0xFFFFE003, lr  }
0x1b: {  	s9 =	sadd.s32 $0xFFFFFEF7, lr;
	s5 =	simm.s32 $0xFFFFFFFF;
	p2 =	slt.u32 s8, $0xFFFFF086  }
0x1c: {  	p1 =	slt.u32 s9, $0xF7A;
	s5 =	simm.s32 @!p2 $0x0  }
0x1d: {  	s5 =	simm.s32 @p1 $0x1;
	p0 =	seq.s32 s7, s2  }
0x1e: {  	s7 =	smul.u32 @!p0 $0xF7A, s2;
	p2 =	seq.s32 @!p0 s5, $0x0  }
0x1f: {  	s9 =	smul.u32 $0xF7A, s1;
	s8 =	simm.s32 @!p0 $0x1BF5;
	p2 =	por !p2, p0  }
0x20: {  	[sflag:s8] =	ssyncset.s32 @!p0 $0xFFFFF086;
	s6 =	sadd.s32 @!p0 s3, s7;
	s7 =	simm.s32 @!p0 $0x108  }
0x21: {  	s3 =	sadd.s32 s3, s9;
	s6 =	sadd.s32 @!p0 $0x88, s6;
	s7 =	simm.s32 @p2 $0x1082  }
0x22: {  	[simem:s7], [sflag:s8] =	dma.local @!p0 [hbm:s6], $0xF7A  }
0x23: {  	s9 =	sor.u32 $0xD0000000, s2;
	s6 =	simm.s32 $0x108;
	_ =	swait.ge @!p0 [sflag:s8], $0x0  }
0x24: {  	s3 =	sadd.s32 $0x88, s3;
	s6 =	simm.s32 @!p1 $0x1082;
	[sflag:s4] =	ssyncset.s32 $0xFFFFF086  }
0x25: {  	[simem:s6], [sflag:s4] =	dma.local [hbm:s3], $0xF7A  }
0x26: {  	[smem:$0x3F77] =	sst s1;
	(tag) =	ssettag s2;
	_ =	strace s9  }
0x27: {  	s1 =	sld [smem:$0x3F87]  }
0x28: {  	s2 =	sld [smem:$0x3F88]  }
0x29: {  	s4 =	sld [smem:$0x3F8A]  }
0x2a: {  	p0 =	seq.s32 s5, $0x0;
	s5 =	sld [smem:$0x3F8B]  }
0x2b: {  	s6 =	sld [smem:$0x3F8C]  }
0x2c: {  	s7 =	sld [smem:$0x3F8D]  }
0x2d: {  	s3 =	simm.s32 $0x108;
	s8 =	sld [smem:$0x3F8E]  }
0x2e: {  	s3 =	simm.s32 @!p0 $0x1082;
	s9 =	sld [smem:$0x3F8F]  }
0x2f: {  	lr =	sadd.s32 s0, s3;
	s0 =	sld [smem:$0x3F86]  }
0x30: {  	s3 =	sld [smem:$0x3F89]  }
0x31: {  	[smem:$0x3F92] =	sst s10  }
0x32: {  	s10 =	sld [smem:$0x3F90];
	_ =	sdelay $0x3  }
0x33: {  	p0 =	seq.s32 s10, $0x1;
	s10 =	sld [smem:$0x3F92];
	_ =	sdelay $0x3  }
0x34: {  	[smem:$0x3F92] =	sst s10  }
0x35: {  	s10 =	sld [smem:$0x3F91];
	_ =	sdelay $0x3  }
0x36: {  	p1 =	seq.s32 s10, $0x1;
	s10 =	sld [smem:$0x3F92];
	_ =	sdelay $0x3  }
0x37: {  	[smem:$0x3F92] =	sst s10  }
0x38: {  	s10 =	sld [smem:$0x3F93]  }
0x39: {  	_ = 	snop;
	(pc) =	sbr.ind lr, $3  }
0x3a: {  	_ = 	snop  }
0x3b: {  	_ = 	snop  }
0x3c: {  	p2 =	seq.s32 s10, $0x1;
	s10 =	sld [smem:$0x3F92]  }
0x3d: {  	_ =	shalt  }
0x3e: {  	_ =	shalt  }
0x3f: {  	_ =	shalt  }
0x40: {  	_ =	shalt  }
0x41: {  	_ =	shalt  }
0x42: {  	_ =	shalt  }
0x43: {  	_ =	shalt  }
0x44: {  	_ =	shalt  }
0x45: {  	_ =	shalt  }
0x46: {  	_ =	shalt  }
0x47: {  	_ =	shalt  }
0x48: {  	_ =	shalt  }
0x49: {  	_ =	shalt  }
0x4a: {  	_ =	shalt  }
0x4b: {  	_ =	shalt  }
0x4c: {  	_ =	shalt  }
0x4d: {  	_ =	shalt  }
0x4e: {  	_ =	shalt  }
0x4f: {  	_ =	shalt  }
0x50: {  	_ =	shalt  }
0x51: {  	_ =	shalt  }
0x52: {  	_ =	shalt  }
0x53: {  	_ =	shalt  }
0x54: {  	_ =	shalt  }
0x55: {  	_ =	shalt  }
0x56: {  	_ =	shalt  }
0x57: {  	_ =	shalt  }
0x58: {  	_ =	shalt  }
0x59: {  	_ =	shalt  }
0x5a: {  	_ =	shalt  }
0x5b: {  	_ =	shalt  }
0x5c: {  	_ =	shalt  }
0x5d: {  	_ =	shalt  }
0x5e: {  	_ =	shalt  }
0x5f: {  	_ =	shalt  }
0x60: {  	_ =	shalt  }
0x61: {  	_ =	shalt  }
0x62: {  	_ =	shalt  }
0x63: {  	_ =	shalt  }
0x64: {  	_ =	shalt  }
0x65: {  	_ =	shalt  }
0x66: {  	_ =	shalt  }
0x67: {  	_ =	shalt  }
0x68: {  	_ =	shalt  }
0x69: {  	_ =	shalt  }
0x6a: {  	_ =	shalt  }
0x6b: {  	_ =	shalt  }
0x6c: {  	_ =	shalt  }
0x6d: {  	_ =	shalt  }
0x6e: {  	_ =	shalt  }
0x6f: {  	_ =	shalt  }
0x70: {  	_ =	shalt  }
0x71: {  	_ =	shalt  }
0x72: {  	_ =	shalt  }
0x73: {  	_ =	shalt  }
0x74: {  	_ =	shalt  }
0x75: {  	_ =	shalt  }
0x76: {  	_ =	shalt  }
0x77: {  	_ =	shalt  }
0x78: {  	_ =	shalt  }
0x79: {  	_ =	shalt  }
0x7a: {  	_ =	shalt  }
0x7b: {  	_ =	shalt  }
0x7c: {  	_ =	shalt  }
0x7d: {  	_ =	shalt  }
0x7e: {  	_ =	shalt  }
0x7f: {  	_ =	shalt  }
0x80: {  	_ =	shalt  }
0x81: {  	_ =	shalt  }
0x82: {  	_ =	shalt  }
0x83: {  	_ =	shalt  }
0x84: {  	_ =	shalt  }
0x85: {  	_ =	shalt  }
0x86: {  	_ =	shalt  }
0x87: {  	_ =	shalt  }
.Lfunc_end0:
.L_simem_size_0:
called_computation.1_lowered:
.L_overlay_start_0:
0x88: {  	s2 =	sld [smem:$0x3FD9]  }
0x89: {  	s3 =	sld [smem:$0x3FFE];
	_ =	sdelay $0x1  }
0x8a: {  	s1 =	srdreg.scid  }
0x8b: {  	s0 =	sand.u32 $0x1, s1  }
0x8c: {  	s16 =	sshll.u32 s0, $0xA;
	s2 =	sadd.s32 s3, s2  }
0x8d: {  	s2 =	sadd.s32 s2, s16  }
0x8e: {  	[smem:$0x3F9E] =	sst s2  }
0x8f: {  	_ = 	snop  }
0x90: {  	(tm) =	ssettm $0x1  }
0x91: {  	s17 =	sld [smem:$0x3FFB];
	_ =	sdelay $0x3  }
0x92: {  	_ =	strace s17  }
0x93: {  	s2 =	sld [smem:$0x3FFC];
	_ =	sdelay $0x3  }
0x94: {  	_ =	strace s2  }
0x95: {  	s2 =	sld [smem:$0x3FFD];
	_ =	sdelay $0x3  }
0x96: {  	_ =	strace s2  }
0x97: {  	_ =	strace $0x8FFFFFFF  }
0x98: {  	s18 =	sld [smem:$0x3FDB];
	_ =	sdelay $0x1  }
0x99: {  	s19 =	simm.s32 $_scs_section_size  }
0x9a: {  	s4 =	simm.s32 $_size__tile_overlayer_lowered;
	s5 =	simm.s32 $_tile_overlayer_lowered  }
0x9b: {  	s22 =	simm.s32 $0x1BFF;
	s21 =	sshll.u32 s5, $0x1;
	s2 =	sadd.s32 s19, s18  }
0x9c: {  	s6 =	simm.s32 $0x0;
	s20 =	sshll.u32 s4, $0x1;
	s4 =	sadd.s32 s21, s2  }
0x9d: {  	[timem:s6], [sflag:s22] =	dma.local [hbm:s4], s20  }
0x9e: {  	_ =	swait.ge [sflag:s22], s20  }
0x9f: {  	s3 =	ssub.s32 $0x0, s20;
	[sflag:s22] =	ssyncset.done $0x0  }
0xa0: {  	[sflag:s22] =	ssyncadd.s32 s3;
	_ =	sdelay $0x1  }
0xa1: {  	s23 =	simm.s32 $0x1B8B  }
0xa2: {  	_ =	swait.ge [sflag:s23], $0x1  }
0xa3: {  	[sflag:s23] =	ssyncset.done $0x0  }
0xa4: {  	s25 =	simm.s32 $0x1B8E;
	s24 =	sld [smem:$0x3FFE];
	[sflag:s23] =	ssyncadd.s32 $0xFFFFFFFF  }
0xa5: {  	s26 =	simm.s32 $execute0_lowered;
	[smem:$0x3FD2] =	sst s25  }
0xa6: {  	s4 =	sshll.u32 s26, $0x1;
	_ =	strace $0x80000049;
	[dreg:$0x1] =	wrdreg $0xFFFFFFFF  }
0xa7: {  	s28 =	simm.s32 $_size_execute0_lowered;
	s2 =	sadd.s32 s2, s4;
	[dreg:$0x0] =	wrdreg $0x0  }
0xa8: {  	s4 =	sshll.u32 s28, $0x1;
	[dreg:$0x2] =	wrdreg s2  }
0xa9: {  	[dreg:$0x3] =	wrdreg s4  }
0xaa: {  	[dreg:$0x4] =	wrdreg $0xC0  }
0xab: {  	_ =	task [dreg:s6], $0x5FFFF  }
0xac: {  	[dreg:$0x1] =	wrdreg $0xFFFFFFFF  }
0xad: {  	[dreg:$0x0] =	wrdreg $0x60  }
0xae: {  	[dreg:$0x2] =	wrdreg s24  }
0xaf: {  	[dreg:$0x3] =	wrdreg $0xA1800  }
0xb0: {  	[dreg:$0x4] =	wrdreg $0x9  }
0xb1: {  	_ =	task.clear_ibuf [dreg:s6], $0x5FFFF;
	_ =	strace $0x90000049  }
0xb2: {  	s29 =	simm.s32 $0x9;
	_ =	strace $0x8000004B  }
0xb3: {  	_ =	swait.ge [sflag:s29], $0x1  }
0xb4: {  	[sflag:s29] =	ssyncadd.s32 $0xFFFFFFFF  }
0xb5: {  	_ =	strace $0x9000004B  }
0xb6: {  	_ =	sfence  }
0xb7: {  	s30 =	sld [smem:$0x0];
	_ =	sdelay $0x2  }
0xb8: {  	s31 =	sshll.u32 s1, $0xD;
	s1 =	sshrl.u32 s1, $0x2  }
0xb9: {  	s3 =	sand.u32 $0x4000, s31;
	s1 =	sadd.s32 s1, s30  }
0xba: {  	s0 =	sor.u32 s3, s0;
	s1 =	sshll.u32 s1, $0x11  }
0xbb: {  	s0 =	sor.u32 s1, s0  }
0xbc: {  	s0 =	sadd.s32 $0x8F2B, s0  }
0xbd: {  	[sflag:s0] =	ssyncadd.remote.s32 $0x1  }
0xbe: {  	_ =	sfence.sel $0xFFFF  }
0xbf: {  	[dreg:$0x0] =	wrdreg $0xFFFFFFFF;
	(pc) =	sbr.abs _section_cstart, $3  }
0xc0: {  	[dreg:$0x1] =	wrdreg $0xFFFFFFFF  }
0xc1: {  	_ =	task.clear_ibuf [dreg:s6], $0x2FFFF;
	_ =	strace $0x9FFFFFFF  }
0xc2: {  	(tm) =	ssettm $0x7FFFFFFF  }
0xc3: {  	_ =	shalt  }
tec
execute0_lowered:
.L_overlay_start_1:
0x0: {  	(tag) =	ssettag $0x1  }
0x1: {  	s0 =	rddreg [dreg:$0x0]  }
0x2: {  	s1 =	rddreg [dreg:$0x1];
	s3 =	simm.s32 $0x0  }
0x3: {  	s13 =	stileid.u32;
	s6 =	srdreg.scid;
	s28 =	simm.s32 $0x50  }
0x4: {  	s29 =	simm.s32 $0x2780;
	s30 =	simm.s32 $0x4F80;
	s31 =	simm.s32 $0x7780  }
0x5: {  	[smem:$0x7FF] =	sst s3;
	s4 =	sadd.s32 $0x8A600, s0;
	s5 =	smul.u32 $0x2800, s13  }
0x6: {  	s2 =	sadd.s32 $0x1800, s0;
	s7 =	sand.u32 $0x1, s6;
	s8 =	smul.u32 $0x50000, s13  }
0x7: {  	s15 =	sshll.u32 s13, $0x1;
	s11 =	sadd.s32 $0x3C400, s0;
	s18 =	smul.u32 $0x14000, s13  }
0x8: {  	s12 =	sadd.s32 $0x12C000, s1;
	s20 =	smul.u32 $0x4E20, s13;
	p0 =	seq.s32 s13, $0xF  }
0x9: {  	_ =	strace $0x8000004A;
	s9 =	ssub.s32 $0x2, s7;
	s17 =	smul.u32 $0x138800, s7  }
0xa: {  	s6 =	sor.u32 s7, s15;
	s7 =	smul.u32 $0x2710, s7;
	s5 =	sadd.s32 s5, s0  }
0xb: {  	s10 =	sshrl.u32 s9, $0x1;
	s8 =	sshrl.u32 s8, $0x2;
	s6 =	smul.u32 $0x2710, s6  }
0xc: {  	s0 =	sadd.s32 $0x3AA00, s0;
	s9 =	ssub.s32 s9, s10;
	s8 =	sadd.s32 s8, s1  }
0xd: {  	s5 =	sadd.s32 $0x15200, s5;
	[dreg:$0x5] =	wrdreg s0;
	s10 =	sshrl.u32 s17, $0x3  }
0xe: {  	s0 =	sadd.s32 s7, s20;
	s20 =	sshrl.u32 @p0 s12, $0x3;
	s7 =	simm.s32 $0x5  }
0xf: {  	[dreg:$0x3] =	wrdreg s5;
	s16 =	sshrl.u32 s6, $0x3;
	s5 =	sadd.s32 s18, s17  }
0x10: {  	s22 =	sadd.s32 s11, s10;
	s23 =	smax.u32 s9, $0x1;
	s24 =	sadd.s32 $0x4E340, s0  }
0x11: {  	s26 =	sadd.s32 $0x4E2F0, s0;
	s6 =	sadd.s32 s2, s16;
	[dreg:$0xb] =	wrdreg s23  }
0x12: {  	s0 =	sadd.s32 $0x4E390, s0;
	s19 =	sadd.s32 $0x9C40, s6;
	[dreg:$0x4] =	wrdreg s6  }
0x13: {  	s9 =	simm.s32 $0x6;
	s14 =	sadd.s32 $0x9C4A, s6;
	[dreg:$0x6] =	wrdreg s19  }
0x14: {  	s5 =	sshrl.u32 s5, $0x3;
	s21 =	sadd.s32 $0x9C54, s6;
	[dreg:$0x7] =	wrdreg s14  }
0x15: {  	s10 =	simm.s32 $0x0;
	s5 =	sadd.s32 s11, s5;
	[dreg:$0x8] =	wrdreg s21  }
0x16: {  	s0 =	sshrl.u32 s0, $0x3;
	s25 =	sadd.s32 $0xA10E, s6;
	[dreg:$0x9] =	wrdreg s5  }
0x17: {  	s23 =	simm.s32 $0x8;
	s6 =	sadd.s32 $0xA118, s6;
	[dreg:$0xc] =	wrdreg s25  }
0x18: {  	s15 =	sadd.s32 s0, s2;
	s0 =	sshll.u32 @!p0 s13, $0x6;
	[dreg:$0xd] =	wrdreg s6  }
0x19: {  	s5 =	sadd.s32 $0x25800, s22;
	[dreg:$0xf] =	wrdreg s0;
	s0 =	sor.u32 @!p0 $0x1C07, s0  }
0x1a: {  	s22 =	sshrl.u32 @!p0 s8, $0x3;
	s25 =	simm.s32 $0xA000;
	[dreg:$0xa] =	wrdreg s5  }
0x1b: {  	s8 =	simm.s32 $0x3;
	s5 =	sshrl.u32 s24, $0x3;
	[dreg:$0x10] =	wrdreg s0  }
0x1c: {  	s24 =	simm.s32 $0x9F80;
	s0 =	simm.s32 $0x1;
	s5 =	sadd.s32 s5, s2  }
0x1d: {  	[dreg:$0xe] =	wrdreg s5;
	s5 =	sshrl.u32 s26, $0x3;
	s26 =	simm.s32 $0xA080  }
0x1e: {  	s17 =	sadd.s32 s5, s2;
	s2 =	simm.s32 $0x4;
	s5 =	simm.s32 $0x2  }
.LBB2_1:
0x1f: {  	s11 =	simm.s32 @p0 $0x1FC7;
	s6 =	rddreg [dreg:$0x5]  }
0x20: {  	[spmem:s20], [sflag:s11] =	dma.local @p0 [hbm:s6], $0x1900  }
0x21: {  	s6 =	rddreg [dreg:$0x3]  }
0x22: {  	s11 =	rddreg [dreg:$0x10]  }
0x23: {  	[spmem:s22], [sflag:s11] =	dma.local @!p0 [hbm:s6], $0x2800  }
0x24: {  	s6 =	rddreg [dreg:$0x4]  }
0x25: {  	[tilespmem:s3], [sflag:$0x8] =	stream.linear.gather [hbm4b:s6+s3], $0x2710, $0x38;
	[tilespmem:$0x1DA00] =	vst v63  }
0x26: {  	_ =	swait.ge [sflag:s23], $0x2710  }
0x27: {  	[sflag:s23] =	ssyncset.done $0x0  }
0x28: {  	s12 =	rddreg [dreg:$0x6];
	[sflag:s23] =	ssyncadd.s32 $0xFFFFD8F0  }
0x29: {  	[tilespmem:s24], [sflag:$0x4] =	stream.linear.gather [hbm4b:s12+s3], $0x50, $0x38;
	[tilespmem:$0x1DA00] =	vst v63  }
0x2a: {  	s13 =	rddreg [dreg:$0x7]  }
0x2b: {  	[tilespmem:s25], [sflag:$0x5] =	stream.linear.gather [hbm4b:s13+s3], $0x50, $0x38;
	[tilespmem:$0x1DA00] =	vst v63  }
0x2c: {  	s14 =	rddreg [dreg:$0x8]  }
0x2d: {  	[tilespmem:s26], [sflag:$0x6] =	stream.linear.gather [hbm4b:s14+s3], $0x50, $0x38;
	[tilespmem:$0x1DA00] =	vst v63  }
0x2e: {  	_ = 	snop  }
0x2f: {  	[tilespmem:s29], [sflag:$0x1] =	stream.indirect.gather [hbm4b:s4+s28], $0x80, s3, s28, $0xb8;
	[tilespmem:$0x1DA00] =	vst v63  }
0x30: {  	s11 =	simm.s32 @p0 $0x7  }
0x31: {  	[tilespmem:s30], [sflag:$0x2] =	stream.indirect.gather [hbm4b:s4+s28], $0x80, s28, s28, $0xb8;
	[tilespmem:$0x1DA00] =	vst v63  }
0x32: {  	_ =	swait.ge @p0 [sflag:s11], $0x1900  }
0x33: {  	[sflag:s11] =	ssyncset.done @p0 $0x0  }
0x34: {  	[sflag:s11] =	ssyncadd.s32 @p0 $0xFFFFE700;
	s11 =	simm.s32 @!p0 $0x7  }
0x35: {  	_ =	swait.ge @!p0 [sflag:s11], $0x2800  }
0x36: {  	[sflag:s11] =	ssyncset.done @!p0 $0x0  }
0x37: {  	[sflag:s11] =	ssyncadd.s32 @!p0 $0xFFFFD800  }
0x38: {  	s16 =	simm.s32 $0xA0;
	[bflag:$0x0] =	sbarrier.arrive $0xFFFF  }
0x39: {  	[tilespmem:s31], [sflag:$0x3] =	stream.indirect.gather [hbm4b:s4+s28], $0x80, s16, s28, $0xb8;
	[tilespmem:$0x1DA00] =	vst v63  }
0x3a: {  	_ =	swait.ge [sflag:s0], $0x2800  }
0x3b: {  	[sflag:s0] =	ssyncset.done $0x0  }
0x3c: {  	[sflag:s0] =	ssyncadd.s32 $0xFFFFD800  }
0x3d: {  	_ =	swait.ge [sflag:s2], $0x50  }
0x3e: {  	[sflag:s2] =	ssyncset.done $0x0  }
0x3f: {  	[sflag:s2] =	ssyncadd.s32 $0xFFFFFFB0  }
0x40: {  	[spmem:s1] =	stream.indirect.scatter.add.f32 [tilespmem:s29], [sflag:$0x8], $0x80, s24, s28, $0xb8;
	[tilespmem:$0x1DA00] =	vst v63  }
0x41: {  	_ =	swait.ge [sflag:s23], $0x2800  }
0x42: {  	[sflag:s23] =	ssyncset.done $0x0  }
0x43: {  	[sflag:s23] =	ssyncadd.s32 $0xFFFFD800  }
0x44: {  	[tilespmem:s24], [sflag:$0x4] =	stream.linear.gather [hbm4b:s17+s3], $0x50, $0x38;
	[tilespmem:$0x1DA00] =	vst v63  }
0x45: {  	s18 =	simm.s32 $0xF0  }
0x46: {  	[tilespmem:s29], [sflag:$0x1] =	stream.indirect.gather [hbm4b:s4+s28], $0x80, s18, s28, $0xb8;
	[tilespmem:$0x1DA00] =	vst v63  }
0x47: {  	_ =	swait.ge [sflag:s5], $0x2800  }
0x48: {  	[sflag:s5] =	ssyncset.done $0x0  }
0x49: {  	[sflag:s5] =	ssyncadd.s32 $0xFFFFD800  }
0x4a: {  	_ =	swait.ge [sflag:s7], $0x50  }
0x4b: {  	[sflag:s7] =	ssyncset.done $0x0  }
0x4c: {  	[sflag:s7] =	ssyncadd.s32 $0xFFFFFFB0  }
0x4d: {  	[spmem:s1] =	stream.indirect.scatter.add.f32 [tilespmem:s30], [sflag:$0x8], $0x80, s25, s28, $0xb8;
	[tilespmem:$0x1DA00] =	vst v63  }
0x4e: {  	_ =	swait.ge [sflag:s23], $0x2800  }
0x4f: {  	[sflag:s23] =	ssyncset.done $0x0  }
0x50: {  	s19 =	rddreg [dreg:$0xe];
	[sflag:s23] =	ssyncadd.s32 $0xFFFFD800  }
0x51: {  	[tilespmem:s25], [sflag:$0x5] =	stream.linear.gather [hbm4b:s19+s3], $0x50, $0x38;
	[tilespmem:$0x1DA00] =	vst v63  }
0x52: {  	s21 =	simm.s32 $0x140  }
0x53: {  	[tilespmem:s30], [sflag:$0x2] =	stream.indirect.gather [hbm4b:s4+s28], $0x80, s21, s28, $0xb8;
	[tilespmem:$0x1DA00] =	vst v63  }
0x54: {  	_ =	swait.ge [sflag:s8], $0x2800  }
0x55: {  	[sflag:s8] =	ssyncset.done $0x0  }
0x56: {  	[sflag:s8] =	ssyncadd.s32 $0xFFFFD800  }
0x57: {  	_ =	swait.ge [sflag:s9], $0x50  }
0x58: {  	[sflag:s9] =	ssyncset.done $0x0  }
0x59: {  	[sflag:s9] =	ssyncadd.s32 $0xFFFFFFB0  }
0x5a: {  	[spmem:s1] =	stream.indirect.scatter.add.f32 [tilespmem:s31], [sflag:$0x8], $0x80, s26, s28, $0xb8;
	[tilespmem:$0x1DA00] =	vst v63  }
0x5b: {  	s12 =	simm.s32 $0xF0;
	s14 =	sadd.s32 $0x1E, s17;
	_ =	swait.ge [sflag:s23], $0x2800  }
0x5c: {  	s11 =	sadd.s32 $0x1E, s15;
	s18 =	smov.u32 s15;
	[sflag:s23] =	ssyncset.done $0x0  }
0x5d: {  	s13 =	sadd.s32 $0x1E, s19;
	s21 =	simm.s32 $0x780;
	[sflag:s23] =	ssyncadd.s32 $0xFFFFD800  }
.LBB2_2:
0x5e: {  	[tilespmem:s26], [sflag:$0x6] =	stream.linear.gather [hbm4b:s18+s3], $0x50, $0x38;
	[tilespmem:$0x1DA00] =	vst v63  }
0x5f: {  	s19 =	smov.u32 s21;
	s18 =	smov.u32 s11  }
0x60: {  	s16 =	sadd.s32 $0xA0, s12;
	s6 =	sshra.s32 s19, $0x2;
	s19 =	sadd.s32 $0x3C0, s21  }
0x61: {  	[tilespmem:s31], [sflag:$0x3] =	stream.indirect.gather [hbm4b:s4+s28], $0x80, s16, s28, $0xb8;
	[tilespmem:$0x1DA00] =	vst v63  }
0x62: {  	p1 =	sne.s32 s21, $0x9240;
	_ =	swait.ge [sflag:s0], $0x2800  }
0x63: {  	[sflag:s0] =	ssyncset.done $0x0  }
0x64: {  	[sflag:s0] =	ssyncadd.s32 $0xFFFFD800  }
0x65: {  	_ =	swait.ge [sflag:s2], $0x50  }
0x66: {  	[sflag:s2] =	ssyncset.done $0x0  }
0x67: {  	[sflag:s2] =	ssyncadd.s32 $0xFFFFFFB0  }
0x68: {  	[spmem:s1] =	stream.indirect.scatter.add.f32 [tilespmem:s29], [sflag:$0x8], $0x80, s24, s28, $0xb8;
	[tilespmem:$0x1DA00] =	vst v63  }
0x69: {  	_ =	swait.ge [sflag:s23], $0x2800  }
0x6a: {  	[sflag:s23] =	ssyncset.done $0x0  }
0x6b: {  	[sflag:s23] =	ssyncadd.s32 $0xFFFFD800  }
0x6c: {  	[tilespmem:s24], [sflag:$0x4] =	stream.linear.gather [hbm4b:s14+s3], $0x50, $0x38;
	[tilespmem:$0x1DA00] =	vst v63  }
0x6d: {  	s16 =	sadd.s32 $0xF0, s12  }
0x6e: {  	[tilespmem:s29], [sflag:$0x1] =	stream.indirect.gather [hbm4b:s4+s28], $0x80, s16, s28, $0xb8;
	[tilespmem:$0x1DA00] =	vst v63  }
0x6f: {  	_ =	swait.ge [sflag:s5], $0x2800  }
0x70: {  	[sflag:s5] =	ssyncset.done $0x0  }
0x71: {  	[sflag:s5] =	ssyncadd.s32 $0xFFFFD800  }
0x72: {  	_ =	swait.ge [sflag:s7], $0x50  }
0x73: {  	[sflag:s7] =	ssyncset.done $0x0  }
0x74: {  	[sflag:s7] =	ssyncadd.s32 $0xFFFFFFB0  }
0x75: {  	[spmem:s1] =	stream.indirect.scatter.add.f32 [tilespmem:s30], [sflag:$0x8], $0x80, s25, s28, $0xb8;
	[tilespmem:$0x1DA00] =	vst v63  }
0x76: {  	_ =	swait.ge [sflag:s23], $0x2800  }
0x77: {  	[sflag:s23] =	ssyncset.done $0x0  }
0x78: {  	[sflag:s23] =	ssyncadd.s32 $0xFFFFD800  }
0x79: {  	[tilespmem:s25], [sflag:$0x5] =	stream.linear.gather [hbm4b:s13+s3], $0x50, $0x38;
	[tilespmem:$0x1DA00] =	vst v63  }
0x7a: {  	s16 =	sadd.s32 $0x140, s12;
	s12 =	smov.u32 s6  }
0x7b: {  	[tilespmem:s30], [sflag:$0x2] =	stream.indirect.gather [hbm4b:s4+s28], $0x80, s16, s28, $0xb8;
	[tilespmem:$0x1DA00] =	vst v63  }
0x7c: {  	_ =	swait.ge [sflag:s8], $0x2800  }
0x7d: {  	[sflag:s8] =	ssyncset.done $0x0  }
0x7e: {  	[sflag:s8] =	ssyncadd.s32 $0xFFFFD800  }
0x7f: {  	_ =	swait.ge [sflag:s9], $0x50  }
0x80: {  	[sflag:s9] =	ssyncset.done $0x0  }
.Ltmp0:
0x81: {  	[sflag:s9] =	ssyncadd.s32 $0xFFFFFFB0;
	(pc) =	sbr.rel @p1 .LBB2_2-.Ltmp0, $4  }
0x82: {  	[spmem:s1] =	stream.indirect.scatter.add.f32 [tilespmem:s31], [sflag:$0x8], $0x80, s26, s28, $0xb8;
	[tilespmem:$0x1DA00] =	vst v63  }
0x83: {  	_ =	swait.ge [sflag:s23], $0x2800  }
0x84: {  	s11 =	sadd.s32 $0x1E, s11;
	s21 =	smov.u32 s19;
	[sflag:s23] =	ssyncset.done $0x0  }
0x85: {  	s14 =	sadd.s32 $0x1E, s14;
	s13 =	sadd.s32 $0x1E, s13;
	[sflag:s23] =	ssyncadd.s32 $0xFFFFD800  }
0x86: {  	[tilespmem:s26], [sflag:$0x6] =	stream.linear.gather [hbm4b:s18+s3], $0x50, $0x38;
	[tilespmem:$0x1DA00] =	vst v63  }
0x87: {  	s6 =	sadd.s32 $0xA0, s12  }
0x88: {  	[tilespmem:s31], [sflag:$0x3] =	stream.indirect.gather [hbm4b:s4+s28], $0x80, s6, s28, $0xb8;
	[tilespmem:$0x1DA00] =	vst v63  }
0x89: {  	_ =	swait.ge [sflag:s0], $0x2800  }
0x8a: {  	[sflag:s0] =	ssyncset.done $0x0  }
0x8b: {  	[sflag:s0] =	ssyncadd.s32 $0xFFFFD800  }
0x8c: {  	_ =	swait.ge [sflag:s2], $0x50  }
0x8d: {  	[sflag:s2] =	ssyncset.done $0x0  }
0x8e: {  	[sflag:s2] =	ssyncadd.s32 $0xFFFFFFB0  }
0x8f: {  	[spmem:s1] =	stream.indirect.scatter.add.f32 [tilespmem:s29], [sflag:$0x8], $0x80, s24, s28, $0xb8;
	[tilespmem:$0x1DA00] =	vst v63  }
0x90: {  	_ =	swait.ge [sflag:s23], $0x2800  }
0x91: {  	[sflag:s23] =	ssyncset.done $0x0  }
0x92: {  	[sflag:s23] =	ssyncadd.s32 $0xFFFFD800  }
0x93: {  	[tilespmem:s24], [sflag:$0x4] =	stream.linear.gather [hbm4b:s14+s3], $0x50, $0x38;
	[tilespmem:$0x1DA00] =	vst v63  }
0x94: {  	s21 =	sadd.s32 $0xF0, s12  }
0x95: {  	[tilespmem:s29], [sflag:$0x1] =	stream.indirect.gather [hbm4b:s4+s28], $0x80, s21, s28, $0xb8;
	[tilespmem:$0x1DA00] =	vst v63  }
0x96: {  	_ =	swait.ge [sflag:s5], $0x2800  }
0x97: {  	[sflag:s5] =	ssyncset.done $0x0  }
0x98: {  	[sflag:s5] =	ssyncadd.s32 $0xFFFFD800  }
0x99: {  	_ =	swait.ge [sflag:s7], $0x50  }
0x9a: {  	[sflag:s7] =	ssyncset.done $0x0  }
0x9b: {  	[sflag:s7] =	ssyncadd.s32 $0xFFFFFFB0  }
0x9c: {  	[spmem:s1] =	stream.indirect.scatter.add.f32 [tilespmem:s30], [sflag:$0x8], $0x80, s25, s28, $0xb8;
	[tilespmem:$0x1DA00] =	vst v63  }
0x9d: {  	_ =	swait.ge [sflag:s23], $0x2800  }
0x9e: {  	[sflag:s23] =	ssyncset.done $0x0  }
0x9f: {  	[sflag:s23] =	ssyncadd.s32 $0xFFFFD800  }
0xa0: {  	[tilespmem:s25], [sflag:$0x5] =	stream.linear.gather [hbm4b:s13+s3], $0x50, $0x38;
	[tilespmem:$0x1DA00] =	vst v63  }
0xa1: {  	s12 =	sadd.s32 $0x140, s12  }
0xa2: {  	[tilespmem:s30], [sflag:$0x2] =	stream.indirect.gather [hbm4b:s4+s28], $0x80, s12, s28, $0xb8;
	[tilespmem:$0x1DA00] =	vst v63  }
0xa3: {  	_ =	swait.ge [sflag:s8], $0x2800  }
0xa4: {  	[sflag:s8] =	ssyncset.done $0x0  }
0xa5: {  	[sflag:s8] =	ssyncadd.s32 $0xFFFFD800  }
0xa6: {  	_ =	swait.ge [sflag:s9], $0x50  }
0xa7: {  	[sflag:s9] =	ssyncset.done $0x0  }
0xa8: {  	[sflag:s9] =	ssyncadd.s32 $0xFFFFFFB0  }
0xa9: {  	[spmem:s1] =	stream.indirect.scatter.add.f32 [tilespmem:s31], [sflag:$0x8], $0x80, s26, s28, $0xb8;
	[tilespmem:$0x1DA00] =	vst v63  }
0xaa: {  	_ =	swait.ge [sflag:s23], $0x2800  }
0xab: {  	[sflag:s23] =	ssyncset.done $0x0  }
0xac: {  	[sflag:s23] =	ssyncadd.s32 $0xFFFFD800  }
0xad: {  	[tilespmem:s26], [sflag:$0x6] =	stream.linear.gather [hbm4b:s11+s3], $0x50, $0x38;
	[tilespmem:$0x1DA00] =	vst v63  }
0xae: {  	s13 =	simm.s32 $0x2620  }
0xaf: {  	[tilespmem:s31], [sflag:$0x3] =	stream.indirect.gather [hbm4b:s4+s28], $0x80, s13, s28, $0xb8;
	[tilespmem:$0x1DA00] =	vst v63  }
0xb0: {  	_ =	swait.ge [sflag:s0], $0x2800  }
0xb1: {  	[sflag:s0] =	ssyncset.done $0x0  }
0xb2: {  	[sflag:s0] =	ssyncadd.s32 $0xFFFFD800  }
0xb3: {  	_ =	swait.ge [sflag:s2], $0x50  }
0xb4: {  	[sflag:s2] =	ssyncset.done $0x0  }
0xb5: {  	[sflag:s2] =	ssyncadd.s32 $0xFFFFFFB0  }
0xb6: {  	[spmem:s1] =	stream.indirect.scatter.add.f32 [tilespmem:s29], [sflag:$0x8], $0x80, s24, s28, $0xb8;
	[tilespmem:$0x1DA00] =	vst v63  }
0xb7: {  	_ =	swait.ge [sflag:s23], $0x2800  }
0xb8: {  	[sflag:s23] =	ssyncset.done $0x0  }
0xb9: {  	s14 =	rddreg [dreg:$0xc];
	[sflag:s23] =	ssyncadd.s32 $0xFFFFD800  }
0xba: {  	[tilespmem:s24], [sflag:$0x4] =	stream.linear.gather [hbm4b:s14+s3], $0x50, $0x38;
	[tilespmem:$0x1DA00] =	vst v63  }
0xbb: {  	s16 =	simm.s32 $0x2670  }
0xbc: {  	[tilespmem:s29], [sflag:$0x1] =	stream.indirect.gather [hbm4b:s4+s28], $0x80, s16, s28, $0xb8;
	[tilespmem:$0x1DA00] =	vst v63  }
0xbd: {  	_ =	swait.ge [sflag:s5], $0x2800  }
0xbe: {  	[sflag:s5] =	ssyncset.done $0x0  }
0xbf: {  	[sflag:s5] =	ssyncadd.s32 $0xFFFFD800  }
0xc0: {  	_ =	swait.ge [sflag:s7], $0x50  }
0xc1: {  	[sflag:s7] =	ssyncset.done $0x0  }
0xc2: {  	[sflag:s7] =	ssyncadd.s32 $0xFFFFFFB0  }
0xc3: {  	[spmem:s1] =	stream.indirect.scatter.add.f32 [tilespmem:s30], [sflag:$0x8], $0x80, s25, s28, $0xb8;
	[tilespmem:$0x1DA00] =	vst v63  }
0xc4: {  	_ =	swait.ge [sflag:s23], $0x2800  }
0xc5: {  	[sflag:s23] =	ssyncset.done $0x0  }
0xc6: {  	s18 =	rddreg [dreg:$0xd];
	[sflag:s23] =	ssyncadd.s32 $0xFFFFD800  }
0xc7: {  	[tilespmem:s25], [sflag:$0x5] =	stream.linear.gather [hbm4b:s18+s3], $0x50, $0x38;
	[tilespmem:$0x1DA00] =	vst v63  }
0xc8: {  	s19 =	simm.s32 $0x26C0  }
0xc9: {  	[tilespmem:s30], [sflag:$0x2] =	stream.indirect.gather [hbm4b:s4+s28], $0x80, s19, s28, $0xb8;
	[tilespmem:$0x1DA00] =	vst v63  }
0xca: {  	_ =	swait.ge [sflag:s8], $0x2800  }
0xcb: {  	[sflag:s8] =	ssyncset.done $0x0  }
0xcc: {  	[sflag:s8] =	ssyncadd.s32 $0xFFFFD800  }
0xcd: {  	_ =	swait.ge [sflag:s9], $0x50  }
0xce: {  	[sflag:s9] =	ssyncset.done $0x0  }
0xcf: {  	[sflag:s9] =	ssyncadd.s32 $0xFFFFFFB0  }
0xd0: {  	[spmem:s1] =	stream.indirect.scatter.add.f32 [tilespmem:s31], [sflag:$0x8], $0x80, s26, s28, $0xb8;
	[tilespmem:$0x1DA00] =	vst v63  }
0xd1: {  	_ =	swait.ge [sflag:s23], $0x2800  }
0xd2: {  	[sflag:s23] =	ssyncset.done $0x0  }
0xd3: {  	[sflag:s23] =	ssyncadd.s32 $0xFFFFD800  }
0xd4: {  	_ =	swait.ge [sflag:s0], $0x2800  }
0xd5: {  	[sflag:s0] =	ssyncset.done $0x0  }
0xd6: {  	[sflag:s0] =	ssyncadd.s32 $0xFFFFD800  }
0xd7: {  	_ =	swait.ge [sflag:s2], $0x50  }
0xd8: {  	[sflag:s2] =	ssyncset.done $0x0  }
0xd9: {  	[sflag:s2] =	ssyncadd.s32 $0xFFFFFFB0  }
0xda: {  	[spmem:s1] =	stream.indirect.scatter.add.f32 [tilespmem:s29], [sflag:$0x8], $0x80, s24, s28, $0xb8;
	[tilespmem:$0x1DA00] =	vst v63  }
0xdb: {  	_ =	swait.ge [sflag:s23], $0x2800  }
0xdc: {  	[sflag:s23] =	ssyncset.done $0x0  }
0xdd: {  	[sflag:s23] =	ssyncadd.s32 $0xFFFFD800  }
0xde: {  	_ =	swait.ge [sflag:s5], $0x2800  }
0xdf: {  	[sflag:s5] =	ssyncset.done $0x0  }
0xe0: {  	[sflag:s5] =	ssyncadd.s32 $0xFFFFD800  }
0xe1: {  	_ =	swait.ge [sflag:s7], $0x50  }
0xe2: {  	[sflag:s7] =	ssyncset.done $0x0  }
0xe3: {  	[sflag:s7] =	ssyncadd.s32 $0xFFFFFFB0  }
0xe4: {  	[spmem:s1] =	stream.indirect.scatter.add.f32 [tilespmem:s30], [sflag:$0x8], $0x80, s25, s28, $0xb8;
	[tilespmem:$0x1DA00] =	vst v63  }
0xe5: {  	_ =	swait.ge [sflag:s23], $0x2800  }
0xe6: {  	[sflag:s23] =	ssyncset.done $0x0  }
0xe7: {  	[sflag:s23] =	ssyncadd.s32 $0xFFFFD800  }
0xe8: {  	[bflag:$0x0] =	sbarrier.arrive $0xFFFF  }
0xe9: {  	s6 =	simm.s32 @p0 $0x1FC8;
	s11 =	rddreg [dreg:$0xa]  }
0xea: {  	[hbm:s11], [sflag:s6] =	dma.local @p0 [spmem:s20], $0x1900  }
0xeb: {  	s6 =	simm.s32 @p0 $0x8  }
0xec: {  	_ =	swait.ge @p0 [sflag:s6], $0x1900  }
0xed: {  	[sflag:s6] =	ssyncset.done @p0 $0x0  }
0xee: {  	[sflag:s6] =	ssyncadd.s32 @p0 $0xFFFFE700;
	s6 =	rddreg [dreg:$0xf]  }
0xef: {  	s11 =	rddreg [dreg:$0x9];
	s6 =	sor.u32 @!p0 $0x1C08, s6  }
0xf0: {  	[hbm:s11], [sflag:s6] =	dma.local @!p0 [spmem:s22], $0x2800  }
0xf1: {  	s6 =	simm.s32 @!p0 $0x8  }
0xf2: {  	_ =	swait.ge @!p0 [sflag:s6], $0x2800  }
0xf3: {  	s10 =	sadd.s32 $0x1, s10;
	s21 =	rddreg [dreg:$0xb]  }
0xf4: {  	p1 =	sne.s32 s10, s21  }
.Ltmp1:
0xf5: {  	_ = 	snop;
	(pc) =	sbr.rel @p1 .LBB2_1-.Ltmp1, $3  }
0xf6: {  	_ =	sdelay $0x1  }
0xf7: {  	[sflag:s6] =	ssyncset.done @!p0 $0x0  }
0xf8: {  	[sflag:s6] =	ssyncadd.s32 @!p0 $0xFFFFD800  }
0xf9: {  	_ =	sfence.sel $0x180000  }
0xfa: {  	[bflag:$0x0] =	sbarrier.arrive $0xFFFF  }
0xfb: {  	_ =	strace $0x9000004A  }
0xfc: {  	s0 =	stileid.u32;
	[bflag:$0x2] =	sbarrier.arrive $0xFFFF  }
0xfd: {  	p0 =	sne.s32 s0, $0x0;
	s0 =	rddreg [dreg:$0x2]  }
0xfe: {  	s0 =	sadd.s32 @!p0 $0x100000, s0  }
0xff: {  	[sflag:s0] =	ssyncadd.tile.s32 @!p0 $0x1;
	_ =	shalt  }
.Lfunc_end2:
_tile_overlayer_lowered:
.L_overlay_start_2:
0x100: {  	(tag) =	ssettag $0x2  }
0x101: {  	s0 =	rddreg [dreg:$0x0];
	s2 =	stileid.u32  }
0x102: {  	s1 =	rddreg [dreg:$0x1];
	p0 =	sne.s32 s2, $0x0  }
0x103: {  	s3 =	rddreg [dreg:$0x2];
	[bflag:$0x3] =	sbarrier.arrive $0xFFFF;
	s2 =	simm.s32 @!p0 $0x1C08  }
0x104: {  	[timem:s3], [sflag:s2] =	dma.local @!p0 [hbm:s0], s1  }
0x105: {  	s0 =	simm.s32 @!p0 $0x8  }
0x106: {  	_ =	swait.ge @!p0 [sflag:s0], s1  }
0x107: {  	s1 =	ssub.s32 @!p0 $0x0, s1;
	[sflag:s0] =	ssyncset.done @!p0 $0x0  }
0x108: {  	[sflag:s0] =	ssyncadd.s32 @!p0 s1  }
0x109: {  	[bflag:$0x3] =	sbarrier.arrive $0xFFFF  }
0x10a: {  	_ =	shalt  }

// kernel: gin_sc_scatter.13.cloned.1.call-start
scs
__scs_entry_jumppad:
0x0: {  	(pc) =	sbr.rel $0x88, $3  }
0x1: {  	(tag) =	ssettag $0x0;
	lr =	simm.s32 $0x1  }
0x2: {  	[smem:$0x3F77] =	sst lr;
	_ =	strace $0xD0000000  }
0x3: {  	_ = 	snop  }
0x4: {  	_ = 	snop  }
0x5: {  	_ = 	snop  }
0x6: {  	_ = 	snop  }
0x7: {  	_ = 	snop  }
__scs_overlays_trampoline_lowered:
0x8: {  	[smem:$0x3F86] =	sst s0  }
0x9: {  	[smem:$0x3F87] =	sst s1  }
0xa: {  	[smem:$0x3F88] =	sst s2  }
0xb: {  	[smem:$0x3F89] =	sst s3  }
0xc: {  	[smem:$0x3F8A] =	sst s4  }
0xd: {  	[smem:$0x3F8B] =	sst s5  }
0xe: {  	[smem:$0x3F8C] =	sst s6  }
0xf: {  	[smem:$0x3F8D] =	sst s7  }
0x10: {  	[smem:$0x3F8E] =	sst s8  }
0x11: {  	[smem:$0x3F8F] =	sst s9;
	s0 =	simm.s32 @!p0 $0x0  }
0x12: {  	s1 =	sld [smem:$0x3F75];
	s0 =	simm.s32 @p0 $0x1  }
0x13: {  	[smem:$0x3F90] =	sst s0;
	s0 =	simm.s32 @!p1 $0x0  }
0x14: {  	s2 =	sld [smem:$0x3F74];
	s0 =	simm.s32 @p1 $0x1  }
0x15: {  	[smem:$0x3F91] =	sst s0;
	s0 =	simm.s32 @!p2 $0x0  }
0x16: {  	s3 =	sld [smem:$0x3FDB];
	s0 =	simm.s32 @p2 $0x1  }
0x17: {  	s4 =	simm.s32 $0x1BF5;
	[smem:$0x3F93] =	sst s0  }
0x18: {  	s0 =	sld [smem:$0x3F76];
	_ =	swait.ge [sflag:s4], $0x0  }
0x19: {  	s7 =	sld [smem:$0x3F77]  }
0x1a: {  	s8 =	sadd.s32 $0xFFFFE003, lr  }
0x1b: {  	s9 =	sadd.s32 $0xFFFFFEF7, lr;
	s5 =	simm.s32 $0xFFFFFFFF;
	p2 =	slt.u32 s8, $0xFFFFF086  }
0x1c: {  	p1 =	slt.u32 s9, $0xF7A;
	s5 =	simm.s32 @!p2 $0x0  }
0x1d: {  	s5 =	simm.s32 @p1 $0x1;
	p0 =	seq.s32 s7, s2  }
0x1e: {  	s7 =	smul.u32 @!p0 $0xF7A, s2;
	p2 =	seq.s32 @!p0 s5, $0x0  }
0x1f: {  	s9 =	smul.u32 $0xF7A, s1;
	s8 =	simm.s32 @!p0 $0x1BF5;
	p2 =	por !p2, p0  }
0x20: {  	[sflag:s8] =	ssyncset.s32 @!p0 $0xFFFFF086;
	s6 =	sadd.s32 @!p0 s3, s7;
	s7 =	simm.s32 @!p0 $0x108  }
0x21: {  	s3 =	sadd.s32 s3, s9;
	s6 =	sadd.s32 @!p0 $0x88, s6;
	s7 =	simm.s32 @p2 $0x1082  }
0x22: {  	[simem:s7], [sflag:s8] =	dma.local @!p0 [hbm:s6], $0xF7A  }
0x23: {  	s9 =	sor.u32 $0xD0000000, s2;
	s6 =	simm.s32 $0x108;
	_ =	swait.ge @!p0 [sflag:s8], $0x0  }
0x24: {  	s3 =	sadd.s32 $0x88, s3;
	s6 =	simm.s32 @!p1 $0x1082;
	[sflag:s4] =	ssyncset.s32 $0xFFFFF086  }
0x25: {  	[simem:s6], [sflag:s4] =	dma.local [hbm:s3], $0xF7A  }
0x26: {  	[smem:$0x3F77] =	sst s1;
	(tag) =	ssettag s2;
	_ =	strace s9  }
0x27: {  	s1 =	sld [smem:$0x3F87]  }
0x28: {  	s2 =	sld [smem:$0x3F88]  }
0x29: {  	s4 =	sld [smem:$0x3F8A]  }
0x2a: {  	p0 =	seq.s32 s5, $0x0;
	s5 =	sld [smem:$0x3F8B]  }
0x2b: {  	s6 =	sld [smem:$0x3F8C]  }
0x2c: {  	s7 =	sld [smem:$0x3F8D]  }
0x2d: {  	s3 =	simm.s32 $0x108;
	s8 =	sld [smem:$0x3F8E]  }
0x2e: {  	s3 =	simm.s32 @!p0 $0x1082;
	s9 =	sld [smem:$0x3F8F]  }
0x2f: {  	lr =	sadd.s32 s0, s3;
	s0 =	sld [smem:$0x3F86]  }
0x30: {  	s3 =	sld [smem:$0x3F89]  }
0x31: {  	[smem:$0x3F92] =	sst s10  }
0x32: {  	s10 =	sld [smem:$0x3F90];
	_ =	sdelay $0x3  }
0x33: {  	p0 =	seq.s32 s10, $0x1;
	s10 =	sld [smem:$0x3F92];
	_ =	sdelay $0x3  }
0x34: {  	[smem:$0x3F92] =	sst s10  }
0x35: {  	s10 =	sld [smem:$0x3F91];
	_ =	sdelay $0x3  }
0x36: {  	p1 =	seq.s32 s10, $0x1;
	s10 =	sld [smem:$0x3F92];
	_ =	sdelay $0x3  }
0x37: {  	[smem:$0x3F92] =	sst s10  }
0x38: {  	s10 =	sld [smem:$0x3F93]  }
0x39: {  	_ = 	snop;
	(pc) =	sbr.ind lr, $3  }
0x3a: {  	_ = 	snop  }
0x3b: {  	_ = 	snop  }
0x3c: {  	p2 =	seq.s32 s10, $0x1;
	s10 =	sld [smem:$0x3F92]  }
0x3d: {  	_ =	shalt  }
0x3e: {  	_ =	shalt  }
0x3f: {  	_ =	shalt  }
0x40: {  	_ =	shalt  }
0x41: {  	_ =	shalt  }
0x42: {  	_ =	shalt  }
0x43: {  	_ =	shalt  }
0x44: {  	_ =	shalt  }
0x45: {  	_ =	shalt  }
0x46: {  	_ =	shalt  }
0x47: {  	_ =	shalt  }
0x48: {  	_ =	shalt  }
0x49: {  	_ =	shalt  }
0x4a: {  	_ =	shalt  }
0x4b: {  	_ =	shalt  }
0x4c: {  	_ =	shalt  }
0x4d: {  	_ =	shalt  }
0x4e: {  	_ =	shalt  }
0x4f: {  	_ =	shalt  }
0x50: {  	_ =	shalt  }
0x51: {  	_ =	shalt  }
0x52: {  	_ =	shalt  }
0x53: {  	_ =	shalt  }
0x54: {  	_ =	shalt  }
0x55: {  	_ =	shalt  }
0x56: {  	_ =	shalt  }
0x57: {  	_ =	shalt  }
0x58: {  	_ =	shalt  }
0x59: {  	_ =	shalt  }
0x5a: {  	_ =	shalt  }
0x5b: {  	_ =	shalt  }
0x5c: {  	_ =	shalt  }
0x5d: {  	_ =	shalt  }
0x5e: {  	_ =	shalt  }
0x5f: {  	_ =	shalt  }
0x60: {  	_ =	shalt  }
0x61: {  	_ =	shalt  }
0x62: {  	_ =	shalt  }
0x63: {  	_ =	shalt  }
0x64: {  	_ =	shalt  }
0x65: {  	_ =	shalt  }
0x66: {  	_ =	shalt  }
0x67: {  	_ =	shalt  }
0x68: {  	_ =	shalt  }
0x69: {  	_ =	shalt  }
0x6a: {  	_ =	shalt  }
0x6b: {  	_ =	shalt  }
0x6c: {  	_ =	shalt  }
0x6d: {  	_ =	shalt  }
0x6e: {  	_ =	shalt  }
0x6f: {  	_ =	shalt  }
0x70: {  	_ =	shalt  }
0x71: {  	_ =	shalt  }
0x72: {  	_ =	shalt  }
0x73: {  	_ =	shalt  }
0x74: {  	_ =	shalt  }
0x75: {  	_ =	shalt  }
0x76: {  	_ =	shalt  }
0x77: {  	_ =	shalt  }
0x78: {  	_ =	shalt  }
0x79: {  	_ =	shalt  }
0x7a: {  	_ =	shalt  }
0x7b: {  	_ =	shalt  }
0x7c: {  	_ =	shalt  }
0x7d: {  	_ =	shalt  }
0x7e: {  	_ =	shalt  }
0x7f: {  	_ =	shalt  }
0x80: {  	_ =	shalt  }
0x81: {  	_ =	shalt  }
0x82: {  	_ =	shalt  }
0x83: {  	_ =	shalt  }
0x84: {  	_ =	shalt  }
0x85: {  	_ =	shalt  }
0x86: {  	_ =	shalt  }
0x87: {  	_ =	shalt  }
.Lfunc_end0:
.L_simem_size_0:
called_computation.2_lowered:
.L_overlay_start_0:
0x88: {  	s2 =	sld [smem:$0x3FD9]  }
0x89: {  	s3 =	sld [smem:$0x3FFE];
	_ =	sdelay $0x1  }
0x8a: {  	s1 =	srdreg.scid  }
0x8b: {  	s0 =	sand.u32 $0x1, s1  }
0x8c: {  	s16 =	sshll.u32 s0, $0xA;
	s2 =	sadd.s32 s3, s2  }
0x8d: {  	s2 =	sadd.s32 s2, s16  }
0x8e: {  	[smem:$0x3F9E] =	sst s2  }
0x8f: {  	_ = 	snop  }
0x90: {  	(tm) =	ssettm $0x1  }
0x91: {  	s17 =	sld [smem:$0x3FFB];
	_ =	sdelay $0x3  }
0x92: {  	_ =	strace s17  }
0x93: {  	s2 =	sld [smem:$0x3FFC];
	_ =	sdelay $0x3  }
0x94: {  	_ =	strace s2  }
0x95: {  	s2 =	sld [smem:$0x3FFD];
	_ =	sdelay $0x3  }
0x96: {  	_ =	strace s2  }
0x97: {  	_ =	strace $0x8FFFFFFF  }
0x98: {  	s18 =	sld [smem:$0x3FDB];
	_ =	sdelay $0x1  }
0x99: {  	s19 =	simm.s32 $_scs_section_size  }
0x9a: {  	s4 =	simm.s32 $_size__tile_overlayer_lowered;
	s5 =	simm.s32 $_tile_overlayer_lowered  }
0x9b: {  	s22 =	simm.s32 $0x1BFF;
	s21 =	sshll.u32 s5, $0x1;
	s2 =	sadd.s32 s19, s18  }
0x9c: {  	s6 =	simm.s32 $0x0;
	s20 =	sshll.u32 s4, $0x1;
	s4 =	sadd.s32 s21, s2  }
0x9d: {  	[timem:s6], [sflag:s22] =	dma.local [hbm:s4], s20  }
0x9e: {  	_ =	swait.ge [sflag:s22], s20  }
0x9f: {  	s3 =	ssub.s32 $0x0, s20;
	[sflag:s22] =	ssyncset.done $0x0  }
0xa0: {  	[sflag:s22] =	ssyncadd.s32 s3;
	_ =	sdelay $0x1  }
0xa1: {  	s23 =	simm.s32 $0x1B8B  }
0xa2: {  	_ =	swait.ge [sflag:s23], $0x1  }
0xa3: {  	[sflag:s23] =	ssyncset.done $0x0  }
0xa4: {  	s25 =	simm.s32 $0x1B8E;
	s24 =	sld [smem:$0x3FFE];
	[sflag:s23] =	ssyncadd.s32 $0xFFFFFFFF  }
0xa5: {  	s26 =	simm.s32 $execute0_lowered;
	[smem:$0x3FD2] =	sst s25  }
0xa6: {  	s4 =	sshll.u32 s26, $0x1;
	_ =	strace $0x8000004C;
	[dreg:$0x1] =	wrdreg $0xFFFFFFFF  }
0xa7: {  	s28 =	simm.s32 $_size_execute0_lowered;
	s2 =	sadd.s32 s2, s4;
	[dreg:$0x0] =	wrdreg $0x0  }
0xa8: {  	s4 =	sshll.u32 s28, $0x1;
	[dreg:$0x2] =	wrdreg s2  }
0xa9: {  	[dreg:$0x3] =	wrdreg s4  }
0xaa: {  	[dreg:$0x4] =	wrdreg $0xC0  }
0xab: {  	_ =	task [dreg:s6], $0x5FFFF  }
0xac: {  	[dreg:$0x1] =	wrdreg $0xFFFFFFFF  }
0xad: {  	[dreg:$0x0] =	wrdreg $0x60  }
0xae: {  	[dreg:$0x2] =	wrdreg s24  }
0xaf: {  	[dreg:$0x3] =	wrdreg $0xA1800  }
0xb0: {  	[dreg:$0x4] =	wrdreg $0x9  }
0xb1: {  	_ =	task.clear_ibuf [dreg:s6], $0x5FFFF;
	_ =	strace $0x9000004C  }
0xb2: {  	s29 =	simm.s32 $0x9;
	_ =	strace $0x8000004E  }
0xb3: {  	_ =	swait.ge [sflag:s29], $0x1  }
0xb4: {  	[sflag:s29] =	ssyncadd.s32 $0xFFFFFFFF  }
0xb5: {  	_ =	strace $0x9000004E  }
0xb6: {  	_ =	sfence  }
0xb7: {  	s30 =	sld [smem:$0x0];
	_ =	sdelay $0x2  }
0xb8: {  	s31 =	sshll.u32 s1, $0xD;
	s1 =	sshrl.u32 s1, $0x2  }
0xb9: {  	s3 =	sand.u32 $0x4000, s31;
	s1 =	sadd.s32 s1, s30  }
0xba: {  	s0 =	sor.u32 s3, s0;
	s1 =	sshll.u32 s1, $0x11  }
0xbb: {  	s0 =	sor.u32 s1, s0  }
0xbc: {  	s0 =	sadd.s32 $0x8F2B, s0  }
0xbd: {  	[sflag:s0] =	ssyncadd.remote.s32 $0x1  }
0xbe: {  	_ =	sfence.sel $0xFFFF  }
0xbf: {  	[dreg:$0x0] =	wrdreg $0xFFFFFFFF;
	(pc) =	sbr.abs _section_cstart, $3  }
0xc0: {  	[dreg:$0x1] =	wrdreg $0xFFFFFFFF  }
0xc1: {  	_ =	task.clear_ibuf [dreg:s6], $0x2FFFF;
	_ =	strace $0x9FFFFFFF  }
0xc2: {  	(tm) =	ssettm $0x7FFFFFFF  }
0xc3: {  	_ =	shalt  }
tec
execute0_lowered:
.L_overlay_start_1:
0x0: {  	(tag) =	ssettag $0x1  }
0x1: {  	s0 =	rddreg [dreg:$0x0]  }
0x2: {  	s1 =	rddreg [dreg:$0x1];
	s3 =	simm.s32 $0x0  }
0x3: {  	s13 =	stileid.u32;
	s6 =	srdreg.scid;
	s28 =	simm.s32 $0x50  }
0x4: {  	s29 =	simm.s32 $0x2780;
	s30 =	simm.s32 $0x4F80;
	s31 =	simm.s32 $0x7780  }
0x5: {  	[smem:$0x7FF] =	sst s3;
	s4 =	sadd.s32 $0xB1800, s0;
	s5 =	smul.u32 $0x2800, s13  }
0x6: {  	s2 =	sadd.s32 $0x1800, s0;
	s7 =	sand.u32 $0x1, s6;
	s8 =	smul.u32 $0x50000, s13  }
0x7: {  	s15 =	sshll.u32 s13, $0x1;
	s11 =	sadd.s32 $0x3C400, s0;
	s18 =	smul.u32 $0x14000, s13  }
0x8: {  	s12 =	sadd.s32 $0x12C000, s1;
	s20 =	smul.u32 $0x4E20, s13;
	p0 =	seq.s32 s13, $0xF  }
0x9: {  	_ =	strace $0x8000004D;
	s9 =	ssub.s32 $0x2, s7;
	s17 =	smul.u32 $0x138800, s7  }
0xa: {  	s6 =	sor.u32 s7, s15;
	s7 =	smul.u32 $0x2710, s7;
	s5 =	sadd.s32 s5, s0  }
0xb: {  	s10 =	sshrl.u32 s9, $0x1;
	s8 =	sshrl.u32 s8, $0x2;
	s6 =	smul.u32 $0x2710, s6  }
0xc: {  	s0 =	sadd.s32 $0x3AA00, s0;
	s9 =	ssub.s32 s9, s10;
	s8 =	sadd.s32 s8, s1  }
0xd: {  	s5 =	sadd.s32 $0x15200, s5;
	[dreg:$0x5] =	wrdreg s0;
	s10 =	sshrl.u32 s17, $0x3  }
0xe: {  	s0 =	sadd.s32 s7, s20;
	s20 =	sshrl.u32 @p0 s12, $0x3;
	s7 =	simm.s32 $0x5  }
0xf: {  	[dreg:$0x3] =	wrdreg s5;
	s16 =	sshrl.u32 s6, $0x3;
	s5 =	sadd.s32 s18, s17  }
0x10: {  	s22 =	sadd.s32 s11, s10;
	s23 =	smax.u32 s9, $0x1;
	s24 =	sadd.s32 $0x4E340, s0  }
0x11: {  	s26 =	sadd.s32 $0x4E2F0, s0;
	s6 =	sadd.s32 s2, s16;
	[dreg:$0xb] =	wrdreg s23  }
0x12: {  	s0 =	sadd.s32 $0x4E390, s0;
	s19 =	sadd.s32 $0x9C40, s6;
	[dreg:$0x4] =	wrdreg s6  }
0x13: {  	s9 =	simm.s32 $0x6;
	s14 =	sadd.s32 $0x9C4A, s6;
	[dreg:$0x6] =	wrdreg s19  }
0x14: {  	s5 =	sshrl.u32 s5, $0x3;
	s21 =	sadd.s32 $0x9C54, s6;
	[dreg:$0x7] =	wrdreg s14  }
0x15: {  	s10 =	simm.s32 $0x0;
	s5 =	sadd.s32 s11, s5;
	[dreg:$0x8] =	wrdreg s21  }
0x16: {  	s0 =	sshrl.u32 s0, $0x3;
	s25 =	sadd.s32 $0xA10E, s6;
	[dreg:$0x9] =	wrdreg s5  }
0x17: {  	s23 =	simm.s32 $0x8;
	s6 =	sadd.s32 $0xA118, s6;
	[dreg:$0xc] =	wrdreg s25  }
0x18: {  	s15 =	sadd.s32 s0, s2;
	s0 =	sshll.u32 @!p0 s13, $0x6;
	[dreg:$0xd] =	wrdreg s6  }
0x19: {  	s5 =	sadd.s32 $0x25800, s22;
	[dreg:$0xf] =	wrdreg s0;
	s0 =	sor.u32 @!p0 $0x1C07, s0  }
0x1a: {  	s22 =	sshrl.u32 @!p0 s8, $0x3;
	s25 =	simm.s32 $0xA000;
	[dreg:$0xa] =	wrdreg s5  }
0x1b: {  	s8 =	simm.s32 $0x3;
	s5 =	sshrl.u32 s24, $0x3;
	[dreg:$0x10] =	wrdreg s0  }
0x1c: {  	s24 =	simm.s32 $0x9F80;
	s0 =	simm.s32 $0x1;
	s5 =	sadd.s32 s5, s2  }
0x1d: {  	[dreg:$0xe] =	wrdreg s5;
	s5 =	sshrl.u32 s26, $0x3;
	s26 =	simm.s32 $0xA080  }
0x1e: {  	s17 =	sadd.s32 s5, s2;
	s2 =	simm.s32 $0x4;
	s5 =	simm.s32 $0x2  }
.LBB2_1:
0x1f: {  	s11 =	simm.s32 @p0 $0x1FC7;
	s6 =	rddreg [dreg:$0x5]  }
0x20: {  	[spmem:s20], [sflag:s11] =	dma.local @p0 [hbm:s6], $0x1900  }
0x21: {  	s6 =	rddreg [dreg:$0x3]  }
0x22: {  	s11 =	rddreg [dreg:$0x10]  }
0x23: {  	[spmem:s22], [sflag:s11] =	dma.local @!p0 [hbm:s6], $0x2800  }
0x24: {  	s6 =	rddreg [dreg:$0x4]  }
0x25: {  	[tilespmem:s3], [sflag:$0x8] =	stream.linear.gather [hbm4b:s6+s3], $0x2710, $0x38;
	[tilespmem:$0x1DA00] =	vst v63  }
0x26: {  	_ =	swait.ge [sflag:s23], $0x2710  }
0x27: {  	[sflag:s23] =	ssyncset.done $0x0  }
0x28: {  	s12 =	rddreg [dreg:$0x6];
	[sflag:s23] =	ssyncadd.s32 $0xFFFFD8F0  }
0x29: {  	[tilespmem:s24], [sflag:$0x4] =	stream.linear.gather [hbm4b:s12+s3], $0x50, $0x38;
	[tilespmem:$0x1DA00] =	vst v63  }
0x2a: {  	s13 =	rddreg [dreg:$0x7]  }
0x2b: {  	[tilespmem:s25], [sflag:$0x5] =	stream.linear.gather [hbm4b:s13+s3], $0x50, $0x38;
	[tilespmem:$0x1DA00] =	vst v63  }
0x2c: {  	s14 =	rddreg [dreg:$0x8]  }
0x2d: {  	[tilespmem:s26], [sflag:$0x6] =	stream.linear.gather [hbm4b:s14+s3], $0x50, $0x38;
	[tilespmem:$0x1DA00] =	vst v63  }
0x2e: {  	_ = 	snop  }
0x2f: {  	[tilespmem:s29], [sflag:$0x1] =	stream.indirect.gather [hbm4b:s4+s28], $0x80, s3, s28, $0xb8;
	[tilespmem:$0x1DA00] =	vst v63  }
0x30: {  	s11 =	simm.s32 @p0 $0x7  }
0x31: {  	[tilespmem:s30], [sflag:$0x2] =	stream.indirect.gather [hbm4b:s4+s28], $0x80, s28, s28, $0xb8;
	[tilespmem:$0x1DA00] =	vst v63  }
0x32: {  	_ =	swait.ge @p0 [sflag:s11], $0x1900  }
0x33: {  	[sflag:s11] =	ssyncset.done @p0 $0x0  }
0x34: {  	[sflag:s11] =	ssyncadd.s32 @p0 $0xFFFFE700;
	s11 =	simm.s32 @!p0 $0x7  }
0x35: {  	_ =	swait.ge @!p0 [sflag:s11], $0x2800  }
0x36: {  	[sflag:s11] =	ssyncset.done @!p0 $0x0  }
0x37: {  	[sflag:s11] =	ssyncadd.s32 @!p0 $0xFFFFD800  }
0x38: {  	s16 =	simm.s32 $0xA0;
	[bflag:$0x0] =	sbarrier.arrive $0xFFFF  }
0x39: {  	[tilespmem:s31], [sflag:$0x3] =	stream.indirect.gather [hbm4b:s4+s28], $0x80, s16, s28, $0xb8;
	[tilespmem:$0x1DA00] =	vst v63  }
0x3a: {  	_ =	swait.ge [sflag:s0], $0x2800  }
0x3b: {  	[sflag:s0] =	ssyncset.done $0x0  }
0x3c: {  	[sflag:s0] =	ssyncadd.s32 $0xFFFFD800  }
0x3d: {  	_ =	swait.ge [sflag:s2], $0x50  }
0x3e: {  	[sflag:s2] =	ssyncset.done $0x0  }
0x3f: {  	[sflag:s2] =	ssyncadd.s32 $0xFFFFFFB0  }
0x40: {  	[spmem:s1] =	stream.indirect.scatter.add.f32 [tilespmem:s29], [sflag:$0x8], $0x80, s24, s28, $0xb8;
	[tilespmem:$0x1DA00] =	vst v63  }
0x41: {  	_ =	swait.ge [sflag:s23], $0x2800  }
0x42: {  	[sflag:s23] =	ssyncset.done $0x0  }
0x43: {  	[sflag:s23] =	ssyncadd.s32 $0xFFFFD800  }
0x44: {  	[tilespmem:s24], [sflag:$0x4] =	stream.linear.gather [hbm4b:s17+s3], $0x50, $0x38;
	[tilespmem:$0x1DA00] =	vst v63  }
0x45: {  	s18 =	simm.s32 $0xF0  }
0x46: {  	[tilespmem:s29], [sflag:$0x1] =	stream.indirect.gather [hbm4b:s4+s28], $0x80, s18, s28, $0xb8;
	[tilespmem:$0x1DA00] =	vst v63  }
0x47: {  	_ =	swait.ge [sflag:s5], $0x2800  }
0x48: {  	[sflag:s5] =	ssyncset.done $0x0  }
0x49: {  	[sflag:s5] =	ssyncadd.s32 $0xFFFFD800  }
0x4a: {  	_ =	swait.ge [sflag:s7], $0x50  }
0x4b: {  	[sflag:s7] =	ssyncset.done $0x0  }
0x4c: {  	[sflag:s7] =	ssyncadd.s32 $0xFFFFFFB0  }
0x4d: {  	[spmem:s1] =	stream.indirect.scatter.add.f32 [tilespmem:s30], [sflag:$0x8], $0x80, s25, s28, $0xb8;
	[tilespmem:$0x1DA00] =	vst v63  }
0x4e: {  	_ =	swait.ge [sflag:s23], $0x2800  }
0x4f: {  	[sflag:s23] =	ssyncset.done $0x0  }
0x50: {  	s19 =	rddreg [dreg:$0xe];
	[sflag:s23] =	ssyncadd.s32 $0xFFFFD800  }
0x51: {  	[tilespmem:s25], [sflag:$0x5] =	stream.linear.gather [hbm4b:s19+s3], $0x50, $0x38;
	[tilespmem:$0x1DA00] =	vst v63  }
0x52: {  	s21 =	simm.s32 $0x140  }
0x53: {  	[tilespmem:s30], [sflag:$0x2] =	stream.indirect.gather [hbm4b:s4+s28], $0x80, s21, s28, $0xb8;
	[tilespmem:$0x1DA00] =	vst v63  }
0x54: {  	_ =	swait.ge [sflag:s8], $0x2800  }
0x55: {  	[sflag:s8] =	ssyncset.done $0x0  }
0x56: {  	[sflag:s8] =	ssyncadd.s32 $0xFFFFD800  }
0x57: {  	_ =	swait.ge [sflag:s9], $0x50  }
0x58: {  	[sflag:s9] =	ssyncset.done $0x0  }
0x59: {  	[sflag:s9] =	ssyncadd.s32 $0xFFFFFFB0  }
0x5a: {  	[spmem:s1] =	stream.indirect.scatter.add.f32 [tilespmem:s31], [sflag:$0x8], $0x80, s26, s28, $0xb8;
	[tilespmem:$0x1DA00] =	vst v63  }
0x5b: {  	s12 =	simm.s32 $0xF0;
	s14 =	sadd.s32 $0x1E, s17;
	_ =	swait.ge [sflag:s23], $0x2800  }
0x5c: {  	s11 =	sadd.s32 $0x1E, s15;
	s18 =	smov.u32 s15;
	[sflag:s23] =	ssyncset.done $0x0  }
0x5d: {  	s13 =	sadd.s32 $0x1E, s19;
	s21 =	simm.s32 $0x780;
	[sflag:s23] =	ssyncadd.s32 $0xFFFFD800  }
.LBB2_2:
0x5e: {  	[tilespmem:s26], [sflag:$0x6] =	stream.linear.gather [hbm4b:s18+s3], $0x50, $0x38;
	[tilespmem:$0x1DA00] =	vst v63  }
0x5f: {  	s19 =	smov.u32 s21;
	s18 =	smov.u32 s11  }
0x60: {  	s16 =	sadd.s32 $0xA0, s12;
	s6 =	sshra.s32 s19, $0x2;
	s19 =	sadd.s32 $0x3C0, s21  }
0x61: {  	[tilespmem:s31], [sflag:$0x3] =	stream.indirect.gather [hbm4b:s4+s28], $0x80, s16, s28, $0xb8;
	[tilespmem:$0x1DA00] =	vst v63  }
0x62: {  	p1 =	sne.s32 s21, $0x9240;
	_ =	swait.ge [sflag:s0], $0x2800  }
0x63: {  	[sflag:s0] =	ssyncset.done $0x0  }
0x64: {  	[sflag:s0] =	ssyncadd.s32 $0xFFFFD800  }
0x65: {  	_ =	swait.ge [sflag:s2], $0x50  }
0x66: {  	[sflag:s2] =	ssyncset.done $0x0  }
0x67: {  	[sflag:s2] =	ssyncadd.s32 $0xFFFFFFB0  }
0x68: {  	[spmem:s1] =	stream.indirect.scatter.add.f32 [tilespmem:s29], [sflag:$0x8], $0x80, s24, s28, $0xb8;
	[tilespmem:$0x1DA00] =	vst v63  }
0x69: {  	_ =	swait.ge [sflag:s23], $0x2800  }
0x6a: {  	[sflag:s23] =	ssyncset.done $0x0  }
0x6b: {  	[sflag:s23] =	ssyncadd.s32 $0xFFFFD800  }
0x6c: {  	[tilespmem:s24], [sflag:$0x4] =	stream.linear.gather [hbm4b:s14+s3], $0x50, $0x38;
	[tilespmem:$0x1DA00] =	vst v63  }
0x6d: {  	s16 =	sadd.s32 $0xF0, s12  }
0x6e: {  	[tilespmem:s29], [sflag:$0x1] =	stream.indirect.gather [hbm4b:s4+s28], $0x80, s16, s28, $0xb8;
	[tilespmem:$0x1DA00] =	vst v63  }
0x6f: {  	_ =	swait.ge [sflag:s5], $0x2800  }
0x70: {  	[sflag:s5] =	ssyncset.done $0x0  }
0x71: {  	[sflag:s5] =	ssyncadd.s32 $0xFFFFD800  }
0x72: {  	_ =	swait.ge [sflag:s7], $0x50  }
0x73: {  	[sflag:s7] =	ssyncset.done $0x0  }
0x74: {  	[sflag:s7] =	ssyncadd.s32 $0xFFFFFFB0  }
0x75: {  	[spmem:s1] =	stream.indirect.scatter.add.f32 [tilespmem:s30], [sflag:$0x8], $0x80, s25, s28, $0xb8;
	[tilespmem:$0x1DA00] =	vst v63  }
0x76: {  	_ =	swait.ge [sflag:s23], $0x2800  }
0x77: {  	[sflag:s23] =	ssyncset.done $0x0  }
0x78: {  	[sflag:s23] =	ssyncadd.s32 $0xFFFFD800  }
0x79: {  	[tilespmem:s25], [sflag:$0x5] =	stream.linear.gather [hbm4b:s13+s3], $0x50, $0x38;
	[tilespmem:$0x1DA00] =	vst v63  }
0x7a: {  	s16 =	sadd.s32 $0x140, s12;
	s12 =	smov.u32 s6  }
0x7b: {  	[tilespmem:s30], [sflag:$0x2] =	stream.indirect.gather [hbm4b:s4+s28], $0x80, s16, s28, $0xb8;
	[tilespmem:$0x1DA00] =	vst v63  }
0x7c: {  	_ =	swait.ge [sflag:s8], $0x2800  }
0x7d: {  	[sflag:s8] =	ssyncset.done $0x0  }
0x7e: {  	[sflag:s8] =	ssyncadd.s32 $0xFFFFD800  }
0x7f: {  	_ =	swait.ge [sflag:s9], $0x50  }
0x80: {  	[sflag:s9] =	ssyncset.done $0x0  }
.Ltmp0:
0x81: {  	[sflag:s9] =	ssyncadd.s32 $0xFFFFFFB0;
	(pc) =	sbr.rel @p1 .LBB2_2-.Ltmp0, $4  }
0x82: {  	[spmem:s1] =	stream.indirect.scatter.add.f32 [tilespmem:s31], [sflag:$0x8], $0x80, s26, s28, $0xb8;
	[tilespmem:$0x1DA00] =	vst v63  }
0x83: {  	_ =	swait.ge [sflag:s23], $0x2800  }
0x84: {  	s11 =	sadd.s32 $0x1E, s11;
	s21 =	smov.u32 s19;
	[sflag:s23] =	ssyncset.done $0x0  }
0x85: {  	s14 =	sadd.s32 $0x1E, s14;
	s13 =	sadd.s32 $0x1E, s13;
	[sflag:s23] =	ssyncadd.s32 $0xFFFFD800  }
0x86: {  	[tilespmem:s26], [sflag:$0x6] =	stream.linear.gather [hbm4b:s18+s3], $0x50, $0x38;
	[tilespmem:$0x1DA00] =	vst v63  }
0x87: {  	s6 =	sadd.s32 $0xA0, s12  }
0x88: {  	[tilespmem:s31], [sflag:$0x3] =	stream.indirect.gather [hbm4b:s4+s28], $0x80, s6, s28, $0xb8;
	[tilespmem:$0x1DA00] =	vst v63  }
0x89: {  	_ =	swait.ge [sflag:s0], $0x2800  }
0x8a: {  	[sflag:s0] =	ssyncset.done $0x0  }
0x8b: {  	[sflag:s0] =	ssyncadd.s32 $0xFFFFD800  }
0x8c: {  	_ =	swait.ge [sflag:s2], $0x50  }
0x8d: {  	[sflag:s2] =	ssyncset.done $0x0  }
0x8e: {  	[sflag:s2] =	ssyncadd.s32 $0xFFFFFFB0  }
0x8f: {  	[spmem:s1] =	stream.indirect.scatter.add.f32 [tilespmem:s29], [sflag:$0x8], $0x80, s24, s28, $0xb8;
	[tilespmem:$0x1DA00] =	vst v63  }
0x90: {  	_ =	swait.ge [sflag:s23], $0x2800  }
0x91: {  	[sflag:s23] =	ssyncset.done $0x0  }
0x92: {  	[sflag:s23] =	ssyncadd.s32 $0xFFFFD800  }
0x93: {  	[tilespmem:s24], [sflag:$0x4] =	stream.linear.gather [hbm4b:s14+s3], $0x50, $0x38;
	[tilespmem:$0x1DA00] =	vst v63  }
0x94: {  	s21 =	sadd.s32 $0xF0, s12  }
0x95: {  	[tilespmem:s29], [sflag:$0x1] =	stream.indirect.gather [hbm4b:s4+s28], $0x80, s21, s28, $0xb8;
	[tilespmem:$0x1DA00] =	vst v63  }
0x96: {  	_ =	swait.ge [sflag:s5], $0x2800  }
0x97: {  	[sflag:s5] =	ssyncset.done $0x0  }
0x98: {  	[sflag:s5] =	ssyncadd.s32 $0xFFFFD800  }
0x99: {  	_ =	swait.ge [sflag:s7], $0x50  }
0x9a: {  	[sflag:s7] =	ssyncset.done $0x0  }
0x9b: {  	[sflag:s7] =	ssyncadd.s32 $0xFFFFFFB0  }
0x9c: {  	[spmem:s1] =	stream.indirect.scatter.add.f32 [tilespmem:s30], [sflag:$0x8], $0x80, s25, s28, $0xb8;
	[tilespmem:$0x1DA00] =	vst v63  }
0x9d: {  	_ =	swait.ge [sflag:s23], $0x2800  }
0x9e: {  	[sflag:s23] =	ssyncset.done $0x0  }
0x9f: {  	[sflag:s23] =	ssyncadd.s32 $0xFFFFD800  }
0xa0: {  	[tilespmem:s25], [sflag:$0x5] =	stream.linear.gather [hbm4b:s13+s3], $0x50, $0x38;
	[tilespmem:$0x1DA00] =	vst v63  }
0xa1: {  	s12 =	sadd.s32 $0x140, s12  }
0xa2: {  	[tilespmem:s30], [sflag:$0x2] =	stream.indirect.gather [hbm4b:s4+s28], $0x80, s12, s28, $0xb8;
	[tilespmem:$0x1DA00] =	vst v63  }
0xa3: {  	_ =	swait.ge [sflag:s8], $0x2800  }
0xa4: {  	[sflag:s8] =	ssyncset.done $0x0  }
0xa5: {  	[sflag:s8] =	ssyncadd.s32 $0xFFFFD800  }
0xa6: {  	_ =	swait.ge [sflag:s9], $0x50  }
0xa7: {  	[sflag:s9] =	ssyncset.done $0x0  }
0xa8: {  	[sflag:s9] =	ssyncadd.s32 $0xFFFFFFB0  }
0xa9: {  	[spmem:s1] =	stream.indirect.scatter.add.f32 [tilespmem:s31], [sflag:$0x8], $0x80, s26, s28, $0xb8;
	[tilespmem:$0x1DA00] =	vst v63  }
0xaa: {  	_ =	swait.ge [sflag:s23], $0x2800  }
0xab: {  	[sflag:s23] =	ssyncset.done $0x0  }
0xac: {  	[sflag:s23] =	ssyncadd.s32 $0xFFFFD800  }
0xad: {  	[tilespmem:s26], [sflag:$0x6] =	stream.linear.gather [hbm4b:s11+s3], $0x50, $0x38;
	[tilespmem:$0x1DA00] =	vst v63  }
0xae: {  	s13 =	simm.s32 $0x2620  }
0xaf: {  	[tilespmem:s31], [sflag:$0x3] =	stream.indirect.gather [hbm4b:s4+s28], $0x80, s13, s28, $0xb8;
	[tilespmem:$0x1DA00] =	vst v63  }
0xb0: {  	_ =	swait.ge [sflag:s0], $0x2800  }
0xb1: {  	[sflag:s0] =	ssyncset.done $0x0  }
0xb2: {  	[sflag:s0] =	ssyncadd.s32 $0xFFFFD800  }
0xb3: {  	_ =	swait.ge [sflag:s2], $0x50  }
0xb4: {  	[sflag:s2] =	ssyncset.done $0x0  }
0xb5: {  	[sflag:s2] =	ssyncadd.s32 $0xFFFFFFB0  }
0xb6: {  	[spmem:s1] =	stream.indirect.scatter.add.f32 [tilespmem:s29], [sflag:$0x8], $0x80, s24, s28, $0xb8;
	[tilespmem:$0x1DA00] =	vst v63  }
0xb7: {  	_ =	swait.ge [sflag:s23], $0x2800  }
0xb8: {  	[sflag:s23] =	ssyncset.done $0x0  }
0xb9: {  	s14 =	rddreg [dreg:$0xc];
	[sflag:s23] =	ssyncadd.s32 $0xFFFFD800  }
0xba: {  	[tilespmem:s24], [sflag:$0x4] =	stream.linear.gather [hbm4b:s14+s3], $0x50, $0x38;
	[tilespmem:$0x1DA00] =	vst v63  }
0xbb: {  	s16 =	simm.s32 $0x2670  }
0xbc: {  	[tilespmem:s29], [sflag:$0x1] =	stream.indirect.gather [hbm4b:s4+s28], $0x80, s16, s28, $0xb8;
	[tilespmem:$0x1DA00] =	vst v63  }
0xbd: {  	_ =	swait.ge [sflag:s5], $0x2800  }
0xbe: {  	[sflag:s5] =	ssyncset.done $0x0  }
0xbf: {  	[sflag:s5] =	ssyncadd.s32 $0xFFFFD800  }
0xc0: {  	_ =	swait.ge [sflag:s7], $0x50  }
0xc1: {  	[sflag:s7] =	ssyncset.done $0x0  }
0xc2: {  	[sflag:s7] =	ssyncadd.s32 $0xFFFFFFB0  }
0xc3: {  	[spmem:s1] =	stream.indirect.scatter.add.f32 [tilespmem:s30], [sflag:$0x8], $0x80, s25, s28, $0xb8;
	[tilespmem:$0x1DA00] =	vst v63  }
0xc4: {  	_ =	swait.ge [sflag:s23], $0x2800  }
0xc5: {  	[sflag:s23] =	ssyncset.done $0x0  }
0xc6: {  	s18 =	rddreg [dreg:$0xd];
	[sflag:s23] =	ssyncadd.s32 $0xFFFFD800  }
0xc7: {  	[tilespmem:s25], [sflag:$0x5] =	stream.linear.gather [hbm4b:s18+s3], $0x50, $0x38;
	[tilespmem:$0x1DA00] =	vst v63  }
0xc8: {  	s19 =	simm.s32 $0x26C0  }
0xc9: {  	[tilespmem:s30], [sflag:$0x2] =	stream.indirect.gather [hbm4b:s4+s28], $0x80, s19, s28, $0xb8;
	[tilespmem:$0x1DA00] =	vst v63  }
0xca: {  	_ =	swait.ge [sflag:s8], $0x2800  }
0xcb: {  	[sflag:s8] =	ssyncset.done $0x0  }
0xcc: {  	[sflag:s8] =	ssyncadd.s32 $0xFFFFD800  }
0xcd: {  	_ =	swait.ge [sflag:s9], $0x50  }
0xce: {  	[sflag:s9] =	ssyncset.done $0x0  }
0xcf: {  	[sflag:s9] =	ssyncadd.s32 $0xFFFFFFB0  }
0xd0: {  	[spmem:s1] =	stream.indirect.scatter.add.f32 [tilespmem:s31], [sflag:$0x8], $0x80, s26, s28, $0xb8;
	[tilespmem:$0x1DA00] =	vst v63  }
0xd1: {  	_ =	swait.ge [sflag:s23], $0x2800  }
0xd2: {  	[sflag:s23] =	ssyncset.done $0x0  }
0xd3: {  	[sflag:s23] =	ssyncadd.s32 $0xFFFFD800  }
0xd4: {  	_ =	swait.ge [sflag:s0], $0x2800  }
0xd5: {  	[sflag:s0] =	ssyncset.done $0x0  }
0xd6: {  	[sflag:s0] =	ssyncadd.s32 $0xFFFFD800  }
0xd7: {  	_ =	swait.ge [sflag:s2], $0x50  }
0xd8: {  	[sflag:s2] =	ssyncset.done $0x0  }
0xd9: {  	[sflag:s2] =	ssyncadd.s32 $0xFFFFFFB0  }
0xda: {  	[spmem:s1] =	stream.indirect.scatter.add.f32 [tilespmem:s29], [sflag:$0x8], $0x80, s24, s28, $0xb8;
	[tilespmem:$0x1DA00] =	vst v63  }
0xdb: {  	_ =	swait.ge [sflag:s23], $0x2800  }
0xdc: {  	[sflag:s23] =	ssyncset.done $0x0  }
0xdd: {  	[sflag:s23] =	ssyncadd.s32 $0xFFFFD800  }
0xde: {  	_ =	swait.ge [sflag:s5], $0x2800  }
0xdf: {  	[sflag:s5] =	ssyncset.done $0x0  }
0xe0: {  	[sflag:s5] =	ssyncadd.s32 $0xFFFFD800  }
0xe1: {  	_ =	swait.ge [sflag:s7], $0x50  }
0xe2: {  	[sflag:s7] =	ssyncset.done $0x0  }
0xe3: {  	[sflag:s7] =	ssyncadd.s32 $0xFFFFFFB0  }
0xe4: {  	[spmem:s1] =	stream.indirect.scatter.add.f32 [tilespmem:s30], [sflag:$0x8], $0x80, s25, s28, $0xb8;
	[tilespmem:$0x1DA00] =	vst v63  }
0xe5: {  	_ =	swait.ge [sflag:s23], $0x2800  }
0xe6: {  	[sflag:s23] =	ssyncset.done $0x0  }
0xe7: {  	[sflag:s23] =	ssyncadd.s32 $0xFFFFD800  }
0xe8: {  	[bflag:$0x0] =	sbarrier.arrive $0xFFFF  }
0xe9: {  	s6 =	simm.s32 @p0 $0x1FC8;
	s11 =	rddreg [dreg:$0xa]  }
0xea: {  	[hbm:s11], [sflag:s6] =	dma.local @p0 [spmem:s20], $0x1900  }
0xeb: {  	s6 =	simm.s32 @p0 $0x8  }
0xec: {  	_ =	swait.ge @p0 [sflag:s6], $0x1900  }
0xed: {  	[sflag:s6] =	ssyncset.done @p0 $0x0  }
0xee: {  	[sflag:s6] =	ssyncadd.s32 @p0 $0xFFFFE700;
	s6 =	rddreg [dreg:$0xf]  }
0xef: {  	s11 =	rddreg [dreg:$0x9];
	s6 =	sor.u32 @!p0 $0x1C08, s6  }
0xf0: {  	[hbm:s11], [sflag:s6] =	dma.local @!p0 [spmem:s22], $0x2800  }
0xf1: {  	s6 =	simm.s32 @!p0 $0x8  }
0xf2: {  	_ =	swait.ge @!p0 [sflag:s6], $0x2800  }
0xf3: {  	s10 =	sadd.s32 $0x1, s10;
	s21 =	rddreg [dreg:$0xb]  }
0xf4: {  	p1 =	sne.s32 s10, s21  }
.Ltmp1:
0xf5: {  	_ = 	snop;
	(pc) =	sbr.rel @p1 .LBB2_1-.Ltmp1, $3  }
0xf6: {  	_ =	sdelay $0x1  }
0xf7: {  	[sflag:s6] =	ssyncset.done @!p0 $0x0  }
0xf8: {  	[sflag:s6] =	ssyncadd.s32 @!p0 $0xFFFFD800  }
0xf9: {  	_ =	sfence.sel $0x180000  }
0xfa: {  	[bflag:$0x0] =	sbarrier.arrive $0xFFFF  }
0xfb: {  	_ =	strace $0x9000004D  }
0xfc: {  	s0 =	stileid.u32;
	[bflag:$0x2] =	sbarrier.arrive $0xFFFF  }
0xfd: {  	p0 =	sne.s32 s0, $0x0;
	s0 =	rddreg [dreg:$0x2]  }
0xfe: {  	s0 =	sadd.s32 @!p0 $0x100000, s0  }
0xff: {  	[sflag:s0] =	ssyncadd.tile.s32 @!p0 $0x1;
	_ =	shalt  }
.Lfunc_end2:
_tile_overlayer_lowered:
.L_overlay_start_2:
0x100: {  	(tag) =	ssettag $0x2  }
0x101: {  	s0 =	rddreg [dreg:$0x0];
	s2 =	stileid.u32  }
0x102: {  	s1 =	rddreg [dreg:$0x1];
	p0 =	sne.s32 s2, $0x0  }
0x103: {  	s3 =	rddreg [dreg:$0x2];
	[bflag:$0x3] =	sbarrier.arrive $0xFFFF;
	s2 =	simm.s32 @!p0 $0x1C08  }
0x104: {  	[timem:s3], [sflag:s2] =	dma.local @!p0 [hbm:s0], s1  }
0x105: {  	s0 =	simm.s32 @!p0 $0x8  }
0x106: {  	_ =	swait.ge @!p0 [sflag:s0], s1  }
0x107: {  	s1 =	ssub.s32 @!p0 $0x0, s1;
	[sflag:s0] =	ssyncset.done @!p0 $0x0  }
0x108: {  	[sflag:s0] =	ssyncadd.s32 @!p0 s1  }
0x109: {  	[bflag:$0x3] =	sbarrier.arrive $0xFFFF  }
0x10a: {  	_ =	shalt  }

// kernel: gin_sc_scatter.16.cloned.1.call-start
scs
__scs_entry_jumppad:
0x0: {  	(pc) =	sbr.rel $0x88, $3  }
0x1: {  	(tag) =	ssettag $0x0;
	lr =	simm.s32 $0x1  }
0x2: {  	[smem:$0x3F77] =	sst lr;
	_ =	strace $0xD0000000  }
0x3: {  	_ = 	snop  }
0x4: {  	_ = 	snop  }
0x5: {  	_ = 	snop  }
0x6: {  	_ = 	snop  }
0x7: {  	_ = 	snop  }
__scs_overlays_trampoline_lowered:
0x8: {  	[smem:$0x3F86] =	sst s0  }
0x9: {  	[smem:$0x3F87] =	sst s1  }
0xa: {  	[smem:$0x3F88] =	sst s2  }
0xb: {  	[smem:$0x3F89] =	sst s3  }
0xc: {  	[smem:$0x3F8A] =	sst s4  }
0xd: {  	[smem:$0x3F8B] =	sst s5  }
0xe: {  	[smem:$0x3F8C] =	sst s6  }
0xf: {  	[smem:$0x3F8D] =	sst s7  }
0x10: {  	[smem:$0x3F8E] =	sst s8  }
0x11: {  	[smem:$0x3F8F] =	sst s9;
	s0 =	simm.s32 @!p0 $0x0  }
0x12: {  	s1 =	sld [smem:$0x3F75];
	s0 =	simm.s32 @p0 $0x1  }
0x13: {  	[smem:$0x3F90] =	sst s0;
	s0 =	simm.s32 @!p1 $0x0  }
0x14: {  	s2 =	sld [smem:$0x3F74];
	s0 =	simm.s32 @p1 $0x1  }
0x15: {  	[smem:$0x3F91] =	sst s0;
	s0 =	simm.s32 @!p2 $0x0  }
0x16: {  	s3 =	sld [smem:$0x3FDB];
	s0 =	simm.s32 @p2 $0x1  }
0x17: {  	s4 =	simm.s32 $0x1BF5;
	[smem:$0x3F93] =	sst s0  }
0x18: {  	s0 =	sld [smem:$0x3F76];
	_ =	swait.ge [sflag:s4], $0x0  }
0x19: {  	s7 =	sld [smem:$0x3F77]  }
0x1a: {  	s8 =	sadd.s32 $0xFFFFE003, lr  }
0x1b: {  	s9 =	sadd.s32 $0xFFFFFEF7, lr;
	s5 =	simm.s32 $0xFFFFFFFF;
	p2 =	slt.u32 s8, $0xFFFFF086  }
0x1c: {  	p1 =	slt.u32 s9, $0xF7A;
	s5 =	simm.s32 @!p2 $0x0  }
0x1d: {  	s5 =	simm.s32 @p1 $0x1;
	p0 =	seq.s32 s7, s2  }
0x1e: {  	s7 =	smul.u32 @!p0 $0xF7A, s2;
	p2 =	seq.s32 @!p0 s5, $0x0  }
0x1f: {  	s9 =	smul.u32 $0xF7A, s1;
	s8 =	simm.s32 @!p0 $0x1BF5;
	p2 =	por !p2, p0  }
0x20: {  	[sflag:s8] =	ssyncset.s32 @!p0 $0xFFFFF086;
	s6 =	sadd.s32 @!p0 s3, s7;
	s7 =	simm.s32 @!p0 $0x108  }
0x21: {  	s3 =	sadd.s32 s3, s9;
	s6 =	sadd.s32 @!p0 $0x88, s6;
	s7 =	simm.s32 @p2 $0x1082  }
0x22: {  	[simem:s7], [sflag:s8] =	dma.local @!p0 [hbm:s6], $0xF7A  }
0x23: {  	s9 =	sor.u32 $0xD0000000, s2;
	s6 =	simm.s32 $0x108;
	_ =	swait.ge @!p0 [sflag:s8], $0x0  }
0x24: {  	s3 =	sadd.s32 $0x88, s3;
	s6 =	simm.s32 @!p1 $0x1082;
	[sflag:s4] =	ssyncset.s32 $0xFFFFF086  }
0x25: {  	[simem:s6], [sflag:s4] =	dma.local [hbm:s3], $0xF7A  }
0x26: {  	[smem:$0x3F77] =	sst s1;
	(tag) =	ssettag s2;
	_ =	strace s9  }
0x27: {  	s1 =	sld [smem:$0x3F87]  }
0x28: {  	s2 =	sld [smem:$0x3F88]  }
0x29: {  	s4 =	sld [smem:$0x3F8A]  }
0x2a: {  	p0 =	seq.s32 s5, $0x0;
	s5 =	sld [smem:$0x3F8B]  }
0x2b: {  	s6 =	sld [smem:$0x3F8C]  }
0x2c: {  	s7 =	sld [smem:$0x3F8D]  }
0x2d: {  	s3 =	simm.s32 $0x108;
	s8 =	sld [smem:$0x3F8E]  }
0x2e: {  	s3 =	simm.s32 @!p0 $0x1082;
	s9 =	sld [smem:$0x3F8F]  }
0x2f: {  	lr =	sadd.s32 s0, s3;
	s0 =	sld [smem:$0x3F86]  }
0x30: {  	s3 =	sld [smem:$0x3F89]  }
0x31: {  	[smem:$0x3F92] =	sst s10  }
0x32: {  	s10 =	sld [smem:$0x3F90];
	_ =	sdelay $0x3  }
0x33: {  	p0 =	seq.s32 s10, $0x1;
	s10 =	sld [smem:$0x3F92];
	_ =	sdelay $0x3  }
0x34: {  	[smem:$0x3F92] =	sst s10  }
0x35: {  	s10 =	sld [smem:$0x3F91];
	_ =	sdelay $0x3  }
0x36: {  	p1 =	seq.s32 s10, $0x1;
	s10 =	sld [smem:$0x3F92];
	_ =	sdelay $0x3  }
0x37: {  	[smem:$0x3F92] =	sst s10  }
0x38: {  	s10 =	sld [smem:$0x3F93]  }
0x39: {  	_ = 	snop;
	(pc) =	sbr.ind lr, $3  }
0x3a: {  	_ = 	snop  }
0x3b: {  	_ = 	snop  }
0x3c: {  	p2 =	seq.s32 s10, $0x1;
	s10 =	sld [smem:$0x3F92]  }
0x3d: {  	_ =	shalt  }
0x3e: {  	_ =	shalt  }
0x3f: {  	_ =	shalt  }
0x40: {  	_ =	shalt  }
0x41: {  	_ =	shalt  }
0x42: {  	_ =	shalt  }
0x43: {  	_ =	shalt  }
0x44: {  	_ =	shalt  }
0x45: {  	_ =	shalt  }
0x46: {  	_ =	shalt  }
0x47: {  	_ =	shalt  }
0x48: {  	_ =	shalt  }
0x49: {  	_ =	shalt  }
0x4a: {  	_ =	shalt  }
0x4b: {  	_ =	shalt  }
0x4c: {  	_ =	shalt  }
0x4d: {  	_ =	shalt  }
0x4e: {  	_ =	shalt  }
0x4f: {  	_ =	shalt  }
0x50: {  	_ =	shalt  }
0x51: {  	_ =	shalt  }
0x52: {  	_ =	shalt  }
0x53: {  	_ =	shalt  }
0x54: {  	_ =	shalt  }
0x55: {  	_ =	shalt  }
0x56: {  	_ =	shalt  }
0x57: {  	_ =	shalt  }
0x58: {  	_ =	shalt  }
0x59: {  	_ =	shalt  }
0x5a: {  	_ =	shalt  }
0x5b: {  	_ =	shalt  }
0x5c: {  	_ =	shalt  }
0x5d: {  	_ =	shalt  }
0x5e: {  	_ =	shalt  }
0x5f: {  	_ =	shalt  }
0x60: {  	_ =	shalt  }
0x61: {  	_ =	shalt  }
0x62: {  	_ =	shalt  }
0x63: {  	_ =	shalt  }
0x64: {  	_ =	shalt  }
0x65: {  	_ =	shalt  }
0x66: {  	_ =	shalt  }
0x67: {  	_ =	shalt  }
0x68: {  	_ =	shalt  }
0x69: {  	_ =	shalt  }
0x6a: {  	_ =	shalt  }
0x6b: {  	_ =	shalt  }
0x6c: {  	_ =	shalt  }
0x6d: {  	_ =	shalt  }
0x6e: {  	_ =	shalt  }
0x6f: {  	_ =	shalt  }
0x70: {  	_ =	shalt  }
0x71: {  	_ =	shalt  }
0x72: {  	_ =	shalt  }
0x73: {  	_ =	shalt  }
0x74: {  	_ =	shalt  }
0x75: {  	_ =	shalt  }
0x76: {  	_ =	shalt  }
0x77: {  	_ =	shalt  }
0x78: {  	_ =	shalt  }
0x79: {  	_ =	shalt  }
0x7a: {  	_ =	shalt  }
0x7b: {  	_ =	shalt  }
0x7c: {  	_ =	shalt  }
0x7d: {  	_ =	shalt  }
0x7e: {  	_ =	shalt  }
0x7f: {  	_ =	shalt  }
0x80: {  	_ =	shalt  }
0x81: {  	_ =	shalt  }
0x82: {  	_ =	shalt  }
0x83: {  	_ =	shalt  }
0x84: {  	_ =	shalt  }
0x85: {  	_ =	shalt  }
0x86: {  	_ =	shalt  }
0x87: {  	_ =	shalt  }
.Lfunc_end0:
.L_simem_size_0:
called_computation.3_lowered:
.L_overlay_start_0:
0x88: {  	s2 =	sld [smem:$0x3FD9]  }
0x89: {  	s3 =	sld [smem:$0x3FFE];
	_ =	sdelay $0x1  }
0x8a: {  	s1 =	srdreg.scid  }
0x8b: {  	s0 =	sand.u32 $0x1, s1  }
0x8c: {  	s16 =	sshll.u32 s0, $0xA;
	s2 =	sadd.s32 s3, s2  }
0x8d: {  	s2 =	sadd.s32 s2, s16  }
0x8e: {  	[smem:$0x3F9E] =	sst s2  }
0x8f: {  	_ = 	snop  }
0x90: {  	(tm) =	ssettm $0x1  }
0x91: {  	s17 =	sld [smem:$0x3FFB];
	_ =	sdelay $0x3  }
0x92: {  	_ =	strace s17  }
0x93: {  	s2 =	sld [smem:$0x3FFC];
	_ =	sdelay $0x3  }
0x94: {  	_ =	strace s2  }
0x95: {  	s2 =	sld [smem:$0x3FFD];
	_ =	sdelay $0x3  }
0x96: {  	_ =	strace s2  }
0x97: {  	_ =	strace $0x8FFFFFFF  }
0x98: {  	s18 =	sld [smem:$0x3FDB];
	_ =	sdelay $0x1  }
0x99: {  	s19 =	simm.s32 $_scs_section_size  }
0x9a: {  	s4 =	simm.s32 $_size__tile_overlayer_lowered;
	s5 =	simm.s32 $_tile_overlayer_lowered  }
0x9b: {  	s22 =	simm.s32 $0x1BFF;
	s21 =	sshll.u32 s5, $0x1;
	s2 =	sadd.s32 s19, s18  }
0x9c: {  	s6 =	simm.s32 $0x0;
	s20 =	sshll.u32 s4, $0x1;
	s4 =	sadd.s32 s21, s2  }
0x9d: {  	[timem:s6], [sflag:s22] =	dma.local [hbm:s4], s20  }
0x9e: {  	_ =	swait.ge [sflag:s22], s20  }
0x9f: {  	s3 =	ssub.s32 $0x0, s20;
	[sflag:s22] =	ssyncset.done $0x0  }
0xa0: {  	[sflag:s22] =	ssyncadd.s32 s3;
	_ =	sdelay $0x1  }
0xa1: {  	s23 =	simm.s32 $0x1B8B  }
0xa2: {  	_ =	swait.ge [sflag:s23], $0x1  }
0xa3: {  	[sflag:s23] =	ssyncset.done $0x0  }
0xa4: {  	s25 =	simm.s32 $0x1B8E;
	s24 =	sld [smem:$0x3FFE];
	[sflag:s23] =	ssyncadd.s32 $0xFFFFFFFF  }
0xa5: {  	s26 =	simm.s32 $execute0_lowered;
	[smem:$0x3FD2] =	sst s25  }
0xa6: {  	s4 =	sshll.u32 s26, $0x1;
	_ =	strace $0x8000004F;
	[dreg:$0x1] =	wrdreg $0xFFFFFFFF  }
0xa7: {  	s28 =	simm.s32 $_size_execute0_lowered;
	s2 =	sadd.s32 s2, s4;
	[dreg:$0x0] =	wrdreg $0x0  }
0xa8: {  	s4 =	sshll.u32 s28, $0x1;
	[dreg:$0x2] =	wrdreg s2  }
0xa9: {  	[dreg:$0x3] =	wrdreg s4  }
0xaa: {  	[dreg:$0x4] =	wrdreg $0xC0  }
0xab: {  	_ =	task [dreg:s6], $0x5FFFF  }
0xac: {  	[dreg:$0x1] =	wrdreg $0xFFFFFFFF  }
0xad: {  	[dreg:$0x0] =	wrdreg $0x60  }
0xae: {  	[dreg:$0x2] =	wrdreg s24  }
0xaf: {  	[dreg:$0x3] =	wrdreg $0xA1800  }
0xb0: {  	[dreg:$0x4] =	wrdreg $0x9  }
0xb1: {  	_ =	task.clear_ibuf [dreg:s6], $0x5FFFF;
	_ =	strace $0x9000004F  }
0xb2: {  	s29 =	simm.s32 $0x9;
	_ =	strace $0x80000051  }
0xb3: {  	_ =	swait.ge [sflag:s29], $0x1  }
0xb4: {  	[sflag:s29] =	ssyncadd.s32 $0xFFFFFFFF  }
0xb5: {  	_ =	strace $0x90000051  }
0xb6: {  	_ =	sfence  }
0xb7: {  	s30 =	sld [smem:$0x0];
	_ =	sdelay $0x2  }
0xb8: {  	s31 =	sshll.u32 s1, $0xD;
	s1 =	sshrl.u32 s1, $0x2  }
0xb9: {  	s3 =	sand.u32 $0x4000, s31;
	s1 =	sadd.s32 s1, s30  }
0xba: {  	s0 =	sor.u32 s3, s0;
	s1 =	sshll.u32 s1, $0x11  }
0xbb: {  	s0 =	sor.u32 s1, s0  }
0xbc: {  	s0 =	sadd.s32 $0x8F2B, s0  }
0xbd: {  	[sflag:s0] =	ssyncadd.remote.s32 $0x1  }
0xbe: {  	_ =	sfence.sel $0xFFFF  }
0xbf: {  	[dreg:$0x0] =	wrdreg $0xFFFFFFFF;
	(pc) =	sbr.abs _section_cstart, $3  }
0xc0: {  	[dreg:$0x1] =	wrdreg $0xFFFFFFFF  }
0xc1: {  	_ =	task.clear_ibuf [dreg:s6], $0x2FFFF;
	_ =	strace $0x9FFFFFFF  }
0xc2: {  	(tm) =	ssettm $0x7FFFFFFF  }
0xc3: {  	_ =	shalt  }
tec
execute0_lowered:
.L_overlay_start_1:
0x0: {  	(tag) =	ssettag $0x1  }
0x1: {  	s0 =	rddreg [dreg:$0x0]  }
0x2: {  	s1 =	rddreg [dreg:$0x1];
	s3 =	simm.s32 $0x0  }
0x3: {  	s13 =	stileid.u32;
	s6 =	srdreg.scid;
	s28 =	simm.s32 $0x50  }
0x4: {  	s29 =	simm.s32 $0x2780;
	s30 =	simm.s32 $0x4F80;
	s31 =	simm.s32 $0x7780  }
0x5: {  	[smem:$0x7FF] =	sst s3;
	s4 =	sadd.s32 $0x8A600, s0;
	s5 =	smul.u32 $0x2800, s13  }
0x6: {  	s2 =	sadd.s32 $0x1800, s0;
	s7 =	sand.u32 $0x1, s6;
	s8 =	smul.u32 $0x50000, s13  }
0x7: {  	s15 =	sshll.u32 s13, $0x1;
	s11 =	sadd.s32 $0x3C400, s0;
	s18 =	smul.u32 $0x14000, s13  }
0x8: {  	s12 =	sadd.s32 $0x12C000, s1;
	s20 =	smul.u32 $0x4E20, s13;
	p0 =	seq.s32 s13, $0xF  }
0x9: {  	_ =	strace $0x80000050;
	s9 =	ssub.s32 $0x2, s7;
	s17 =	smul.u32 $0x138800, s7  }
0xa: {  	s6 =	sor.u32 s7, s15;
	s7 =	smul.u32 $0x2710, s7;
	s5 =	sadd.s32 s5, s0  }
0xb: {  	s10 =	sshrl.u32 s9, $0x1;
	s8 =	sshrl.u32 s8, $0x2;
	s6 =	smul.u32 $0x2710, s6  }
0xc: {  	s0 =	sadd.s32 $0x3AA00, s0;
	s9 =	ssub.s32 s9, s10;
	s8 =	sadd.s32 s8, s1  }
0xd: {  	s5 =	sadd.s32 $0x15200, s5;
	[dreg:$0x5] =	wrdreg s0;
	s10 =	sshrl.u32 s17, $0x3  }
0xe: {  	s0 =	sadd.s32 s7, s20;
	s20 =	sshrl.u32 @p0 s12, $0x3;
	s7 =	simm.s32 $0x5  }
0xf: {  	[dreg:$0x3] =	wrdreg s5;
	s16 =	sshrl.u32 s6, $0x3;
	s5 =	sadd.s32 s18, s17  }
0x10: {  	s22 =	sadd.s32 s11, s10;
	s23 =	smax.u32 s9, $0x1;
	s24 =	sadd.s32 $0x4E340, s0  }
0x11: {  	s26 =	sadd.s32 $0x4E2F0, s0;
	s6 =	sadd.s32 s2, s16;
	[dreg:$0xb] =	wrdreg s23  }
0x12: {  	s0 =	sadd.s32 $0x4E390, s0;
	s19 =	sadd.s32 $0x9C40, s6;
	[dreg:$0x4] =	wrdreg s6  }
0x13: {  	s9 =	simm.s32 $0x6;
	s14 =	sadd.s32 $0x9C4A, s6;
	[dreg:$0x6] =	wrdreg s19  }
0x14: {  	s5 =	sshrl.u32 s5, $0x3;
	s21 =	sadd.s32 $0x9C54, s6;
	[dreg:$0x7] =	wrdreg s14  }
0x15: {  	s10 =	simm.s32 $0x0;
	s5 =	sadd.s32 s11, s5;
	[dreg:$0x8] =	wrdreg s21  }
0x16: {  	s0 =	sshrl.u32 s0, $0x3;
	s25 =	sadd.s32 $0xA10E, s6;
	[dreg:$0x9] =	wrdreg s5  }
0x17: {  	s23 =	simm.s32 $0x8;
	s6 =	sadd.s32 $0xA118, s6;
	[dreg:$0xc] =	wrdreg s25  }
0x18: {  	s15 =	sadd.s32 s0, s2;
	s0 =	sshll.u32 @!p0 s13, $0x6;
	[dreg:$0xd] =	wrdreg s6  }
0x19: {  	s5 =	sadd.s32 $0x25800, s22;
	[dreg:$0xf] =	wrdreg s0;
	s0 =	sor.u32 @!p0 $0x1C07, s0  }
0x1a: {  	s22 =	sshrl.u32 @!p0 s8, $0x3;
	s25 =	simm.s32 $0xA000;
	[dreg:$0xa] =	wrdreg s5  }
0x1b: {  	s8 =	simm.s32 $0x3;
	s5 =	sshrl.u32 s24, $0x3;
	[dreg:$0x10] =	wrdreg s0  }
0x1c: {  	s24 =	simm.s32 $0x9F80;
	s0 =	simm.s32 $0x1;
	s5 =	sadd.s32 s5, s2  }
0x1d: {  	[dreg:$0xe] =	wrdreg s5;
	s5 =	sshrl.u32 s26, $0x3;
	s26 =	simm.s32 $0xA080  }
0x1e: {  	s17 =	sadd.s32 s5, s2;
	s2 =	simm.s32 $0x4;
	s5 =	simm.s32 $0x2  }
.LBB2_1:
0x1f: {  	s11 =	simm.s32 @p0 $0x1FC7;
	s6 =	rddreg [dreg:$0x5]  }
0x20: {  	[spmem:s20], [sflag:s11] =	dma.local @p0 [hbm:s6], $0x1900  }
0x21: {  	s6 =	rddreg [dreg:$0x3]  }
0x22: {  	s11 =	rddreg [dreg:$0x10]  }
0x23: {  	[spmem:s22], [sflag:s11] =	dma.local @!p0 [hbm:s6], $0x2800  }
0x24: {  	s6 =	rddreg [dreg:$0x4]  }
0x25: {  	[tilespmem:s3], [sflag:$0x8] =	stream.linear.gather [hbm4b:s6+s3], $0x2710, $0x38;
	[tilespmem:$0x1DA00] =	vst v63  }
0x26: {  	_ =	swait.ge [sflag:s23], $0x2710  }
0x27: {  	[sflag:s23] =	ssyncset.done $0x0  }
0x28: {  	s12 =	rddreg [dreg:$0x6];
	[sflag:s23] =	ssyncadd.s32 $0xFFFFD8F0  }
0x29: {  	[tilespmem:s24], [sflag:$0x4] =	stream.linear.gather [hbm4b:s12+s3], $0x50, $0x38;
	[tilespmem:$0x1DA00] =	vst v63  }
0x2a: {  	s13 =	rddreg [dreg:$0x7]  }
0x2b: {  	[tilespmem:s25], [sflag:$0x5] =	stream.linear.gather [hbm4b:s13+s3], $0x50, $0x38;
	[tilespmem:$0x1DA00] =	vst v63  }
0x2c: {  	s14 =	rddreg [dreg:$0x8]  }
0x2d: {  	[tilespmem:s26], [sflag:$0x6] =	stream.linear.gather [hbm4b:s14+s3], $0x50, $0x38;
	[tilespmem:$0x1DA00] =	vst v63  }
0x2e: {  	_ = 	snop  }
0x2f: {  	[tilespmem:s29], [sflag:$0x1] =	stream.indirect.gather [hbm4b:s4+s28], $0x80, s3, s28, $0xb8;
	[tilespmem:$0x1DA00] =	vst v63  }
0x30: {  	s11 =	simm.s32 @p0 $0x7  }
0x31: {  	[tilespmem:s30], [sflag:$0x2] =	stream.indirect.gather [hbm4b:s4+s28], $0x80, s28, s28, $0xb8;
	[tilespmem:$0x1DA00] =	vst v63  }
0x32: {  	_ =	swait.ge @p0 [sflag:s11], $0x1900  }
0x33: {  	[sflag:s11] =	ssyncset.done @p0 $0x0  }
0x34: {  	[sflag:s11] =	ssyncadd.s32 @p0 $0xFFFFE700;
	s11 =	simm.s32 @!p0 $0x7  }
0x35: {  	_ =	swait.ge @!p0 [sflag:s11], $0x2800  }
0x36: {  	[sflag:s11] =	ssyncset.done @!p0 $0x0  }
0x37: {  	[sflag:s11] =	ssyncadd.s32 @!p0 $0xFFFFD800  }
0x38: {  	s16 =	simm.s32 $0xA0;
	[bflag:$0x0] =	sbarrier.arrive $0xFFFF  }
0x39: {  	[tilespmem:s31], [sflag:$0x3] =	stream.indirect.gather [hbm4b:s4+s28], $0x80, s16, s28, $0xb8;
	[tilespmem:$0x1DA00] =	vst v63  }
0x3a: {  	_ =	swait.ge [sflag:s0], $0x2800  }
0x3b: {  	[sflag:s0] =	ssyncset.done $0x0  }
0x3c: {  	[sflag:s0] =	ssyncadd.s32 $0xFFFFD800  }
0x3d: {  	_ =	swait.ge [sflag:s2], $0x50  }
0x3e: {  	[sflag:s2] =	ssyncset.done $0x0  }
0x3f: {  	[sflag:s2] =	ssyncadd.s32 $0xFFFFFFB0  }
0x40: {  	[spmem:s1] =	stream.indirect.scatter.add.f32 [tilespmem:s29], [sflag:$0x8], $0x80, s24, s28, $0xb8;
	[tilespmem:$0x1DA00] =	vst v63  }
0x41: {  	_ =	swait.ge [sflag:s23], $0x2800  }
0x42: {  	[sflag:s23] =	ssyncset.done $0x0  }
0x43: {  	[sflag:s23] =	ssyncadd.s32 $0xFFFFD800  }
0x44: {  	[tilespmem:s24], [sflag:$0x4] =	stream.linear.gather [hbm4b:s17+s3], $0x50, $0x38;
	[tilespmem:$0x1DA00] =	vst v63  }
0x45: {  	s18 =	simm.s32 $0xF0  }
0x46: {  	[tilespmem:s29], [sflag:$0x1] =	stream.indirect.gather [hbm4b:s4+s28], $0x80, s18, s28, $0xb8;
	[tilespmem:$0x1DA00] =	vst v63  }
0x47: {  	_ =	swait.ge [sflag:s5], $0x2800  }
0x48: {  	[sflag:s5] =	ssyncset.done $0x0  }
0x49: {  	[sflag:s5] =	ssyncadd.s32 $0xFFFFD800  }
0x4a: {  	_ =	swait.ge [sflag:s7], $0x50  }
0x4b: {  	[sflag:s7] =	ssyncset.done $0x0  }
0x4c: {  	[sflag:s7] =	ssyncadd.s32 $0xFFFFFFB0  }
0x4d: {  	[spmem:s1] =	stream.indirect.scatter.add.f32 [tilespmem:s30], [sflag:$0x8], $0x80, s25, s28, $0xb8;
	[tilespmem:$0x1DA00] =	vst v63  }
0x4e: {  	_ =	swait.ge [sflag:s23], $0x2800  }
0x4f: {  	[sflag:s23] =	ssyncset.done $0x0  }
0x50: {  	s19 =	rddreg [dreg:$0xe];
	[sflag:s23] =	ssyncadd.s32 $0xFFFFD800  }
0x51: {  	[tilespmem:s25], [sflag:$0x5] =	stream.linear.gather [hbm4b:s19+s3], $0x50, $0x38;
	[tilespmem:$0x1DA00] =	vst v63  }
0x52: {  	s21 =	simm.s32 $0x140  }
0x53: {  	[tilespmem:s30], [sflag:$0x2] =	stream.indirect.gather [hbm4b:s4+s28], $0x80, s21, s28, $0xb8;
	[tilespmem:$0x1DA00] =	vst v63  }
0x54: {  	_ =	swait.ge [sflag:s8], $0x2800  }
0x55: {  	[sflag:s8] =	ssyncset.done $0x0  }
0x56: {  	[sflag:s8] =	ssyncadd.s32 $0xFFFFD800  }
0x57: {  	_ =	swait.ge [sflag:s9], $0x50  }
0x58: {  	[sflag:s9] =	ssyncset.done $0x0  }
0x59: {  	[sflag:s9] =	ssyncadd.s32 $0xFFFFFFB0  }
0x5a: {  	[spmem:s1] =	stream.indirect.scatter.add.f32 [tilespmem:s31], [sflag:$0x8], $0x80, s26, s28, $0xb8;
	[tilespmem:$0x1DA00] =	vst v63  }
0x5b: {  	s12 =	simm.s32 $0xF0;
	s14 =	sadd.s32 $0x1E, s17;
	_ =	swait.ge [sflag:s23], $0x2800  }
0x5c: {  	s11 =	sadd.s32 $0x1E, s15;
	s18 =	smov.u32 s15;
	[sflag:s23] =	ssyncset.done $0x0  }
0x5d: {  	s13 =	sadd.s32 $0x1E, s19;
	s21 =	simm.s32 $0x780;
	[sflag:s23] =	ssyncadd.s32 $0xFFFFD800  }
.LBB2_2:
0x5e: {  	[tilespmem:s26], [sflag:$0x6] =	stream.linear.gather [hbm4b:s18+s3], $0x50, $0x38;
	[tilespmem:$0x1DA00] =	vst v63  }
0x5f: {  	s19 =	smov.u32 s21;
	s18 =	smov.u32 s11  }
0x60: {  	s16 =	sadd.s32 $0xA0, s12;
	s6 =	sshra.s32 s19, $0x2;
	s19 =	sadd.s32 $0x3C0, s21  }
0x61: {  	[tilespmem:s31], [sflag:$0x3] =	stream.indirect.gather [hbm4b:s4+s28], $0x80, s16, s28, $0xb8;
	[tilespmem:$0x1DA00] =	vst v63  }
0x62: {  	p1 =	sne.s32 s21, $0x9240;
	_ =	swait.ge [sflag:s0], $0x2800  }
0x63: {  	[sflag:s0] =	ssyncset.done $0x0  }
0x64: {  	[sflag:s0] =	ssyncadd.s32 $0xFFFFD800  }
0x65: {  	_ =	swait.ge [sflag:s2], $0x50  }
0x66: {  	[sflag:s2] =	ssyncset.done $0x0  }
0x67: {  	[sflag:s2] =	ssyncadd.s32 $0xFFFFFFB0  }
0x68: {  	[spmem:s1] =	stream.indirect.scatter.add.f32 [tilespmem:s29], [sflag:$0x8], $0x80, s24, s28, $0xb8;
	[tilespmem:$0x1DA00] =	vst v63  }
0x69: {  	_ =	swait.ge [sflag:s23], $0x2800  }
0x6a: {  	[sflag:s23] =	ssyncset.done $0x0  }
0x6b: {  	[sflag:s23] =	ssyncadd.s32 $0xFFFFD800  }
0x6c: {  	[tilespmem:s24], [sflag:$0x4] =	stream.linear.gather [hbm4b:s14+s3], $0x50, $0x38;
	[tilespmem:$0x1DA00] =	vst v63  }
0x6d: {  	s16 =	sadd.s32 $0xF0, s12  }
0x6e: {  	[tilespmem:s29], [sflag:$0x1] =	stream.indirect.gather [hbm4b:s4+s28], $0x80, s16, s28, $0xb8;
	[tilespmem:$0x1DA00] =	vst v63  }
0x6f: {  	_ =	swait.ge [sflag:s5], $0x2800  }
0x70: {  	[sflag:s5] =	ssyncset.done $0x0  }
0x71: {  	[sflag:s5] =	ssyncadd.s32 $0xFFFFD800  }
0x72: {  	_ =	swait.ge [sflag:s7], $0x50  }
0x73: {  	[sflag:s7] =	ssyncset.done $0x0  }
0x74: {  	[sflag:s7] =	ssyncadd.s32 $0xFFFFFFB0  }
0x75: {  	[spmem:s1] =	stream.indirect.scatter.add.f32 [tilespmem:s30], [sflag:$0x8], $0x80, s25, s28, $0xb8;
	[tilespmem:$0x1DA00] =	vst v63  }
0x76: {  	_ =	swait.ge [sflag:s23], $0x2800  }
0x77: {  	[sflag:s23] =	ssyncset.done $0x0  }
0x78: {  	[sflag:s23] =	ssyncadd.s32 $0xFFFFD800  }
0x79: {  	[tilespmem:s25], [sflag:$0x5] =	stream.linear.gather [hbm4b:s13+s3], $0x50, $0x38;
	[tilespmem:$0x1DA00] =	vst v63  }
0x7a: {  	s16 =	sadd.s32 $0x140, s12;
	s12 =	smov.u32 s6  }
0x7b: {  	[tilespmem:s30], [sflag:$0x2] =	stream.indirect.gather [hbm4b:s4+s28], $0x80, s16, s28, $0xb8;
	[tilespmem:$0x1DA00] =	vst v63  }
0x7c: {  	_ =	swait.ge [sflag:s8], $0x2800  }
0x7d: {  	[sflag:s8] =	ssyncset.done $0x0  }
0x7e: {  	[sflag:s8] =	ssyncadd.s32 $0xFFFFD800  }
0x7f: {  	_ =	swait.ge [sflag:s9], $0x50  }
0x80: {  	[sflag:s9] =	ssyncset.done $0x0  }
.Ltmp0:
0x81: {  	[sflag:s9] =	ssyncadd.s32 $0xFFFFFFB0;
	(pc) =	sbr.rel @p1 .LBB2_2-.Ltmp0, $4  }
0x82: {  	[spmem:s1] =	stream.indirect.scatter.add.f32 [tilespmem:s31], [sflag:$0x8], $0x80, s26, s28, $0xb8;
	[tilespmem:$0x1DA00] =	vst v63  }
0x83: {  	_ =	swait.ge [sflag:s23], $0x2800  }
0x84: {  	s11 =	sadd.s32 $0x1E, s11;
	s21 =	smov.u32 s19;
	[sflag:s23] =	ssyncset.done $0x0  }
0x85: {  	s14 =	sadd.s32 $0x1E, s14;
	s13 =	sadd.s32 $0x1E, s13;
	[sflag:s23] =	ssyncadd.s32 $0xFFFFD800  }
0x86: {  	[tilespmem:s26], [sflag:$0x6] =	stream.linear.gather [hbm4b:s18+s3], $0x50, $0x38;
	[tilespmem:$0x1DA00] =	vst v63  }
0x87: {  	s6 =	sadd.s32 $0xA0, s12  }
0x88: {  	[tilespmem:s31], [sflag:$0x3] =	stream.indirect.gather [hbm4b:s4+s28], $0x80, s6, s28, $0xb8;
	[tilespmem:$0x1DA00] =	vst v63  }
0x89: {  	_ =	swait.ge [sflag:s0], $0x2800  }
0x8a: {  	[sflag:s0] =	ssyncset.done $0x0  }
0x8b: {  	[sflag:s0] =	ssyncadd.s32 $0xFFFFD800  }
0x8c: {  	_ =	swait.ge [sflag:s2], $0x50  }
0x8d: {  	[sflag:s2] =	ssyncset.done $0x0  }
0x8e: {  	[sflag:s2] =	ssyncadd.s32 $0xFFFFFFB0  }
0x8f: {  	[spmem:s1] =	stream.indirect.scatter.add.f32 [tilespmem:s29], [sflag:$0x8], $0x80, s24, s28, $0xb8;
	[tilespmem:$0x1DA00] =	vst v63  }
0x90: {  	_ =	swait.ge [sflag:s23], $0x2800  }
0x91: {  	[sflag:s23] =	ssyncset.done $0x0  }
0x92: {  	[sflag:s23] =	ssyncadd.s32 $0xFFFFD800  }
0x93: {  	[tilespmem:s24], [sflag:$0x4] =	stream.linear.gather [hbm4b:s14+s3], $0x50, $0x38;
	[tilespmem:$0x1DA00] =	vst v63  }
0x94: {  	s21 =	sadd.s32 $0xF0, s12  }
0x95: {  	[tilespmem:s29], [sflag:$0x1] =	stream.indirect.gather [hbm4b:s4+s28], $0x80, s21, s28, $0xb8;
	[tilespmem:$0x1DA00] =	vst v63  }
0x96: {  	_ =	swait.ge [sflag:s5], $0x2800  }
0x97: {  	[sflag:s5] =	ssyncset.done $0x0  }
0x98: {  	[sflag:s5] =	ssyncadd.s32 $0xFFFFD800  }
0x99: {  	_ =	swait.ge [sflag:s7], $0x50  }
0x9a: {  	[sflag:s7] =	ssyncset.done $0x0  }
0x9b: {  	[sflag:s7] =	ssyncadd.s32 $0xFFFFFFB0  }
0x9c: {  	[spmem:s1] =	stream.indirect.scatter.add.f32 [tilespmem:s30], [sflag:$0x8], $0x80, s25, s28, $0xb8;
	[tilespmem:$0x1DA00] =	vst v63  }
0x9d: {  	_ =	swait.ge [sflag:s23], $0x2800  }
0x9e: {  	[sflag:s23] =	ssyncset.done $0x0  }
0x9f: {  	[sflag:s23] =	ssyncadd.s32 $0xFFFFD800  }
0xa0: {  	[tilespmem:s25], [sflag:$0x5] =	stream.linear.gather [hbm4b:s13+s3], $0x50, $0x38;
	[tilespmem:$0x1DA00] =	vst v63  }
0xa1: {  	s12 =	sadd.s32 $0x140, s12  }
0xa2: {  	[tilespmem:s30], [sflag:$0x2] =	stream.indirect.gather [hbm4b:s4+s28], $0x80, s12, s28, $0xb8;
	[tilespmem:$0x1DA00] =	vst v63  }
0xa3: {  	_ =	swait.ge [sflag:s8], $0x2800  }
0xa4: {  	[sflag:s8] =	ssyncset.done $0x0  }
0xa5: {  	[sflag:s8] =	ssyncadd.s32 $0xFFFFD800  }
0xa6: {  	_ =	swait.ge [sflag:s9], $0x50  }
0xa7: {  	[sflag:s9] =	ssyncset.done $0x0  }
0xa8: {  	[sflag:s9] =	ssyncadd.s32 $0xFFFFFFB0  }
0xa9: {  	[spmem:s1] =	stream.indirect.scatter.add.f32 [tilespmem:s31], [sflag:$0x8], $0x80, s26, s28, $0xb8;
	[tilespmem:$0x1DA00] =	vst v63  }
0xaa: {  	_ =	swait.ge [sflag:s23], $0x2800  }
0xab: {  	[sflag:s23] =	ssyncset.done $0x0  }
0xac: {  	[sflag:s23] =	ssyncadd.s32 $0xFFFFD800  }
0xad: {  	[tilespmem:s26], [sflag:$0x6] =	stream.linear.gather [hbm4b:s11+s3], $0x50, $0x38;
	[tilespmem:$0x1DA00] =	vst v63  }
0xae: {  	s13 =	simm.s32 $0x2620  }
0xaf: {  	[tilespmem:s31], [sflag:$0x3] =	stream.indirect.gather [hbm4b:s4+s28], $0x80, s13, s28, $0xb8;
	[tilespmem:$0x1DA00] =	vst v63  }
0xb0: {  	_ =	swait.ge [sflag:s0], $0x2800  }
0xb1: {  	[sflag:s0] =	ssyncset.done $0x0  }
0xb2: {  	[sflag:s0] =	ssyncadd.s32 $0xFFFFD800  }
0xb3: {  	_ =	swait.ge [sflag:s2], $0x50  }
0xb4: {  	[sflag:s2] =	ssyncset.done $0x0  }
0xb5: {  	[sflag:s2] =	ssyncadd.s32 $0xFFFFFFB0  }
0xb6: {  	[spmem:s1] =	stream.indirect.scatter.add.f32 [tilespmem:s29], [sflag:$0x8], $0x80, s24, s28, $0xb8;
	[tilespmem:$0x1DA00] =	vst v63  }
0xb7: {  	_ =	swait.ge [sflag:s23], $0x2800  }
0xb8: {  	[sflag:s23] =	ssyncset.done $0x0  }
0xb9: {  	s14 =	rddreg [dreg:$0xc];
	[sflag:s23] =	ssyncadd.s32 $0xFFFFD800  }
0xba: {  	[tilespmem:s24], [sflag:$0x4] =	stream.linear.gather [hbm4b:s14+s3], $0x50, $0x38;
	[tilespmem:$0x1DA00] =	vst v63  }
0xbb: {  	s16 =	simm.s32 $0x2670  }
0xbc: {  	[tilespmem:s29], [sflag:$0x1] =	stream.indirect.gather [hbm4b:s4+s28], $0x80, s16, s28, $0xb8;
	[tilespmem:$0x1DA00] =	vst v63  }
0xbd: {  	_ =	swait.ge [sflag:s5], $0x2800  }
0xbe: {  	[sflag:s5] =	ssyncset.done $0x0  }
0xbf: {  	[sflag:s5] =	ssyncadd.s32 $0xFFFFD800  }
0xc0: {  	_ =	swait.ge [sflag:s7], $0x50  }
0xc1: {  	[sflag:s7] =	ssyncset.done $0x0  }
0xc2: {  	[sflag:s7] =	ssyncadd.s32 $0xFFFFFFB0  }
0xc3: {  	[spmem:s1] =	stream.indirect.scatter.add.f32 [tilespmem:s30], [sflag:$0x8], $0x80, s25, s28, $0xb8;
	[tilespmem:$0x1DA00] =	vst v63  }
0xc4: {  	_ =	swait.ge [sflag:s23], $0x2800  }
0xc5: {  	[sflag:s23] =	ssyncset.done $0x0  }
0xc6: {  	s18 =	rddreg [dreg:$0xd];
	[sflag:s23] =	ssyncadd.s32 $0xFFFFD800  }
0xc7: {  	[tilespmem:s25], [sflag:$0x5] =	stream.linear.gather [hbm4b:s18+s3], $0x50, $0x38;
	[tilespmem:$0x1DA00] =	vst v63  }
0xc8: {  	s19 =	simm.s32 $0x26C0  }
0xc9: {  	[tilespmem:s30], [sflag:$0x2] =	stream.indirect.gather [hbm4b:s4+s28], $0x80, s19, s28, $0xb8;
	[tilespmem:$0x1DA00] =	vst v63  }
0xca: {  	_ =	swait.ge [sflag:s8], $0x2800  }
0xcb: {  	[sflag:s8] =	ssyncset.done $0x0  }
0xcc: {  	[sflag:s8] =	ssyncadd.s32 $0xFFFFD800  }
0xcd: {  	_ =	swait.ge [sflag:s9], $0x50  }
0xce: {  	[sflag:s9] =	ssyncset.done $0x0  }
0xcf: {  	[sflag:s9] =	ssyncadd.s32 $0xFFFFFFB0  }
0xd0: {  	[spmem:s1] =	stream.indirect.scatter.add.f32 [tilespmem:s31], [sflag:$0x8], $0x80, s26, s28, $0xb8;
	[tilespmem:$0x1DA00] =	vst v63  }
0xd1: {  	_ =	swait.ge [sflag:s23], $0x2800  }
0xd2: {  	[sflag:s23] =	ssyncset.done $0x0  }
0xd3: {  	[sflag:s23] =	ssyncadd.s32 $0xFFFFD800  }
0xd4: {  	_ =	swait.ge [sflag:s0], $0x2800  }
0xd5: {  	[sflag:s0] =	ssyncset.done $0x0  }
0xd6: {  	[sflag:s0] =	ssyncadd.s32 $0xFFFFD800  }
0xd7: {  	_ =	swait.ge [sflag:s2], $0x50  }
0xd8: {  	[sflag:s2] =	ssyncset.done $0x0  }
0xd9: {  	[sflag:s2] =	ssyncadd.s32 $0xFFFFFFB0  }
0xda: {  	[spmem:s1] =	stream.indirect.scatter.add.f32 [tilespmem:s29], [sflag:$0x8], $0x80, s24, s28, $0xb8;
	[tilespmem:$0x1DA00] =	vst v63  }
0xdb: {  	_ =	swait.ge [sflag:s23], $0x2800  }
0xdc: {  	[sflag:s23] =	ssyncset.done $0x0  }
0xdd: {  	[sflag:s23] =	ssyncadd.s32 $0xFFFFD800  }
0xde: {  	_ =	swait.ge [sflag:s5], $0x2800  }
0xdf: {  	[sflag:s5] =	ssyncset.done $0x0  }
0xe0: {  	[sflag:s5] =	ssyncadd.s32 $0xFFFFD800  }
0xe1: {  	_ =	swait.ge [sflag:s7], $0x50  }
0xe2: {  	[sflag:s7] =	ssyncset.done $0x0  }
0xe3: {  	[sflag:s7] =	ssyncadd.s32 $0xFFFFFFB0  }
0xe4: {  	[spmem:s1] =	stream.indirect.scatter.add.f32 [tilespmem:s30], [sflag:$0x8], $0x80, s25, s28, $0xb8;
	[tilespmem:$0x1DA00] =	vst v63  }
0xe5: {  	_ =	swait.ge [sflag:s23], $0x2800  }
0xe6: {  	[sflag:s23] =	ssyncset.done $0x0  }
0xe7: {  	[sflag:s23] =	ssyncadd.s32 $0xFFFFD800  }
0xe8: {  	[bflag:$0x0] =	sbarrier.arrive $0xFFFF  }
0xe9: {  	s6 =	simm.s32 @p0 $0x1FC8;
	s11 =	rddreg [dreg:$0xa]  }
0xea: {  	[hbm:s11], [sflag:s6] =	dma.local @p0 [spmem:s20], $0x1900  }
0xeb: {  	s6 =	simm.s32 @p0 $0x8  }
0xec: {  	_ =	swait.ge @p0 [sflag:s6], $0x1900  }
0xed: {  	[sflag:s6] =	ssyncset.done @p0 $0x0  }
0xee: {  	[sflag:s6] =	ssyncadd.s32 @p0 $0xFFFFE700;
	s6 =	rddreg [dreg:$0xf]  }
0xef: {  	s11 =	rddreg [dreg:$0x9];
	s6 =	sor.u32 @!p0 $0x1C08, s6  }
0xf0: {  	[hbm:s11], [sflag:s6] =	dma.local @!p0 [spmem:s22], $0x2800  }
0xf1: {  	s6 =	simm.s32 @!p0 $0x8  }
0xf2: {  	_ =	swait.ge @!p0 [sflag:s6], $0x2800  }
0xf3: {  	s10 =	sadd.s32 $0x1, s10;
	s21 =	rddreg [dreg:$0xb]  }
0xf4: {  	p1 =	sne.s32 s10, s21  }
.Ltmp1:
0xf5: {  	_ = 	snop;
	(pc) =	sbr.rel @p1 .LBB2_1-.Ltmp1, $3  }
0xf6: {  	_ =	sdelay $0x1  }
0xf7: {  	[sflag:s6] =	ssyncset.done @!p0 $0x0  }
0xf8: {  	[sflag:s6] =	ssyncadd.s32 @!p0 $0xFFFFD800  }
0xf9: {  	_ =	sfence.sel $0x180000  }
0xfa: {  	[bflag:$0x0] =	sbarrier.arrive $0xFFFF  }
0xfb: {  	_ =	strace $0x90000050  }
0xfc: {  	s0 =	stileid.u32;
	[bflag:$0x2] =	sbarrier.arrive $0xFFFF  }
0xfd: {  	p0 =	sne.s32 s0, $0x0;
	s0 =	rddreg [dreg:$0x2]  }
0xfe: {  	s0 =	sadd.s32 @!p0 $0x100000, s0  }
0xff: {  	[sflag:s0] =	ssyncadd.tile.s32 @!p0 $0x1;
	_ =	shalt  }
.Lfunc_end2:
_tile_overlayer_lowered:
.L_overlay_start_2:
0x100: {  	(tag) =	ssettag $0x2  }
0x101: {  	s0 =	rddreg [dreg:$0x0];
	s2 =	stileid.u32  }
0x102: {  	s1 =	rddreg [dreg:$0x1];
	p0 =	sne.s32 s2, $0x0  }
0x103: {  	s3 =	rddreg [dreg:$0x2];
	[bflag:$0x3] =	sbarrier.arrive $0xFFFF;
	s2 =	simm.s32 @!p0 $0x1C08  }
0x104: {  	[timem:s3], [sflag:s2] =	dma.local @!p0 [hbm:s0], s1  }
0x105: {  	s0 =	simm.s32 @!p0 $0x8  }
0x106: {  	_ =	swait.ge @!p0 [sflag:s0], s1  }
0x107: {  	s1 =	ssub.s32 @!p0 $0x0, s1;
	[sflag:s0] =	ssyncset.done @!p0 $0x0  }
0x108: {  	[sflag:s0] =	ssyncadd.s32 @!p0 s1  }
0x109: {  	[bflag:$0x3] =	sbarrier.arrive $0xFFFF  }
0x10a: {  	_ =	shalt  }

// kernel: gin_sc_scatter.19.cloned.1.call-start
scs
__scs_entry_jumppad:
0x0: {  	(pc) =	sbr.rel $0x88, $3  }
0x1: {  	(tag) =	ssettag $0x0;
	lr =	simm.s32 $0x1  }
0x2: {  	[smem:$0x3F77] =	sst lr;
	_ =	strace $0xD0000000  }
0x3: {  	_ = 	snop  }
0x4: {  	_ = 	snop  }
0x5: {  	_ = 	snop  }
0x6: {  	_ = 	snop  }
0x7: {  	_ = 	snop  }
__scs_overlays_trampoline_lowered:
0x8: {  	[smem:$0x3F86] =	sst s0  }
0x9: {  	[smem:$0x3F87] =	sst s1  }
0xa: {  	[smem:$0x3F88] =	sst s2  }
0xb: {  	[smem:$0x3F89] =	sst s3  }
0xc: {  	[smem:$0x3F8A] =	sst s4  }
0xd: {  	[smem:$0x3F8B] =	sst s5  }
0xe: {  	[smem:$0x3F8C] =	sst s6  }
0xf: {  	[smem:$0x3F8D] =	sst s7  }
0x10: {  	[smem:$0x3F8E] =	sst s8  }
0x11: {  	[smem:$0x3F8F] =	sst s9;
	s0 =	simm.s32 @!p0 $0x0  }
0x12: {  	s1 =	sld [smem:$0x3F75];
	s0 =	simm.s32 @p0 $0x1  }
0x13: {  	[smem:$0x3F90] =	sst s0;
	s0 =	simm.s32 @!p1 $0x0  }
0x14: {  	s2 =	sld [smem:$0x3F74];
	s0 =	simm.s32 @p1 $0x1  }
0x15: {  	[smem:$0x3F91] =	sst s0;
	s0 =	simm.s32 @!p2 $0x0  }
0x16: {  	s3 =	sld [smem:$0x3FDB];
	s0 =	simm.s32 @p2 $0x1  }
0x17: {  	s4 =	simm.s32 $0x1BF5;
	[smem:$0x3F93] =	sst s0  }
0x18: {  	s0 =	sld [smem:$0x3F76];
	_ =	swait.ge [sflag:s4], $0x0  }
0x19: {  	s7 =	sld [smem:$0x3F77]  }
0x1a: {  	s8 =	sadd.s32 $0xFFFFE003, lr  }
0x1b: {  	s9 =	sadd.s32 $0xFFFFFEF7, lr;
	s5 =	simm.s32 $0xFFFFFFFF;
	p2 =	slt.u32 s8, $0xFFFFF086  }
0x1c: {  	p1 =	slt.u32 s9, $0xF7A;
	s5 =	simm.s32 @!p2 $0x0  }
0x1d: {  	s5 =	simm.s32 @p1 $0x1;
	p0 =	seq.s32 s7, s2  }
0x1e: {  	s7 =	smul.u32 @!p0 $0xF7A, s2;
	p2 =	seq.s32 @!p0 s5, $0x0  }
0x1f: {  	s9 =	smul.u32 $0xF7A, s1;
	s8 =	simm.s32 @!p0 $0x1BF5;
	p2 =	por !p2, p0  }
0x20: {  	[sflag:s8] =	ssyncset.s32 @!p0 $0xFFFFF086;
	s6 =	sadd.s32 @!p0 s3, s7;
	s7 =	simm.s32 @!p0 $0x108  }
0x21: {  	s3 =	sadd.s32 s3, s9;
	s6 =	sadd.s32 @!p0 $0x88, s6;
	s7 =	simm.s32 @p2 $0x1082  }
0x22: {  	[simem:s7], [sflag:s8] =	dma.local @!p0 [hbm:s6], $0xF7A  }
0x23: {  	s9 =	sor.u32 $0xD0000000, s2;
	s6 =	simm.s32 $0x108;
	_ =	swait.ge @!p0 [sflag:s8], $0x0  }
0x24: {  	s3 =	sadd.s32 $0x88, s3;
	s6 =	simm.s32 @!p1 $0x1082;
	[sflag:s4] =	ssyncset.s32 $0xFFFFF086  }
0x25: {  	[simem:s6], [sflag:s4] =	dma.local [hbm:s3], $0xF7A  }
0x26: {  	[smem:$0x3F77] =	sst s1;
	(tag) =	ssettag s2;
	_ =	strace s9  }
0x27: {  	s1 =	sld [smem:$0x3F87]  }
0x28: {  	s2 =	sld [smem:$0x3F88]  }
0x29: {  	s4 =	sld [smem:$0x3F8A]  }
0x2a: {  	p0 =	seq.s32 s5, $0x0;
	s5 =	sld [smem:$0x3F8B]  }
0x2b: {  	s6 =	sld [smem:$0x3F8C]  }
0x2c: {  	s7 =	sld [smem:$0x3F8D]  }
0x2d: {  	s3 =	simm.s32 $0x108;
	s8 =	sld [smem:$0x3F8E]  }
0x2e: {  	s3 =	simm.s32 @!p0 $0x1082;
	s9 =	sld [smem:$0x3F8F]  }
0x2f: {  	lr =	sadd.s32 s0, s3;
	s0 =	sld [smem:$0x3F86]  }
0x30: {  	s3 =	sld [smem:$0x3F89]  }
0x31: {  	[smem:$0x3F92] =	sst s10  }
0x32: {  	s10 =	sld [smem:$0x3F90];
	_ =	sdelay $0x3  }
0x33: {  	p0 =	seq.s32 s10, $0x1;
	s10 =	sld [smem:$0x3F92];
	_ =	sdelay $0x3  }
0x34: {  	[smem:$0x3F92] =	sst s10  }
0x35: {  	s10 =	sld [smem:$0x3F91];
	_ =	sdelay $0x3  }
0x36: {  	p1 =	seq.s32 s10, $0x1;
	s10 =	sld [smem:$0x3F92];
	_ =	sdelay $0x3  }
0x37: {  	[smem:$0x3F92] =	sst s10  }
0x38: {  	s10 =	sld [smem:$0x3F93]  }
0x39: {  	_ = 	snop;
	(pc) =	sbr.ind lr, $3  }
0x3a: {  	_ = 	snop  }
0x3b: {  	_ = 	snop  }
0x3c: {  	p2 =	seq.s32 s10, $0x1;
	s10 =	sld [smem:$0x3F92]  }
0x3d: {  	_ =	shalt  }
0x3e: {  	_ =	shalt  }
0x3f: {  	_ =	shalt  }
0x40: {  	_ =	shalt  }
0x41: {  	_ =	shalt  }
0x42: {  	_ =	shalt  }
0x43: {  	_ =	shalt  }
0x44: {  	_ =	shalt  }
0x45: {  	_ =	shalt  }
0x46: {  	_ =	shalt  }
0x47: {  	_ =	shalt  }
0x48: {  	_ =	shalt  }
0x49: {  	_ =	shalt  }
0x4a: {  	_ =	shalt  }
0x4b: {  	_ =	shalt  }
0x4c: {  	_ =	shalt  }
0x4d: {  	_ =	shalt  }
0x4e: {  	_ =	shalt  }
0x4f: {  	_ =	shalt  }
0x50: {  	_ =	shalt  }
0x51: {  	_ =	shalt  }
0x52: {  	_ =	shalt  }
0x53: {  	_ =	shalt  }
0x54: {  	_ =	shalt  }
0x55: {  	_ =	shalt  }
0x56: {  	_ =	shalt  }
0x57: {  	_ =	shalt  }
0x58: {  	_ =	shalt  }
0x59: {  	_ =	shalt  }
0x5a: {  	_ =	shalt  }
0x5b: {  	_ =	shalt  }
0x5c: {  	_ =	shalt  }
0x5d: {  	_ =	shalt  }
0x5e: {  	_ =	shalt  }
0x5f: {  	_ =	shalt  }
0x60: {  	_ =	shalt  }
0x61: {  	_ =	shalt  }
0x62: {  	_ =	shalt  }
0x63: {  	_ =	shalt  }
0x64: {  	_ =	shalt  }
0x65: {  	_ =	shalt  }
0x66: {  	_ =	shalt  }
0x67: {  	_ =	shalt  }
0x68: {  	_ =	shalt  }
0x69: {  	_ =	shalt  }
0x6a: {  	_ =	shalt  }
0x6b: {  	_ =	shalt  }
0x6c: {  	_ =	shalt  }
0x6d: {  	_ =	shalt  }
0x6e: {  	_ =	shalt  }
0x6f: {  	_ =	shalt  }
0x70: {  	_ =	shalt  }
0x71: {  	_ =	shalt  }
0x72: {  	_ =	shalt  }
0x73: {  	_ =	shalt  }
0x74: {  	_ =	shalt  }
0x75: {  	_ =	shalt  }
0x76: {  	_ =	shalt  }
0x77: {  	_ =	shalt  }
0x78: {  	_ =	shalt  }
0x79: {  	_ =	shalt  }
0x7a: {  	_ =	shalt  }
0x7b: {  	_ =	shalt  }
0x7c: {  	_ =	shalt  }
0x7d: {  	_ =	shalt  }
0x7e: {  	_ =	shalt  }
0x7f: {  	_ =	shalt  }
0x80: {  	_ =	shalt  }
0x81: {  	_ =	shalt  }
0x82: {  	_ =	shalt  }
0x83: {  	_ =	shalt  }
0x84: {  	_ =	shalt  }
0x85: {  	_ =	shalt  }
0x86: {  	_ =	shalt  }
0x87: {  	_ =	shalt  }
.Lfunc_end0:
.L_simem_size_0:
called_computation.4_lowered:
.L_overlay_start_0:
0x88: {  	s2 =	sld [smem:$0x3FD9]  }
0x89: {  	s3 =	sld [smem:$0x3FFE];
	_ =	sdelay $0x1  }
0x8a: {  	s1 =	srdreg.scid  }
0x8b: {  	s0 =	sand.u32 $0x1, s1  }
0x8c: {  	s16 =	sshll.u32 s0, $0xA;
	s2 =	sadd.s32 s3, s2  }
0x8d: {  	s2 =	sadd.s32 s2, s16  }
0x8e: {  	[smem:$0x3F9E] =	sst s2  }
0x8f: {  	_ = 	snop  }
0x90: {  	(tm) =	ssettm $0x1  }
0x91: {  	s17 =	sld [smem:$0x3FFB];
	_ =	sdelay $0x3  }
0x92: {  	_ =	strace s17  }
0x93: {  	s2 =	sld [smem:$0x3FFC];
	_ =	sdelay $0x3  }
0x94: {  	_ =	strace s2  }
0x95: {  	s2 =	sld [smem:$0x3FFD];
	_ =	sdelay $0x3  }
0x96: {  	_ =	strace s2  }
0x97: {  	_ =	strace $0x8FFFFFFF  }
0x98: {  	s18 =	sld [smem:$0x3FDB];
	_ =	sdelay $0x1  }
0x99: {  	s19 =	simm.s32 $_scs_section_size  }
0x9a: {  	s4 =	simm.s32 $_size__tile_overlayer_lowered;
	s5 =	simm.s32 $_tile_overlayer_lowered  }
0x9b: {  	s22 =	simm.s32 $0x1BFF;
	s21 =	sshll.u32 s5, $0x1;
	s2 =	sadd.s32 s19, s18  }
0x9c: {  	s6 =	simm.s32 $0x0;
	s20 =	sshll.u32 s4, $0x1;
	s4 =	sadd.s32 s21, s2  }
0x9d: {  	[timem:s6], [sflag:s22] =	dma.local [hbm:s4], s20  }
0x9e: {  	_ =	swait.ge [sflag:s22], s20  }
0x9f: {  	s3 =	ssub.s32 $0x0, s20;
	[sflag:s22] =	ssyncset.done $0x0  }
0xa0: {  	[sflag:s22] =	ssyncadd.s32 s3;
	_ =	sdelay $0x1  }
0xa1: {  	s23 =	simm.s32 $0x1B8B  }
0xa2: {  	_ =	swait.ge [sflag:s23], $0x1  }
0xa3: {  	[sflag:s23] =	ssyncset.done $0x0  }
0xa4: {  	s25 =	simm.s32 $0x1B8E;
	s24 =	sld [smem:$0x3FFE];
	[sflag:s23] =	ssyncadd.s32 $0xFFFFFFFF  }
0xa5: {  	s26 =	simm.s32 $execute0_lowered;
	[smem:$0x3FD2] =	sst s25  }
0xa6: {  	s4 =	sshll.u32 s26, $0x1;
	_ =	strace $0x80000052;
	[dreg:$0x1] =	wrdreg $0xFFFFFFFF  }
0xa7: {  	s28 =	simm.s32 $_size_execute0_lowered;
	s2 =	sadd.s32 s2, s4;
	[dreg:$0x0] =	wrdreg $0x0  }
0xa8: {  	s4 =	sshll.u32 s28, $0x1;
	[dreg:$0x2] =	wrdreg s2  }
0xa9: {  	[dreg:$0x3] =	wrdreg s4  }
0xaa: {  	[dreg:$0x4] =	wrdreg $0xC0  }
0xab: {  	_ =	task [dreg:s6], $0x5FFFF  }
0xac: {  	[dreg:$0x1] =	wrdreg $0xFFFFFFFF  }
0xad: {  	[dreg:$0x0] =	wrdreg $0x60  }
0xae: {  	[dreg:$0x2] =	wrdreg s24  }
0xaf: {  	[dreg:$0x3] =	wrdreg $0xA1800  }
0xb0: {  	[dreg:$0x4] =	wrdreg $0x9  }
0xb1: {  	_ =	task.clear_ibuf [dreg:s6], $0x5FFFF;
	_ =	strace $0x90000052  }
0xb2: {  	s29 =	simm.s32 $0x9;
	_ =	strace $0x80000054  }
0xb3: {  	_ =	swait.ge [sflag:s29], $0x1  }
0xb4: {  	[sflag:s29] =	ssyncadd.s32 $0xFFFFFFFF  }
0xb5: {  	_ =	strace $0x90000054  }
0xb6: {  	_ =	sfence  }
0xb7: {  	s30 =	sld [smem:$0x0];
	_ =	sdelay $0x2  }
0xb8: {  	s31 =	sshll.u32 s1, $0xD;
	s1 =	sshrl.u32 s1, $0x2  }
0xb9: {  	s3 =	sand.u32 $0x4000, s31;
	s1 =	sadd.s32 s1, s30  }
0xba: {  	s0 =	sor.u32 s3, s0;
	s1 =	sshll.u32 s1, $0x11  }
0xbb: {  	s0 =	sor.u32 s1, s0  }
0xbc: {  	s0 =	sadd.s32 $0x8F2B, s0  }
0xbd: {  	[sflag:s0] =	ssyncadd.remote.s32 $0x1  }
0xbe: {  	_ =	sfence.sel $0xFFFF  }
0xbf: {  	[dreg:$0x0] =	wrdreg $0xFFFFFFFF;
	(pc) =	sbr.abs _section_cstart, $3  }
0xc0: {  	[dreg:$0x1] =	wrdreg $0xFFFFFFFF  }
0xc1: {  	_ =	task.clear_ibuf [dreg:s6], $0x2FFFF;
	_ =	strace $0x9FFFFFFF  }
0xc2: {  	(tm) =	ssettm $0x7FFFFFFF  }
0xc3: {  	_ =	shalt  }
tec
execute0_lowered:
.L_overlay_start_1:
0x0: {  	(tag) =	ssettag $0x1  }
0x1: {  	s0 =	rddreg [dreg:$0x0]  }
0x2: {  	s1 =	rddreg [dreg:$0x1];
	s3 =	simm.s32 $0x0  }
0x3: {  	s13 =	stileid.u32;
	s6 =	srdreg.scid;
	s28 =	simm.s32 $0x50  }
0x4: {  	s29 =	simm.s32 $0x2780;
	s30 =	simm.s32 $0x4F80;
	s31 =	simm.s32 $0x7780  }
0x5: {  	[smem:$0x7FF] =	sst s3;
	s4 =	sadd.s32 $0xB1800, s0;
	s5 =	smul.u32 $0x2800, s13  }
0x6: {  	s2 =	sadd.s32 $0x1800, s0;
	s7 =	sand.u32 $0x1, s6;
	s8 =	smul.u32 $0x50000, s13  }
0x7: {  	s15 =	sshll.u32 s13, $0x1;
	s11 =	sadd.s32 $0x3C400, s0;
	s18 =	smul.u32 $0x14000, s13  }
0x8: {  	s12 =	sadd.s32 $0x12C000, s1;
	s20 =	smul.u32 $0x4E20, s13;
	p0 =	seq.s32 s13, $0xF  }
0x9: {  	_ =	strace $0x80000053;
	s9 =	ssub.s32 $0x2, s7;
	s17 =	smul.u32 $0x138800, s7  }
0xa: {  	s6 =	sor.u32 s7, s15;
	s7 =	smul.u32 $0x2710, s7;
	s5 =	sadd.s32 s5, s0  }
0xb: {  	s10 =	sshrl.u32 s9, $0x1;
	s8 =	sshrl.u32 s8, $0x2;
	s6 =	smul.u32 $0x2710, s6  }
0xc: {  	s0 =	sadd.s32 $0x3AA00, s0;
	s9 =	ssub.s32 s9, s10;
	s8 =	sadd.s32 s8, s1  }
0xd: {  	s5 =	sadd.s32 $0x15200, s5;
	[dreg:$0x5] =	wrdreg s0;
	s10 =	sshrl.u32 s17, $0x3  }
0xe: {  	s0 =	sadd.s32 s7, s20;
	s20 =	sshrl.u32 @p0 s12, $0x3;
	s7 =	simm.s32 $0x5  }
0xf: {  	[dreg:$0x3] =	wrdreg s5;
	s16 =	sshrl.u32 s6, $0x3;
	s5 =	sadd.s32 s18, s17  }
0x10: {  	s22 =	sadd.s32 s11, s10;
	s23 =	smax.u32 s9, $0x1;
	s24 =	sadd.s32 $0x4E340, s0  }
0x11: {  	s26 =	sadd.s32 $0x4E2F0, s0;
	s6 =	sadd.s32 s2, s16;
	[dreg:$0xb] =	wrdreg s23  }
0x12: {  	s0 =	sadd.s32 $0x4E390, s0;
	s19 =	sadd.s32 $0x9C40, s6;
	[dreg:$0x4] =	wrdreg s6  }
0x13: {  	s9 =	simm.s32 $0x6;
	s14 =	sadd.s32 $0x9C4A, s6;
	[dreg:$0x6] =	wrdreg s19  }
0x14: {  	s5 =	sshrl.u32 s5, $0x3;
	s21 =	sadd.s32 $0x9C54, s6;
	[dreg:$0x7] =	wrdreg s14  }
0x15: {  	s10 =	simm.s32 $0x0;
	s5 =	sadd.s32 s11, s5;
	[dreg:$0x8] =	wrdreg s21  }
0x16: {  	s0 =	sshrl.u32 s0, $0x3;
	s25 =	sadd.s32 $0xA10E, s6;
	[dreg:$0x9] =	wrdreg s5  }
0x17: {  	s23 =	simm.s32 $0x8;
	s6 =	sadd.s32 $0xA118, s6;
	[dreg:$0xc] =	wrdreg s25  }
0x18: {  	s15 =	sadd.s32 s0, s2;
	s0 =	sshll.u32 @!p0 s13, $0x6;
	[dreg:$0xd] =	wrdreg s6  }
0x19: {  	s5 =	sadd.s32 $0x25800, s22;
	[dreg:$0xf] =	wrdreg s0;
	s0 =	sor.u32 @!p0 $0x1C07, s0  }
0x1a: {  	s22 =	sshrl.u32 @!p0 s8, $0x3;
	s25 =	simm.s32 $0xA000;
	[dreg:$0xa] =	wrdreg s5  }
0x1b: {  	s8 =	simm.s32 $0x3;
	s5 =	sshrl.u32 s24, $0x3;
	[dreg:$0x10] =	wrdreg s0  }
0x1c: {  	s24 =	simm.s32 $0x9F80;
	s0 =	simm.s32 $0x1;
	s5 =	sadd.s32 s5, s2  }
0x1d: {  	[dreg:$0xe] =	wrdreg s5;
	s5 =	sshrl.u32 s26, $0x3;
	s26 =	simm.s32 $0xA080  }
0x1e: {  	s17 =	sadd.s32 s5, s2;
	s2 =	simm.s32 $0x4;
	s5 =	simm.s32 $0x2  }
.LBB2_1:
0x1f: {  	s11 =	simm.s32 @p0 $0x1FC7;
	s6 =	rddreg [dreg:$0x5]  }
0x20: {  	[spmem:s20], [sflag:s11] =	dma.local @p0 [hbm:s6], $0x1900  }
0x21: {  	s6 =	rddreg [dreg:$0x3]  }
0x22: {  	s11 =	rddreg [dreg:$0x10]  }
0x23: {  	[spmem:s22], [sflag:s11] =	dma.local @!p0 [hbm:s6], $0x2800  }
0x24: {  	s6 =	rddreg [dreg:$0x4]  }
0x25: {  	[tilespmem:s3], [sflag:$0x8] =	stream.linear.gather [hbm4b:s6+s3], $0x2710, $0x38;
	[tilespmem:$0x1DA00] =	vst v63  }
0x26: {  	_ =	swait.ge [sflag:s23], $0x2710  }
0x27: {  	[sflag:s23] =	ssyncset.done $0x0  }
0x28: {  	s12 =	rddreg [dreg:$0x6];
	[sflag:s23] =	ssyncadd.s32 $0xFFFFD8F0  }
0x29: {  	[tilespmem:s24], [sflag:$0x4] =	stream.linear.gather [hbm4b:s12+s3], $0x50, $0x38;
	[tilespmem:$0x1DA00] =	vst v63  }
0x2a: {  	s13 =	rddreg [dreg:$0x7]  }
0x2b: {  	[tilespmem:s25], [sflag:$0x5] =	stream.linear.gather [hbm4b:s13+s3], $0x50, $0x38;
	[tilespmem:$0x1DA00] =	vst v63  }
0x2c: {  	s14 =	rddreg [dreg:$0x8]  }
0x2d: {  	[tilespmem:s26], [sflag:$0x6] =	stream.linear.gather [hbm4b:s14+s3], $0x50, $0x38;
	[tilespmem:$0x1DA00] =	vst v63  }
0x2e: {  	_ = 	snop  }
0x2f: {  	[tilespmem:s29], [sflag:$0x1] =	stream.indirect.gather [hbm4b:s4+s28], $0x80, s3, s28, $0xb8;
	[tilespmem:$0x1DA00] =	vst v63  }
0x30: {  	s11 =	simm.s32 @p0 $0x7  }
0x31: {  	[tilespmem:s30], [sflag:$0x2] =	stream.indirect.gather [hbm4b:s4+s28], $0x80, s28, s28, $0xb8;
	[tilespmem:$0x1DA00] =	vst v63  }
0x32: {  	_ =	swait.ge @p0 [sflag:s11], $0x1900  }
0x33: {  	[sflag:s11] =	ssyncset.done @p0 $0x0  }
0x34: {  	[sflag:s11] =	ssyncadd.s32 @p0 $0xFFFFE700;
	s11 =	simm.s32 @!p0 $0x7  }
0x35: {  	_ =	swait.ge @!p0 [sflag:s11], $0x2800  }
0x36: {  	[sflag:s11] =	ssyncset.done @!p0 $0x0  }
0x37: {  	[sflag:s11] =	ssyncadd.s32 @!p0 $0xFFFFD800  }
0x38: {  	s16 =	simm.s32 $0xA0;
	[bflag:$0x0] =	sbarrier.arrive $0xFFFF  }
0x39: {  	[tilespmem:s31], [sflag:$0x3] =	stream.indirect.gather [hbm4b:s4+s28], $0x80, s16, s28, $0xb8;
	[tilespmem:$0x1DA00] =	vst v63  }
0x3a: {  	_ =	swait.ge [sflag:s0], $0x2800  }
0x3b: {  	[sflag:s0] =	ssyncset.done $0x0  }
0x3c: {  	[sflag:s0] =	ssyncadd.s32 $0xFFFFD800  }
0x3d: {  	_ =	swait.ge [sflag:s2], $0x50  }
0x3e: {  	[sflag:s2] =	ssyncset.done $0x0  }
0x3f: {  	[sflag:s2] =	ssyncadd.s32 $0xFFFFFFB0  }
0x40: {  	[spmem:s1] =	stream.indirect.scatter.add.f32 [tilespmem:s29], [sflag:$0x8], $0x80, s24, s28, $0xb8;
	[tilespmem:$0x1DA00] =	vst v63  }
0x41: {  	_ =	swait.ge [sflag:s23], $0x2800  }
0x42: {  	[sflag:s23] =	ssyncset.done $0x0  }
0x43: {  	[sflag:s23] =	ssyncadd.s32 $0xFFFFD800  }
0x44: {  	[tilespmem:s24], [sflag:$0x4] =	stream.linear.gather [hbm4b:s17+s3], $0x50, $0x38;
	[tilespmem:$0x1DA00] =	vst v63  }
0x45: {  	s18 =	simm.s32 $0xF0  }
0x46: {  	[tilespmem:s29], [sflag:$0x1] =	stream.indirect.gather [hbm4b:s4+s28], $0x80, s18, s28, $0xb8;
	[tilespmem:$0x1DA00] =	vst v63  }
0x47: {  	_ =	swait.ge [sflag:s5], $0x2800  }
0x48: {  	[sflag:s5] =	ssyncset.done $0x0  }
0x49: {  	[sflag:s5] =	ssyncadd.s32 $0xFFFFD800  }
0x4a: {  	_ =	swait.ge [sflag:s7], $0x50  }
0x4b: {  	[sflag:s7] =	ssyncset.done $0x0  }
0x4c: {  	[sflag:s7] =	ssyncadd.s32 $0xFFFFFFB0  }
0x4d: {  	[spmem:s1] =	stream.indirect.scatter.add.f32 [tilespmem:s30], [sflag:$0x8], $0x80, s25, s28, $0xb8;
	[tilespmem:$0x1DA00] =	vst v63  }
0x4e: {  	_ =	swait.ge [sflag:s23], $0x2800  }
0x4f: {  	[sflag:s23] =	ssyncset.done $0x0  }
0x50: {  	s19 =	rddreg [dreg:$0xe];
	[sflag:s23] =	ssyncadd.s32 $0xFFFFD800  }
0x51: {  	[tilespmem:s25], [sflag:$0x5] =	stream.linear.gather [hbm4b:s19+s3], $0x50, $0x38;
	[tilespmem:$0x1DA00] =	vst v63  }
0x52: {  	s21 =	simm.s32 $0x140  }
0x53: {  	[tilespmem:s30], [sflag:$0x2] =	stream.indirect.gather [hbm4b:s4+s28], $0x80, s21, s28, $0xb8;
	[tilespmem:$0x1DA00] =	vst v63  }
0x54: {  	_ =	swait.ge [sflag:s8], $0x2800  }
0x55: {  	[sflag:s8] =	ssyncset.done $0x0  }
0x56: {  	[sflag:s8] =	ssyncadd.s32 $0xFFFFD800  }
0x57: {  	_ =	swait.ge [sflag:s9], $0x50  }
0x58: {  	[sflag:s9] =	ssyncset.done $0x0  }
0x59: {  	[sflag:s9] =	ssyncadd.s32 $0xFFFFFFB0  }
0x5a: {  	[spmem:s1] =	stream.indirect.scatter.add.f32 [tilespmem:s31], [sflag:$0x8], $0x80, s26, s28, $0xb8;
	[tilespmem:$0x1DA00] =	vst v63  }
0x5b: {  	s12 =	simm.s32 $0xF0;
	s14 =	sadd.s32 $0x1E, s17;
	_ =	swait.ge [sflag:s23], $0x2800  }
0x5c: {  	s11 =	sadd.s32 $0x1E, s15;
	s18 =	smov.u32 s15;
	[sflag:s23] =	ssyncset.done $0x0  }
0x5d: {  	s13 =	sadd.s32 $0x1E, s19;
	s21 =	simm.s32 $0x780;
	[sflag:s23] =	ssyncadd.s32 $0xFFFFD800  }
.LBB2_2:
0x5e: {  	[tilespmem:s26], [sflag:$0x6] =	stream.linear.gather [hbm4b:s18+s3], $0x50, $0x38;
	[tilespmem:$0x1DA00] =	vst v63  }
0x5f: {  	s19 =	smov.u32 s21;
	s18 =	smov.u32 s11  }
0x60: {  	s16 =	sadd.s32 $0xA0, s12;
	s6 =	sshra.s32 s19, $0x2;
	s19 =	sadd.s32 $0x3C0, s21  }
0x61: {  	[tilespmem:s31], [sflag:$0x3] =	stream.indirect.gather [hbm4b:s4+s28], $0x80, s16, s28, $0xb8;
	[tilespmem:$0x1DA00] =	vst v63  }
0x62: {  	p1 =	sne.s32 s21, $0x9240;
	_ =	swait.ge [sflag:s0], $0x2800  }
0x63: {  	[sflag:s0] =	ssyncset.done $0x0  }
0x64: {  	[sflag:s0] =	ssyncadd.s32 $0xFFFFD800  }
0x65: {  	_ =	swait.ge [sflag:s2], $0x50  }
0x66: {  	[sflag:s2] =	ssyncset.done $0x0  }
0x67: {  	[sflag:s2] =	ssyncadd.s32 $0xFFFFFFB0  }
0x68: {  	[spmem:s1] =	stream.indirect.scatter.add.f32 [tilespmem:s29], [sflag:$0x8], $0x80, s24, s28, $0xb8;
	[tilespmem:$0x1DA00] =	vst v63  }
0x69: {  	_ =	swait.ge [sflag:s23], $0x2800  }
0x6a: {  	[sflag:s23] =	ssyncset.done $0x0  }
0x6b: {  	[sflag:s23] =	ssyncadd.s32 $0xFFFFD800  }
0x6c: {  	[tilespmem:s24], [sflag:$0x4] =	stream.linear.gather [hbm4b:s14+s3], $0x50, $0x38;
	[tilespmem:$0x1DA00] =	vst v63  }
0x6d: {  	s16 =	sadd.s32 $0xF0, s12  }
0x6e: {  	[tilespmem:s29], [sflag:$0x1] =	stream.indirect.gather [hbm4b:s4+s28], $0x80, s16, s28, $0xb8;
	[tilespmem:$0x1DA00] =	vst v63  }
0x6f: {  	_ =	swait.ge [sflag:s5], $0x2800  }
0x70: {  	[sflag:s5] =	ssyncset.done $0x0  }
0x71: {  	[sflag:s5] =	ssyncadd.s32 $0xFFFFD800  }
0x72: {  	_ =	swait.ge [sflag:s7], $0x50  }
0x73: {  	[sflag:s7] =	ssyncset.done $0x0  }
0x74: {  	[sflag:s7] =	ssyncadd.s32 $0xFFFFFFB0  }
0x75: {  	[spmem:s1] =	stream.indirect.scatter.add.f32 [tilespmem:s30], [sflag:$0x8], $0x80, s25, s28, $0xb8;
	[tilespmem:$0x1DA00] =	vst v63  }
0x76: {  	_ =	swait.ge [sflag:s23], $0x2800  }
0x77: {  	[sflag:s23] =	ssyncset.done $0x0  }
0x78: {  	[sflag:s23] =	ssyncadd.s32 $0xFFFFD800  }
0x79: {  	[tilespmem:s25], [sflag:$0x5] =	stream.linear.gather [hbm4b:s13+s3], $0x50, $0x38;
	[tilespmem:$0x1DA00] =	vst v63  }
0x7a: {  	s16 =	sadd.s32 $0x140, s12;
	s12 =	smov.u32 s6  }
0x7b: {  	[tilespmem:s30], [sflag:$0x2] =	stream.indirect.gather [hbm4b:s4+s28], $0x80, s16, s28, $0xb8;
	[tilespmem:$0x1DA00] =	vst v63  }
0x7c: {  	_ =	swait.ge [sflag:s8], $0x2800  }
0x7d: {  	[sflag:s8] =	ssyncset.done $0x0  }
0x7e: {  	[sflag:s8] =	ssyncadd.s32 $0xFFFFD800  }
0x7f: {  	_ =	swait.ge [sflag:s9], $0x50  }
0x80: {  	[sflag:s9] =	ssyncset.done $0x0  }
.Ltmp0:
0x81: {  	[sflag:s9] =	ssyncadd.s32 $0xFFFFFFB0;
	(pc) =	sbr.rel @p1 .LBB2_2-.Ltmp0, $4  }
0x82: {  	[spmem:s1] =	stream.indirect.scatter.add.f32 [tilespmem:s31], [sflag:$0x8], $0x80, s26, s28, $0xb8;
	[tilespmem:$0x1DA00] =	vst v63  }
0x83: {  	_ =	swait.ge [sflag:s23], $0x2800  }
0x84: {  	s11 =	sadd.s32 $0x1E, s11;
	s21 =	smov.u32 s19;
	[sflag:s23] =	ssyncset.done $0x0  }
0x85: {  	s14 =	sadd.s32 $0x1E, s14;
	s13 =	sadd.s32 $0x1E, s13;
	[sflag:s23] =	ssyncadd.s32 $0xFFFFD800  }
0x86: {  	[tilespmem:s26], [sflag:$0x6] =	stream.linear.gather [hbm4b:s18+s3], $0x50, $0x38;
	[tilespmem:$0x1DA00] =	vst v63  }
0x87: {  	s6 =	sadd.s32 $0xA0, s12  }
0x88: {  	[tilespmem:s31], [sflag:$0x3] =	stream.indirect.gather [hbm4b:s4+s28], $0x80, s6, s28, $0xb8;
	[tilespmem:$0x1DA00] =	vst v63  }
0x89: {  	_ =	swait.ge [sflag:s0], $0x2800  }
0x8a: {  	[sflag:s0] =	ssyncset.done $0x0  }
0x8b: {  	[sflag:s0] =	ssyncadd.s32 $0xFFFFD800  }
0x8c: {  	_ =	swait.ge [sflag:s2], $0x50  }
0x8d: {  	[sflag:s2] =	ssyncset.done $0x0  }
0x8e: {  	[sflag:s2] =	ssyncadd.s32 $0xFFFFFFB0  }
0x8f: {  	[spmem:s1] =	stream.indirect.scatter.add.f32 [tilespmem:s29], [sflag:$0x8], $0x80, s24, s28, $0xb8;
	[tilespmem:$0x1DA00] =	vst v63  }
0x90: {  	_ =	swait.ge [sflag:s23], $0x2800  }
0x91: {  	[sflag:s23] =	ssyncset.done $0x0  }
0x92: {  	[sflag:s23] =	ssyncadd.s32 $0xFFFFD800  }
0x93: {  	[tilespmem:s24], [sflag:$0x4] =	stream.linear.gather [hbm4b:s14+s3], $0x50, $0x38;
	[tilespmem:$0x1DA00] =	vst v63  }
0x94: {  	s21 =	sadd.s32 $0xF0, s12  }
0x95: {  	[tilespmem:s29], [sflag:$0x1] =	stream.indirect.gather [hbm4b:s4+s28], $0x80, s21, s28, $0xb8;
	[tilespmem:$0x1DA00] =	vst v63  }
0x96: {  	_ =	swait.ge [sflag:s5], $0x2800  }
0x97: {  	[sflag:s5] =	ssyncset.done $0x0  }
0x98: {  	[sflag:s5] =	ssyncadd.s32 $0xFFFFD800  }
0x99: {  	_ =	swait.ge [sflag:s7], $0x50  }
0x9a: {  	[sflag:s7] =	ssyncset.done $0x0  }
0x9b: {  	[sflag:s7] =	ssyncadd.s32 $0xFFFFFFB0  }
0x9c: {  	[spmem:s1] =	stream.indirect.scatter.add.f32 [tilespmem:s30], [sflag:$0x8], $0x80, s25, s28, $0xb8;
	[tilespmem:$0x1DA00] =	vst v63  }
0x9d: {  	_ =	swait.ge [sflag:s23], $0x2800  }
0x9e: {  	[sflag:s23] =	ssyncset.done $0x0  }
0x9f: {  	[sflag:s23] =	ssyncadd.s32 $0xFFFFD800  }
0xa0: {  	[tilespmem:s25], [sflag:$0x5] =	stream.linear.gather [hbm4b:s13+s3], $0x50, $0x38;
	[tilespmem:$0x1DA00] =	vst v63  }
0xa1: {  	s12 =	sadd.s32 $0x140, s12  }
0xa2: {  	[tilespmem:s30], [sflag:$0x2] =	stream.indirect.gather [hbm4b:s4+s28], $0x80, s12, s28, $0xb8;
	[tilespmem:$0x1DA00] =	vst v63  }
0xa3: {  	_ =	swait.ge [sflag:s8], $0x2800  }
0xa4: {  	[sflag:s8] =	ssyncset.done $0x0  }
0xa5: {  	[sflag:s8] =	ssyncadd.s32 $0xFFFFD800  }
0xa6: {  	_ =	swait.ge [sflag:s9], $0x50  }
0xa7: {  	[sflag:s9] =	ssyncset.done $0x0  }
0xa8: {  	[sflag:s9] =	ssyncadd.s32 $0xFFFFFFB0  }
0xa9: {  	[spmem:s1] =	stream.indirect.scatter.add.f32 [tilespmem:s31], [sflag:$0x8], $0x80, s26, s28, $0xb8;
	[tilespmem:$0x1DA00] =	vst v63  }
0xaa: {  	_ =	swait.ge [sflag:s23], $0x2800  }
0xab: {  	[sflag:s23] =	ssyncset.done $0x0  }
0xac: {  	[sflag:s23] =	ssyncadd.s32 $0xFFFFD800  }
0xad: {  	[tilespmem:s26], [sflag:$0x6] =	stream.linear.gather [hbm4b:s11+s3], $0x50, $0x38;
	[tilespmem:$0x1DA00] =	vst v63  }
0xae: {  	s13 =	simm.s32 $0x2620  }
0xaf: {  	[tilespmem:s31], [sflag:$0x3] =	stream.indirect.gather [hbm4b:s4+s28], $0x80, s13, s28, $0xb8;
	[tilespmem:$0x1DA00] =	vst v63  }
0xb0: {  	_ =	swait.ge [sflag:s0], $0x2800  }
0xb1: {  	[sflag:s0] =	ssyncset.done $0x0  }
0xb2: {  	[sflag:s0] =	ssyncadd.s32 $0xFFFFD800  }
0xb3: {  	_ =	swait.ge [sflag:s2], $0x50  }
0xb4: {  	[sflag:s2] =	ssyncset.done $0x0  }
0xb5: {  	[sflag:s2] =	ssyncadd.s32 $0xFFFFFFB0  }
0xb6: {  	[spmem:s1] =	stream.indirect.scatter.add.f32 [tilespmem:s29], [sflag:$0x8], $0x80, s24, s28, $0xb8;
	[tilespmem:$0x1DA00] =	vst v63  }
0xb7: {  	_ =	swait.ge [sflag:s23], $0x2800  }
0xb8: {  	[sflag:s23] =	ssyncset.done $0x0  }
0xb9: {  	s14 =	rddreg [dreg:$0xc];
	[sflag:s23] =	ssyncadd.s32 $0xFFFFD800  }
0xba: {  	[tilespmem:s24], [sflag:$0x4] =	stream.linear.gather [hbm4b:s14+s3], $0x50, $0x38;
	[tilespmem:$0x1DA00] =	vst v63  }
0xbb: {  	s16 =	simm.s32 $0x2670  }
0xbc: {  	[tilespmem:s29], [sflag:$0x1] =	stream.indirect.gather [hbm4b:s4+s28], $0x80, s16, s28, $0xb8;
	[tilespmem:$0x1DA00] =	vst v63  }
0xbd: {  	_ =	swait.ge [sflag:s5], $0x2800  }
0xbe: {  	[sflag:s5] =	ssyncset.done $0x0  }
0xbf: {  	[sflag:s5] =	ssyncadd.s32 $0xFFFFD800  }
0xc0: {  	_ =	swait.ge [sflag:s7], $0x50  }
0xc1: {  	[sflag:s7] =	ssyncset.done $0x0  }
0xc2: {  	[sflag:s7] =	ssyncadd.s32 $0xFFFFFFB0  }
0xc3: {  	[spmem:s1] =	stream.indirect.scatter.add.f32 [tilespmem:s30], [sflag:$0x8], $0x80, s25, s28, $0xb8;
	[tilespmem:$0x1DA00] =	vst v63  }
0xc4: {  	_ =	swait.ge [sflag:s23], $0x2800  }
0xc5: {  	[sflag:s23] =	ssyncset.done $0x0  }
0xc6: {  	s18 =	rddreg [dreg:$0xd];
	[sflag:s23] =	ssyncadd.s32 $0xFFFFD800  }
0xc7: {  	[tilespmem:s25], [sflag:$0x5] =	stream.linear.gather [hbm4b:s18+s3], $0x50, $0x38;
	[tilespmem:$0x1DA00] =	vst v63  }
0xc8: {  	s19 =	simm.s32 $0x26C0  }
0xc9: {  	[tilespmem:s30], [sflag:$0x2] =	stream.indirect.gather [hbm4b:s4+s28], $0x80, s19, s28, $0xb8;
	[tilespmem:$0x1DA00] =	vst v63  }
0xca: {  	_ =	swait.ge [sflag:s8], $0x2800  }
0xcb: {  	[sflag:s8] =	ssyncset.done $0x0  }
0xcc: {  	[sflag:s8] =	ssyncadd.s32 $0xFFFFD800  }
0xcd: {  	_ =	swait.ge [sflag:s9], $0x50  }
0xce: {  	[sflag:s9] =	ssyncset.done $0x0  }
0xcf: {  	[sflag:s9] =	ssyncadd.s32 $0xFFFFFFB0  }
0xd0: {  	[spmem:s1] =	stream.indirect.scatter.add.f32 [tilespmem:s31], [sflag:$0x8], $0x80, s26, s28, $0xb8;
	[tilespmem:$0x1DA00] =	vst v63  }
0xd1: {  	_ =	swait.ge [sflag:s23], $0x2800  }
0xd2: {  	[sflag:s23] =	ssyncset.done $0x0  }
0xd3: {  	[sflag:s23] =	ssyncadd.s32 $0xFFFFD800  }
0xd4: {  	_ =	swait.ge [sflag:s0], $0x2800  }
0xd5: {  	[sflag:s0] =	ssyncset.done $0x0  }
0xd6: {  	[sflag:s0] =	ssyncadd.s32 $0xFFFFD800  }
0xd7: {  	_ =	swait.ge [sflag:s2], $0x50  }
0xd8: {  	[sflag:s2] =	ssyncset.done $0x0  }
0xd9: {  	[sflag:s2] =	ssyncadd.s32 $0xFFFFFFB0  }
0xda: {  	[spmem:s1] =	stream.indirect.scatter.add.f32 [tilespmem:s29], [sflag:$0x8], $0x80, s24, s28, $0xb8;
	[tilespmem:$0x1DA00] =	vst v63  }
0xdb: {  	_ =	swait.ge [sflag:s23], $0x2800  }
0xdc: {  	[sflag:s23] =	ssyncset.done $0x0  }
0xdd: {  	[sflag:s23] =	ssyncadd.s32 $0xFFFFD800  }
0xde: {  	_ =	swait.ge [sflag:s5], $0x2800  }
0xdf: {  	[sflag:s5] =	ssyncset.done $0x0  }
0xe0: {  	[sflag:s5] =	ssyncadd.s32 $0xFFFFD800  }
0xe1: {  	_ =	swait.ge [sflag:s7], $0x50  }
0xe2: {  	[sflag:s7] =	ssyncset.done $0x0  }
0xe3: {  	[sflag:s7] =	ssyncadd.s32 $0xFFFFFFB0  }
0xe4: {  	[spmem:s1] =	stream.indirect.scatter.add.f32 [tilespmem:s30], [sflag:$0x8], $0x80, s25, s28, $0xb8;
	[tilespmem:$0x1DA00] =	vst v63  }
0xe5: {  	_ =	swait.ge [sflag:s23], $0x2800  }
0xe6: {  	[sflag:s23] =	ssyncset.done $0x0  }
0xe7: {  	[sflag:s23] =	ssyncadd.s32 $0xFFFFD800  }
0xe8: {  	[bflag:$0x0] =	sbarrier.arrive $0xFFFF  }
0xe9: {  	s6 =	simm.s32 @p0 $0x1FC8;
	s11 =	rddreg [dreg:$0xa]  }
0xea: {  	[hbm:s11], [sflag:s6] =	dma.local @p0 [spmem:s20], $0x1900  }
0xeb: {  	s6 =	simm.s32 @p0 $0x8  }
0xec: {  	_ =	swait.ge @p0 [sflag:s6], $0x1900  }
0xed: {  	[sflag:s6] =	ssyncset.done @p0 $0x0  }
0xee: {  	[sflag:s6] =	ssyncadd.s32 @p0 $0xFFFFE700;
	s6 =	rddreg [dreg:$0xf]  }
0xef: {  	s11 =	rddreg [dreg:$0x9];
	s6 =	sor.u32 @!p0 $0x1C08, s6  }
0xf0: {  	[hbm:s11], [sflag:s6] =	dma.local @!p0 [spmem:s22], $0x2800  }
0xf1: {  	s6 =	simm.s32 @!p0 $0x8  }
0xf2: {  	_ =	swait.ge @!p0 [sflag:s6], $0x2800  }
0xf3: {  	s10 =	sadd.s32 $0x1, s10;
	s21 =	rddreg [dreg:$0xb]  }
0xf4: {  	p1 =	sne.s32 s10, s21  }
.Ltmp1:
0xf5: {  	_ = 	snop;
	(pc) =	sbr.rel @p1 .LBB2_1-.Ltmp1, $3  }
0xf6: {  	_ =	sdelay $0x1  }
0xf7: {  	[sflag:s6] =	ssyncset.done @!p0 $0x0  }
0xf8: {  	[sflag:s6] =	ssyncadd.s32 @!p0 $0xFFFFD800  }
0xf9: {  	_ =	sfence.sel $0x180000  }
0xfa: {  	[bflag:$0x0] =	sbarrier.arrive $0xFFFF  }
0xfb: {  	_ =	strace $0x90000053  }
0xfc: {  	s0 =	stileid.u32;
	[bflag:$0x2] =	sbarrier.arrive $0xFFFF  }
0xfd: {  	p0 =	sne.s32 s0, $0x0;
	s0 =	rddreg [dreg:$0x2]  }
0xfe: {  	s0 =	sadd.s32 @!p0 $0x100000, s0  }
0xff: {  	[sflag:s0] =	ssyncadd.tile.s32 @!p0 $0x1;
	_ =	shalt  }
.Lfunc_end2:
_tile_overlayer_lowered:
.L_overlay_start_2:
0x100: {  	(tag) =	ssettag $0x2  }
0x101: {  	s0 =	rddreg [dreg:$0x0];
	s2 =	stileid.u32  }
0x102: {  	s1 =	rddreg [dreg:$0x1];
	p0 =	sne.s32 s2, $0x0  }
0x103: {  	s3 =	rddreg [dreg:$0x2];
	[bflag:$0x3] =	sbarrier.arrive $0xFFFF;
	s2 =	simm.s32 @!p0 $0x1C08  }
0x104: {  	[timem:s3], [sflag:s2] =	dma.local @!p0 [hbm:s0], s1  }
0x105: {  	s0 =	simm.s32 @!p0 $0x8  }
0x106: {  	_ =	swait.ge @!p0 [sflag:s0], s1  }
0x107: {  	s1 =	ssub.s32 @!p0 $0x0, s1;
	[sflag:s0] =	ssyncset.done @!p0 $0x0  }
0x108: {  	[sflag:s0] =	ssyncadd.s32 @!p0 s1  }
0x109: {  	[bflag:$0x3] =	sbarrier.arrive $0xFFFF  }
0x10a: {  	_ =	shalt  }

// kernel: gin_sc_scatter.7.cloned.1.call-start
scs
__scs_entry_jumppad:
0x0: {  	(pc) =	sbr.rel $0x88, $3  }
0x1: {  	(tag) =	ssettag $0x0;
	lr =	simm.s32 $0x1  }
0x2: {  	[smem:$0x3F77] =	sst lr;
	_ =	strace $0xD0000000  }
0x3: {  	_ = 	snop  }
0x4: {  	_ = 	snop  }
0x5: {  	_ = 	snop  }
0x6: {  	_ = 	snop  }
0x7: {  	_ = 	snop  }
__scs_overlays_trampoline_lowered:
0x8: {  	[smem:$0x3F86] =	sst s0  }
0x9: {  	[smem:$0x3F87] =	sst s1  }
0xa: {  	[smem:$0x3F88] =	sst s2  }
0xb: {  	[smem:$0x3F89] =	sst s3  }
0xc: {  	[smem:$0x3F8A] =	sst s4  }
0xd: {  	[smem:$0x3F8B] =	sst s5  }
0xe: {  	[smem:$0x3F8C] =	sst s6  }
0xf: {  	[smem:$0x3F8D] =	sst s7  }
0x10: {  	[smem:$0x3F8E] =	sst s8  }
0x11: {  	[smem:$0x3F8F] =	sst s9;
	s0 =	simm.s32 @!p0 $0x0  }
0x12: {  	s1 =	sld [smem:$0x3F75];
	s0 =	simm.s32 @p0 $0x1  }
0x13: {  	[smem:$0x3F90] =	sst s0;
	s0 =	simm.s32 @!p1 $0x0  }
0x14: {  	s2 =	sld [smem:$0x3F74];
	s0 =	simm.s32 @p1 $0x1  }
0x15: {  	[smem:$0x3F91] =	sst s0;
	s0 =	simm.s32 @!p2 $0x0  }
0x16: {  	s3 =	sld [smem:$0x3FDB];
	s0 =	simm.s32 @p2 $0x1  }
0x17: {  	s4 =	simm.s32 $0x1BF5;
	[smem:$0x3F93] =	sst s0  }
0x18: {  	s0 =	sld [smem:$0x3F76];
	_ =	swait.ge [sflag:s4], $0x0  }
0x19: {  	s7 =	sld [smem:$0x3F77]  }
0x1a: {  	s8 =	sadd.s32 $0xFFFFE003, lr  }
0x1b: {  	s9 =	sadd.s32 $0xFFFFFEF7, lr;
	s5 =	simm.s32 $0xFFFFFFFF;
	p2 =	slt.u32 s8, $0xFFFFF086  }
0x1c: {  	p1 =	slt.u32 s9, $0xF7A;
	s5 =	simm.s32 @!p2 $0x0  }
0x1d: {  	s5 =	simm.s32 @p1 $0x1;
	p0 =	seq.s32 s7, s2  }
0x1e: {  	s7 =	smul.u32 @!p0 $0xF7A, s2;
	p2 =	seq.s32 @!p0 s5, $0x0  }
0x1f: {  	s9 =	smul.u32 $0xF7A, s1;
	s8 =	simm.s32 @!p0 $0x1BF5;
	p2 =	por !p2, p0  }
0x20: {  	[sflag:s8] =	ssyncset.s32 @!p0 $0xFFFFF086;
	s6 =	sadd.s32 @!p0 s3, s7;
	s7 =	simm.s32 @!p0 $0x108  }
0x21: {  	s3 =	sadd.s32 s3, s9;
	s6 =	sadd.s32 @!p0 $0x88, s6;
	s7 =	simm.s32 @p2 $0x1082  }
0x22: {  	[simem:s7], [sflag:s8] =	dma.local @!p0 [hbm:s6], $0xF7A  }
0x23: {  	s9 =	sor.u32 $0xD0000000, s2;
	s6 =	simm.s32 $0x108;
	_ =	swait.ge @!p0 [sflag:s8], $0x0  }
0x24: {  	s3 =	sadd.s32 $0x88, s3;
	s6 =	simm.s32 @!p1 $0x1082;
	[sflag:s4] =	ssyncset.s32 $0xFFFFF086  }
0x25: {  	[simem:s6], [sflag:s4] =	dma.local [hbm:s3], $0xF7A  }
0x26: {  	[smem:$0x3F77] =	sst s1;
	(tag) =	ssettag s2;
	_ =	strace s9  }
0x27: {  	s1 =	sld [smem:$0x3F87]  }
0x28: {  	s2 =	sld [smem:$0x3F88]  }
0x29: {  	s4 =	sld [smem:$0x3F8A]  }
0x2a: {  	p0 =	seq.s32 s5, $0x0;
	s5 =	sld [smem:$0x3F8B]  }
0x2b: {  	s6 =	sld [smem:$0x3F8C]  }
0x2c: {  	s7 =	sld [smem:$0x3F8D]  }
0x2d: {  	s3 =	simm.s32 $0x108;
	s8 =	sld [smem:$0x3F8E]  }
0x2e: {  	s3 =	simm.s32 @!p0 $0x1082;
	s9 =	sld [smem:$0x3F8F]  }
0x2f: {  	lr =	sadd.s32 s0, s3;
	s0 =	sld [smem:$0x3F86]  }
0x30: {  	s3 =	sld [smem:$0x3F89]  }
0x31: {  	[smem:$0x3F92] =	sst s10  }
0x32: {  	s10 =	sld [smem:$0x3F90];
	_ =	sdelay $0x3  }
0x33: {  	p0 =	seq.s32 s10, $0x1;
	s10 =	sld [smem:$0x3F92];
	_ =	sdelay $0x3  }
0x34: {  	[smem:$0x3F92] =	sst s10  }
0x35: {  	s10 =	sld [smem:$0x3F91];
	_ =	sdelay $0x3  }
0x36: {  	p1 =	seq.s32 s10, $0x1;
	s10 =	sld [smem:$0x3F92];
	_ =	sdelay $0x3  }
0x37: {  	[smem:$0x3F92] =	sst s10  }
0x38: {  	s10 =	sld [smem:$0x3F93]  }
0x39: {  	_ = 	snop;
	(pc) =	sbr.ind lr, $3  }
0x3a: {  	_ = 	snop  }
0x3b: {  	_ = 	snop  }
0x3c: {  	p2 =	seq.s32 s10, $0x1;
	s10 =	sld [smem:$0x3F92]  }
0x3d: {  	_ =	shalt  }
0x3e: {  	_ =	shalt  }
0x3f: {  	_ =	shalt  }
0x40: {  	_ =	shalt  }
0x41: {  	_ =	shalt  }
0x42: {  	_ =	shalt  }
0x43: {  	_ =	shalt  }
0x44: {  	_ =	shalt  }
0x45: {  	_ =	shalt  }
0x46: {  	_ =	shalt  }
0x47: {  	_ =	shalt  }
0x48: {  	_ =	shalt  }
0x49: {  	_ =	shalt  }
0x4a: {  	_ =	shalt  }
0x4b: {  	_ =	shalt  }
0x4c: {  	_ =	shalt  }
0x4d: {  	_ =	shalt  }
0x4e: {  	_ =	shalt  }
0x4f: {  	_ =	shalt  }
0x50: {  	_ =	shalt  }
0x51: {  	_ =	shalt  }
0x52: {  	_ =	shalt  }
0x53: {  	_ =	shalt  }
0x54: {  	_ =	shalt  }
0x55: {  	_ =	shalt  }
0x56: {  	_ =	shalt  }
0x57: {  	_ =	shalt  }
0x58: {  	_ =	shalt  }
0x59: {  	_ =	shalt  }
0x5a: {  	_ =	shalt  }
0x5b: {  	_ =	shalt  }
0x5c: {  	_ =	shalt  }
0x5d: {  	_ =	shalt  }
0x5e: {  	_ =	shalt  }
0x5f: {  	_ =	shalt  }
0x60: {  	_ =	shalt  }
0x61: {  	_ =	shalt  }
0x62: {  	_ =	shalt  }
0x63: {  	_ =	shalt  }
0x64: {  	_ =	shalt  }
0x65: {  	_ =	shalt  }
0x66: {  	_ =	shalt  }
0x67: {  	_ =	shalt  }
0x68: {  	_ =	shalt  }
0x69: {  	_ =	shalt  }
0x6a: {  	_ =	shalt  }
0x6b: {  	_ =	shalt  }
0x6c: {  	_ =	shalt  }
0x6d: {  	_ =	shalt  }
0x6e: {  	_ =	shalt  }
0x6f: {  	_ =	shalt  }
0x70: {  	_ =	shalt  }
0x71: {  	_ =	shalt  }
0x72: {  	_ =	shalt  }
0x73: {  	_ =	shalt  }
0x74: {  	_ =	shalt  }
0x75: {  	_ =	shalt  }
0x76: {  	_ =	shalt  }
0x77: {  	_ =	shalt  }
0x78: {  	_ =	shalt  }
0x79: {  	_ =	shalt  }
0x7a: {  	_ =	shalt  }
0x7b: {  	_ =	shalt  }
0x7c: {  	_ =	shalt  }
0x7d: {  	_ =	shalt  }
0x7e: {  	_ =	shalt  }
0x7f: {  	_ =	shalt  }
0x80: {  	_ =	shalt  }
0x81: {  	_ =	shalt  }
0x82: {  	_ =	shalt  }
0x83: {  	_ =	shalt  }
0x84: {  	_ =	shalt  }
0x85: {  	_ =	shalt  }
0x86: {  	_ =	shalt  }
0x87: {  	_ =	shalt  }
.Lfunc_end0:
.L_simem_size_0:
called_computation_lowered:
.L_overlay_start_0:
0x88: {  	s2 =	sld [smem:$0x3FD9]  }
0x89: {  	s3 =	sld [smem:$0x3FFE];
	_ =	sdelay $0x1  }
0x8a: {  	s1 =	srdreg.scid  }
0x8b: {  	s0 =	sand.u32 $0x1, s1  }
0x8c: {  	s17 =	sshll.u32 s0, $0xA;
	s2 =	sadd.s32 s3, s2  }
0x8d: {  	s2 =	sadd.s32 s2, s17  }
0x8e: {  	[smem:$0x3F9E] =	sst s2  }
0x8f: {  	_ = 	snop  }
0x90: {  	s2 =	sld [smem:$0x3FC9];
	(tm) =	ssettm $0x1  }
0x91: {  	s18 =	sld [smem:$0x3FFB];
	_ =	sdelay $0x3  }
0x92: {  	_ =	strace s18  }
0x93: {  	s3 =	sld [smem:$0x3FFC];
	_ =	sdelay $0x3  }
0x94: {  	_ =	strace s3  }
0x95: {  	s3 =	sld [smem:$0x3FFD];
	_ =	sdelay $0x3  }
0x96: {  	_ =	strace s3  }
0x97: {  	_ =	strace $0x8FFFFFFF  }
0x98: {  	s19 =	sld [smem:$0x3FDB];
	_ =	sdelay $0x1  }
0x99: {  	s4 =	simm.s32 $_scs_section_size  }
0x9a: {  	s5 =	simm.s32 $_size__tile_overlayer_lowered;
	s6 =	simm.s32 $_tile_overlayer_lowered  }
0x9b: {  	s22 =	simm.s32 $0x1BFF;
	s21 =	sshll.u32 s6, $0x1;
	s3 =	sadd.s32 s4, s19  }
0x9c: {  	s7 =	simm.s32 $0x0;
	s20 =	sshll.u32 s5, $0x1;
	s5 =	sadd.s32 s21, s3  }
0x9d: {  	[timem:s7], [sflag:s22] =	dma.local [hbm:s5], s20  }
0x9e: {  	_ =	swait.ge [sflag:s22], s20  }
0x9f: {  	s4 =	ssub.s32 $0x0, s20;
	[sflag:s22] =	ssyncset.done $0x0  }
0xa0: {  	[sflag:s22] =	ssyncadd.s32 s4;
	_ =	sdelay $0x1  }
0xa1: {  	s23 =	simm.s32 $0x1B8B  }
0xa2: {  	_ =	swait.ge [sflag:s23], $0x1  }
0xa3: {  	[sflag:s23] =	ssyncset.done $0x0  }
0xa4: {  	s25 =	simm.s32 $0x1B8E;
	s24 =	sld [smem:$0x3FFE];
	[sflag:s23] =	ssyncadd.s32 $0xFFFFFFFF  }
0xa5: {  	s26 =	simm.s32 $execute0_lowered;
	[smem:$0x3FD2] =	sst s25  }
0xa6: {  	s5 =	sshll.u32 s26, $0x1;
	_ =	strace $0x80000046;
	[dreg:$0x1] =	wrdreg $0xFFFFFFFF  }
0xa7: {  	s28 =	simm.s32 $_size_execute0_lowered;
	s3 =	sadd.s32 s3, s5;
	[dreg:$0x0] =	wrdreg $0x0  }
0xa8: {  	s5 =	sshll.u32 s28, $0x1;
	[dreg:$0x2] =	wrdreg s3  }
0xa9: {  	[dreg:$0x3] =	wrdreg s5  }
0xaa: {  	[dreg:$0x4] =	wrdreg $0xC0  }
0xab: {  	_ =	task [dreg:s7], $0x5FFFF  }
0xac: {  	[dreg:$0x1] =	wrdreg $0xFFFFFFFF  }
0xad: {  	[dreg:$0x0] =	wrdreg $0x60  }
0xae: {  	[dreg:$0x2] =	wrdreg s2  }
0xaf: {  	[dreg:$0x3] =	wrdreg s24  }
0xb0: {  	[dreg:$0x4] =	wrdreg $0xA1800  }
0xb1: {  	[dreg:$0x5] =	wrdreg $0x9  }
0xb2: {  	_ =	task.clear_ibuf [dreg:s7], $0x6FFFF;
	_ =	strace $0x90000046  }
0xb3: {  	s29 =	simm.s32 $0x9;
	_ =	strace $0x80000048  }
0xb4: {  	_ =	swait.ge [sflag:s29], $0x1  }
0xb5: {  	[sflag:s29] =	ssyncadd.s32 $0xFFFFFFFF  }
0xb6: {  	_ =	strace $0x90000048  }
0xb7: {  	_ =	sfence  }
0xb8: {  	s30 =	sld [smem:$0x0];
	_ =	sdelay $0x2  }
0xb9: {  	s31 =	sshll.u32 s1, $0xD;
	s1 =	sshrl.u32 s1, $0x2  }
0xba: {  	s3 =	sand.u32 $0x4000, s31;
	s1 =	sadd.s32 s1, s30  }
0xbb: {  	s0 =	sor.u32 s3, s0;
	s1 =	sshll.u32 s1, $0x11  }
0xbc: {  	s0 =	sor.u32 s1, s0  }
0xbd: {  	s0 =	sadd.s32 $0x8F2B, s0  }
0xbe: {  	[sflag:s0] =	ssyncadd.remote.s32 $0x1  }
0xbf: {  	_ =	sfence.sel $0xFFFF  }
0xc0: {  	[dreg:$0x0] =	wrdreg $0xFFFFFFFF;
	(pc) =	sbr.abs _section_cstart, $3  }
0xc1: {  	[dreg:$0x1] =	wrdreg $0xFFFFFFFF  }
0xc2: {  	_ =	task.clear_ibuf [dreg:s7], $0x2FFFF;
	_ =	strace $0x9FFFFFFF  }
0xc3: {  	(tm) =	ssettm $0x7FFFFFFF  }
tec
execute0_lowered:
.L_overlay_start_1:
0x0: {  	(tag) =	ssettag $0x1  }
0x1: {  	s1 =	rddreg [dreg:$0x0]  }
0x2: {  	s0 =	rddreg [dreg:$0x1]  }
0x3: {  	s2 =	rddreg [dreg:$0x2]  }
0x4: {  	s4 =	simm.s32 $0x0;
	s13 =	stileid.u32;
	s6 =	srdreg.scid  }
0x5: {  	s28 =	simm.s32 $0x50;
	s29 =	simm.s32 $0x2780;
	s30 =	simm.s32 $0x4F80  }
0x6: {  	s31 =	simm.s32 $0x7780;
	[smem:$0x7FF] =	sst s4;
	s5 =	smul.u32 $0x2800, s13  }
0x7: {  	s3 =	sadd.s32 $0x1800, s0;
	s7 =	sand.u32 $0x1, s6;
	s8 =	smul.u32 $0x50000, s13  }
0x8: {  	s15 =	sshll.u32 s13, $0x1;
	s11 =	sadd.s32 $0x3C400, s0;
	s18 =	smul.u32 $0x14000, s13  }
0x9: {  	s12 =	sadd.s32 $0x12C000, s2;
	s20 =	smul.u32 $0x4E20, s13;
	p0 =	seq.s32 s13, $0xF  }
0xa: {  	_ =	strace $0x80000047;
	s9 =	ssub.s32 $0x2, s7;
	s17 =	smul.u32 $0x138800, s7  }
0xb: {  	s6 =	sor.u32 s7, s15;
	s7 =	smul.u32 $0x2710, s7;
	s5 =	sadd.s32 s5, s0  }
0xc: {  	s10 =	sshrl.u32 s9, $0x1;
	s8 =	sshrl.u32 s8, $0x2;
	s6 =	smul.u32 $0x2710, s6  }
0xd: {  	s0 =	sadd.s32 $0x3AA00, s0;
	s9 =	ssub.s32 s9, s10;
	s8 =	sadd.s32 s8, s2  }
0xe: {  	s5 =	sadd.s32 $0x15200, s5;
	[dreg:$0x6] =	wrdreg s0;
	s10 =	sshrl.u32 s17, $0x3  }
0xf: {  	s0 =	sadd.s32 s7, s20;
	s20 =	sshrl.u32 @p0 s12, $0x3;
	s7 =	simm.s32 $0x5  }
0x10: {  	[dreg:$0x4] =	wrdreg s5;
	s16 =	sshrl.u32 s6, $0x3;
	s5 =	sadd.s32 s18, s17  }
0x11: {  	s22 =	sadd.s32 s11, s10;
	s23 =	smax.u32 s9, $0x1;
	s24 =	sadd.s32 $0x4E340, s0  }
0x12: {  	s26 =	sadd.s32 $0x4E2F0, s0;
	s6 =	sadd.s32 s3, s16;
	[dreg:$0xc] =	wrdreg s23  }
0x13: {  	s0 =	sadd.s32 $0x4E390, s0;
	s19 =	sadd.s32 $0x9C40, s6;
	[dreg:$0x5] =	wrdreg s6  }
0x14: {  	s9 =	simm.s32 $0x6;
	s14 =	sadd.s32 $0x9C4A, s6;
	[dreg:$0x7] =	wrdreg s19  }
0x15: {  	s5 =	sshrl.u32 s5, $0x3;
	s21 =	sadd.s32 $0x9C54, s6;
	[dreg:$0x8] =	wrdreg s14  }
0x16: {  	s10 =	simm.s32 $0x0;
	s5 =	sadd.s32 s11, s5;
	[dreg:$0x9] =	wrdreg s21  }
0x17: {  	s0 =	sshrl.u32 s0, $0x3;
	s25 =	sadd.s32 $0xA10E, s6;
	[dreg:$0xa] =	wrdreg s5  }
0x18: {  	s23 =	simm.s32 $0x8;
	s6 =	sadd.s32 $0xA118, s6;
	[dreg:$0xd] =	wrdreg s25  }
0x19: {  	s15 =	sadd.s32 s0, s3;
	s0 =	sshll.u32 @!p0 s13, $0x6;
	[dreg:$0xe] =	wrdreg s6  }
0x1a: {  	s5 =	sadd.s32 $0x25800, s22;
	[dreg:$0x10] =	wrdreg s0;
	s0 =	sor.u32 @!p0 $0x1C07, s0  }
0x1b: {  	s22 =	sshrl.u32 @!p0 s8, $0x3;
	s25 =	simm.s32 $0xA000;
	[dreg:$0xb] =	wrdreg s5  }
0x1c: {  	s8 =	simm.s32 $0x3;
	s5 =	sshrl.u32 s24, $0x3;
	[dreg:$0x11] =	wrdreg s0  }
0x1d: {  	s24 =	simm.s32 $0x9F80;
	s0 =	simm.s32 $0x1;
	s5 =	sadd.s32 s5, s3  }
0x1e: {  	[dreg:$0xf] =	wrdreg s5;
	s5 =	sshrl.u32 s26, $0x3;
	s26 =	simm.s32 $0xA080  }
0x1f: {  	s17 =	sadd.s32 s5, s3;
	s3 =	simm.s32 $0x4;
	s5 =	simm.s32 $0x2  }
.LBB2_1:
0x20: {  	s11 =	simm.s32 @p0 $0x1FC7;
	s6 =	rddreg [dreg:$0x6]  }
0x21: {  	[spmem:s20], [sflag:s11] =	dma.local @p0 [hbm:s6], $0x1900  }
0x22: {  	s6 =	rddreg [dreg:$0x4]  }
0x23: {  	s11 =	rddreg [dreg:$0x11]  }
0x24: {  	[spmem:s22], [sflag:s11] =	dma.local @!p0 [hbm:s6], $0x2800  }
0x25: {  	s6 =	rddreg [dreg:$0x5]  }
0x26: {  	[tilespmem:s4], [sflag:$0x8] =	stream.linear.gather [hbm4b:s6+s4], $0x2710, $0x38;
	[tilespmem:$0x1DA00] =	vst v63  }
0x27: {  	_ =	swait.ge [sflag:s23], $0x2710  }
0x28: {  	[sflag:s23] =	ssyncset.done $0x0  }
0x29: {  	s12 =	rddreg [dreg:$0x7];
	[sflag:s23] =	ssyncadd.s32 $0xFFFFD8F0  }
0x2a: {  	[tilespmem:s24], [sflag:$0x4] =	stream.linear.gather [hbm4b:s12+s4], $0x50, $0x38;
	[tilespmem:$0x1DA00] =	vst v63  }
0x2b: {  	s13 =	rddreg [dreg:$0x8]  }
0x2c: {  	[tilespmem:s25], [sflag:$0x5] =	stream.linear.gather [hbm4b:s13+s4], $0x50, $0x38;
	[tilespmem:$0x1DA00] =	vst v63  }
0x2d: {  	s14 =	rddreg [dreg:$0x9]  }
0x2e: {  	[tilespmem:s26], [sflag:$0x6] =	stream.linear.gather [hbm4b:s14+s4], $0x50, $0x38;
	[tilespmem:$0x1DA00] =	vst v63  }
0x2f: {  	_ = 	snop  }
0x30: {  	[tilespmem:s29], [sflag:$0x1] =	stream.indirect.gather [hbm4b:s1+s28], $0x80, s4, s28, $0xb8;
	[tilespmem:$0x1DA00] =	vst v63  }
0x31: {  	s11 =	simm.s32 @p0 $0x7  }
0x32: {  	[tilespmem:s30], [sflag:$0x2] =	stream.indirect.gather [hbm4b:s1+s28], $0x80, s28, s28, $0xb8;
	[tilespmem:$0x1DA00] =	vst v63  }
0x33: {  	_ =	swait.ge @p0 [sflag:s11], $0x1900  }
0x34: {  	[sflag:s11] =	ssyncset.done @p0 $0x0  }
0x35: {  	[sflag:s11] =	ssyncadd.s32 @p0 $0xFFFFE700;
	s11 =	simm.s32 @!p0 $0x7  }
0x36: {  	_ =	swait.ge @!p0 [sflag:s11], $0x2800  }
0x37: {  	[sflag:s11] =	ssyncset.done @!p0 $0x0  }
0x38: {  	[sflag:s11] =	ssyncadd.s32 @!p0 $0xFFFFD800  }
0x39: {  	s16 =	simm.s32 $0xA0;
	[bflag:$0x0] =	sbarrier.arrive $0xFFFF  }
0x3a: {  	[tilespmem:s31], [sflag:$0x3] =	stream.indirect.gather [hbm4b:s1+s28], $0x80, s16, s28, $0xb8;
	[tilespmem:$0x1DA00] =	vst v63  }
0x3b: {  	_ =	swait.ge [sflag:s0], $0x2800  }
0x3c: {  	[sflag:s0] =	ssyncset.done $0x0  }
0x3d: {  	[sflag:s0] =	ssyncadd.s32 $0xFFFFD800  }
0x3e: {  	_ =	swait.ge [sflag:s3], $0x50  }
0x3f: {  	[sflag:s3] =	ssyncset.done $0x0  }
0x40: {  	[sflag:s3] =	ssyncadd.s32 $0xFFFFFFB0  }
0x41: {  	[spmem:s2] =	stream.indirect.scatter.add.f32 [tilespmem:s29], [sflag:$0x8], $0x80, s24, s28, $0xb8;
	[tilespmem:$0x1DA00] =	vst v63  }
0x42: {  	_ =	swait.ge [sflag:s23], $0x2800  }
0x43: {  	[sflag:s23] =	ssyncset.done $0x0  }
0x44: {  	[sflag:s23] =	ssyncadd.s32 $0xFFFFD800  }
0x45: {  	[tilespmem:s24], [sflag:$0x4] =	stream.linear.gather [hbm4b:s17+s4], $0x50, $0x38;
	[tilespmem:$0x1DA00] =	vst v63  }
0x46: {  	s18 =	simm.s32 $0xF0  }
0x47: {  	[tilespmem:s29], [sflag:$0x1] =	stream.indirect.gather [hbm4b:s1+s28], $0x80, s18, s28, $0xb8;
	[tilespmem:$0x1DA00] =	vst v63  }
0x48: {  	_ =	swait.ge [sflag:s5], $0x2800  }
0x49: {  	[sflag:s5] =	ssyncset.done $0x0  }
0x4a: {  	[sflag:s5] =	ssyncadd.s32 $0xFFFFD800  }
0x4b: {  	_ =	swait.ge [sflag:s7], $0x50  }
0x4c: {  	[sflag:s7] =	ssyncset.done $0x0  }
0x4d: {  	[sflag:s7] =	ssyncadd.s32 $0xFFFFFFB0  }
0x4e: {  	[spmem:s2] =	stream.indirect.scatter.add.f32 [tilespmem:s30], [sflag:$0x8], $0x80, s25, s28, $0xb8;
	[tilespmem:$0x1DA00] =	vst v63  }
0x4f: {  	_ =	swait.ge [sflag:s23], $0x2800  }
0x50: {  	[sflag:s23] =	ssyncset.done $0x0  }
0x51: {  	s19 =	rddreg [dreg:$0xf];
	[sflag:s23] =	ssyncadd.s32 $0xFFFFD800  }
0x52: {  	[tilespmem:s25], [sflag:$0x5] =	stream.linear.gather [hbm4b:s19+s4], $0x50, $0x38;
	[tilespmem:$0x1DA00] =	vst v63  }
0x53: {  	s21 =	simm.s32 $0x140  }
0x54: {  	[tilespmem:s30], [sflag:$0x2] =	stream.indirect.gather [hbm4b:s1+s28], $0x80, s21, s28, $0xb8;
	[tilespmem:$0x1DA00] =	vst v63  }
0x55: {  	_ =	swait.ge [sflag:s8], $0x2800  }
0x56: {  	[sflag:s8] =	ssyncset.done $0x0  }
0x57: {  	[sflag:s8] =	ssyncadd.s32 $0xFFFFD800  }
0x58: {  	_ =	swait.ge [sflag:s9], $0x50  }
0x59: {  	[sflag:s9] =	ssyncset.done $0x0  }
0x5a: {  	[sflag:s9] =	ssyncadd.s32 $0xFFFFFFB0  }
0x5b: {  	[spmem:s2] =	stream.indirect.scatter.add.f32 [tilespmem:s31], [sflag:$0x8], $0x80, s26, s28, $0xb8;
	[tilespmem:$0x1DA00] =	vst v63  }
0x5c: {  	s12 =	simm.s32 $0xF0;
	s14 =	sadd.s32 $0x1E, s17;
	_ =	swait.ge [sflag:s23], $0x2800  }
0x5d: {  	s11 =	sadd.s32 $0x1E, s15;
	s18 =	smov.u32 s15;
	[sflag:s23] =	ssyncset.done $0x0  }
0x5e: {  	s13 =	sadd.s32 $0x1E, s19;
	s21 =	simm.s32 $0x780;
	[sflag:s23] =	ssyncadd.s32 $0xFFFFD800  }
.LBB2_2:
0x5f: {  	[tilespmem:s26], [sflag:$0x6] =	stream.linear.gather [hbm4b:s18+s4], $0x50, $0x38;
	[tilespmem:$0x1DA00] =	vst v63  }
0x60: {  	s19 =	smov.u32 s21;
	s18 =	smov.u32 s11  }
0x61: {  	s16 =	sadd.s32 $0xA0, s12;
	s6 =	sshra.s32 s19, $0x2;
	s19 =	sadd.s32 $0x3C0, s21  }
0x62: {  	[tilespmem:s31], [sflag:$0x3] =	stream.indirect.gather [hbm4b:s1+s28], $0x80, s16, s28, $0xb8;
	[tilespmem:$0x1DA00] =	vst v63  }
0x63: {  	p1 =	sne.s32 s21, $0x9240;
	_ =	swait.ge [sflag:s0], $0x2800  }
0x64: {  	[sflag:s0] =	ssyncset.done $0x0  }
0x65: {  	[sflag:s0] =	ssyncadd.s32 $0xFFFFD800  }
0x66: {  	_ =	swait.ge [sflag:s3], $0x50  }
0x67: {  	[sflag:s3] =	ssyncset.done $0x0  }
0x68: {  	[sflag:s3] =	ssyncadd.s32 $0xFFFFFFB0  }
0x69: {  	[spmem:s2] =	stream.indirect.scatter.add.f32 [tilespmem:s29], [sflag:$0x8], $0x80, s24, s28, $0xb8;
	[tilespmem:$0x1DA00] =	vst v63  }
0x6a: {  	_ =	swait.ge [sflag:s23], $0x2800  }
0x6b: {  	[sflag:s23] =	ssyncset.done $0x0  }
0x6c: {  	[sflag:s23] =	ssyncadd.s32 $0xFFFFD800  }
0x6d: {  	[tilespmem:s24], [sflag:$0x4] =	stream.linear.gather [hbm4b:s14+s4], $0x50, $0x38;
	[tilespmem:$0x1DA00] =	vst v63  }
0x6e: {  	s16 =	sadd.s32 $0xF0, s12  }
0x6f: {  	[tilespmem:s29], [sflag:$0x1] =	stream.indirect.gather [hbm4b:s1+s28], $0x80, s16, s28, $0xb8;
	[tilespmem:$0x1DA00] =	vst v63  }
0x70: {  	_ =	swait.ge [sflag:s5], $0x2800  }
0x71: {  	[sflag:s5] =	ssyncset.done $0x0  }
0x72: {  	[sflag:s5] =	ssyncadd.s32 $0xFFFFD800  }
0x73: {  	_ =	swait.ge [sflag:s7], $0x50  }
0x74: {  	[sflag:s7] =	ssyncset.done $0x0  }
0x75: {  	[sflag:s7] =	ssyncadd.s32 $0xFFFFFFB0  }
0x76: {  	[spmem:s2] =	stream.indirect.scatter.add.f32 [tilespmem:s30], [sflag:$0x8], $0x80, s25, s28, $0xb8;
	[tilespmem:$0x1DA00] =	vst v63  }
0x77: {  	_ =	swait.ge [sflag:s23], $0x2800  }
0x78: {  	[sflag:s23] =	ssyncset.done $0x0  }
0x79: {  	[sflag:s23] =	ssyncadd.s32 $0xFFFFD800  }
0x7a: {  	[tilespmem:s25], [sflag:$0x5] =	stream.linear.gather [hbm4b:s13+s4], $0x50, $0x38;
	[tilespmem:$0x1DA00] =	vst v63  }
0x7b: {  	s16 =	sadd.s32 $0x140, s12;
	s12 =	smov.u32 s6  }
0x7c: {  	[tilespmem:s30], [sflag:$0x2] =	stream.indirect.gather [hbm4b:s1+s28], $0x80, s16, s28, $0xb8;
	[tilespmem:$0x1DA00] =	vst v63  }
0x7d: {  	_ =	swait.ge [sflag:s8], $0x2800  }
0x7e: {  	[sflag:s8] =	ssyncset.done $0x0  }
0x7f: {  	[sflag:s8] =	ssyncadd.s32 $0xFFFFD800  }
0x80: {  	_ =	swait.ge [sflag:s9], $0x50  }
0x81: {  	[sflag:s9] =	ssyncset.done $0x0  }
.Ltmp0:
0x82: {  	[sflag:s9] =	ssyncadd.s32 $0xFFFFFFB0;
	(pc) =	sbr.rel @p1 .LBB2_2-.Ltmp0, $4  }
0x83: {  	[spmem:s2] =	stream.indirect.scatter.add.f32 [tilespmem:s31], [sflag:$0x8], $0x80, s26, s28, $0xb8;
	[tilespmem:$0x1DA00] =	vst v63  }
0x84: {  	_ =	swait.ge [sflag:s23], $0x2800  }
0x85: {  	s11 =	sadd.s32 $0x1E, s11;
	s21 =	smov.u32 s19;
	[sflag:s23] =	ssyncset.done $0x0  }
0x86: {  	s14 =	sadd.s32 $0x1E, s14;
	s13 =	sadd.s32 $0x1E, s13;
	[sflag:s23] =	ssyncadd.s32 $0xFFFFD800  }
0x87: {  	[tilespmem:s26], [sflag:$0x6] =	stream.linear.gather [hbm4b:s18+s4], $0x50, $0x38;
	[tilespmem:$0x1DA00] =	vst v63  }
0x88: {  	s6 =	sadd.s32 $0xA0, s12  }
0x89: {  	[tilespmem:s31], [sflag:$0x3] =	stream.indirect.gather [hbm4b:s1+s28], $0x80, s6, s28, $0xb8;
	[tilespmem:$0x1DA00] =	vst v63  }
0x8a: {  	_ =	swait.ge [sflag:s0], $0x2800  }
0x8b: {  	[sflag:s0] =	ssyncset.done $0x0  }
0x8c: {  	[sflag:s0] =	ssyncadd.s32 $0xFFFFD800  }
0x8d: {  	_ =	swait.ge [sflag:s3], $0x50  }
0x8e: {  	[sflag:s3] =	ssyncset.done $0x0  }
0x8f: {  	[sflag:s3] =	ssyncadd.s32 $0xFFFFFFB0  }
0x90: {  	[spmem:s2] =	stream.indirect.scatter.add.f32 [tilespmem:s29], [sflag:$0x8], $0x80, s24, s28, $0xb8;
	[tilespmem:$0x1DA00] =	vst v63  }
0x91: {  	_ =	swait.ge [sflag:s23], $0x2800  }
0x92: {  	[sflag:s23] =	ssyncset.done $0x0  }
0x93: {  	[sflag:s23] =	ssyncadd.s32 $0xFFFFD800  }
0x94: {  	[tilespmem:s24], [sflag:$0x4] =	stream.linear.gather [hbm4b:s14+s4], $0x50, $0x38;
	[tilespmem:$0x1DA00] =	vst v63  }
0x95: {  	s21 =	sadd.s32 $0xF0, s12  }
0x96: {  	[tilespmem:s29], [sflag:$0x1] =	stream.indirect.gather [hbm4b:s1+s28], $0x80, s21, s28, $0xb8;
	[tilespmem:$0x1DA00] =	vst v63  }
0x97: {  	_ =	swait.ge [sflag:s5], $0x2800  }
0x98: {  	[sflag:s5] =	ssyncset.done $0x0  }
0x99: {  	[sflag:s5] =	ssyncadd.s32 $0xFFFFD800  }
0x9a: {  	_ =	swait.ge [sflag:s7], $0x50  }
0x9b: {  	[sflag:s7] =	ssyncset.done $0x0  }
0x9c: {  	[sflag:s7] =	ssyncadd.s32 $0xFFFFFFB0  }
0x9d: {  	[spmem:s2] =	stream.indirect.scatter.add.f32 [tilespmem:s30], [sflag:$0x8], $0x80, s25, s28, $0xb8;
	[tilespmem:$0x1DA00] =	vst v63  }
0x9e: {  	_ =	swait.ge [sflag:s23], $0x2800  }
0x9f: {  	[sflag:s23] =	ssyncset.done $0x0  }
0xa0: {  	[sflag:s23] =	ssyncadd.s32 $0xFFFFD800  }
0xa1: {  	[tilespmem:s25], [sflag:$0x5] =	stream.linear.gather [hbm4b:s13+s4], $0x50, $0x38;
	[tilespmem:$0x1DA00] =	vst v63  }
0xa2: {  	s12 =	sadd.s32 $0x140, s12  }
0xa3: {  	[tilespmem:s30], [sflag:$0x2] =	stream.indirect.gather [hbm4b:s1+s28], $0x80, s12, s28, $0xb8;
	[tilespmem:$0x1DA00] =	vst v63  }
0xa4: {  	_ =	swait.ge [sflag:s8], $0x2800  }
0xa5: {  	[sflag:s8] =	ssyncset.done $0x0  }
0xa6: {  	[sflag:s8] =	ssyncadd.s32 $0xFFFFD800  }
0xa7: {  	_ =	swait.ge [sflag:s9], $0x50  }
0xa8: {  	[sflag:s9] =	ssyncset.done $0x0  }
0xa9: {  	[sflag:s9] =	ssyncadd.s32 $0xFFFFFFB0  }
0xaa: {  	[spmem:s2] =	stream.indirect.scatter.add.f32 [tilespmem:s31], [sflag:$0x8], $0x80, s26, s28, $0xb8;
	[tilespmem:$0x1DA00] =	vst v63  }
0xab: {  	_ =	swait.ge [sflag:s23], $0x2800  }
0xac: {  	[sflag:s23] =	ssyncset.done $0x0  }
0xad: {  	[sflag:s23] =	ssyncadd.s32 $0xFFFFD800  }
0xae: {  	[tilespmem:s26], [sflag:$0x6] =	stream.linear.gather [hbm4b:s11+s4], $0x50, $0x38;
	[tilespmem:$0x1DA00] =	vst v63  }
0xaf: {  	s13 =	simm.s32 $0x2620  }
0xb0: {  	[tilespmem:s31], [sflag:$0x3] =	stream.indirect.gather [hbm4b:s1+s28], $0x80, s13, s28, $0xb8;
	[tilespmem:$0x1DA00] =	vst v63  }
0xb1: {  	_ =	swait.ge [sflag:s0], $0x2800  }
0xb2: {  	[sflag:s0] =	ssyncset.done $0x0  }
0xb3: {  	[sflag:s0] =	ssyncadd.s32 $0xFFFFD800  }
0xb4: {  	_ =	swait.ge [sflag:s3], $0x50  }
0xb5: {  	[sflag:s3] =	ssyncset.done $0x0  }
0xb6: {  	[sflag:s3] =	ssyncadd.s32 $0xFFFFFFB0  }
0xb7: {  	[spmem:s2] =	stream.indirect.scatter.add.f32 [tilespmem:s29], [sflag:$0x8], $0x80, s24, s28, $0xb8;
	[tilespmem:$0x1DA00] =	vst v63  }
0xb8: {  	_ =	swait.ge [sflag:s23], $0x2800  }
0xb9: {  	[sflag:s23] =	ssyncset.done $0x0  }
0xba: {  	s14 =	rddreg [dreg:$0xd];
	[sflag:s23] =	ssyncadd.s32 $0xFFFFD800  }
0xbb: {  	[tilespmem:s24], [sflag:$0x4] =	stream.linear.gather [hbm4b:s14+s4], $0x50, $0x38;
	[tilespmem:$0x1DA00] =	vst v63  }
0xbc: {  	s16 =	simm.s32 $0x2670  }
0xbd: {  	[tilespmem:s29], [sflag:$0x1] =	stream.indirect.gather [hbm4b:s1+s28], $0x80, s16, s28, $0xb8;
	[tilespmem:$0x1DA00] =	vst v63  }
0xbe: {  	_ =	swait.ge [sflag:s5], $0x2800  }
0xbf: {  	[sflag:s5] =	ssyncset.done $0x0  }
0xc0: {  	[sflag:s5] =	ssyncadd.s32 $0xFFFFD800  }
0xc1: {  	_ =	swait.ge [sflag:s7], $0x50  }
0xc2: {  	[sflag:s7] =	ssyncset.done $0x0  }
0xc3: {  	[sflag:s7] =	ssyncadd.s32 $0xFFFFFFB0  }
0xc4: {  	[spmem:s2] =	stream.indirect.scatter.add.f32 [tilespmem:s30], [sflag:$0x8], $0x80, s25, s28, $0xb8;
	[tilespmem:$0x1DA00] =	vst v63  }
0xc5: {  	_ =	swait.ge [sflag:s23], $0x2800  }
0xc6: {  	[sflag:s23] =	ssyncset.done $0x0  }
0xc7: {  	s18 =	rddreg [dreg:$0xe];
	[sflag:s23] =	ssyncadd.s32 $0xFFFFD800  }
0xc8: {  	[tilespmem:s25], [sflag:$0x5] =	stream.linear.gather [hbm4b:s18+s4], $0x50, $0x38;
	[tilespmem:$0x1DA00] =	vst v63  }
0xc9: {  	s19 =	simm.s32 $0x26C0  }
0xca: {  	[tilespmem:s30], [sflag:$0x2] =	stream.indirect.gather [hbm4b:s1+s28], $0x80, s19, s28, $0xb8;
	[tilespmem:$0x1DA00] =	vst v63  }
0xcb: {  	_ =	swait.ge [sflag:s8], $0x2800  }
0xcc: {  	[sflag:s8] =	ssyncset.done $0x0  }
0xcd: {  	[sflag:s8] =	ssyncadd.s32 $0xFFFFD800  }
0xce: {  	_ =	swait.ge [sflag:s9], $0x50  }
0xcf: {  	[sflag:s9] =	ssyncset.done $0x0  }
0xd0: {  	[sflag:s9] =	ssyncadd.s32 $0xFFFFFFB0  }
0xd1: {  	[spmem:s2] =	stream.indirect.scatter.add.f32 [tilespmem:s31], [sflag:$0x8], $0x80, s26, s28, $0xb8;
	[tilespmem:$0x1DA00] =	vst v63  }
0xd2: {  	_ =	swait.ge [sflag:s23], $0x2800  }
0xd3: {  	[sflag:s23] =	ssyncset.done $0x0  }
0xd4: {  	[sflag:s23] =	ssyncadd.s32 $0xFFFFD800  }
0xd5: {  	_ =	swait.ge [sflag:s0], $0x2800  }
0xd6: {  	[sflag:s0] =	ssyncset.done $0x0  }
0xd7: {  	[sflag:s0] =	ssyncadd.s32 $0xFFFFD800  }
0xd8: {  	_ =	swait.ge [sflag:s3], $0x50  }
0xd9: {  	[sflag:s3] =	ssyncset.done $0x0  }
0xda: {  	[sflag:s3] =	ssyncadd.s32 $0xFFFFFFB0  }
0xdb: {  	[spmem:s2] =	stream.indirect.scatter.add.f32 [tilespmem:s29], [sflag:$0x8], $0x80, s24, s28, $0xb8;
	[tilespmem:$0x1DA00] =	vst v63  }
0xdc: {  	_ =	swait.ge [sflag:s23], $0x2800  }
0xdd: {  	[sflag:s23] =	ssyncset.done $0x0  }
0xde: {  	[sflag:s23] =	ssyncadd.s32 $0xFFFFD800  }
0xdf: {  	_ =	swait.ge [sflag:s5], $0x2800  }
0xe0: {  	[sflag:s5] =	ssyncset.done $0x0  }
0xe1: {  	[sflag:s5] =	ssyncadd.s32 $0xFFFFD800  }
0xe2: {  	_ =	swait.ge [sflag:s7], $0x50  }
0xe3: {  	[sflag:s7] =	ssyncset.done $0x0  }
0xe4: {  	[sflag:s7] =	ssyncadd.s32 $0xFFFFFFB0  }
0xe5: {  	[spmem:s2] =	stream.indirect.scatter.add.f32 [tilespmem:s30], [sflag:$0x8], $0x80, s25, s28, $0xb8;
	[tilespmem:$0x1DA00] =	vst v63  }
0xe6: {  	_ =	swait.ge [sflag:s23], $0x2800  }
0xe7: {  	[sflag:s23] =	ssyncset.done $0x0  }
0xe8: {  	[sflag:s23] =	ssyncadd.s32 $0xFFFFD800  }
0xe9: {  	[bflag:$0x0] =	sbarrier.arrive $0xFFFF  }
0xea: {  	s6 =	simm.s32 @p0 $0x1FC8;
	s11 =	rddreg [dreg:$0xb]  }
0xeb: {  	[hbm:s11], [sflag:s6] =	dma.local @p0 [spmem:s20], $0x1900  }
0xec: {  	s6 =	simm.s32 @p0 $0x8  }
0xed: {  	_ =	swait.ge @p0 [sflag:s6], $0x1900  }
0xee: {  	[sflag:s6] =	ssyncset.done @p0 $0x0  }
0xef: {  	[sflag:s6] =	ssyncadd.s32 @p0 $0xFFFFE700;
	s6 =	rddreg [dreg:$0x10]  }
0xf0: {  	s11 =	rddreg [dreg:$0xa];
	s6 =	sor.u32 @!p0 $0x1C08, s6  }
0xf1: {  	[hbm:s11], [sflag:s6] =	dma.local @!p0 [spmem:s22], $0x2800  }
0xf2: {  	s6 =	simm.s32 @!p0 $0x8  }
0xf3: {  	_ =	swait.ge @!p0 [sflag:s6], $0x2800  }
0xf4: {  	s10 =	sadd.s32 $0x1, s10;
	s21 =	rddreg [dreg:$0xc]  }
0xf5: {  	p1 =	sne.s32 s10, s21  }
.Ltmp1:
0xf6: {  	_ = 	snop;
	(pc) =	sbr.rel @p1 .LBB2_1-.Ltmp1, $3  }
0xf7: {  	_ =	sdelay $0x1  }
0xf8: {  	[sflag:s6] =	ssyncset.done @!p0 $0x0  }
0xf9: {  	[sflag:s6] =	ssyncadd.s32 @!p0 $0xFFFFD800  }
0xfa: {  	_ =	sfence.sel $0x180000  }
0xfb: {  	[bflag:$0x0] =	sbarrier.arrive $0xFFFF  }
0xfc: {  	_ =	strace $0x90000047  }
0xfd: {  	s0 =	stileid.u32;
	[bflag:$0x2] =	sbarrier.arrive $0xFFFF  }
0xfe: {  	p0 =	sne.s32 s0, $0x0;
	s0 =	rddreg [dreg:$0x3]  }
0xff: {  	s0 =	sadd.s32 @!p0 $0x100000, s0  }
0x100: {  	[sflag:s0] =	ssyncadd.tile.s32 @!p0 $0x1;
	_ =	shalt  }
.Lfunc_end2:
_tile_overlayer_lowered:
.L_overlay_start_2:
0x101: {  	(tag) =	ssettag $0x2  }
0x102: {  	s0 =	rddreg [dreg:$0x0];
	s2 =	stileid.u32  }
0x103: {  	s1 =	rddreg [dreg:$0x1];
	p0 =	sne.s32 s2, $0x0  }
0x104: {  	s3 =	rddreg [dreg:$0x2];
	[bflag:$0x3] =	sbarrier.arrive $0xFFFF;
	s2 =	simm.s32 @!p0 $0x1C08  }
0x105: {  	[timem:s3], [sflag:s2] =	dma.local @!p0 [hbm:s0], s1  }
0x106: {  	s0 =	simm.s32 @!p0 $0x8  }
0x107: {  	_ =	swait.ge @!p0 [sflag:s0], s1  }
0x108: {  	s1 =	ssub.s32 @!p0 $0x0, s1;
	[sflag:s0] =	ssyncset.done @!p0 $0x0  }
0x109: {  	[sflag:s0] =	ssyncadd.s32 @!p0 s1  }
0x10a: {  	[bflag:$0x3] =	sbarrier.arrive $0xFFFF  }
0x10b: {  	_ =	shalt  }

</sc_bundles>
